<compile_context>
chip_gen: v7x
topology: tpu7x:2x2x1
jax: 0.10.2.dev20260603
libtpu: 0.0.44.dev20260713+nightly
codegen_flags: <defaults>
</compile_context>

<pallas_src>
import functools

import jax
import jax.numpy as jnp
from jax import lax
from jax.experimental import pallas as pl
from jax.experimental.pallas import tpu as pltpu
from jax.experimental.pallas import tpu_sc as plsc

_R1, _RATIO1, _K1 = 0.5, 0.5, 32
_R2, _RATIO2, _K2 = 1.0, 0.25, 32

_NC, _NS, _NL = 2, 16, 16
_NW = _NC * _NS



def _split_body(x_ref, m_ref, feat_ref, pos_ref):
    x = x_ref[...]
    sel = m_ref[...] > 0
    feat_ref[...] = jnp.where(sel, x[:, 3:], 0.0)
    pos_ref[...] = jnp.where(sel, x[:, :3], 0.0)


def _split(x, mask):
    b, n, f = x.shape
    x2 = x.reshape(b * n, f)
    m2 = mask.reshape(b * n, 1).astype(jnp.int32)
    feat, pos = pl.pallas_call(
        _split_body,
        out_shape=(
            jax.ShapeDtypeStruct((b * n, f - 3), x.dtype),
            jax.ShapeDtypeStruct((b * n, 3), x.dtype),
        ),
    )(x2, m2)
    return feat, pos



def _fps_body(px_ref, py_ref, pz_ref, out_ref, *, s):
    px = px_ref[...]
    py = py_ref[...]
    pz = pz_ref[...]
    b, n = px.shape
    lane = lax.broadcasted_iota(jnp.int32, (b, n), 1)
    lane_s = lax.broadcasted_iota(jnp.int32, (b, s), 1)

    def step(t, carry):
        d, lx, ly, lz, acc = carry
        dx = px - lx
        dy = py - ly
        dz = pz - lz
        sq = (dx * dx + dy * dy) + dz * dz
        nd = jnp.minimum(d, sq)
        m = jnp.max(nd, axis=1, keepdims=True)
        cand = jnp.where(nd == m, lane, n)
        nxt = jnp.min(cand, axis=1, keepdims=True)
        acc = jnp.where(lane_s == t, nxt, acc)
        oh = lane == nxt
        nlx = jnp.sum(jnp.where(oh, px, 0.0), axis=1, keepdims=True)
        nly = jnp.sum(jnp.where(oh, py, 0.0), axis=1, keepdims=True)
        nlz = jnp.sum(jnp.where(oh, pz, 0.0), axis=1, keepdims=True)
        return nd, nlx, nly, nlz, acc

    def step2(t2, carry):
        carry = step(t2 * 2 + 1, carry)
        return step(t2 * 2 + 2, carry)

    init = (
        jnp.full((b, n), jnp.inf, dtype=jnp.float32),
        px[:, 0:1], py[:, 0:1], pz[:, 0:1],
        jnp.zeros((b, s), dtype=jnp.int32),
    )
    carry = lax.fori_loop(0, (s - 2) // 2, step2, init)
    carry = step(s - 1, carry)
    out_ref[...] = carry[4]


def _fps_pallas(px, py, pz, s):
    b, n = px.shape
    return pl.pallas_call(
        functools.partial(_fps_body, s=s),
        out_shape=jax.ShapeDtypeStruct((b, s), jnp.int32),
    )(px, py, pz)



def _sc_prep_body(px_h, py_h, pz_h, feat_h, idx_h,
                  mlp_h, valid_h, cx_h, cy_h, cz_h,
                  px_v, py_v, pz_v, feat_v, idx_v,
                  cx_v, cy_v, cz_v, msk_v, chunkcnt_v, visit_v, nb_v,
                  stage_v, stvld_v,
                  *, b, n, s, k, cf, r2, slot_major, feat_cm, dpad):
    D = cf + 3
    C = b * s
    chunk = C // _NW
    wpb = _NW // b
    ngrp = chunk // _NL

    cidx = lax.axis_index("c")
    sidx = lax.axis_index("s")
    wid = sidx * _NC + cidx
    bid = wid // wpb
    base_c = wid * chunk

    pltpu.sync_copy(px_h.at[bid], px_v)
    pltpu.sync_copy(py_h.at[bid], py_v)
    pltpu.sync_copy(pz_h.at[bid], pz_v)
    if feat_cm:
        pltpu.sync_copy(feat_h.at[:, pl.ds(bid * n, n)], feat_v)
    else:
        pltpu.sync_copy(feat_h.at[bid], feat_v)
    pltpu.sync_copy(idx_h.at[pl.ds(base_c, chunk)], idx_v)

    iota = lax.iota(jnp.int32, _NL)
    zeros16 = jnp.zeros((_NL,), jnp.float32)

    def cgrp(g, _):
        iv = idx_v[pl.ds(g * _NL, _NL)]
        cx_v[pl.ds(g * _NL, _NL)] = plsc.load_gather(px_v, [iv])
        cy_v[pl.ds(g * _NL, _NL)] = plsc.load_gather(py_v, [iv])
        cz_v[pl.ds(g * _NL, _NL)] = plsc.load_gather(pz_v, [iv])
        return 0

    lax.fori_loop(0, ngrp, cgrp, 0)
    pltpu.sync_copy(cx_v, cx_h.at[pl.ds(base_c, chunk)])
    pltpu.sync_copy(cy_v, cy_h.at[pl.ds(base_c, chunk)])
    pltpu.sync_copy(cz_v, cz_h.at[pl.ds(base_c, chunk)])

    def per_group(g, _):
      gbase = g * _NL

      def per_center(cl, _):
        c = gbase + cl
        cv = jnp.full((_NL,), c, dtype=jnp.int32)
        cxs = plsc.load_gather(cx_v, [cv])
        cys = plsc.load_gather(cy_v, [cv])
        czs = plsc.load_gather(cz_v, [cv])

        NCH = n // _NL

        def phase_a(m, _):
            hit = jnp.zeros((_NL,), jnp.int32)
            for u in range(_NL):
                j = m * _NL + u
                pxj = px_v[pl.ds(j * _NL, _NL)]
                pyj = py_v[pl.ds(j * _NL, _NL)]
                pzj = pz_v[pl.ds(j * _NL, _NL)]
                dx = cxs - pxj
                dy = cys - pyj
                dz = czs - pzj
                d2 = (dx * dx + dy * dy) + dz * dz
                mb = d2 <= r2
                msk_v[pl.ds(j * _NL, _NL)] = mb.astype(jnp.int32)
                hit = jnp.where(iota == u,
                                plsc.all_reduce_population_count(mb), hit)
            chunkcnt_v[pl.ds(m * _NL, _NL)] = hit
            return 0

        lax.fori_loop(0, NCH // _NL, phase_a, 0)

        def build_visit(v, voff):
            c16 = chunkcnt_v[pl.ds(v * _NL, _NL)]
            mbi = (c16 > 0).astype(jnp.int32)
            mb = c16 > 0
            cum = plsc.cumsum(mbi)
            idxv = voff + (cum - mbi)
            plsc.store_scatter(visit_v, [idxv], v * _NL + iota, mask=mb)
            return voff + plsc.all_reduce_population_count(mb)

        voff = lax.fori_loop(0, NCH // _NL, build_visit,
                             jnp.zeros((_NL,), jnp.int32))
        nvisit = jnp.max(voff)

        cbase = cv * k

        def phase_b(vi, off):
            vsp = plsc.load_gather(visit_v, [jnp.full((_NL,), vi, jnp.int32)])
            jv = vsp * _NL + iota
            m16 = plsc.load_gather(msk_v, [jv])
            mb = m16 > 0
            cum = plsc.cumsum(m16)
            idx = off + (cum - m16)
            plsc.store_scatter(nb_v, [cbase + idx], jv,
                               mask=mb & (idx < k))
            return off + plsc.all_reduce_population_count(mb)

        off = lax.fori_loop(0, nvisit, phase_b, jnp.zeros((_NL,), jnp.int32))
        cnts = jnp.minimum(off, k)

        if True:
            for t in range(k // _NL):
                slot = t * _NL + iota
                nbv = nb_v[pl.ds(c * k + t * _NL, _NL)]
                nbv = jnp.minimum(jnp.maximum(nbv, 0), n - 1)
                gx = plsc.load_gather(px_v, [nbv])
                gy = plsc.load_gather(py_v, [nbv])
                gz = plsc.load_gather(pz_v, [nbv])
                if slot_major:
                    row16 = slot * dpad
                    clv = cv
                    plsc.store_scatter(stage_v, [row16 + cf, clv], gx - cxs)
                    plsc.store_scatter(stage_v, [row16 + (cf + 1), clv],
                                       gy - cys)
                    plsc.store_scatter(stage_v, [row16 + (cf + 2), clv],
                                       gz - czs)
                    for col in range(cf):
                        vals = plsc.load_gather(feat_v, [nbv * cf + col])
                        plsc.store_scatter(stage_v, [row16 + col, clv], vals)
                    for col in range(cf + 3, dpad):
                        plsc.store_scatter(stage_v, [row16 + col, clv],
                                           zeros16)
                    plsc.store_scatter(stvld_v, [slot, clv],
                                       (slot < cnts).astype(jnp.int32))
                else:
                    rowflat = (cl * k + t * _NL + iota) * D
                    plsc.store_scatter(stage_v, [rowflat + cf], gx - cxs)
                    plsc.store_scatter(stage_v, [rowflat + (cf + 1)],
                                       gy - cys)
                    plsc.store_scatter(stage_v, [rowflat + (cf + 2)],
                                       gz - czs)
                    if feat_cm:
                        def col_loop(cc, _):
                            for u in range(8):
                                col = cc * 8 + u
                                colv = jnp.full((_NL,), col, dtype=jnp.int32)
                                vals = plsc.load_gather(feat_v, [colv, nbv])
                                plsc.store_scatter(stage_v, [rowflat + col],
                                                   vals)
                            return 0
                        lax.fori_loop(0, cf // 8, col_loop, 0)
                    else:
                        for col in range(cf):
                            vals = plsc.load_gather(feat_v, [nbv * cf + col])
                            plsc.store_scatter(stage_v, [rowflat + col], vals)
                    stvld_v[pl.ds(cl * k + t * _NL, _NL)] = (
                        (slot < cnts).astype(jnp.int32))
        return 0

      lax.fori_loop(0, _NL, per_center, 0)

      if not slot_major:
          row0 = (base_c + gbase) * k
          pltpu.sync_copy(stage_v, mlp_h.at[pl.ds(row0 * D, _NL * k * D)])
          pltpu.sync_copy(stvld_v, valid_h.at[pl.ds(row0, _NL * k)])
      return 0

    lax.fori_loop(0, ngrp, per_group, 0)

    if slot_major:
        pltpu.sync_copy(stage_v, mlp_h.at[:, pl.ds(base_c, chunk)])
        pltpu.sync_copy(stvld_v, valid_h.at[:, pl.ds(base_c, chunk)])


def _sc_prep(px, py, pz, feat, idx, k, r2, slot_major, dpad=None):
    b, n = px.shape
    s = idx.shape[1]
    if slot_major:
        cf = feat.shape[1] // n
    else:
        cf = feat.shape[0]
    C = b * s
    D = cf + 3
    if dpad is None:
        dpad = D
    chunk = C // _NW
    mesh = plsc.VectorSubcoreMesh(core_axis_name="c", subcore_axis_name="s",
                                  num_cores=_NC, num_subcores=_NS)
    body = functools.partial(_sc_prep_body, b=b, n=n, s=s, k=k, cf=cf, r2=r2,
                             slot_major=slot_major,
                             feat_cm=(not slot_major), dpad=dpad)
    if slot_major:
        mlp_ty = jax.ShapeDtypeStruct((k * dpad, C), jnp.float32)
        vld_ty = jax.ShapeDtypeStruct((k, C), jnp.int32)
        stage_ty = pltpu.VMEM((k * dpad, chunk), jnp.float32)
        stvld_ty = pltpu.VMEM((k, chunk), jnp.int32)
        feat_v_ty = pltpu.VMEM((n * cf,), jnp.float32)
    else:
        mlp_ty = jax.ShapeDtypeStruct((C * k * D,), jnp.float32)
        vld_ty = jax.ShapeDtypeStruct((C * k,), jnp.int32)
        stage_ty = pltpu.VMEM((_NL * k * D,), jnp.float32)
        stvld_ty = pltpu.VMEM((_NL * k,), jnp.int32)
        feat_v_ty = pltpu.VMEM((cf, n), jnp.float32)
    f = pl.kernel(
        body,
        out_type=(
            mlp_ty,
            vld_ty,
            jax.ShapeDtypeStruct((C,), jnp.float32),
            jax.ShapeDtypeStruct((C,), jnp.float32),
            jax.ShapeDtypeStruct((C,), jnp.float32),
        ),
        mesh=mesh,
        compiler_params=pltpu.CompilerParams(needs_layout_passes=False),
        scratch_types=[
            pltpu.VMEM((n,), jnp.float32),
            pltpu.VMEM((n,), jnp.float32),
            pltpu.VMEM((n,), jnp.float32),
            feat_v_ty,
            pltpu.VMEM((chunk,), jnp.int32),
            pltpu.VMEM((chunk,), jnp.float32),
            pltpu.VMEM((chunk,), jnp.float32),
            pltpu.VMEM((chunk,), jnp.float32),
            pltpu.VMEM((n,), jnp.int32),
            pltpu.VMEM((n // _NL,), jnp.int32),
            pltpu.VMEM((n // _NL,), jnp.int32),
            pltpu.VMEM((chunk * k,), jnp.int32),
            stage_ty,
            stvld_ty,
        ],
    )
    return f(px, py, pz, feat, idx.reshape(C))



def _mlp_body_t(x_ref, v_ref, w1_ref, b1_ref, w2_ref, b2_ref, w3_ref, b3_ref,
                o1_ref, o2_ref, *, k, dpad):
    w1 = w1_ref[...]
    w2 = w2_ref[...]
    w3 = w3_ref[...]
    b1 = b1_ref[...]
    b2 = b2_ref[...]
    b3 = b3_ref[...]
    acc = None
    for s in range(k):
        xs = x_ref[s * dpad:(s + 1) * dpad, :]
        h = jnp.maximum(jnp.dot(w1, xs, preferred_element_type=jnp.float32)
                        + b1, 0.0)
        h = jnp.maximum(jnp.dot(w2, h, preferred_element_type=jnp.float32)
                        + b2, 0.0)
        h = jnp.maximum(jnp.dot(w3, h, preferred_element_type=jnp.float32)
                        + b3, 0.0)
        vs = v_ref[s:s + 1, :] > 0
        h = jnp.where(vs, h, 0.0)
        acc = h if acc is None else jnp.maximum(acc, h)
    o1_ref[...] = acc
    o2_ref[...] = acc.T


def _mlp_pool_t(mlp_in, valid, params, k, dpad):
    rows, C = mlp_in.shape
    w1, b1, w2, b2, w3, b3 = params
    h1 = w1.shape[1]
    h2 = w2.shape[1]
    dout = w3.shape[1]
    w1t = jnp.zeros((h1, dpad), jnp.float32).at[:, :w1.shape[0]].set(w1.T)
    w2t = w2.T
    w3t = w3.T
    cbl = 512
    grid = C // cbl
    return pl.pallas_call(
        functools.partial(_mlp_body_t, k=k, dpad=dpad),
        grid=(grid,),
        in_specs=[
            pl.BlockSpec((k * dpad, cbl), lambda i: (0, i)),
            pl.BlockSpec((k, cbl), lambda i: (0, i)),
            pl.BlockSpec(w1t.shape, lambda i: (0, 0)),
            pl.BlockSpec((h1, 1), lambda i: (0, 0)),
            pl.BlockSpec(w2t.shape, lambda i: (0, 0)),
            pl.BlockSpec((h2, 1), lambda i: (0, 0)),
            pl.BlockSpec(w3t.shape, lambda i: (0, 0)),
            pl.BlockSpec((dout, 1), lambda i: (0, 0)),
        ],
        out_specs=(
            pl.BlockSpec((dout, cbl), lambda i: (0, i)),
            pl.BlockSpec((cbl, dout), lambda i: (i, 0)),
        ),
        out_shape=(
            jax.ShapeDtypeStruct((dout, C), jnp.float32),
            jax.ShapeDtypeStruct((C, dout), jnp.float32),
        ),
    )(mlp_in, valid, w1t, b1.reshape(-1, 1), w2t, b2.reshape(-1, 1),
      w3t, b3.reshape(-1, 1))



def _mlp_body(x_ref, v_ref, w1_ref, b1_ref, w2_ref, b2_ref, w3_ref, b3_ref,
              o_ref, *, cb, k):
    x = x_ref[...]
    h = jnp.maximum(jnp.dot(x, w1_ref[...],
                            preferred_element_type=jnp.float32)
                    + b1_ref[...], 0.0)
    h = jnp.maximum(jnp.dot(h, w2_ref[...],
                            preferred_element_type=jnp.float32)
                    + b2_ref[...], 0.0)
    h = jnp.maximum(jnp.dot(h, w3_ref[...],
                            preferred_element_type=jnp.float32)
                    + b3_ref[...], 0.0)
    v = v_ref[...] > 0
    h = jnp.where(v, h, 0.0)
    dout = h.shape[-1]
    o_ref[...] = jnp.max(h.reshape(cb, k, dout), axis=1)


def _mlp_pool(mlp_in, valid, params, k):
    rows, D = mlp_in.shape
    C = rows // k
    w1, b1, w2, b2, w3, b3 = params
    dout = w3.shape[1]
    cb = 128
    grid = C // cb
    return pl.pallas_call(
        functools.partial(_mlp_body, cb=cb, k=k),
        grid=(grid,),
        in_specs=[
            pl.BlockSpec((cb * k, D), lambda i: (i, 0)),
            pl.BlockSpec((cb * k, 1), lambda i: (i, 0)),
            pl.BlockSpec(w1.shape, lambda i: (0, 0)),
            pl.BlockSpec((1, b1.shape[0]), lambda i: (0, 0)),
            pl.BlockSpec(w2.shape, lambda i: (0, 0)),
            pl.BlockSpec((1, b2.shape[0]), lambda i: (0, 0)),
            pl.BlockSpec(w3.shape, lambda i: (0, 0)),
            pl.BlockSpec((1, b3.shape[0]), lambda i: (0, 0)),
        ],
        out_specs=pl.BlockSpec((cb, dout), lambda i: (i, 0)),
        out_shape=jax.ShapeDtypeStruct((C, dout), jnp.float32),
    )(mlp_in, valid.reshape(rows, 1), w1, b1.reshape(1, -1),
      w2, b2.reshape(1, -1), w3, b3.reshape(1, -1))



def kernel(x, mask, W11, b11, W12, b12, W13, b13, W21, b21, W22, b22, W23, b23):
    b, n, _ = x.shape
    feats0, pos0 = _split(x, mask)
    batch0 = jnp.repeat(jnp.arange(b), n)
    px = pos0[:, 0].reshape(b, n)
    py = pos0[:, 1].reshape(b, n)
    pz = pos0[:, 2].reshape(b, n)

    s1 = int(n * _RATIO1)
    dpad1 = 8
    idx1 = _fps_pallas(px, py, pz, s1)
    mlp1, valid1, cx1, cy1, cz1 = _sc_prep(
        px, py, pz, feats0.reshape(b, n * 3), idx1, _K1, _R1 * _R1,
        slot_major=True, dpad=dpad1)
    f1t, f1 = _mlp_pool_t(mlp1, valid1, (W11, b11, W12, b12, W13, b13),
                          _K1, dpad1)

    s2 = int(s1 * _RATIO2)
    px2 = cx1.reshape(b, s1)
    py2 = cy1.reshape(b, s1)
    pz2 = cz1.reshape(b, s1)
    idx2 = _fps_pallas(px2, py2, pz2, s2)
    mlp2, valid2, cx2, cy2, cz2 = _sc_prep(
        px2, py2, pz2, f1t, idx2, _K2, _R2 * _R2, slot_major=False)
    D2 = f1t.shape[0] + 3
    f2 = _mlp_pool(mlp2.reshape(b * s2 * _K2, D2), valid2,
                   (W21, b21, W22, b22, W23, b23), _K2)

    c1 = jnp.stack([cx1, cy1, cz1], axis=-1)
    c2 = jnp.stack([cx2, cy2, cz2], axis=-1)
    batch1 = jnp.repeat(jnp.arange(b), s1)
    batch2 = jnp.repeat(jnp.arange(b), s2)
    return (feats0, pos0, batch0, f1, c1, batch1, f2, c2, batch2)

# --- scband reference (transcript-rebuilt; emitter-appended) ---
"""Pipeline reference for scband-point-feature-net-57492432224357 (READ-ONLY COPY).

The authoritative reference and input builder live on the scoring server;
editing this copy changes nothing except your own understanding.
"""

import jax, jax.numpy as jnp
import numpy as np

B, N, F = 8, 2048, 6
R1, RATIO1, K1 = 0.5, 0.5, 32
R2, RATIO2, K2 = 1.0, 0.25, 32

def _init_mlp(key, in_dim, dims):
    params = []
    d = in_dim
    for h in dims:
        key, k1 = jax.random.split(key)
        W = jax.random.normal(k1, (d, h), dtype=jnp.float32) * (1.0 / np.sqrt(d))
        params.append(W)
        params.append(jnp.zeros((h,), dtype=jnp.float32))
        d = h
    return key, params

def setup_inputs(seed: int = 0):
    key = jax.random.key(seed)
    key, kx = jax.random.split(key)
    x = jax.random.normal(kx, (B, N, F), dtype=jnp.float32)
    mask = jnp.ones((B * N,), dtype=bool)
    key, p1 = _init_mlp(key, F, [32, 32, 64])
    key, p2 = _init_mlp(key, 64 + 3, [64, 64, 128])
    inp = {'x': x, 'mask': mask}
    for nm, v in zip(['W11', 'b11', 'W12', 'b12', 'W13', 'b13'], p1):
        inp[nm] = v
    for nm, v in zip(['W21', 'b21', 'W22', 'b22', 'W23', 'b23'], p2):
        inp[nm] = v
    return inp

def _mlp(h, params):
    for i in range(0, len(params), 2):
        h = jnp.maximum(h @ params[i] + params[i + 1], 0.0)
    return h

def _fps(pos, n_samples):
    d0 = jnp.full((pos.shape[0],), jnp.inf, dtype=pos.dtype)
    def step(carry, _):
        d, last = carry
        nd = jnp.minimum(d, jnp.sum((pos - pos[last]) ** 2, axis=-1))
        nxt = jnp.argmax(nd).astype(jnp.int32)
        return (nd, nxt), nxt
    _, idxs = jax.lax.scan(step, (d0, jnp.int32(0)), None, length=n_samples - 1)
    return jnp.concatenate([jnp.zeros((1,), dtype=jnp.int32), idxs])

def _set_conv(feat, pos, r, ratio, k, params):
    b, n, _ = pos.shape
    s = int(n * ratio)
    idx = jax.vmap(lambda p: _fps(p, s))(pos)
    ctr = jnp.take_along_axis(pos, idx[..., None].astype(jnp.int32), axis=1)
    d2 = jnp.sum((ctr[:, :, None, :] - pos[:, None, :, :]) ** 2, axis=-1)
    within = d2 <= r * r
    ar = jnp.arange(n, dtype=jnp.int32)
    key_order = jnp.where(within, ar, ar + n)
    nb = jnp.argsort(key_order, axis=-1)[:, :, :k]
    valid = jnp.take_along_axis(within, nb, axis=-1)
    f_nb = jax.vmap(lambda f, i: f[i])(feat, nb)
    p_nb = jax.vmap(lambda p, i: p[i])(pos, nb)
    rel = p_nb - ctr[:, :, None, :]
    msg = _mlp(jnp.concatenate([f_nb, rel], axis=-1), params)
    msg = jnp.where(valid[..., None], msg, -jnp.inf)
    out = jnp.max(msg, axis=2)
    return out, ctr

def reference(x, mask, W11, b11, W12, b12, W13, b13, W21, b21, W22, b22, W23, b23):
    b, n, _ = x.shape
    m = mask.reshape(-1)
    feats0 = jnp.where(m[:, None], x[:, :, 3:].reshape(b * n, -1), 0.0)
    pos0 = jnp.where(m[:, None], x[:, :, :3].reshape(b * n, 3), 0.0)
    batch0 = jnp.repeat(jnp.arange(b), n)
    p1 = [W11, b11, W12, b12, W13, b13]
    p2 = [W21, b21, W22, b22, W23, b23]
    f1, c1 = _set_conv(feats0.reshape(b, n, -1), pos0.reshape(b, n, 3), R1, RATIO1, K1, p1)
    f2, c2 = _set_conv(f1, c1, R2, RATIO2, K2, p2)
    batch1 = jnp.repeat(jnp.arange(b), f1.shape[1])
    batch2 = jnp.repeat(jnp.arange(b), f2.shape[1])
    return (feats0, pos0, batch0, f1.reshape(-1, f1.shape[-1]), c1.reshape(-1, 3), batch1, f2.reshape(-1, f2.shape[-1]), c2.reshape(-1, 3), batch2)

if __name__ == "__main__":
    import jax
    _d = setup_inputs()
    print(jax.jit(kernel)(*tuple(_d.values())))

</pallas_src>

<mosaic_0001>
#map = affine_map<(d0, d1) -> (0, 0)>
#map1 = affine_map<(d0, d1) -> (0)>
module attributes {stable_mosaic.version = 14 : i64} {
  func.func @_sc_prep_body(%arg0: i32, %arg1: i32, %arg2: memref<8x2048xf32, #tpu.memory_space<hbm>>, %arg3: memref<8x2048xf32, #tpu.memory_space<hbm>>, %arg4: memref<8x2048xf32, #tpu.memory_space<hbm>>, %arg5: memref<8x6144xf32, #tpu.memory_space<hbm>>, %arg6: memref<8192xi32, #tpu.memory_space<hbm>>, %arg7: memref<256x8192xf32, #tpu.memory_space<hbm>>, %arg8: memref<32x8192xi32, #tpu.memory_space<hbm>>, %arg9: memref<8192xf32, #tpu.memory_space<hbm>>, %arg10: memref<8192xf32, #tpu.memory_space<hbm>>, %arg11: memref<8192xf32, #tpu.memory_space<hbm>>, %arg12: memref<2048xf32, #tpu.memory_space<vmem>>, %arg13: memref<2048xf32, #tpu.memory_space<vmem>>, %arg14: memref<2048xf32, #tpu.memory_space<vmem>>, %arg15: memref<6144xf32, #tpu.memory_space<vmem>>, %arg16: memref<256xi32, #tpu.memory_space<vmem>>, %arg17: memref<256xf32, #tpu.memory_space<vmem>>, %arg18: memref<256xf32, #tpu.memory_space<vmem>>, %arg19: memref<256xf32, #tpu.memory_space<vmem>>, %arg20: memref<2048xi32, #tpu.memory_space<vmem>>, %arg21: memref<128xi32, #tpu.memory_space<vmem>>, %arg22: memref<128xi32, #tpu.memory_space<vmem>>, %arg23: memref<8192xi32, #tpu.memory_space<vmem>>, %arg24: memref<256x256xf32, #tpu.memory_space<vmem>>, %arg25: memref<32x256xi32, #tpu.memory_space<vmem>>) attributes {dimension_semantics = [#tpu.dimension_semantics<core_parallel>, #tpu.dimension_semantics<subcore_parallel>], iteration_bounds = array<i64: 2, 16>, scalar_prefetch = 0 : i64, scratch_operands = 14 : i64, tpu.core_type = #tpu.core_type<sc_vector_subcore>, window_params = [{transform_indices = #map}, {transform_indices = #map}, {transform_indices = #map}, {transform_indices = #map}, {transform_indices = #map1}, {transform_indices = #map}, {transform_indices = #map}, {transform_indices = #map1}, {transform_indices = #map1}, {transform_indices = #map1}]} {
    %mul3A = arith.constant 2 : i32
    %mul3A_0 = arith.muli %arg1, %mul3A : i32
    %add3A = arith.addi %mul3A_0, %arg0 : i32
    %jit3A = arith.constant 4 : i32
    %div3A = arith.divsi %add3A, %jit3A : i32
    %sign3A = arith.constant 0 : i32
    %sign3A_1 = arith.cmpi sgt, %add3A, %sign3A : i32
    %sign3A_2 = arith.extui %sign3A_1 : i1 to i32
    %sign3A_3 = arith.constant 0 : i32
    %sign3A_4 = arith.cmpi slt, %add3A, %sign3A_3 : i32
    %sign3A_5 = arith.extui %sign3A_4 : i1 to i32
    %sign3A_6 = arith.subi %sign3A_2, %sign3A_5 : i32
    %sign3A_7 = arith.constant 0 : i32
    %sign3A_8 = arith.cmpi sgt, %jit3A, %sign3A_7 : i32
    %sign3A_9 = arith.extui %sign3A_8 : i1 to i32
    %sign3A_10 = arith.constant 0 : i32
    %sign3A_11 = arith.cmpi slt, %jit3A, %sign3A_10 : i32
    %sign3A_12 = arith.extui %sign3A_11 : i1 to i32
    %sign3A_13 = arith.subi %sign3A_9, %sign3A_12 : i32
    %ne3A = arith.cmpi ne, %sign3A_6, %sign3A_13 : i32
    %rem3A = arith.remsi %add3A, %jit3A : i32
    %ne3A_14 = arith.constant 0 : i32
    %ne3A_15 = arith.cmpi ne, %rem3A, %ne3A_14 : i32
    %and3A = arith.andi %ne3A, %ne3A_15 : i1
    %sub3A = arith.constant 1 : i32
    %sub3A_16 = arith.subi %div3A, %sub3A : i32
    %select_n3A = arith.select %and3A, %sub3A_16, %div3A : i32
    %mul3A_17 = arith.constant 256 : i32
    %mul3A_18 = arith.muli %add3A, %mul3A_17 : i32
    "tpu.region"() ({
      %run_scoped3A = tpu.sem_alloc : memref<!tpu.dma_semaphore, #tpu.memory_space<semaphore_mem>>
      %dma_start3A = arith.constant 0 : i32
      %dma_start3A_33 = tpu.memref_slice %arg2[%select_n3A, %dma_start3A] : memref<8x2048xf32, #tpu.memory_space<hbm>> -> memref<1x2048xf32, #tpu.memory_space<hbm>>
      %dma_start3A_34 = tpu.memref_squeeze %dma_start3A_33 : memref<1x2048xf32, #tpu.memory_space<hbm>> -> memref<2048xf32, #tpu.memory_space<hbm>>
      %dma_start3A_35 = arith.constant 0 : i32
      %dma_start3A_36 = tpu.memref_slice %arg2[%select_n3A, %dma_start3A_35] : memref<8x2048xf32, #tpu.memory_space<hbm>> -> memref<1x2048xf32, #tpu.memory_space<hbm>>
      %dma_start3A_37 = tpu.memref_squeeze %dma_start3A_36 : memref<1x2048xf32, #tpu.memory_space<hbm>> -> memref<2048xf32, #tpu.memory_space<hbm>>
      tpu.enqueue_dma source(%dma_start3A_37 : memref<2048xf32, #tpu.memory_space<hbm>>) target(%arg12 : memref<2048xf32, #tpu.memory_space<vmem>>) target_semaphore(%run_scoped3A : memref<!tpu.dma_semaphore, #tpu.memory_space<semaphore_mem>>)
      %dma_wait3A = arith.constant 0 : i32
      %dma_wait3A_38 = tpu.memref_slice %arg2[%select_n3A, %dma_wait3A] : memref<8x2048xf32, #tpu.memory_space<hbm>> -> memref<1x2048xf32, #tpu.memory_space<hbm>>
      %dma_wait3A_39 = tpu.memref_squeeze %dma_wait3A_38 : memref<1x2048xf32, #tpu.memory_space<hbm>> -> memref<2048xf32, #tpu.memory_space<hbm>>
      %dma_wait3A_40 = arith.constant 0 : i32
      %dma_wait3A_41 = tpu.memref_slice %arg2[%select_n3A, %dma_wait3A_40] : memref<8x2048xf32, #tpu.memory_space<hbm>> -> memref<1x2048xf32, #tpu.memory_space<hbm>>
      %dma_wait3A_42 = tpu.memref_squeeze %dma_wait3A_41 : memref<1x2048xf32, #tpu.memory_space<hbm>> -> memref<2048xf32, #tpu.memory_space<hbm>>
      tpu.wait_dma2 semaphore(%run_scoped3A : memref<!tpu.dma_semaphore, #tpu.memory_space<semaphore_mem>>) src(%dma_wait3A_42 : memref<2048xf32, #tpu.memory_space<hbm>>) dst(%arg12 : memref<2048xf32, #tpu.memory_space<vmem>>)
      tpu.yield
    }) : () -> ()
    "tpu.region"() ({
      %run_scoped3A = tpu.sem_alloc : memref<!tpu.dma_semaphore, #tpu.memory_space<semaphore_mem>>
      %dma_start3A = arith.constant 0 : i32
      %dma_start3A_33 = tpu.memref_slice %arg3[%select_n3A, %dma_start3A] : memref<8x2048xf32, #tpu.memory_space<hbm>> -> memref<1x2048xf32, #tpu.memory_space<hbm>>
      %dma_start3A_34 = tpu.memref_squeeze %dma_start3A_33 : memref<1x2048xf32, #tpu.memory_space<hbm>> -> memref<2048xf32, #tpu.memory_space<hbm>>
      %dma_start3A_35 = arith.constant 0 : i32
      %dma_start3A_36 = tpu.memref_slice %arg3[%select_n3A, %dma_start3A_35] : memref<8x2048xf32, #tpu.memory_space<hbm>> -> memref<1x2048xf32, #tpu.memory_space<hbm>>
      %dma_start3A_37 = tpu.memref_squeeze %dma_start3A_36 : memref<1x2048xf32, #tpu.memory_space<hbm>> -> memref<2048xf32, #tpu.memory_space<hbm>>
      tpu.enqueue_dma source(%dma_start3A_37 : memref<2048xf32, #tpu.memory_space<hbm>>) target(%arg13 : memref<2048xf32, #tpu.memory_space<vmem>>) target_semaphore(%run_scoped3A : memref<!tpu.dma_semaphore, #tpu.memory_space<semaphore_mem>>)
      %dma_wait3A = arith.constant 0 : i32
      %dma_wait3A_38 = tpu.memref_slice %arg3[%select_n3A, %dma_wait3A] : memref<8x2048xf32, #tpu.memory_space<hbm>> -> memref<1x2048xf32, #tpu.memory_space<hbm>>
      %dma_wait3A_39 = tpu.memref_squeeze %dma_wait3A_38 : memref<1x2048xf32, #tpu.memory_space<hbm>> -> memref<2048xf32, #tpu.memory_space<hbm>>
      %dma_wait3A_40 = arith.constant 0 : i32
      %dma_wait3A_41 = tpu.memref_slice %arg3[%select_n3A, %dma_wait3A_40] : memref<8x2048xf32, #tpu.memory_space<hbm>> -> memref<1x2048xf32, #tpu.memory_space<hbm>>
      %dma_wait3A_42 = tpu.memref_squeeze %dma_wait3A_41 : memref<1x2048xf32, #tpu.memory_space<hbm>> -> memref<2048xf32, #tpu.memory_space<hbm>>
      tpu.wait_dma2 semaphore(%run_scoped3A : memref<!tpu.dma_semaphore, #tpu.memory_space<semaphore_mem>>) src(%dma_wait3A_42 : memref<2048xf32, #tpu.memory_space<hbm>>) dst(%arg13 : memref<2048xf32, #tpu.memory_space<vmem>>)
      tpu.yield
    }) : () -> ()
    "tpu.region"() ({
      %run_scoped3A = tpu.sem_alloc : memref<!tpu.dma_semaphore, #tpu.memory_space<semaphore_mem>>
      %dma_start3A = arith.constant 0 : i32
      %dma_start3A_33 = tpu.memref_slice %arg4[%select_n3A, %dma_start3A] : memref<8x2048xf32, #tpu.memory_space<hbm>> -> memref<1x2048xf32, #tpu.memory_space<hbm>>
      %dma_start3A_34 = tpu.memref_squeeze %dma_start3A_33 : memref<1x2048xf32, #tpu.memory_space<hbm>> -> memref<2048xf32, #tpu.memory_space<hbm>>
      %dma_start3A_35 = arith.constant 0 : i32
      %dma_start3A_36 = tpu.memref_slice %arg4[%select_n3A, %dma_start3A_35] : memref<8x2048xf32, #tpu.memory_space<hbm>> -> memref<1x2048xf32, #tpu.memory_space<hbm>>
      %dma_start3A_37 = tpu.memref_squeeze %dma_start3A_36 : memref<1x2048xf32, #tpu.memory_space<hbm>> -> memref<2048xf32, #tpu.memory_space<hbm>>
      tpu.enqueue_dma source(%dma_start3A_37 : memref<2048xf32, #tpu.memory_space<hbm>>) target(%arg14 : memref<2048xf32, #tpu.memory_space<vmem>>) target_semaphore(%run_scoped3A : memref<!tpu.dma_semaphore, #tpu.memory_space<semaphore_mem>>)
      %dma_wait3A = arith.constant 0 : i32
      %dma_wait3A_38 = tpu.memref_slice %arg4[%select_n3A, %dma_wait3A] : memref<8x2048xf32, #tpu.memory_space<hbm>> -> memref<1x2048xf32, #tpu.memory_space<hbm>>
      %dma_wait3A_39 = tpu.memref_squeeze %dma_wait3A_38 : memref<1x2048xf32, #tpu.memory_space<hbm>> -> memref<2048xf32, #tpu.memory_space<hbm>>
      %dma_wait3A_40 = arith.constant 0 : i32
      %dma_wait3A_41 = tpu.memref_slice %arg4[%select_n3A, %dma_wait3A_40] : memref<8x2048xf32, #tpu.memory_space<hbm>> -> memref<1x2048xf32, #tpu.memory_space<hbm>>
      %dma_wait3A_42 = tpu.memref_squeeze %dma_wait3A_41 : memref<1x2048xf32, #tpu.memory_space<hbm>> -> memref<2048xf32, #tpu.memory_space<hbm>>
      tpu.wait_dma2 semaphore(%run_scoped3A : memref<!tpu.dma_semaphore, #tpu.memory_space<semaphore_mem>>) src(%dma_wait3A_42 : memref<2048xf32, #tpu.memory_space<hbm>>) dst(%arg14 : memref<2048xf32, #tpu.memory_space<vmem>>)
      tpu.yield
    }) : () -> ()
    "tpu.region"() ({
      %run_scoped3A = tpu.sem_alloc : memref<!tpu.dma_semaphore, #tpu.memory_space<semaphore_mem>>
      %dma_start3A = arith.constant 0 : i32
      %dma_start3A_33 = tpu.memref_slice %arg5[%select_n3A, %dma_start3A] : memref<8x6144xf32, #tpu.memory_space<hbm>> -> memref<1x6144xf32, #tpu.memory_space<hbm>>
      %dma_start3A_34 = tpu.memref_squeeze %dma_start3A_33 : memref<1x6144xf32, #tpu.memory_space<hbm>> -> memref<6144xf32, #tpu.memory_space<hbm>>
      %dma_start3A_35 = arith.constant 0 : i32
      %dma_start3A_36 = tpu.memref_slice %arg5[%select_n3A, %dma_start3A_35] : memref<8x6144xf32, #tpu.memory_space<hbm>> -> memref<1x6144xf32, #tpu.memory_space<hbm>>
      %dma_start3A_37 = tpu.memref_squeeze %dma_start3A_36 : memref<1x6144xf32, #tpu.memory_space<hbm>> -> memref<6144xf32, #tpu.memory_space<hbm>>
      tpu.enqueue_dma source(%dma_start3A_37 : memref<6144xf32, #tpu.memory_space<hbm>>) target(%arg15 : memref<6144xf32, #tpu.memory_space<vmem>>) target_semaphore(%run_scoped3A : memref<!tpu.dma_semaphore, #tpu.memory_space<semaphore_mem>>)
      %dma_wait3A = arith.constant 0 : i32
      %dma_wait3A_38 = tpu.memref_slice %arg5[%select_n3A, %dma_wait3A] : memref<8x6144xf32, #tpu.memory_space<hbm>> -> memref<1x6144xf32, #tpu.memory_space<hbm>>
      %dma_wait3A_39 = tpu.memref_squeeze %dma_wait3A_38 : memref<1x6144xf32, #tpu.memory_space<hbm>> -> memref<6144xf32, #tpu.memory_space<hbm>>
      %dma_wait3A_40 = arith.constant 0 : i32
      %dma_wait3A_41 = tpu.memref_slice %arg5[%select_n3A, %dma_wait3A_40] : memref<8x6144xf32, #tpu.memory_space<hbm>> -> memref<1x6144xf32, #tpu.memory_space<hbm>>
      %dma_wait3A_42 = tpu.memref_squeeze %dma_wait3A_41 : memref<1x6144xf32, #tpu.memory_space<hbm>> -> memref<6144xf32, #tpu.memory_space<hbm>>
      tpu.wait_dma2 semaphore(%run_scoped3A : memref<!tpu.dma_semaphore, #tpu.memory_space<semaphore_mem>>) src(%dma_wait3A_42 : memref<6144xf32, #tpu.memory_space<hbm>>) dst(%arg15 : memref<6144xf32, #tpu.memory_space<vmem>>)
      tpu.yield
    }) : () -> ()
    "tpu.region"() ({
      %run_scoped3A = tpu.sem_alloc : memref<!tpu.dma_semaphore, #tpu.memory_space<semaphore_mem>>
      %dma_start3A = tpu.memref_slice %arg6[%mul3A_18] : memref<8192xi32, #tpu.memory_space<hbm>> -> memref<256xi32, #tpu.memory_space<hbm>>
      %dma_start3A_33 = tpu.memref_slice %arg6[%mul3A_18] : memref<8192xi32, #tpu.memory_space<hbm>> -> memref<256xi32, #tpu.memory_space<hbm>>
      tpu.enqueue_dma source(%dma_start3A_33 : memref<256xi32, #tpu.memory_space<hbm>>) target(%arg16 : memref<256xi32, #tpu.memory_space<vmem>>) target_semaphore(%run_scoped3A : memref<!tpu.dma_semaphore, #tpu.memory_space<semaphore_mem>>)
      %dma_wait3A = tpu.memref_slice %arg6[%mul3A_18] : memref<8192xi32, #tpu.memory_space<hbm>> -> memref<256xi32, #tpu.memory_space<hbm>>
      %dma_wait3A_34 = tpu.memref_slice %arg6[%mul3A_18] : memref<8192xi32, #tpu.memory_space<hbm>> -> memref<256xi32, #tpu.memory_space<hbm>>
      tpu.wait_dma2 semaphore(%run_scoped3A : memref<!tpu.dma_semaphore, #tpu.memory_space<semaphore_mem>>) src(%dma_wait3A_34 : memref<256xi32, #tpu.memory_space<hbm>>) dst(%arg16 : memref<256xi32, #tpu.memory_space<vmem>>)
      tpu.yield
    }) : () -> ()
    %iota3A = tpu.iota {dimensions = array<i32: 0>} : vector<16xi32>
    %broadcast_in_dim3A = arith.constant 0.000000e+00 : f32
    %broadcast_in_dim3A_19 = vector.broadcast %broadcast_in_dim3A : f32 to vector<16xf32>
    %scan3A = arith.constant 0 : i32
    %scan3A_20 = arith.constant 0 : i32
    %scan3A_21 = arith.constant 16 : i32
    %scan3A_22 = arith.addi %scan3A_20, %scan3A_21 : i32
    %scan3A_23 = arith.constant 1 : i32
    %scan3A_24 = scf.for %scan3A_33 = %scan3A_20 to %scan3A_22 step %scan3A_23 iter_args(%scan3A_34 = %scan3A) -> (i32)  : i32 {
      %mul3A_35 = arith.constant 16 : i32
      %mul3A_36 = arith.muli %scan3A_33, %mul3A_35 : i32
      %get3A = arith.index_cast %mul3A_36 : i32 to index
      %get3A_37 = tpu.vector_load %arg16[%get3A] {strides = array<i32>} : memref<256xi32, #tpu.memory_space<vmem>>, vector<16xi32>,
      %gather3A = tpu.vector_load_idx %arg12[%get3A_37] : memref<2048xf32, #tpu.memory_space<vmem>>[vector<16xi32>], vector<16xf32>,
      %mul3A_38 = arith.constant 16 : i32
      %mul3A_39 = arith.muli %scan3A_33, %mul3A_38 : i32
      %swap3A = arith.index_cast %mul3A_39 : i32 to index
      %swap3A_40 = tpu.vector_load %arg17[%swap3A] {strides = array<i32>} : memref<256xf32, #tpu.memory_space<vmem>>, vector<16xf32>,
      tpu.vector_store %arg17[%swap3A], %gather3A {strides = array<i32>} : memref<256xf32, #tpu.memory_space<vmem>>, vector<16xf32>,
      %gather3A_41 = tpu.vector_load_idx %arg13[%get3A_37] : memref<2048xf32, #tpu.memory_space<vmem>>[vector<16xi32>], vector<16xf32>,
      %mul3A_42 = arith.constant 16 : i32
      %mul3A_43 = arith.muli %scan3A_33, %mul3A_42 : i32
      %swap3A_44 = arith.index_cast %mul3A_43 : i32 to index
      %swap3A_45 = tpu.vector_load %arg18[%swap3A_44] {strides = array<i32>} : memref<256xf32, #tpu.memory_space<vmem>>, vector<16xf32>,
      tpu.vector_store %arg18[%swap3A_44], %gather3A_41 {strides = array<i32>} : memref<256xf32, #tpu.memory_space<vmem>>, vector<16xf32>,
      %gather3A_46 = tpu.vector_load_idx %arg14[%get3A_37] : memref<2048xf32, #tpu.memory_space<vmem>>[vector<16xi32>], vector<16xf32>,
      %mul3A_47 = arith.constant 16 : i32
      %mul3A_48 = arith.muli %scan3A_33, %mul3A_47 : i32
      %swap3A_49 = arith.index_cast %mul3A_48 : i32 to index
      %swap3A_50 = tpu.vector_load %arg19[%swap3A_49] {strides = array<i32>} : memref<256xf32, #tpu.memory_space<vmem>>, vector<16xf32>,
      tpu.vector_store %arg19[%swap3A_49], %gather3A_46 {strides = array<i32>} : memref<256xf32, #tpu.memory_space<vmem>>, vector<16xf32>,
      %scan3A_51 = arith.constant 0 : i32
      scf.yield %scan3A_51 : i32
    }
    %scan3A_25 = arith.constant 16 : i32
    "tpu.region"() ({
      %run_scoped3A = tpu.sem_alloc : memref<!tpu.dma_semaphore, #tpu.memory_space<semaphore_mem>>
      %dma_start3A = tpu.memref_slice %arg9[%mul3A_18] : memref<8192xf32, #tpu.memory_space<hbm>> -> memref<256xf32, #tpu.memory_space<hbm>>
      %dma_start3A_33 = tpu.memref_slice %arg9[%mul3A_18] : memref<8192xf32, #tpu.memory_space<hbm>> -> memref<256xf32, #tpu.memory_space<hbm>>
      tpu.enqueue_dma source(%arg17 : memref<256xf32, #tpu.memory_space<vmem>>) target(%dma_start3A_33 : memref<256xf32, #tpu.memory_space<hbm>>) target_semaphore(%run_scoped3A : memref<!tpu.dma_semaphore, #tpu.memory_space<semaphore_mem>>)
      %dma_wait3A = tpu.memref_slice %arg9[%mul3A_18] : memref<8192xf32, #tpu.memory_space<hbm>> -> memref<256xf32, #tpu.memory_space<hbm>>
      %dma_wait3A_34 = tpu.memref_slice %arg9[%mul3A_18] : memref<8192xf32, #tpu.memory_space<hbm>> -> memref<256xf32, #tpu.memory_space<hbm>>
      tpu.wait_dma2 semaphore(%run_scoped3A : memref<!tpu.dma_semaphore, #tpu.memory_space<semaphore_mem>>) src(%arg17 : memref<256xf32, #tpu.memory_space<vmem>>) dst(%dma_wait3A_34 : memref<256xf32, #tpu.memory_space<hbm>>)
      tpu.yield
    }) : () -> ()
    "tpu.region"() ({
      %run_scoped3A = tpu.sem_alloc : memref<!tpu.dma_semaphore, #tpu.memory_space<semaphore_mem>>
      %dma_start3A = tpu.memref_slice %arg10[%mul3A_18] : memref<8192xf32, #tpu.memory_space<hbm>> -> memref<256xf32, #tpu.memory_space<hbm>>
      %dma_start3A_33 = tpu.memref_slice %arg10[%mul3A_18] : memref<8192xf32, #tpu.memory_space<hbm>> -> memref<256xf32, #tpu.memory_space<hbm>>
      tpu.enqueue_dma source(%arg18 : memref<256xf32, #tpu.memory_space<vmem>>) target(%dma_start3A_33 : memref<256xf32, #tpu.memory_space<hbm>>) target_semaphore(%run_scoped3A : memref<!tpu.dma_semaphore, #tpu.memory_space<semaphore_mem>>)
      %dma_wait3A = tpu.memref_slice %arg10[%mul3A_18] : memref<8192xf32, #tpu.memory_space<hbm>> -> memref<256xf32, #tpu.memory_space<hbm>>
      %dma_wait3A_34 = tpu.memref_slice %arg10[%mul3A_18] : memref<8192xf32, #tpu.memory_space<hbm>> -> memref<256xf32, #tpu.memory_space<hbm>>
      tpu.wait_dma2 semaphore(%run_scoped3A : memref<!tpu.dma_semaphore, #tpu.memory_space<semaphore_mem>>) src(%arg18 : memref<256xf32, #tpu.memory_space<vmem>>) dst(%dma_wait3A_34 : memref<256xf32, #tpu.memory_space<hbm>>)
      tpu.yield
    }) : () -> ()
    "tpu.region"() ({
      %run_scoped3A = tpu.sem_alloc : memref<!tpu.dma_semaphore, #tpu.memory_space<semaphore_mem>>
      %dma_start3A = tpu.memref_slice %arg11[%mul3A_18] : memref<8192xf32, #tpu.memory_space<hbm>> -> memref<256xf32, #tpu.memory_space<hbm>>
      %dma_start3A_33 = tpu.memref_slice %arg11[%mul3A_18] : memref<8192xf32, #tpu.memory_space<hbm>> -> memref<256xf32, #tpu.memory_space<hbm>>
      tpu.enqueue_dma source(%arg19 : memref<256xf32, #tpu.memory_space<vmem>>) target(%dma_start3A_33 : memref<256xf32, #tpu.memory_space<hbm>>) target_semaphore(%run_scoped3A : memref<!tpu.dma_semaphore, #tpu.memory_space<semaphore_mem>>)
      %dma_wait3A = tpu.memref_slice %arg11[%mul3A_18] : memref<8192xf32, #tpu.memory_space<hbm>> -> memref<256xf32, #tpu.memory_space<hbm>>
      %dma_wait3A_34 = tpu.memref_slice %arg11[%mul3A_18] : memref<8192xf32, #tpu.memory_space<hbm>> -> memref<256xf32, #tpu.memory_space<hbm>>
      tpu.wait_dma2 semaphore(%run_scoped3A : memref<!tpu.dma_semaphore, #tpu.memory_space<semaphore_mem>>) src(%arg19 : memref<256xf32, #tpu.memory_space<vmem>>) dst(%dma_wait3A_34 : memref<256xf32, #tpu.memory_space<hbm>>)
      tpu.yield
    }) : () -> ()
    %scan3A_26 = arith.constant 0 : i32
    %scan3A_27 = arith.constant 0 : i32
    %scan3A_28 = arith.constant 16 : i32
    %scan3A_29 = arith.addi %scan3A_27, %scan3A_28 : i32
    %scan3A_30 = arith.constant 1 : i32
    %scan3A_31 = scf.for %scan3A_33 = %scan3A_27 to %scan3A_29 step %scan3A_30 iter_args(%scan3A_34 = %scan3A_26) -> (i32)  : i32 {
      %mul3A_35 = arith.constant 16 : i32
      %mul3A_36 = arith.muli %scan3A_33, %mul3A_35 : i32
      %scan3A_37 = arith.constant 0 : i32
      %scan3A_38 = arith.constant 0 : i32
      %scan3A_39 = arith.constant 16 : i32
      %scan3A_40 = arith.addi %scan3A_38, %scan3A_39 : i32
      %scan3A_41 = arith.constant 1 : i32
      %scan3A_42 = scf.for %scan3A_45 = %scan3A_38 to %scan3A_40 step %scan3A_41 iter_args(%scan3A_46 = %scan3A_37) -> (i32)  : i32 {
        %add3A_47 = arith.addi %mul3A_36, %scan3A_45 : i32
        %broadcast_in_dim3A_48 = vector.broadcast %add3A_47 : i32 to vector<16xi32>
        %gather3A = tpu.vector_load_idx %arg17[%broadcast_in_dim3A_48] : memref<256xf32, #tpu.memory_space<vmem>>[vector<16xi32>], vector<16xf32>,
        %gather3A_49 = tpu.vector_load_idx %arg18[%broadcast_in_dim3A_48] : memref<256xf32, #tpu.memory_space<vmem>>[vector<16xi32>], vector<16xf32>,
        %gather3A_50 = tpu.vector_load_idx %arg19[%broadcast_in_dim3A_48] : memref<256xf32, #tpu.memory_space<vmem>>[vector<16xi32>], vector<16xf32>,
        %scan3A_51 = arith.constant 0 : i32
        %scan3A_52 = arith.constant 0 : i32
        %scan3A_53 = arith.constant 8 : i32
        %scan3A_54 = arith.addi %scan3A_52, %scan3A_53 : i32
        %scan3A_55 = arith.constant 1 : i32
        %scan3A_56 = scf.for %scan3A_229 = %scan3A_52 to %scan3A_54 step %scan3A_55 iter_args(%scan3A_230 = %scan3A_51) -> (i32)  : i32 {
          %broadcast_in_dim3A_231 = arith.constant 0 : i32
          %broadcast_in_dim3A_232 = vector.broadcast %broadcast_in_dim3A_231 : i32 to vector<16xi32>
          %mul3A_233 = arith.constant 16 : i32
          %mul3A_234 = arith.muli %scan3A_229, %mul3A_233 : i32
          %add3A_235 = arith.constant 0 : i32
          %add3A_236 = arith.addi %mul3A_234, %add3A_235 : i32
          %mul3A_237 = arith.constant 16 : i32
          %mul3A_238 = arith.muli %add3A_236, %mul3A_237 : i32
          %get3A_239 = arith.index_cast %mul3A_238 : i32 to index
          %get3A_240 = tpu.vector_load %arg12[%get3A_239] {strides = array<i32>} : memref<2048xf32, #tpu.memory_space<vmem>>, vector<16xf32>,
          %mul3A_241 = arith.constant 16 : i32
          %mul3A_242 = arith.muli %add3A_236, %mul3A_241 : i32
          %get3A_243 = arith.index_cast %mul3A_242 : i32 to index
          %get3A_244 = tpu.vector_load %arg13[%get3A_243] {strides = array<i32>} : memref<2048xf32, #tpu.memory_space<vmem>>, vector<16xf32>,
          %mul3A_245 = arith.constant 16 : i32
          %mul3A_246 = arith.muli %add3A_236, %mul3A_245 : i32
          %get3A_247 = arith.index_cast %mul3A_246 : i32 to index
          %get3A_248 = tpu.vector_load %arg14[%get3A_247] {strides = array<i32>} : memref<2048xf32, #tpu.memory_space<vmem>>, vector<16xf32>,
          %sub3A_249 = arith.subf %gather3A, %get3A_240 : vector<16xf32>
          %sub3A_250 = arith.subf %gather3A_49, %get3A_244 : vector<16xf32>
          %sub3A_251 = arith.subf %gather3A_50, %get3A_248 : vector<16xf32>
          %mul3A_252 = arith.mulf %sub3A_249, %sub3A_249 : vector<16xf32>
          %mul3A_253 = arith.mulf %sub3A_250, %sub3A_250 : vector<16xf32>
          %add3A_254 = arith.addf %mul3A_252, %mul3A_253 : vector<16xf32>
          %mul3A_255 = arith.mulf %sub3A_251, %sub3A_251 : vector<16xf32>
          %add3A_256 = arith.addf %add3A_254, %mul3A_255 : vector<16xf32>
          %le3A = arith.constant 2.500000e-01 : f32
          %le3A_257 = vector.broadcast %le3A : f32 to vector<16xf32>
          %le3A_258 = arith.cmpf ole, %add3A_256, %le3A_257 : vector<16xf32>
          %convert_element_type3A_259 = arith.extui %le3A_258 : vector<16xi1> to vector<16xi32>
          %mul3A_260 = arith.constant 16 : i32
          %mul3A_261 = arith.muli %add3A_236, %mul3A_260 : i32
          %swap3A = arith.index_cast %mul3A_261 : i32 to index
          %swap3A_262 = tpu.vector_load %arg20[%swap3A] {strides = array<i32>} : memref<2048xi32, #tpu.memory_space<vmem>>, vector<16xi32>,
          tpu.vector_store %arg20[%swap3A], %convert_element_type3A_259 {strides = array<i32>} : memref<2048xi32, #tpu.memory_space<vmem>>, vector<16xi32>,
          %eq3A = arith.constant 0 : i32
          %eq3A_263 = vector.broadcast %eq3A : i32 to vector<16xi32>
          %eq3A_264 = arith.cmpi eq, %iota3A, %eq3A_263 : vector<16xi32>
          %all_reduce_population_count3A = tpu.all_reduce %le3A_258 {dim = 0 : i64, kind = #tpu.reduction_kind<sum>} : vector<16xi1> -> vector<16xi32>
          %select_n3A_265 = arith.select %eq3A_264, %all_reduce_population_count3A, %broadcast_in_dim3A_232 : vector<16xi1>, vector<16xi32>
          %mul3A_266 = arith.constant 16 : i32
          %mul3A_267 = arith.muli %scan3A_229, %mul3A_266 : i32
          %add3A_268 = arith.constant 1 : i32
          %add3A_269 = arith.addi %mul3A_267, %add3A_268 : i32
          %mul3A_270 = arith.constant 16 : i32
          %mul3A_271 = arith.muli %add3A_269, %mul3A_270 : i32
          %get3A_272 = arith.index_cast %mul3A_271 : i32 to index
          %get3A_273 = tpu.vector_load %arg12[%get3A_272] {strides = array<i32>} : memref<2048xf32, #tpu.memory_space<vmem>>, vector<16xf32>,
          %mul3A_274 = arith.constant 16 : i32
          %mul3A_275 = arith.muli %add3A_269, %mul3A_274 : i32
          %get3A_276 = arith.index_cast %mul3A_275 : i32 to index
          %get3A_277 = tpu.vector_load %arg13[%get3A_276] {strides = array<i32>} : memref<2048xf32, #tpu.memory_space<vmem>>, vector<16xf32>,
          %mul3A_278 = arith.constant 16 : i32
          %mul3A_279 = arith.muli %add3A_269, %mul3A_278 : i32
          %get3A_280 = arith.index_cast %mul3A_279 : i32 to index
          %get3A_281 = tpu.vector_load %arg14[%get3A_280] {strides = array<i32>} : memref<2048xf32, #tpu.memory_space<vmem>>, vector<16xf32>,
          %sub3A_282 = arith.subf %gather3A, %get3A_273 : vector<16xf32>
          %sub3A_283 = arith.subf %gather3A_49, %get3A_277 : vector<16xf32>
          %sub3A_284 = arith.subf %gather3A_50, %get3A_281 : vector<16xf32>
          %mul3A_285 = arith.mulf %sub3A_282, %sub3A_282 : vector<16xf32>
          %mul3A_286 = arith.mulf %sub3A_283, %sub3A_283 : vector<16xf32>
          %add3A_287 = arith.addf %mul3A_285, %mul3A_286 : vector<16xf32>
          %mul3A_288 = arith.mulf %sub3A_284, %sub3A_284 : vector<16xf32>
          %add3A_289 = arith.addf %add3A_287, %mul3A_288 : vector<16xf32>
          %le3A_290 = arith.constant 2.500000e-01 : f32
          %le3A_291 = vector.broadcast %le3A_290 : f32 to vector<16xf32>
          %le3A_292 = arith.cmpf ole, %add3A_289, %le3A_291 : vector<16xf32>
          %convert_element_type3A_293 = arith.extui %le3A_292 : vector<16xi1> to vector<16xi32>
          %mul3A_294 = arith.constant 16 : i32
          %mul3A_295 = arith.muli %add3A_269, %mul3A_294 : i32
          %swap3A_296 = arith.index_cast %mul3A_295 : i32 to index
          %swap3A_297 = tpu.vector_load %arg20[%swap3A_296] {strides = array<i32>} : memref<2048xi32, #tpu.memory_space<vmem>>, vector<16xi32>,
          tpu.vector_store %arg20[%swap3A_296], %convert_element_type3A_293 {strides = array<i32>} : memref<2048xi32, #tpu.memory_space<vmem>>, vector<16xi32>,
          %eq3A_298 = arith.constant 1 : i32
          %eq3A_299 = vector.broadcast %eq3A_298 : i32 to vector<16xi32>
          %eq3A_300 = arith.cmpi eq, %iota3A, %eq3A_299 : vector<16xi32>
          %all_reduce_population_count3A_301 = tpu.all_reduce %le3A_292 {dim = 0 : i64, kind = #tpu.reduction_kind<sum>} : vector<16xi1> -> vector<16xi32>
          %select_n3A_302 = arith.select %eq3A_300, %all_reduce_population_count3A_301, %select_n3A_265 : vector<16xi1>, vector<16xi32>
          %mul3A_303 = arith.constant 16 : i32
          %mul3A_304 = arith.muli %scan3A_229, %mul3A_303 : i32
          %add3A_305 = arith.constant 2 : i32
          %add3A_306 = arith.addi %mul3A_304, %add3A_305 : i32
          %mul3A_307 = arith.constant 16 : i32
          %mul3A_308 = arith.muli %add3A_306, %mul3A_307 : i32
          %get3A_309 = arith.index_cast %mul3A_308 : i32 to index
          %get3A_310 = tpu.vector_load %arg12[%get3A_309] {strides = array<i32>} : memref<2048xf32, #tpu.memory_space<vmem>>, vector<16xf32>,
          %mul3A_311 = arith.constant 16 : i32
          %mul3A_312 = arith.muli %add3A_306, %mul3A_311 : i32
          %get3A_313 = arith.index_cast %mul3A_312 : i32 to index
          %get3A_314 = tpu.vector_load %arg13[%get3A_313] {strides = array<i32>} : memref<2048xf32, #tpu.memory_space<vmem>>, vector<16xf32>,
          %mul3A_315 = arith.constant 16 : i32
          %mul3A_316 = arith.muli %add3A_306, %mul3A_315 : i32
          %get3A_317 = arith.index_cast %mul3A_316 : i32 to index
          %get3A_318 = tpu.vector_load %arg14[%get3A_317] {strides = array<i32>} : memref<2048xf32, #tpu.memory_space<vmem>>, vector<16xf32>,
          %sub3A_319 = arith.subf %gather3A, %get3A_310 : vector<16xf32>
          %sub3A_320 = arith.subf %gather3A_49, %get3A_314 : vector<16xf32>
          %sub3A_321 = arith.subf %gather3A_50, %get3A_318 : vector<16xf32>
          %mul3A_322 = arith.mulf %sub3A_319, %sub3A_319 : vector<16xf32>
          %mul3A_323 = arith.mulf %sub3A_320, %sub3A_320 : vector<16xf32>
          %add3A_324 = arith.addf %mul3A_322, %mul3A_323 : vector<16xf32>
          %mul3A_325 = arith.mulf %sub3A_321, %sub3A_321 : vector<16xf32>
          %add3A_326 = arith.addf %add3A_324, %mul3A_325 : vector<16xf32>
          %le3A_327 = arith.constant 2.500000e-01 : f32
          %le3A_328 = vector.broadcast %le3A_327 : f32 to vector<16xf32>
          %le3A_329 = arith.cmpf ole, %add3A_326, %le3A_328 : vector<16xf32>
          %convert_element_type3A_330 = arith.extui %le3A_329 : vector<16xi1> to vector<16xi32>
          %mul3A_331 = arith.constant 16 : i32
          %mul3A_332 = arith.muli %add3A_306, %mul3A_331 : i32
          %swap3A_333 = arith.index_cast %mul3A_332 : i32 to index
          %swap3A_334 = tpu.vector_load %arg20[%swap3A_333] {strides = array<i32>} : memref<2048xi32, #tpu.memory_space<vmem>>, vector<16xi32>,
          tpu.vector_store %arg20[%swap3A_333], %convert_element_type3A_330 {strides = array<i32>} : memref<2048xi32, #tpu.memory_space<vmem>>, vector<16xi32>,
          %eq3A_335 = arith.constant 2 : i32
          %eq3A_336 = vector.broadcast %eq3A_335 : i32 to vector<16xi32>
          %eq3A_337 = arith.cmpi eq, %iota3A, %eq3A_336 : vector<16xi32>
          %all_reduce_population_count3A_338 = tpu.all_reduce %le3A_329 {dim = 0 : i64, kind = #tpu.reduction_kind<sum>} : vector<16xi1> -> vector<16xi32>
          %select_n3A_339 = arith.select %eq3A_337, %all_reduce_population_count3A_338, %select_n3A_302 : vector<16xi1>, vector<16xi32>
          %mul3A_340 = arith.constant 16 : i32
          %mul3A_341 = arith.muli %scan3A_229, %mul3A_340 : i32
          %add3A_342 = arith.constant 3 : i32
          %add3A_343 = arith.addi %mul3A_341, %add3A_342 : i32
          %mul3A_344 = arith.constant 16 : i32
          %mul3A_345 = arith.muli %add3A_343, %mul3A_344 : i32
          %get3A_346 = arith.index_cast %mul3A_345 : i32 to index
          %get3A_347 = tpu.vector_load %arg12[%get3A_346] {strides = array<i32>} : memref<2048xf32, #tpu.memory_space<vmem>>, vector<16xf32>,
          %mul3A_348 = arith.constant 16 : i32
          %mul3A_349 = arith.muli %add3A_343, %mul3A_348 : i32
          %get3A_350 = arith.index_cast %mul3A_349 : i32 to index
          %get3A_351 = tpu.vector_load %arg13[%get3A_350] {strides = array<i32>} : memref<2048xf32, #tpu.memory_space<vmem>>, vector<16xf32>,
          %mul3A_352 = arith.constant 16 : i32
          %mul3A_353 = arith.muli %add3A_343, %mul3A_352 : i32
          %get3A_354 = arith.index_cast %mul3A_353 : i32 to index
          %get3A_355 = tpu.vector_load %arg14[%get3A_354] {strides = array<i32>} : memref<2048xf32, #tpu.memory_space<vmem>>, vector<16xf32>,
          %sub3A_356 = arith.subf %gather3A, %get3A_347 : vector<16xf32>
          %sub3A_357 = arith.subf %gather3A_49, %get3A_351 : vector<16xf32>
          %sub3A_358 = arith.subf %gather3A_50, %get3A_355 : vector<16xf32>
          %mul3A_359 = arith.mulf %sub3A_356, %sub3A_356 : vector<16xf32>
          %mul3A_360 = arith.mulf %sub3A_357, %sub3A_357 : vector<16xf32>
          %add3A_361 = arith.addf %mul3A_359, %mul3A_360 : vector<16xf32>
          %mul3A_362 = arith.mulf %sub3A_358, %sub3A_358 : vector<16xf32>
          %add3A_363 = arith.addf %add3A_361, %mul3A_362 : vector<16xf32>
          %le3A_364 = arith.constant 2.500000e-01 : f32
          %le3A_365 = vector.broadcast %le3A_364 : f32 to vector<16xf32>
          %le3A_366 = arith.cmpf ole, %add3A_363, %le3A_365 : vector<16xf32>
          %convert_element_type3A_367 = arith.extui %le3A_366 : vector<16xi1> to vector<16xi32>
          %mul3A_368 = arith.constant 16 : i32
          %mul3A_369 = arith.muli %add3A_343, %mul3A_368 : i32
          %swap3A_370 = arith.index_cast %mul3A_369 : i32 to index
          %swap3A_371 = tpu.vector_load %arg20[%swap3A_370] {strides = array<i32>} : memref<2048xi32, #tpu.memory_space<vmem>>, vector<16xi32>,
          tpu.vector_store %arg20[%swap3A_370], %convert_element_type3A_367 {strides = array<i32>} : memref<2048xi32, #tpu.memory_space<vmem>>, vector<16xi32>,
          %eq3A_372 = arith.constant 3 : i32
          %eq3A_373 = vector.broadcast %eq3A_372 : i32 to vector<16xi32>
          %eq3A_374 = arith.cmpi eq, %iota3A, %eq3A_373 : vector<16xi32>
          %all_reduce_population_count3A_375 = tpu.all_reduce %le3A_366 {dim = 0 : i64, kind = #tpu.reduction_kind<sum>} : vector<16xi1> -> vector<16xi32>
          %select_n3A_376 = arith.select %eq3A_374, %all_reduce_population_count3A_375, %select_n3A_339 : vector<16xi1>, vector<16xi32>
          %mul3A_377 = arith.constant 16 : i32
          %mul3A_378 = arith.muli %scan3A_229, %mul3A_377 : i32
          %add3A_379 = arith.constant 4 : i32
          %add3A_380 = arith.addi %mul3A_378, %add3A_379 : i32
          %mul3A_381 = arith.constant 16 : i32
          %mul3A_382 = arith.muli %add3A_380, %mul3A_381 : i32
          %get3A_383 = arith.index_cast %mul3A_382 : i32 to index
          %get3A_384 = tpu.vector_load %arg12[%get3A_383] {strides = array<i32>} : memref<2048xf32, #tpu.memory_space<vmem>>, vector<16xf32>,
          %mul3A_385 = arith.constant 16 : i32
          %mul3A_386 = arith.muli %add3A_380, %mul3A_385 : i32
          %get3A_387 = arith.index_cast %mul3A_386 : i32 to index
          %get3A_388 = tpu.vector_load %arg13[%get3A_387] {strides = array<i32>} : memref<2048xf32, #tpu.memory_space<vmem>>, vector<16xf32>,
          %mul3A_389 = arith.constant 16 : i32
          %mul3A_390 = arith.muli %add3A_380, %mul3A_389 : i32
          %get3A_391 = arith.index_cast %mul3A_390 : i32 to index
          %get3A_392 = tpu.vector_load %arg14[%get3A_391] {strides = array<i32>} : memref<2048xf32, #tpu.memory_space<vmem>>, vector<16xf32>,
          %sub3A_393 = arith.subf %gather3A, %get3A_384 : vector<16xf32>
          %sub3A_394 = arith.subf %gather3A_49, %get3A_388 : vector<16xf32>
          %sub3A_395 = arith.subf %gather3A_50, %get3A_392 : vector<16xf32>
          %mul3A_396 = arith.mulf %sub3A_393, %sub3A_393 : vector<16xf32>
          %mul3A_397 = arith.mulf %sub3A_394, %sub3A_394 : vector<16xf32>
          %add3A_398 = arith.addf %mul3A_396, %mul3A_397 : vector<16xf32>
          %mul3A_399 = arith.mulf %sub3A_395, %sub3A_395 : vector<16xf32>
          %add3A_400 = arith.addf %add3A_398, %mul3A_399 : vector<16xf32>
          %le3A_401 = arith.constant 2.500000e-01 : f32
          %le3A_402 = vector.broadcast %le3A_401 : f32 to vector<16xf32>
          %le3A_403 = arith.cmpf ole, %add3A_400, %le3A_402 : vector<16xf32>
          %convert_element_type3A_404 = arith.extui %le3A_403 : vector<16xi1> to vector<16xi32>
          %mul3A_405 = arith.constant 16 : i32
          %mul3A_406 = arith.muli %add3A_380, %mul3A_405 : i32
          %swap3A_407 = arith.index_cast %mul3A_406 : i32 to index
          %swap3A_408 = tpu.vector_load %arg20[%swap3A_407] {strides = array<i32>} : memref<2048xi32, #tpu.memory_space<vmem>>, vector<16xi32>,
          tpu.vector_store %arg20[%swap3A_407], %convert_element_type3A_404 {strides = array<i32>} : memref<2048xi32, #tpu.memory_space<vmem>>, vector<16xi32>,
          %eq3A_409 = arith.constant 4 : i32
          %eq3A_410 = vector.broadcast %eq3A_409 : i32 to vector<16xi32>
          %eq3A_411 = arith.cmpi eq, %iota3A, %eq3A_410 : vector<16xi32>
          %all_reduce_population_count3A_412 = tpu.all_reduce %le3A_403 {dim = 0 : i64, kind = #tpu.reduction_kind<sum>} : vector<16xi1> -> vector<16xi32>
          %select_n3A_413 = arith.select %eq3A_411, %all_reduce_population_count3A_412, %select_n3A_376 : vector<16xi1>, vector<16xi32>
          %mul3A_414 = arith.constant 16 : i32
          %mul3A_415 = arith.muli %scan3A_229, %mul3A_414 : i32
          %add3A_416 = arith.constant 5 : i32
          %add3A_417 = arith.addi %mul3A_415, %add3A_416 : i32
          %mul3A_418 = arith.constant 16 : i32
          %mul3A_419 = arith.muli %add3A_417, %mul3A_418 : i32
          %get3A_420 = arith.index_cast %mul3A_419 : i32 to index
          %get3A_421 = tpu.vector_load %arg12[%get3A_420] {strides = array<i32>} : memref<2048xf32, #tpu.memory_space<vmem>>, vector<16xf32>,
          %mul3A_422 = arith.constant 16 : i32
          %mul3A_423 = arith.muli %add3A_417, %mul3A_422 : i32
          %get3A_424 = arith.index_cast %mul3A_423 : i32 to index
          %get3A_425 = tpu.vector_load %arg13[%get3A_424] {strides = array<i32>} : memref<2048xf32, #tpu.memory_space<vmem>>, vector<16xf32>,
          %mul3A_426 = arith.constant 16 : i32
          %mul3A_427 = arith.muli %add3A_417, %mul3A_426 : i32
          %get3A_428 = arith.index_cast %mul3A_427 : i32 to index
          %get3A_429 = tpu.vector_load %arg14[%get3A_428] {strides = array<i32>} : memref<2048xf32, #tpu.memory_space<vmem>>, vector<16xf32>,
          %sub3A_430 = arith.subf %gather3A, %get3A_421 : vector<16xf32>
          %sub3A_431 = arith.subf %gather3A_49, %get3A_425 : vector<16xf32>
          %sub3A_432 = arith.subf %gather3A_50, %get3A_429 : vector<16xf32>
          %mul3A_433 = arith.mulf %sub3A_430, %sub3A_430 : vector<16xf32>
          %mul3A_434 = arith.mulf %sub3A_431, %sub3A_431 : vector<16xf32>
          %add3A_435 = arith.addf %mul3A_433, %mul3A_434 : vector<16xf32>
          %mul3A_436 = arith.mulf %sub3A_432, %sub3A_432 : vector<16xf32>
          %add3A_437 = arith.addf %add3A_435, %mul3A_436 : vector<16xf32>
          %le3A_438 = arith.constant 2.500000e-01 : f32
          %le3A_439 = vector.broadcast %le3A_438 : f32 to vector<16xf32>
          %le3A_440 = arith.cmpf ole, %add3A_437, %le3A_439 : vector<16xf32>
          %convert_element_type3A_441 = arith.extui %le3A_440 : vector<16xi1> to vector<16xi32>
          %mul3A_442 = arith.constant 16 : i32
          %mul3A_443 = arith.muli %add3A_417, %mul3A_442 : i32
          %swap3A_444 = arith.index_cast %mul3A_443 : i32 to index
          %swap3A_445 = tpu.vector_load %arg20[%swap3A_444] {strides = array<i32>} : memref<2048xi32, #tpu.memory_space<vmem>>, vector<16xi32>,
          tpu.vector_store %arg20[%swap3A_444], %convert_element_type3A_441 {strides = array<i32>} : memref<2048xi32, #tpu.memory_space<vmem>>, vector<16xi32>,
          %eq3A_446 = arith.constant 5 : i32
          %eq3A_447 = vector.broadcast %eq3A_446 : i32 to vector<16xi32>
          %eq3A_448 = arith.cmpi eq, %iota3A, %eq3A_447 : vector<16xi32>
          %all_reduce_population_count3A_449 = tpu.all_reduce %le3A_440 {dim = 0 : i64, kind = #tpu.reduction_kind<sum>} : vector<16xi1> -> vector<16xi32>
          %select_n3A_450 = arith.select %eq3A_448, %all_reduce_population_count3A_449, %select_n3A_413 : vector<16xi1>, vector<16xi32>
          %mul3A_451 = arith.constant 16 : i32
          %mul3A_452 = arith.muli %scan3A_229, %mul3A_451 : i32
          %add3A_453 = arith.constant 6 : i32
          %add3A_454 = arith.addi %mul3A_452, %add3A_453 : i32
          %mul3A_455 = arith.constant 16 : i32
          %mul3A_456 = arith.muli %add3A_454, %mul3A_455 : i32
          %get3A_457 = arith.index_cast %mul3A_456 : i32 to index
          %get3A_458 = tpu.vector_load %arg12[%get3A_457] {strides = array<i32>} : memref<2048xf32, #tpu.memory_space<vmem>>, vector<16xf32>,
          %mul3A_459 = arith.constant 16 : i32
          %mul3A_460 = arith.muli %add3A_454, %mul3A_459 : i32
          %get3A_461 = arith.index_cast %mul3A_460 : i32 to index
          %get3A_462 = tpu.vector_load %arg13[%get3A_461] {strides = array<i32>} : memref<2048xf32, #tpu.memory_space<vmem>>, vector<16xf32>,
          %mul3A_463 = arith.constant 16 : i32
          %mul3A_464 = arith.muli %add3A_454, %mul3A_463 : i32
          %get3A_465 = arith.index_cast %mul3A_464 : i32 to index
          %get3A_466 = tpu.vector_load %arg14[%get3A_465] {strides = array<i32>} : memref<2048xf32, #tpu.memory_space<vmem>>, vector<16xf32>,
          %sub3A_467 = arith.subf %gather3A, %get3A_458 : vector<16xf32>
          %sub3A_468 = arith.subf %gather3A_49, %get3A_462 : vector<16xf32>
          %sub3A_469 = arith.subf %gather3A_50, %get3A_466 : vector<16xf32>
          %mul3A_470 = arith.mulf %sub3A_467, %sub3A_467 : vector<16xf32>
          %mul3A_471 = arith.mulf %sub3A_468, %sub3A_468 : vector<16xf32>
          %add3A_472 = arith.addf %mul3A_470, %mul3A_471 : vector<16xf32>
          %mul3A_473 = arith.mulf %sub3A_469, %sub3A_469 : vector<16xf32>
          %add3A_474 = arith.addf %add3A_472, %mul3A_473 : vector<16xf32>
          %le3A_475 = arith.constant 2.500000e-01 : f32
          %le3A_476 = vector.broadcast %le3A_475 : f32 to vector<16xf32>
          %le3A_477 = arith.cmpf ole, %add3A_474, %le3A_476 : vector<16xf32>
          %convert_element_type3A_478 = arith.extui %le3A_477 : vector<16xi1> to vector<16xi32>
          %mul3A_479 = arith.constant 16 : i32
          %mul3A_480 = arith.muli %add3A_454, %mul3A_479 : i32
          %swap3A_481 = arith.index_cast %mul3A_480 : i32 to index
          %swap3A_482 = tpu.vector_load %arg20[%swap3A_481] {strides = array<i32>} : memref<2048xi32, #tpu.memory_space<vmem>>, vector<16xi32>,
          tpu.vector_store %arg20[%swap3A_481], %convert_element_type3A_478 {strides = array<i32>} : memref<2048xi32, #tpu.memory_space<vmem>>, vector<16xi32>,
          %eq3A_483 = arith.constant 6 : i32
          %eq3A_484 = vector.broadcast %eq3A_483 : i32 to vector<16xi32>
          %eq3A_485 = arith.cmpi eq, %iota3A, %eq3A_484 : vector<16xi32>
          %all_reduce_population_count3A_486 = tpu.all_reduce %le3A_477 {dim = 0 : i64, kind = #tpu.reduction_kind<sum>} : vector<16xi1> -> vector<16xi32>
          %select_n3A_487 = arith.select %eq3A_485, %all_reduce_population_count3A_486, %select_n3A_450 : vector<16xi1>, vector<16xi32>
          %mul3A_488 = arith.constant 16 : i32
          %mul3A_489 = arith.muli %scan3A_229, %mul3A_488 : i32
          %add3A_490 = arith.constant 7 : i32
          %add3A_491 = arith.addi %mul3A_489, %add3A_490 : i32
          %mul3A_492 = arith.constant 16 : i32
          %mul3A_493 = arith.muli %add3A_491, %mul3A_492 : i32
          %get3A_494 = arith.index_cast %mul3A_493 : i32 to index
          %get3A_495 = tpu.vector_load %arg12[%get3A_494] {strides = array<i32>} : memref<2048xf32, #tpu.memory_space<vmem>>, vector<16xf32>,
          %mul3A_496 = arith.constant 16 : i32
          %mul3A_497 = arith.muli %add3A_491, %mul3A_496 : i32
          %get3A_498 = arith.index_cast %mul3A_497 : i32 to index
          %get3A_499 = tpu.vector_load %arg13[%get3A_498] {strides = array<i32>} : memref<2048xf32, #tpu.memory_space<vmem>>, vector<16xf32>,
          %mul3A_500 = arith.constant 16 : i32
          %mul3A_501 = arith.muli %add3A_491, %mul3A_500 : i32
          %get3A_502 = arith.index_cast %mul3A_501 : i32 to index
          %get3A_503 = tpu.vector_load %arg14[%get3A_502] {strides = array<i32>} : memref<2048xf32, #tpu.memory_space<vmem>>, vector<16xf32>,
          %sub3A_504 = arith.subf %gather3A, %get3A_495 : vector<16xf32>
          %sub3A_505 = arith.subf %gather3A_49, %get3A_499 : vector<16xf32>
          %sub3A_506 = arith.subf %gather3A_50, %get3A_503 : vector<16xf32>
          %mul3A_507 = arith.mulf %sub3A_504, %sub3A_504 : vector<16xf32>
          %mul3A_508 = arith.mulf %sub3A_505, %sub3A_505 : vector<16xf32>
          %add3A_509 = arith.addf %mul3A_507, %mul3A_508 : vector<16xf32>
          %mul3A_510 = arith.mulf %sub3A_506, %sub3A_506 : vector<16xf32>
          %add3A_511 = arith.addf %add3A_509, %mul3A_510 : vector<16xf32>
          %le3A_512 = arith.constant 2.500000e-01 : f32
          %le3A_513 = vector.broadcast %le3A_512 : f32 to vector<16xf32>
          %le3A_514 = arith.cmpf ole, %add3A_511, %le3A_513 : vector<16xf32>
          %convert_element_type3A_515 = arith.extui %le3A_514 : vector<16xi1> to vector<16xi32>
          %mul3A_516 = arith.constant 16 : i32
          %mul3A_517 = arith.muli %add3A_491, %mul3A_516 : i32
          %swap3A_518 = arith.index_cast %mul3A_517 : i32 to index
          %swap3A_519 = tpu.vector_load %arg20[%swap3A_518] {strides = array<i32>} : memref<2048xi32, #tpu.memory_space<vmem>>, vector<16xi32>,
          tpu.vector_store %arg20[%swap3A_518], %convert_element_type3A_515 {strides = array<i32>} : memref<2048xi32, #tpu.memory_space<vmem>>, vector<16xi32>,
          %eq3A_520 = arith.constant 7 : i32
          %eq3A_521 = vector.broadcast %eq3A_520 : i32 to vector<16xi32>
          %eq3A_522 = arith.cmpi eq, %iota3A, %eq3A_521 : vector<16xi32>
          %all_reduce_population_count3A_523 = tpu.all_reduce %le3A_514 {dim = 0 : i64, kind = #tpu.reduction_kind<sum>} : vector<16xi1> -> vector<16xi32>
          %select_n3A_524 = arith.select %eq3A_522, %all_reduce_population_count3A_523, %select_n3A_487 : vector<16xi1>, vector<16xi32>
          %mul3A_525 = arith.constant 16 : i32
          %mul3A_526 = arith.muli %scan3A_229, %mul3A_525 : i32
          %add3A_527 = arith.constant 8 : i32
          %add3A_528 = arith.addi %mul3A_526, %add3A_527 : i32
          %mul3A_529 = arith.constant 16 : i32
          %mul3A_530 = arith.muli %add3A_528, %mul3A_529 : i32
          %get3A_531 = arith.index_cast %mul3A_530 : i32 to index
          %get3A_532 = tpu.vector_load %arg12[%get3A_531] {strides = array<i32>} : memref<2048xf32, #tpu.memory_space<vmem>>, vector<16xf32>,
          %mul3A_533 = arith.constant 16 : i32
          %mul3A_534 = arith.muli %add3A_528, %mul3A_533 : i32
          %get3A_535 = arith.index_cast %mul3A_534 : i32 to index
          %get3A_536 = tpu.vector_load %arg13[%get3A_535] {strides = array<i32>} : memref<2048xf32, #tpu.memory_space<vmem>>, vector<16xf32>,
          %mul3A_537 = arith.constant 16 : i32
          %mul3A_538 = arith.muli %add3A_528, %mul3A_537 : i32
          %get3A_539 = arith.index_cast %mul3A_538 : i32 to index
          %get3A_540 = tpu.vector_load %arg14[%get3A_539] {strides = array<i32>} : memref<2048xf32, #tpu.memory_space<vmem>>, vector<16xf32>,
          %sub3A_541 = arith.subf %gather3A, %get3A_532 : vector<16xf32>
          %sub3A_542 = arith.subf %gather3A_49, %get3A_536 : vector<16xf32>
          %sub3A_543 = arith.subf %gather3A_50, %get3A_540 : vector<16xf32>
          %mul3A_544 = arith.mulf %sub3A_541, %sub3A_541 : vector<16xf32>
          %mul3A_545 = arith.mulf %sub3A_542, %sub3A_542 : vector<16xf32>
          %add3A_546 = arith.addf %mul3A_544, %mul3A_545 : vector<16xf32>
          %mul3A_547 = arith.mulf %sub3A_543, %sub3A_543 : vector<16xf32>
          %add3A_548 = arith.addf %add3A_546, %mul3A_547 : vector<16xf32>
          %le3A_549 = arith.constant 2.500000e-01 : f32
          %le3A_550 = vector.broadcast %le3A_549 : f32 to vector<16xf32>
          %le3A_551 = arith.cmpf ole, %add3A_548, %le3A_550 : vector<16xf32>
          %convert_element_type3A_552 = arith.extui %le3A_551 : vector<16xi1> to vector<16xi32>
          %mul3A_553 = arith.constant 16 : i32
          %mul3A_554 = arith.muli %add3A_528, %mul3A_553 : i32
          %swap3A_555 = arith.index_cast %mul3A_554 : i32 to index
          %swap3A_556 = tpu.vector_load %arg20[%swap3A_555] {strides = array<i32>} : memref<2048xi32, #tpu.memory_space<vmem>>, vector<16xi32>,
          tpu.vector_store %arg20[%swap3A_555], %convert_element_type3A_552 {strides = array<i32>} : memref<2048xi32, #tpu.memory_space<vmem>>, vector<16xi32>,
          %eq3A_557 = arith.constant 8 : i32
          %eq3A_558 = vector.broadcast %eq3A_557 : i32 to vector<16xi32>
          %eq3A_559 = arith.cmpi eq, %iota3A, %eq3A_558 : vector<16xi32>
          %all_reduce_population_count3A_560 = tpu.all_reduce %le3A_551 {dim = 0 : i64, kind = #tpu.reduction_kind<sum>} : vector<16xi1> -> vector<16xi32>
          %select_n3A_561 = arith.select %eq3A_559, %all_reduce_population_count3A_560, %select_n3A_524 : vector<16xi1>, vector<16xi32>
          %mul3A_562 = arith.constant 16 : i32
          %mul3A_563 = arith.muli %scan3A_229, %mul3A_562 : i32
          %add3A_564 = arith.constant 9 : i32
          %add3A_565 = arith.addi %mul3A_563, %add3A_564 : i32
          %mul3A_566 = arith.constant 16 : i32
          %mul3A_567 = arith.muli %add3A_565, %mul3A_566 : i32
          %get3A_568 = arith.index_cast %mul3A_567 : i32 to index
          %get3A_569 = tpu.vector_load %arg12[%get3A_568] {strides = array<i32>} : memref<2048xf32, #tpu.memory_space<vmem>>, vector<16xf32>,
          %mul3A_570 = arith.constant 16 : i32
          %mul3A_571 = arith.muli %add3A_565, %mul3A_570 : i32
          %get3A_572 = arith.index_cast %mul3A_571 : i32 to index
          %get3A_573 = tpu.vector_load %arg13[%get3A_572] {strides = array<i32>} : memref<2048xf32, #tpu.memory_space<vmem>>, vector<16xf32>,
          %mul3A_574 = arith.constant 16 : i32
          %mul3A_575 = arith.muli %add3A_565, %mul3A_574 : i32
          %get3A_576 = arith.index_cast %mul3A_575 : i32 to index
          %get3A_577 = tpu.vector_load %arg14[%get3A_576] {strides = array<i32>} : memref<2048xf32, #tpu.memory_space<vmem>>, vector<16xf32>,
          %sub3A_578 = arith.subf %gather3A, %get3A_569 : vector<16xf32>
          %sub3A_579 = arith.subf %gather3A_49, %get3A_573 : vector<16xf32>
          %sub3A_580 = arith.subf %gather3A_50, %get3A_577 : vector<16xf32>
          %mul3A_581 = arith.mulf %sub3A_578, %sub3A_578 : vector<16xf32>
          %mul3A_582 = arith.mulf %sub3A_579, %sub3A_579 : vector<16xf32>
          %add3A_583 = arith.addf %mul3A_581, %mul3A_582 : vector<16xf32>
          %mul3A_584 = arith.mulf %sub3A_580, %sub3A_580 : vector<16xf32>
          %add3A_585 = arith.addf %add3A_583, %mul3A_584 : vector<16xf32>
          %le3A_586 = arith.constant 2.500000e-01 : f32
          %le3A_587 = vector.broadcast %le3A_586 : f32 to vector<16xf32>
          %le3A_588 = arith.cmpf ole, %add3A_585, %le3A_587 : vector<16xf32>
          %convert_element_type3A_589 = arith.extui %le3A_588 : vector<16xi1> to vector<16xi32>
          %mul3A_590 = arith.constant 16 : i32
          %mul3A_591 = arith.muli %add3A_565, %mul3A_590 : i32
          %swap3A_592 = arith.index_cast %mul3A_591 : i32 to index
          %swap3A_593 = tpu.vector_load %arg20[%swap3A_592] {strides = array<i32>} : memref<2048xi32, #tpu.memory_space<vmem>>, vector<16xi32>,
          tpu.vector_store %arg20[%swap3A_592], %convert_element_type3A_589 {strides = array<i32>} : memref<2048xi32, #tpu.memory_space<vmem>>, vector<16xi32>,
          %eq3A_594 = arith.constant 9 : i32
          %eq3A_595 = vector.broadcast %eq3A_594 : i32 to vector<16xi32>
          %eq3A_596 = arith.cmpi eq, %iota3A, %eq3A_595 : vector<16xi32>
          %all_reduce_population_count3A_597 = tpu.all_reduce %le3A_588 {dim = 0 : i64, kind = #tpu.reduction_kind<sum>} : vector<16xi1> -> vector<16xi32>
          %select_n3A_598 = arith.select %eq3A_596, %all_reduce_population_count3A_597, %select_n3A_561 : vector<16xi1>, vector<16xi32>
          %mul3A_599 = arith.constant 16 : i32
          %mul3A_600 = arith.muli %scan3A_229, %mul3A_599 : i32
          %add3A_601 = arith.constant 10 : i32
          %add3A_602 = arith.addi %mul3A_600, %add3A_601 : i32
          %mul3A_603 = arith.constant 16 : i32
          %mul3A_604 = arith.muli %add3A_602, %mul3A_603 : i32
          %get3A_605 = arith.index_cast %mul3A_604 : i32 to index
          %get3A_606 = tpu.vector_load %arg12[%get3A_605] {strides = array<i32>} : memref<2048xf32, #tpu.memory_space<vmem>>, vector<16xf32>,
          %mul3A_607 = arith.constant 16 : i32
          %mul3A_608 = arith.muli %add3A_602, %mul3A_607 : i32
          %get3A_609 = arith.index_cast %mul3A_608 : i32 to index
          %get3A_610 = tpu.vector_load %arg13[%get3A_609] {strides = array<i32>} : memref<2048xf32, #tpu.memory_space<vmem>>, vector<16xf32>,
          %mul3A_611 = arith.constant 16 : i32
          %mul3A_612 = arith.muli %add3A_602, %mul3A_611 : i32
          %get3A_613 = arith.index_cast %mul3A_612 : i32 to index
          %get3A_614 = tpu.vector_load %arg14[%get3A_613] {strides = array<i32>} : memref<2048xf32, #tpu.memory_space<vmem>>, vector<16xf32>,
          %sub3A_615 = arith.subf %gather3A, %get3A_606 : vector<16xf32>
          %sub3A_616 = arith.subf %gather3A_49, %get3A_610 : vector<16xf32>
          %sub3A_617 = arith.subf %gather3A_50, %get3A_614 : vector<16xf32>
          %mul3A_618 = arith.mulf %sub3A_615, %sub3A_615 : vector<16xf32>
          %mul3A_619 = arith.mulf %sub3A_616, %sub3A_616 : vector<16xf32>
          %add3A_620 = arith.addf %mul3A_618, %mul3A_619 : vector<16xf32>
          %mul3A_621 = arith.mulf %sub3A_617, %sub3A_617 : vector<16xf32>
          %add3A_622 = arith.addf %add3A_620, %mul3A_621 : vector<16xf32>
          %le3A_623 = arith.constant 2.500000e-01 : f32
          %le3A_624 = vector.broadcast %le3A_623 : f32 to vector<16xf32>
          %le3A_625 = arith.cmpf ole, %add3A_622, %le3A_624 : vector<16xf32>
          %convert_element_type3A_626 = arith.extui %le3A_625 : vector<16xi1> to vector<16xi32>
          %mul3A_627 = arith.constant 16 : i32
          %mul3A_628 = arith.muli %add3A_602, %mul3A_627 : i32
          %swap3A_629 = arith.index_cast %mul3A_628 : i32 to index
          %swap3A_630 = tpu.vector_load %arg20[%swap3A_629] {strides = array<i32>} : memref<2048xi32, #tpu.memory_space<vmem>>, vector<16xi32>,
          tpu.vector_store %arg20[%swap3A_629], %convert_element_type3A_626 {strides = array<i32>} : memref<2048xi32, #tpu.memory_space<vmem>>, vector<16xi32>,
          %eq3A_631 = arith.constant 10 : i32
          %eq3A_632 = vector.broadcast %eq3A_631 : i32 to vector<16xi32>
          %eq3A_633 = arith.cmpi eq, %iota3A, %eq3A_632 : vector<16xi32>
          %all_reduce_population_count3A_634 = tpu.all_reduce %le3A_625 {dim = 0 : i64, kind = #tpu.reduction_kind<sum>} : vector<16xi1> -> vector<16xi32>
          %select_n3A_635 = arith.select %eq3A_633, %all_reduce_population_count3A_634, %select_n3A_598 : vector<16xi1>, vector<16xi32>
          %mul3A_636 = arith.constant 16 : i32
          %mul3A_637 = arith.muli %scan3A_229, %mul3A_636 : i32
          %add3A_638 = arith.constant 11 : i32
          %add3A_639 = arith.addi %mul3A_637, %add3A_638 : i32
          %mul3A_640 = arith.constant 16 : i32
          %mul3A_641 = arith.muli %add3A_639, %mul3A_640 : i32
          %get3A_642 = arith.index_cast %mul3A_641 : i32 to index
          %get3A_643 = tpu.vector_load %arg12[%get3A_642] {strides = array<i32>} : memref<2048xf32, #tpu.memory_space<vmem>>, vector<16xf32>,
          %mul3A_644 = arith.constant 16 : i32
          %mul3A_645 = arith.muli %add3A_639, %mul3A_644 : i32
          %get3A_646 = arith.index_cast %mul3A_645 : i32 to index
          %get3A_647 = tpu.vector_load %arg13[%get3A_646] {strides = array<i32>} : memref<2048xf32, #tpu.memory_space<vmem>>, vector<16xf32>,
          %mul3A_648 = arith.constant 16 : i32
          %mul3A_649 = arith.muli %add3A_639, %mul3A_648 : i32
          %get3A_650 = arith.index_cast %mul3A_649 : i32 to index
          %get3A_651 = tpu.vector_load %arg14[%get3A_650] {strides = array<i32>} : memref<2048xf32, #tpu.memory_space<vmem>>, vector<16xf32>,
          %sub3A_652 = arith.subf %gather3A, %get3A_643 : vector<16xf32>
          %sub3A_653 = arith.subf %gather3A_49, %get3A_647 : vector<16xf32>
          %sub3A_654 = arith.subf %gather3A_50, %get3A_651 : vector<16xf32>
          %mul3A_655 = arith.mulf %sub3A_652, %sub3A_652 : vector<16xf32>
          %mul3A_656 = arith.mulf %sub3A_653, %sub3A_653 : vector<16xf32>
          %add3A_657 = arith.addf %mul3A_655, %mul3A_656 : vector<16xf32>
          %mul3A_658 = arith.mulf %sub3A_654, %sub3A_654 : vector<16xf32>
          %add3A_659 = arith.addf %add3A_657, %mul3A_658 : vector<16xf32>
          %le3A_660 = arith.constant 2.500000e-01 : f32
          %le3A_661 = vector.broadcast %le3A_660 : f32 to vector<16xf32>
          %le3A_662 = arith.cmpf ole, %add3A_659, %le3A_661 : vector<16xf32>
          %convert_element_type3A_663 = arith.extui %le3A_662 : vector<16xi1> to vector<16xi32>
          %mul3A_664 = arith.constant 16 : i32
          %mul3A_665 = arith.muli %add3A_639, %mul3A_664 : i32
          %swap3A_666 = arith.index_cast %mul3A_665 : i32 to index
          %swap3A_667 = tpu.vector_load %arg20[%swap3A_666] {strides = array<i32>} : memref<2048xi32, #tpu.memory_space<vmem>>, vector<16xi32>,
          tpu.vector_store %arg20[%swap3A_666], %convert_element_type3A_663 {strides = array<i32>} : memref<2048xi32, #tpu.memory_space<vmem>>, vector<16xi32>,
          %eq3A_668 = arith.constant 11 : i32
          %eq3A_669 = vector.broadcast %eq3A_668 : i32 to vector<16xi32>
          %eq3A_670 = arith.cmpi eq, %iota3A, %eq3A_669 : vector<16xi32>
          %all_reduce_population_count3A_671 = tpu.all_reduce %le3A_662 {dim = 0 : i64, kind = #tpu.reduction_kind<sum>} : vector<16xi1> -> vector<16xi32>
          %select_n3A_672 = arith.select %eq3A_670, %all_reduce_population_count3A_671, %select_n3A_635 : vector<16xi1>, vector<16xi32>
          %mul3A_673 = arith.constant 16 : i32
          %mul3A_674 = arith.muli %scan3A_229, %mul3A_673 : i32
          %add3A_675 = arith.constant 12 : i32
          %add3A_676 = arith.addi %mul3A_674, %add3A_675 : i32
          %mul3A_677 = arith.constant 16 : i32
          %mul3A_678 = arith.muli %add3A_676, %mul3A_677 : i32
          %get3A_679 = arith.index_cast %mul3A_678 : i32 to index
          %get3A_680 = tpu.vector_load %arg12[%get3A_679] {strides = array<i32>} : memref<2048xf32, #tpu.memory_space<vmem>>, vector<16xf32>,
          %mul3A_681 = arith.constant 16 : i32
          %mul3A_682 = arith.muli %add3A_676, %mul3A_681 : i32
          %get3A_683 = arith.index_cast %mul3A_682 : i32 to index
          %get3A_684 = tpu.vector_load %arg13[%get3A_683] {strides = array<i32>} : memref<2048xf32, #tpu.memory_space<vmem>>, vector<16xf32>,
          %mul3A_685 = arith.constant 16 : i32
          %mul3A_686 = arith.muli %add3A_676, %mul3A_685 : i32
          %get3A_687 = arith.index_cast %mul3A_686 : i32 to index
          %get3A_688 = tpu.vector_load %arg14[%get3A_687] {strides = array<i32>} : memref<2048xf32, #tpu.memory_space<vmem>>, vector<16xf32>,
          %sub3A_689 = arith.subf %gather3A, %get3A_680 : vector<16xf32>
          %sub3A_690 = arith.subf %gather3A_49, %get3A_684 : vector<16xf32>
          %sub3A_691 = arith.subf %gather3A_50, %get3A_688 : vector<16xf32>
          %mul3A_692 = arith.mulf %sub3A_689, %sub3A_689 : vector<16xf32>
          %mul3A_693 = arith.mulf %sub3A_690, %sub3A_690 : vector<16xf32>
          %add3A_694 = arith.addf %mul3A_692, %mul3A_693 : vector<16xf32>
          %mul3A_695 = arith.mulf %sub3A_691, %sub3A_691 : vector<16xf32>
          %add3A_696 = arith.addf %add3A_694, %mul3A_695 : vector<16xf32>
          %le3A_697 = arith.constant 2.500000e-01 : f32
          %le3A_698 = vector.broadcast %le3A_697 : f32 to vector<16xf32>
          %le3A_699 = arith.cmpf ole, %add3A_696, %le3A_698 : vector<16xf32>
          %convert_element_type3A_700 = arith.extui %le3A_699 : vector<16xi1> to vector<16xi32>
          %mul3A_701 = arith.constant 16 : i32
          %mul3A_702 = arith.muli %add3A_676, %mul3A_701 : i32
          %swap3A_703 = arith.index_cast %mul3A_702 : i32 to index
          %swap3A_704 = tpu.vector_load %arg20[%swap3A_703] {strides = array<i32>} : memref<2048xi32, #tpu.memory_space<vmem>>, vector<16xi32>,
          tpu.vector_store %arg20[%swap3A_703], %convert_element_type3A_700 {strides = array<i32>} : memref<2048xi32, #tpu.memory_space<vmem>>, vector<16xi32>,
          %eq3A_705 = arith.constant 12 : i32
          %eq3A_706 = vector.broadcast %eq3A_705 : i32 to vector<16xi32>
          %eq3A_707 = arith.cmpi eq, %iota3A, %eq3A_706 : vector<16xi32>
          %all_reduce_population_count3A_708 = tpu.all_reduce %le3A_699 {dim = 0 : i64, kind = #tpu.reduction_kind<sum>} : vector<16xi1> -> vector<16xi32>
          %select_n3A_709 = arith.select %eq3A_707, %all_reduce_population_count3A_708, %select_n3A_672 : vector<16xi1>, vector<16xi32>
          %mul3A_710 = arith.constant 16 : i32
          %mul3A_711 = arith.muli %scan3A_229, %mul3A_710 : i32
          %add3A_712 = arith.constant 13 : i32
          %add3A_713 = arith.addi %mul3A_711, %add3A_712 : i32
          %mul3A_714 = arith.constant 16 : i32
          %mul3A_715 = arith.muli %add3A_713, %mul3A_714 : i32
          %get3A_716 = arith.index_cast %mul3A_715 : i32 to index
          %get3A_717 = tpu.vector_load %arg12[%get3A_716] {strides = array<i32>} : memref<2048xf32, #tpu.memory_space<vmem>>, vector<16xf32>,
          %mul3A_718 = arith.constant 16 : i32
          %mul3A_719 = arith.muli %add3A_713, %mul3A_718 : i32
          %get3A_720 = arith.index_cast %mul3A_719 : i32 to index
          %get3A_721 = tpu.vector_load %arg13[%get3A_720] {strides = array<i32>} : memref<2048xf32, #tpu.memory_space<vmem>>, vector<16xf32>,
          %mul3A_722 = arith.constant 16 : i32
          %mul3A_723 = arith.muli %add3A_713, %mul3A_722 : i32
          %get3A_724 = arith.index_cast %mul3A_723 : i32 to index
          %get3A_725 = tpu.vector_load %arg14[%get3A_724] {strides = array<i32>} : memref<2048xf32, #tpu.memory_space<vmem>>, vector<16xf32>,
          %sub3A_726 = arith.subf %gather3A, %get3A_717 : vector<16xf32>
          %sub3A_727 = arith.subf %gather3A_49, %get3A_721 : vector<16xf32>
          %sub3A_728 = arith.subf %gather3A_50, %get3A_725 : vector<16xf32>
          %mul3A_729 = arith.mulf %sub3A_726, %sub3A_726 : vector<16xf32>
          %mul3A_730 = arith.mulf %sub3A_727, %sub3A_727 : vector<16xf32>
          %add3A_731 = arith.addf %mul3A_729, %mul3A_730 : vector<16xf32>
          %mul3A_732 = arith.mulf %sub3A_728, %sub3A_728 : vector<16xf32>
          %add3A_733 = arith.addf %add3A_731, %mul3A_732 : vector<16xf32>
          %le3A_734 = arith.constant 2.500000e-01 : f32
          %le3A_735 = vector.broadcast %le3A_734 : f32 to vector<16xf32>
          %le3A_736 = arith.cmpf ole, %add3A_733, %le3A_735 : vector<16xf32>
          %convert_element_type3A_737 = arith.extui %le3A_736 : vector<16xi1> to vector<16xi32>
          %mul3A_738 = arith.constant 16 : i32
          %mul3A_739 = arith.muli %add3A_713, %mul3A_738 : i32
          %swap3A_740 = arith.index_cast %mul3A_739 : i32 to index
          %swap3A_741 = tpu.vector_load %arg20[%swap3A_740] {strides = array<i32>} : memref<2048xi32, #tpu.memory_space<vmem>>, vector<16xi32>,
          tpu.vector_store %arg20[%swap3A_740], %convert_element_type3A_737 {strides = array<i32>} : memref<2048xi32, #tpu.memory_space<vmem>>, vector<16xi32>,
          %eq3A_742 = arith.constant 13 : i32
          %eq3A_743 = vector.broadcast %eq3A_742 : i32 to vector<16xi32>
          %eq3A_744 = arith.cmpi eq, %iota3A, %eq3A_743 : vector<16xi32>
          %all_reduce_population_count3A_745 = tpu.all_reduce %le3A_736 {dim = 0 : i64, kind = #tpu.reduction_kind<sum>} : vector<16xi1> -> vector<16xi32>
          %select_n3A_746 = arith.select %eq3A_744, %all_reduce_population_count3A_745, %select_n3A_709 : vector<16xi1>, vector<16xi32>
          %mul3A_747 = arith.constant 16 : i32
          %mul3A_748 = arith.muli %scan3A_229, %mul3A_747 : i32
          %add3A_749 = arith.constant 14 : i32
          %add3A_750 = arith.addi %mul3A_748, %add3A_749 : i32
          %mul3A_751 = arith.constant 16 : i32
          %mul3A_752 = arith.muli %add3A_750, %mul3A_751 : i32
          %get3A_753 = arith.index_cast %mul3A_752 : i32 to index
          %get3A_754 = tpu.vector_load %arg12[%get3A_753] {strides = array<i32>} : memref<2048xf32, #tpu.memory_space<vmem>>, vector<16xf32>,
          %mul3A_755 = arith.constant 16 : i32
          %mul3A_756 = arith.muli %add3A_750, %mul3A_755 : i32
          %get3A_757 = arith.index_cast %mul3A_756 : i32 to index
          %get3A_758 = tpu.vector_load %arg13[%get3A_757] {strides = array<i32>} : memref<2048xf32, #tpu.memory_space<vmem>>, vector<16xf32>,
          %mul3A_759 = arith.constant 16 : i32
          %mul3A_760 = arith.muli %add3A_750, %mul3A_759 : i32
          %get3A_761 = arith.index_cast %mul3A_760 : i32 to index
          %get3A_762 = tpu.vector_load %arg14[%get3A_761] {strides = array<i32>} : memref<2048xf32, #tpu.memory_space<vmem>>, vector<16xf32>,
          %sub3A_763 = arith.subf %gather3A, %get3A_754 : vector<16xf32>
          %sub3A_764 = arith.subf %gather3A_49, %get3A_758 : vector<16xf32>
          %sub3A_765 = arith.subf %gather3A_50, %get3A_762 : vector<16xf32>
          %mul3A_766 = arith.mulf %sub3A_763, %sub3A_763 : vector<16xf32>
          %mul3A_767 = arith.mulf %sub3A_764, %sub3A_764 : vector<16xf32>
          %add3A_768 = arith.addf %mul3A_766, %mul3A_767 : vector<16xf32>
          %mul3A_769 = arith.mulf %sub3A_765, %sub3A_765 : vector<16xf32>
          %add3A_770 = arith.addf %add3A_768, %mul3A_769 : vector<16xf32>
          %le3A_771 = arith.constant 2.500000e-01 : f32
          %le3A_772 = vector.broadcast %le3A_771 : f32 to vector<16xf32>
          %le3A_773 = arith.cmpf ole, %add3A_770, %le3A_772 : vector<16xf32>
          %convert_element_type3A_774 = arith.extui %le3A_773 : vector<16xi1> to vector<16xi32>
          %mul3A_775 = arith.constant 16 : i32
          %mul3A_776 = arith.muli %add3A_750, %mul3A_775 : i32
          %swap3A_777 = arith.index_cast %mul3A_776 : i32 to index
          %swap3A_778 = tpu.vector_load %arg20[%swap3A_777] {strides = array<i32>} : memref<2048xi32, #tpu.memory_space<vmem>>, vector<16xi32>,
          tpu.vector_store %arg20[%swap3A_777], %convert_element_type3A_774 {strides = array<i32>} : memref<2048xi32, #tpu.memory_space<vmem>>, vector<16xi32>,
          %eq3A_779 = arith.constant 14 : i32
          %eq3A_780 = vector.broadcast %eq3A_779 : i32 to vector<16xi32>
          %eq3A_781 = arith.cmpi eq, %iota3A, %eq3A_780 : vector<16xi32>
          %all_reduce_population_count3A_782 = tpu.all_reduce %le3A_773 {dim = 0 : i64, kind = #tpu.reduction_kind<sum>} : vector<16xi1> -> vector<16xi32>
          %select_n3A_783 = arith.select %eq3A_781, %all_reduce_population_count3A_782, %select_n3A_746 : vector<16xi1>, vector<16xi32>
          %mul3A_784 = arith.constant 16 : i32
          %mul3A_785 = arith.muli %scan3A_229, %mul3A_784 : i32
          %add3A_786 = arith.constant 15 : i32
          %add3A_787 = arith.addi %mul3A_785, %add3A_786 : i32
          %mul3A_788 = arith.constant 16 : i32
          %mul3A_789 = arith.muli %add3A_787, %mul3A_788 : i32
          %get3A_790 = arith.index_cast %mul3A_789 : i32 to index
          %get3A_791 = tpu.vector_load %arg12[%get3A_790] {strides = array<i32>} : memref<2048xf32, #tpu.memory_space<vmem>>, vector<16xf32>,
          %mul3A_792 = arith.constant 16 : i32
          %mul3A_793 = arith.muli %add3A_787, %mul3A_792 : i32
          %get3A_794 = arith.index_cast %mul3A_793 : i32 to index
          %get3A_795 = tpu.vector_load %arg13[%get3A_794] {strides = array<i32>} : memref<2048xf32, #tpu.memory_space<vmem>>, vector<16xf32>,
          %mul3A_796 = arith.constant 16 : i32
          %mul3A_797 = arith.muli %add3A_787, %mul3A_796 : i32
          %get3A_798 = arith.index_cast %mul3A_797 : i32 to index
          %get3A_799 = tpu.vector_load %arg14[%get3A_798] {strides = array<i32>} : memref<2048xf32, #tpu.memory_space<vmem>>, vector<16xf32>,
          %sub3A_800 = arith.subf %gather3A, %get3A_791 : vector<16xf32>
          %sub3A_801 = arith.subf %gather3A_49, %get3A_795 : vector<16xf32>
          %sub3A_802 = arith.subf %gather3A_50, %get3A_799 : vector<16xf32>
          %mul3A_803 = arith.mulf %sub3A_800, %sub3A_800 : vector<16xf32>
          %mul3A_804 = arith.mulf %sub3A_801, %sub3A_801 : vector<16xf32>
          %add3A_805 = arith.addf %mul3A_803, %mul3A_804 : vector<16xf32>
          %mul3A_806 = arith.mulf %sub3A_802, %sub3A_802 : vector<16xf32>
          %add3A_807 = arith.addf %add3A_805, %mul3A_806 : vector<16xf32>
          %le3A_808 = arith.constant 2.500000e-01 : f32
          %le3A_809 = vector.broadcast %le3A_808 : f32 to vector<16xf32>
          %le3A_810 = arith.cmpf ole, %add3A_807, %le3A_809 : vector<16xf32>
          %convert_element_type3A_811 = arith.extui %le3A_810 : vector<16xi1> to vector<16xi32>
          %mul3A_812 = arith.constant 16 : i32
          %mul3A_813 = arith.muli %add3A_787, %mul3A_812 : i32
          %swap3A_814 = arith.index_cast %mul3A_813 : i32 to index
          %swap3A_815 = tpu.vector_load %arg20[%swap3A_814] {strides = array<i32>} : memref<2048xi32, #tpu.memory_space<vmem>>, vector<16xi32>,
          tpu.vector_store %arg20[%swap3A_814], %convert_element_type3A_811 {strides = array<i32>} : memref<2048xi32, #tpu.memory_space<vmem>>, vector<16xi32>,
          %eq3A_816 = arith.constant 15 : i32
          %eq3A_817 = vector.broadcast %eq3A_816 : i32 to vector<16xi32>
          %eq3A_818 = arith.cmpi eq, %iota3A, %eq3A_817 : vector<16xi32>
          %all_reduce_population_count3A_819 = tpu.all_reduce %le3A_810 {dim = 0 : i64, kind = #tpu.reduction_kind<sum>} : vector<16xi1> -> vector<16xi32>
          %select_n3A_820 = arith.select %eq3A_818, %all_reduce_population_count3A_819, %select_n3A_783 : vector<16xi1>, vector<16xi32>
          %mul3A_821 = arith.constant 16 : i32
          %mul3A_822 = arith.muli %scan3A_229, %mul3A_821 : i32
          %swap3A_823 = arith.index_cast %mul3A_822 : i32 to index
          %swap3A_824 = tpu.vector_load %arg21[%swap3A_823] {strides = array<i32>} : memref<128xi32, #tpu.memory_space<vmem>>, vector<16xi32>,
          tpu.vector_store %arg21[%swap3A_823], %select_n3A_820 {strides = array<i32>} : memref<128xi32, #tpu.memory_space<vmem>>, vector<16xi32>,
          %scan3A_825 = arith.constant 0 : i32
          scf.yield %scan3A_825 : i32
        }
        %scan3A_57 = arith.constant 8 : i32
        %broadcast_in_dim3A_58 = arith.constant 0 : i32
        %broadcast_in_dim3A_59 = vector.broadcast %broadcast_in_dim3A_58 : i32 to vector<16xi32>
        %scan3A_60 = arith.constant 0 : i32
        %scan3A_61 = arith.constant 8 : i32
        %scan3A_62 = arith.addi %scan3A_60, %scan3A_61 : i32
        %scan3A_63 = arith.constant 1 : i32
        %scan3A_64 = scf.for %scan3A_229 = %scan3A_60 to %scan3A_62 step %scan3A_63 iter_args(%scan3A_230 = %broadcast_in_dim3A_59) -> (vector<16xi32>)  : i32 {
          %mul3A_231 = arith.constant 16 : i32
          %mul3A_232 = arith.muli %scan3A_229, %mul3A_231 : i32
          %get3A_233 = arith.index_cast %mul3A_232 : i32 to index
          %get3A_234 = tpu.vector_load %arg21[%get3A_233] {strides = array<i32>} : memref<128xi32, #tpu.memory_space<vmem>>, vector<16xi32>,
          %gt3A = arith.constant 0 : i32
          %gt3A_235 = vector.broadcast %gt3A : i32 to vector<16xi32>
          %gt3A_236 = arith.cmpi sgt, %get3A_234, %gt3A_235 : vector<16xi32>
          %convert_element_type3A_237 = arith.extui %gt3A_236 : vector<16xi1> to vector<16xi32>
          %gt3A_238 = arith.constant 0 : i32
          %gt3A_239 = vector.broadcast %gt3A_238 : i32 to vector<16xi32>
          %gt3A_240 = arith.cmpi sgt, %get3A_234, %gt3A_239 : vector<16xi32>
          %broadcast_in_dim3A_241 = arith.constant true
          %broadcast_in_dim3A_242 = vector.broadcast %broadcast_in_dim3A_241 : i1 to vector<16xi1>
          %masked_cumsum3A = tpu.scan <sum>, %convert_element_type3A_237 masked %broadcast_in_dim3A_242 : vector<16xi32>, vector<16xi1> -> vector<16xi32>
          %sub3A_243 = arith.subi %masked_cumsum3A, %convert_element_type3A_237 : vector<16xi32>
          %add3A_244 = arith.addi %scan3A_230, %sub3A_243 : vector<16xi32>
          %mul3A_245 = arith.constant 16 : i32
          %mul3A_246 = arith.muli %scan3A_229, %mul3A_245 : i32
          %add3A_247 = vector.broadcast %mul3A_246 : i32 to vector<16xi32>
          %add3A_248 = arith.addi %add3A_247, %iota3A : vector<16xi32>
          tpu.vector_store_idx %arg22[%add3A_244], %add3A_248 masked %gt3A_240 : memref<128xi32, #tpu.memory_space<vmem>>[vector<16xi32>], vector<16xi32>, vector<16xi1>
          %all_reduce_population_count3A = tpu.all_reduce %gt3A_240 {dim = 0 : i64, kind = #tpu.reduction_kind<sum>} : vector<16xi1> -> vector<16xi32>
          %add3A_249 = arith.addi %scan3A_230, %all_reduce_population_count3A : vector<16xi32>
          scf.yield %add3A_249 : vector<16xi32>
        }
        %scan3A_65 = arith.constant 8 : i32
        %reduce_max3A = arith.constant true
        %reduce_max3A_66 = vector.broadcast %reduce_max3A : i1 to vector<16xi1>
        %reduce_max3A_67 = arith.constant -2147483648 : i32
        %reduce_max3A_68 = vector.broadcast %reduce_max3A_67 : i32 to vector<16xi32>
        %reduce_max3A_69 = arith.xori %scan3A_64, %reduce_max3A_68 : vector<16xi32>
        %reduce_max3A_70 = tpu.scan <max>, %reduce_max3A_69 masked %reduce_max3A_66 : vector<16xi32>, vector<16xi1> -> vector<16xi32>
        %reduce_max3A_71 = arith.xori %reduce_max3A_70, %reduce_max3A_68 : vector<16xi32>
        %reduce_max3A_72 = vector.extract %reduce_max3A_71[15] : i32 from vector<16xi32>
        %mul3A_73 = arith.constant 32 : i32
        %mul3A_74 = vector.broadcast %mul3A_73 : i32 to vector<16xi32>
        %mul3A_75 = arith.muli %broadcast_in_dim3A_48, %mul3A_74 : vector<16xi32>
        %broadcast_in_dim3A_76 = arith.constant 0 : i32
        %broadcast_in_dim3A_77 = vector.broadcast %broadcast_in_dim3A_76 : i32 to vector<16xi32>
        %while3A = arith.constant 0 : i32
        %while3A_78 = arith.subi %reduce_max3A_72, %while3A : i32
        %while3A_79 = arith.addi %while3A, %while3A_78 : i32
        %while3A_80 = arith.constant 1 : i32
        %while3A_81 = arith.divsi %while3A_78, %while3A_80 : i32
        %while3A_82 = arith.muli %while3A_81, %while3A_80 : i32
        %while3A_83 = arith.addi %while3A, %while3A_82 : i32
        %while3A_84 = arith.constant 1 : i32
        %while3A_85 = scf.for %while3A_229 = %while3A to %while3A_83 step %while3A_84 iter_args(%while3A_230 = %broadcast_in_dim3A_77) -> (vector<16xi32>)  : i32 {
          %broadcast_in_dim3A_231 = vector.broadcast %while3A_229 : i32 to vector<16xi32>
          %gather3A_232 = tpu.vector_load_idx %arg22[%broadcast_in_dim3A_231] : memref<128xi32, #tpu.memory_space<vmem>>[vector<16xi32>], vector<16xi32>,
          %mul3A_233 = arith.constant 16 : i32
          %mul3A_234 = vector.broadcast %mul3A_233 : i32 to vector<16xi32>
          %mul3A_235 = arith.muli %gather3A_232, %mul3A_234 : vector<16xi32>
          %add3A_236 = arith.addi %mul3A_235, %iota3A : vector<16xi32>
          %gather3A_237 = tpu.vector_load_idx %arg20[%add3A_236] : memref<2048xi32, #tpu.memory_space<vmem>>[vector<16xi32>], vector<16xi32>,
          %gt3A = arith.constant 0 : i32
          %gt3A_238 = vector.broadcast %gt3A : i32 to vector<16xi32>
          %gt3A_239 = arith.cmpi sgt, %gather3A_237, %gt3A_238 : vector<16xi32>
          %broadcast_in_dim3A_240 = arith.constant true
          %broadcast_in_dim3A_241 = vector.broadcast %broadcast_in_dim3A_240 : i1 to vector<16xi1>
          %masked_cumsum3A = tpu.scan <sum>, %gather3A_237 masked %broadcast_in_dim3A_241 : vector<16xi32>, vector<16xi1> -> vector<16xi32>
          %sub3A_242 = arith.subi %masked_cumsum3A, %gather3A_237 : vector<16xi32>
          %add3A_243 = arith.addi %while3A_230, %sub3A_242 : vector<16xi32>
          %add3A_244 = arith.addi %mul3A_75, %add3A_243 : vector<16xi32>
          %lt3A_245 = arith.constant 32 : i32
          %lt3A_246 = vector.broadcast %lt3A_245 : i32 to vector<16xi32>
          %lt3A_247 = arith.cmpi slt, %add3A_243, %lt3A_246 : vector<16xi32>
          %and3A_248 = arith.andi %gt3A_239, %lt3A_247 : vector<16xi1>
          tpu.vector_store_idx %arg23[%add3A_244], %add3A_236 masked %and3A_248 : memref<8192xi32, #tpu.memory_space<vmem>>[vector<16xi32>], vector<16xi32>, vector<16xi1>
          %all_reduce_population_count3A = tpu.all_reduce %gt3A_239 {dim = 0 : i64, kind = #tpu.reduction_kind<sum>} : vector<16xi1> -> vector<16xi32>
          %add3A_249 = arith.addi %while3A_230, %all_reduce_population_count3A : vector<16xi32>
          scf.yield %add3A_249 : vector<16xi32>
        }
        %while3A_86 = arith.constant 1 : i32
        %while3A_87 = scf.for %while3A_229 = %while3A_83 to %while3A_79 step %while3A_86 iter_args(%while3A_230 = %while3A_85) -> (vector<16xi32>)  : i32 {
          %broadcast_in_dim3A_231 = vector.broadcast %while3A_229 : i32 to vector<16xi32>
          %gather3A_232 = tpu.vector_load_idx %arg22[%broadcast_in_dim3A_231] : memref<128xi32, #tpu.memory_space<vmem>>[vector<16xi32>], vector<16xi32>,
          %mul3A_233 = arith.constant 16 : i32
          %mul3A_234 = vector.broadcast %mul3A_233 : i32 to vector<16xi32>
          %mul3A_235 = arith.muli %gather3A_232, %mul3A_234 : vector<16xi32>
          %add3A_236 = arith.addi %mul3A_235, %iota3A : vector<16xi32>
          %gather3A_237 = tpu.vector_load_idx %arg20[%add3A_236] : memref<2048xi32, #tpu.memory_space<vmem>>[vector<16xi32>], vector<16xi32>,
          %gt3A = arith.constant 0 : i32
          %gt3A_238 = vector.broadcast %gt3A : i32 to vector<16xi32>
          %gt3A_239 = arith.cmpi sgt, %gather3A_237, %gt3A_238 : vector<16xi32>
          %broadcast_in_dim3A_240 = arith.constant true
          %broadcast_in_dim3A_241 = vector.broadcast %broadcast_in_dim3A_240 : i1 to vector<16xi1>
          %masked_cumsum3A = tpu.scan <sum>, %gather3A_237 masked %broadcast_in_dim3A_241 : vector<16xi32>, vector<16xi1> -> vector<16xi32>
          %sub3A_242 = arith.subi %masked_cumsum3A, %gather3A_237 : vector<16xi32>
          %add3A_243 = arith.addi %while3A_230, %sub3A_242 : vector<16xi32>
          %add3A_244 = arith.addi %mul3A_75, %add3A_243 : vector<16xi32>
          %lt3A_245 = arith.constant 32 : i32
          %lt3A_246 = vector.broadcast %lt3A_245 : i32 to vector<16xi32>
          %lt3A_247 = arith.cmpi slt, %add3A_243, %lt3A_246 : vector<16xi32>
          %and3A_248 = arith.andi %gt3A_239, %lt3A_247 : vector<16xi1>
          tpu.vector_store_idx %arg23[%add3A_244], %add3A_236 masked %and3A_248 : memref<8192xi32, #tpu.memory_space<vmem>>[vector<16xi32>], vector<16xi32>, vector<16xi1>
          %all_reduce_population_count3A = tpu.all_reduce %gt3A_239 {dim = 0 : i64, kind = #tpu.reduction_kind<sum>} : vector<16xi1> -> vector<16xi32>
          %add3A_249 = arith.addi %while3A_230, %all_reduce_population_count3A : vector<16xi32>
          scf.yield %add3A_249 : vector<16xi32>
        }
        %min3A = arith.constant 32 : i32
        %min3A_88 = vector.broadcast %min3A : i32 to vector<16xi32>
        %min3A_89 = arith.minsi %while3A_87, %min3A_88 : vector<16xi32>
        %add3A_90 = arith.constant 0 : i32
        %add3A_91 = vector.broadcast %add3A_90 : i32 to vector<16xi32>
        %add3A_92 = arith.addi %add3A_91, %iota3A : vector<16xi32>
        %mul3A_93 = arith.constant 32 : i32
        %mul3A_94 = arith.muli %add3A_47, %mul3A_93 : i32
        %add3A_95 = arith.constant 0 : i32
        %add3A_96 = arith.addi %mul3A_94, %add3A_95 : i32
        %get3A = arith.index_cast %add3A_96 : i32 to index
        %get3A_97 = tpu.vector_load %arg23[%get3A] {strides = array<i32>} : memref<8192xi32, #tpu.memory_space<vmem>>, vector<16xi32>,
        %max3A = arith.constant 0 : i32
        %max3A_98 = vector.broadcast %max3A : i32 to vector<16xi32>
        %max3A_99 = arith.maxsi %get3A_97, %max3A_98 : vector<16xi32>
        %min3A_100 = arith.constant 2047 : i32
        %min3A_101 = vector.broadcast %min3A_100 : i32 to vector<16xi32>
        %min3A_102 = arith.minsi %max3A_99, %min3A_101 : vector<16xi32>
        %gather3A_103 = tpu.vector_load_idx %arg12[%min3A_102] : memref<2048xf32, #tpu.memory_space<vmem>>[vector<16xi32>], vector<16xf32>,
        %gather3A_104 = tpu.vector_load_idx %arg13[%min3A_102] : memref<2048xf32, #tpu.memory_space<vmem>>[vector<16xi32>], vector<16xf32>,
        %gather3A_105 = tpu.vector_load_idx %arg14[%min3A_102] : memref<2048xf32, #tpu.memory_space<vmem>>[vector<16xi32>], vector<16xf32>,
        %mul3A_106 = arith.constant 8 : i32
        %mul3A_107 = vector.broadcast %mul3A_106 : i32 to vector<16xi32>
        %mul3A_108 = arith.muli %add3A_92, %mul3A_107 : vector<16xi32>
        %add3A_109 = arith.constant 3 : i32
        %add3A_110 = vector.broadcast %add3A_109 : i32 to vector<16xi32>
        %add3A_111 = arith.addi %mul3A_108, %add3A_110 : vector<16xi32>
        %sub3A_112 = arith.subf %gather3A_103, %gather3A : vector<16xf32>
        tpu.vector_store_idx %arg24[%add3A_111, %broadcast_in_dim3A_48], %sub3A_112 : memref<256x256xf32, #tpu.memory_space<vmem>>[vector<16xi32>, vector<16xi32>], vector<16xf32>,
        %add3A_113 = arith.constant 4 : i32
        %add3A_114 = vector.broadcast %add3A_113 : i32 to vector<16xi32>
        %add3A_115 = arith.addi %mul3A_108, %add3A_114 : vector<16xi32>
        %sub3A_116 = arith.subf %gather3A_104, %gather3A_49 : vector<16xf32>
        tpu.vector_store_idx %arg24[%add3A_115, %broadcast_in_dim3A_48], %sub3A_116 : memref<256x256xf32, #tpu.memory_space<vmem>>[vector<16xi32>, vector<16xi32>], vector<16xf32>,
        %add3A_117 = arith.constant 5 : i32
        %add3A_118 = vector.broadcast %add3A_117 : i32 to vector<16xi32>
        %add3A_119 = arith.addi %mul3A_108, %add3A_118 : vector<16xi32>
        %sub3A_120 = arith.subf %gather3A_105, %gather3A_50 : vector<16xf32>
        tpu.vector_store_idx %arg24[%add3A_119, %broadcast_in_dim3A_48], %sub3A_120 : memref<256x256xf32, #tpu.memory_space<vmem>>[vector<16xi32>, vector<16xi32>], vector<16xf32>,
        %mul3A_121 = arith.constant 3 : i32
        %mul3A_122 = vector.broadcast %mul3A_121 : i32 to vector<16xi32>
        %mul3A_123 = arith.muli %min3A_102, %mul3A_122 : vector<16xi32>
        %add3A_124 = arith.constant 0 : i32
        %add3A_125 = vector.broadcast %add3A_124 : i32 to vector<16xi32>
        %add3A_126 = arith.addi %mul3A_123, %add3A_125 : vector<16xi32>
        %gather3A_127 = tpu.vector_load_idx %arg15[%add3A_126] : memref<6144xf32, #tpu.memory_space<vmem>>[vector<16xi32>], vector<16xf32>,
        %add3A_128 = arith.constant 0 : i32
        %add3A_129 = vector.broadcast %add3A_128 : i32 to vector<16xi32>
        %add3A_130 = arith.addi %mul3A_108, %add3A_129 : vector<16xi32>
        tpu.vector_store_idx %arg24[%add3A_130, %broadcast_in_dim3A_48], %gather3A_127 : memref<256x256xf32, #tpu.memory_space<vmem>>[vector<16xi32>, vector<16xi32>], vector<16xf32>,
        %mul3A_131 = arith.constant 3 : i32
        %mul3A_132 = vector.broadcast %mul3A_131 : i32 to vector<16xi32>
        %mul3A_133 = arith.muli %min3A_102, %mul3A_132 : vector<16xi32>
        %add3A_134 = arith.constant 1 : i32
        %add3A_135 = vector.broadcast %add3A_134 : i32 to vector<16xi32>
        %add3A_136 = arith.addi %mul3A_133, %add3A_135 : vector<16xi32>
        %gather3A_137 = tpu.vector_load_idx %arg15[%add3A_136] : memref<6144xf32, #tpu.memory_space<vmem>>[vector<16xi32>], vector<16xf32>,
        %add3A_138 = arith.constant 1 : i32
        %add3A_139 = vector.broadcast %add3A_138 : i32 to vector<16xi32>
        %add3A_140 = arith.addi %mul3A_108, %add3A_139 : vector<16xi32>
        tpu.vector_store_idx %arg24[%add3A_140, %broadcast_in_dim3A_48], %gather3A_137 : memref<256x256xf32, #tpu.memory_space<vmem>>[vector<16xi32>, vector<16xi32>], vector<16xf32>,
        %mul3A_141 = arith.constant 3 : i32
        %mul3A_142 = vector.broadcast %mul3A_141 : i32 to vector<16xi32>
        %mul3A_143 = arith.muli %min3A_102, %mul3A_142 : vector<16xi32>
        %add3A_144 = arith.constant 2 : i32
        %add3A_145 = vector.broadcast %add3A_144 : i32 to vector<16xi32>
        %add3A_146 = arith.addi %mul3A_143, %add3A_145 : vector<16xi32>
        %gather3A_147 = tpu.vector_load_idx %arg15[%add3A_146] : memref<6144xf32, #tpu.memory_space<vmem>>[vector<16xi32>], vector<16xf32>,
        %add3A_148 = arith.constant 2 : i32
        %add3A_149 = vector.broadcast %add3A_148 : i32 to vector<16xi32>
        %add3A_150 = arith.addi %mul3A_108, %add3A_149 : vector<16xi32>
        tpu.vector_store_idx %arg24[%add3A_150, %broadcast_in_dim3A_48], %gather3A_147 : memref<256x256xf32, #tpu.memory_space<vmem>>[vector<16xi32>, vector<16xi32>], vector<16xf32>,
        %add3A_151 = arith.constant 6 : i32
        %add3A_152 = vector.broadcast %add3A_151 : i32 to vector<16xi32>
        %add3A_153 = arith.addi %mul3A_108, %add3A_152 : vector<16xi32>
        tpu.vector_store_idx %arg24[%add3A_153, %broadcast_in_dim3A_48], %broadcast_in_dim3A_19 : memref<256x256xf32, #tpu.memory_space<vmem>>[vector<16xi32>, vector<16xi32>], vector<16xf32>,
        %add3A_154 = arith.constant 7 : i32
        %add3A_155 = vector.broadcast %add3A_154 : i32 to vector<16xi32>
        %add3A_156 = arith.addi %mul3A_108, %add3A_155 : vector<16xi32>
        tpu.vector_store_idx %arg24[%add3A_156, %broadcast_in_dim3A_48], %broadcast_in_dim3A_19 : memref<256x256xf32, #tpu.memory_space<vmem>>[vector<16xi32>, vector<16xi32>], vector<16xf32>,
        %lt3A = arith.cmpi slt, %add3A_92, %min3A_89 : vector<16xi32>
        %convert_element_type3A = arith.extui %lt3A : vector<16xi1> to vector<16xi32>
        tpu.vector_store_idx %arg25[%add3A_92, %broadcast_in_dim3A_48], %convert_element_type3A : memref<32x256xi32, #tpu.memory_space<vmem>>[vector<16xi32>, vector<16xi32>], vector<16xi32>,
        %add3A_157 = arith.constant 16 : i32
        %add3A_158 = vector.broadcast %add3A_157 : i32 to vector<16xi32>
        %add3A_159 = arith.addi %add3A_158, %iota3A : vector<16xi32>
        %mul3A_160 = arith.constant 32 : i32
        %mul3A_161 = arith.muli %add3A_47, %mul3A_160 : i32
        %add3A_162 = arith.constant 16 : i32
        %add3A_163 = arith.addi %mul3A_161, %add3A_162 : i32
        %get3A_164 = arith.index_cast %add3A_163 : i32 to index
        %get3A_165 = tpu.vector_load %arg23[%get3A_164] {strides = array<i32>} : memref<8192xi32, #tpu.memory_space<vmem>>, vector<16xi32>,
        %max3A_166 = arith.constant 0 : i32
        %max3A_167 = vector.broadcast %max3A_166 : i32 to vector<16xi32>
        %max3A_168 = arith.maxsi %get3A_165, %max3A_167 : vector<16xi32>
        %min3A_169 = arith.constant 2047 : i32
        %min3A_170 = vector.broadcast %min3A_169 : i32 to vector<16xi32>
        %min3A_171 = arith.minsi %max3A_168, %min3A_170 : vector<16xi32>
        %gather3A_172 = tpu.vector_load_idx %arg12[%min3A_171] : memref<2048xf32, #tpu.memory_space<vmem>>[vector<16xi32>], vector<16xf32>,
        %gather3A_173 = tpu.vector_load_idx %arg13[%min3A_171] : memref<2048xf32, #tpu.memory_space<vmem>>[vector<16xi32>], vector<16xf32>,
        %gather3A_174 = tpu.vector_load_idx %arg14[%min3A_171] : memref<2048xf32, #tpu.memory_space<vmem>>[vector<16xi32>], vector<16xf32>,
        %mul3A_175 = arith.constant 8 : i32
        %mul3A_176 = vector.broadcast %mul3A_175 : i32 to vector<16xi32>
        %mul3A_177 = arith.muli %add3A_159, %mul3A_176 : vector<16xi32>
        %add3A_178 = arith.constant 3 : i32
        %add3A_179 = vector.broadcast %add3A_178 : i32 to vector<16xi32>
        %add3A_180 = arith.addi %mul3A_177, %add3A_179 : vector<16xi32>
        %sub3A_181 = arith.subf %gather3A_172, %gather3A : vector<16xf32>
        tpu.vector_store_idx %arg24[%add3A_180, %broadcast_in_dim3A_48], %sub3A_181 : memref<256x256xf32, #tpu.memory_space<vmem>>[vector<16xi32>, vector<16xi32>], vector<16xf32>,
        %add3A_182 = arith.constant 4 : i32
        %add3A_183 = vector.broadcast %add3A_182 : i32 to vector<16xi32>
        %add3A_184 = arith.addi %mul3A_177, %add3A_183 : vector<16xi32>
        %sub3A_185 = arith.subf %gather3A_173, %gather3A_49 : vector<16xf32>
        tpu.vector_store_idx %arg24[%add3A_184, %broadcast_in_dim3A_48], %sub3A_185 : memref<256x256xf32, #tpu.memory_space<vmem>>[vector<16xi32>, vector<16xi32>], vector<16xf32>,
        %add3A_186 = arith.constant 5 : i32
        %add3A_187 = vector.broadcast %add3A_186 : i32 to vector<16xi32>
        %add3A_188 = arith.addi %mul3A_177, %add3A_187 : vector<16xi32>
        %sub3A_189 = arith.subf %gather3A_174, %gather3A_50 : vector<16xf32>
        tpu.vector_store_idx %arg24[%add3A_188, %broadcast_in_dim3A_48], %sub3A_189 : memref<256x256xf32, #tpu.memory_space<vmem>>[vector<16xi32>, vector<16xi32>], vector<16xf32>,
        %mul3A_190 = arith.constant 3 : i32
        %mul3A_191 = vector.broadcast %mul3A_190 : i32 to vector<16xi32>
        %mul3A_192 = arith.muli %min3A_171, %mul3A_191 : vector<16xi32>
        %add3A_193 = arith.constant 0 : i32
        %add3A_194 = vector.broadcast %add3A_193 : i32 to vector<16xi32>
        %add3A_195 = arith.addi %mul3A_192, %add3A_194 : vector<16xi32>
        %gather3A_196 = tpu.vector_load_idx %arg15[%add3A_195] : memref<6144xf32, #tpu.memory_space<vmem>>[vector<16xi32>], vector<16xf32>,
        %add3A_197 = arith.constant 0 : i32
        %add3A_198 = vector.broadcast %add3A_197 : i32 to vector<16xi32>
        %add3A_199 = arith.addi %mul3A_177, %add3A_198 : vector<16xi32>
        tpu.vector_store_idx %arg24[%add3A_199, %broadcast_in_dim3A_48], %gather3A_196 : memref<256x256xf32, #tpu.memory_space<vmem>>[vector<16xi32>, vector<16xi32>], vector<16xf32>,
        %mul3A_200 = arith.constant 3 : i32
        %mul3A_201 = vector.broadcast %mul3A_200 : i32 to vector<16xi32>
        %mul3A_202 = arith.muli %min3A_171, %mul3A_201 : vector<16xi32>
        %add3A_203 = arith.constant 1 : i32
        %add3A_204 = vector.broadcast %add3A_203 : i32 to vector<16xi32>
        %add3A_205 = arith.addi %mul3A_202, %add3A_204 : vector<16xi32>
        %gather3A_206 = tpu.vector_load_idx %arg15[%add3A_205] : memref<6144xf32, #tpu.memory_space<vmem>>[vector<16xi32>], vector<16xf32>,
        %add3A_207 = arith.constant 1 : i32
        %add3A_208 = vector.broadcast %add3A_207 : i32 to vector<16xi32>
        %add3A_209 = arith.addi %mul3A_177, %add3A_208 : vector<16xi32>
        tpu.vector_store_idx %arg24[%add3A_209, %broadcast_in_dim3A_48], %gather3A_206 : memref<256x256xf32, #tpu.memory_space<vmem>>[vector<16xi32>, vector<16xi32>], vector<16xf32>,
        %mul3A_210 = arith.constant 3 : i32
        %mul3A_211 = vector.broadcast %mul3A_210 : i32 to vector<16xi32>
        %mul3A_212 = arith.muli %min3A_171, %mul3A_211 : vector<16xi32>
        %add3A_213 = arith.constant 2 : i32
        %add3A_214 = vector.broadcast %add3A_213 : i32 to vector<16xi32>
        %add3A_215 = arith.addi %mul3A_212, %add3A_214 : vector<16xi32>
        %gather3A_216 = tpu.vector_load_idx %arg15[%add3A_215] : memref<6144xf32, #tpu.memory_space<vmem>>[vector<16xi32>], vector<16xf32>,
        %add3A_217 = arith.constant 2 : i32
        %add3A_218 = vector.broadcast %add3A_217 : i32 to vector<16xi32>
        %add3A_219 = arith.addi %mul3A_177, %add3A_218 : vector<16xi32>
        tpu.vector_store_idx %arg24[%add3A_219, %broadcast_in_dim3A_48], %gather3A_216 : memref<256x256xf32, #tpu.memory_space<vmem>>[vector<16xi32>, vector<16xi32>], vector<16xf32>,
        %add3A_220 = arith.constant 6 : i32
        %add3A_221 = vector.broadcast %add3A_220 : i32 to vector<16xi32>
        %add3A_222 = arith.addi %mul3A_177, %add3A_221 : vector<16xi32>
        tpu.vector_store_idx %arg24[%add3A_222, %broadcast_in_dim3A_48], %broadcast_in_dim3A_19 : memref<256x256xf32, #tpu.memory_space<vmem>>[vector<16xi32>, vector<16xi32>], vector<16xf32>,
        %add3A_223 = arith.constant 7 : i32
        %add3A_224 = vector.broadcast %add3A_223 : i32 to vector<16xi32>
        %add3A_225 = arith.addi %mul3A_177, %add3A_224 : vector<16xi32>
        tpu.vector_store_idx %arg24[%add3A_225, %broadcast_in_dim3A_48], %broadcast_in_dim3A_19 : memref<256x256xf32, #tpu.memory_space<vmem>>[vector<16xi32>, vector<16xi32>], vector<16xf32>,
        %lt3A_226 = arith.cmpi slt, %add3A_159, %min3A_89 : vector<16xi32>
        %convert_element_type3A_227 = arith.extui %lt3A_226 : vector<16xi1> to vector<16xi32>
        tpu.vector_store_idx %arg25[%add3A_159, %broadcast_in_dim3A_48], %convert_element_type3A_227 : memref<32x256xi32, #tpu.memory_space<vmem>>[vector<16xi32>, vector<16xi32>], vector<16xi32>,
        %scan3A_228 = arith.constant 0 : i32
        scf.yield %scan3A_228 : i32
      }
      %scan3A_43 = arith.constant 16 : i32
      %scan3A_44 = arith.constant 0 : i32
      scf.yield %scan3A_44 : i32
    }
    %scan3A_32 = arith.constant 16 : i32
    "tpu.region"() ({
      %run_scoped3A = tpu.sem_alloc : memref<!tpu.dma_semaphore, #tpu.memory_space<semaphore_mem>>
      %dma_start3A = arith.constant 0 : i32
      %dma_start3A_33 = tpu.memref_slice %arg7[%dma_start3A, %mul3A_18] : memref<256x8192xf32, #tpu.memory_space<hbm>> -> memref<256x256xf32, #tpu.memory_space<hbm>>
      %dma_start3A_34 = arith.constant 0 : i32
      %dma_start3A_35 = tpu.memref_slice %arg7[%dma_start3A_34, %mul3A_18] : memref<256x8192xf32, #tpu.memory_space<hbm>> -> memref<256x256xf32, #tpu.memory_space<hbm>>
      tpu.enqueue_dma source(%arg24 : memref<256x256xf32, #tpu.memory_space<vmem>>) target(%dma_start3A_35 : memref<256x256xf32, #tpu.memory_space<hbm>>) target_semaphore(%run_scoped3A : memref<!tpu.dma_semaphore, #tpu.memory_space<semaphore_mem>>)
      %dma_wait3A = arith.constant 0 : i32
      %dma_wait3A_36 = tpu.memref_slice %arg7[%dma_wait3A, %mul3A_18] : memref<256x8192xf32, #tpu.memory_space<hbm>> -> memref<256x256xf32, #tpu.memory_space<hbm>>
      %dma_wait3A_37 = arith.constant 0 : i32
      %dma_wait3A_38 = tpu.memref_slice %arg7[%dma_wait3A_37, %mul3A_18] : memref<256x8192xf32, #tpu.memory_space<hbm>> -> memref<256x256xf32, #tpu.memory_space<hbm>>
      tpu.wait_dma2 semaphore(%run_scoped3A : memref<!tpu.dma_semaphore, #tpu.memory_space<semaphore_mem>>) src(%arg24 : memref<256x256xf32, #tpu.memory_space<vmem>>) dst(%dma_wait3A_38 : memref<256x256xf32, #tpu.memory_space<hbm>>)
      tpu.yield
    }) : () -> ()
    "tpu.region"() ({
      %run_scoped3A = tpu.sem_alloc : memref<!tpu.dma_semaphore, #tpu.memory_space<semaphore_mem>>
      %dma_start3A = arith.constant 0 : i32
      %dma_start3A_33 = tpu.memref_slice %arg8[%dma_start3A, %mul3A_18] : memref<32x8192xi32, #tpu.memory_space<hbm>> -> memref<32x256xi32, #tpu.memory_space<hbm>>
      %dma_start3A_34 = arith.constant 0 : i32
      %dma_start3A_35 = tpu.memref_slice %arg8[%dma_start3A_34, %mul3A_18] : memref<32x8192xi32, #tpu.memory_space<hbm>> -> memref<32x256xi32, #tpu.memory_space<hbm>>
      tpu.enqueue_dma source(%arg25 : memref<32x256xi32, #tpu.memory_space<vmem>>) target(%dma_start3A_35 : memref<32x256xi32, #tpu.memory_space<hbm>>) target_semaphore(%run_scoped3A : memref<!tpu.dma_semaphore, #tpu.memory_space<semaphore_mem>>)
      %dma_wait3A = arith.constant 0 : i32
      %dma_wait3A_36 = tpu.memref_slice %arg8[%dma_wait3A, %mul3A_18] : memref<32x8192xi32, #tpu.memory_space<hbm>> -> memref<32x256xi32, #tpu.memory_space<hbm>>
      %dma_wait3A_37 = arith.constant 0 : i32
      %dma_wait3A_38 = tpu.memref_slice %arg8[%dma_wait3A_37, %mul3A_18] : memref<32x8192xi32, #tpu.memory_space<hbm>> -> memref<32x256xi32, #tpu.memory_space<hbm>>
      tpu.wait_dma2 semaphore(%run_scoped3A : memref<!tpu.dma_semaphore, #tpu.memory_space<semaphore_mem>>) src(%arg25 : memref<32x256xi32, #tpu.memory_space<vmem>>) dst(%dma_wait3A_38 : memref<32x256xi32, #tpu.memory_space<hbm>>)
      tpu.yield
    }) : () -> ()
    return
  }
}

#map = affine_map<(d0, d1) -> (0, 0)>
#map1 = affine_map<(d0, d1) -> (0)>
module attributes {stable_mosaic.version = 14 : i64} {
  func.func @_sc_prep_body(%arg0: i32, %arg1: i32, %arg2: memref<8x1024xf32, #tpu.memory_space<hbm>>, %arg3: memref<8x1024xf32, #tpu.memory_space<hbm>>, %arg4: memref<8x1024xf32, #tpu.memory_space<hbm>>, %arg5: memref<64x8192xf32, #tpu.memory_space<hbm>>, %arg6: memref<2048xi32, #tpu.memory_space<hbm>>, %arg7: memref<4390912xf32, #tpu.memory_space<hbm>>, %arg8: memref<65536xi32, #tpu.memory_space<hbm>>, %arg9: memref<2048xf32, #tpu.memory_space<hbm>>, %arg10: memref<2048xf32, #tpu.memory_space<hbm>>, %arg11: memref<2048xf32, #tpu.memory_space<hbm>>, %arg12: memref<1024xf32, #tpu.memory_space<vmem>>, %arg13: memref<1024xf32, #tpu.memory_space<vmem>>, %arg14: memref<1024xf32, #tpu.memory_space<vmem>>, %arg15: memref<64x1024xf32, #tpu.memory_space<vmem>>, %arg16: memref<64xi32, #tpu.memory_space<vmem>>, %arg17: memref<64xf32, #tpu.memory_space<vmem>>, %arg18: memref<64xf32, #tpu.memory_space<vmem>>, %arg19: memref<64xf32, #tpu.memory_space<vmem>>, %arg20: memref<1024xi32, #tpu.memory_space<vmem>>, %arg21: memref<64xi32, #tpu.memory_space<vmem>>, %arg22: memref<64xi32, #tpu.memory_space<vmem>>, %arg23: memref<2048xi32, #tpu.memory_space<vmem>>, %arg24: memref<34304xf32, #tpu.memory_space<vmem>>, %arg25: memref<512xi32, #tpu.memory_space<vmem>>) attributes {dimension_semantics = [#tpu.dimension_semantics<core_parallel>, #tpu.dimension_semantics<subcore_parallel>], iteration_bounds = array<i64: 2, 16>, scalar_prefetch = 0 : i64, scratch_operands = 14 : i64, tpu.core_type = #tpu.core_type<sc_vector_subcore>, window_params = [{transform_indices = #map}, {transform_indices = #map}, {transform_indices = #map}, {transform_indices = #map}, {transform_indices = #map1}, {transform_indices = #map1}, {transform_indices = #map1}, {transform_indices = #map1}, {transform_indices = #map1}, {transform_indices = #map1}]} {
    %mul3A = arith.constant 2 : i32
    %mul3A_0 = arith.muli %arg1, %mul3A : i32
    %add3A = arith.addi %mul3A_0, %arg0 : i32
    %jit3A = arith.constant 4 : i32
    %div3A = arith.divsi %add3A, %jit3A : i32
    %sign3A = arith.constant 0 : i32
    %sign3A_1 = arith.cmpi sgt, %add3A, %sign3A : i32
    %sign3A_2 = arith.extui %sign3A_1 : i1 to i32
    %sign3A_3 = arith.constant 0 : i32
    %sign3A_4 = arith.cmpi slt, %add3A, %sign3A_3 : i32
    %sign3A_5 = arith.extui %sign3A_4 : i1 to i32
    %sign3A_6 = arith.subi %sign3A_2, %sign3A_5 : i32
    %sign3A_7 = arith.constant 0 : i32
    %sign3A_8 = arith.cmpi sgt, %jit3A, %sign3A_7 : i32
    %sign3A_9 = arith.extui %sign3A_8 : i1 to i32
    %sign3A_10 = arith.constant 0 : i32
    %sign3A_11 = arith.cmpi slt, %jit3A, %sign3A_10 : i32
    %sign3A_12 = arith.extui %sign3A_11 : i1 to i32
    %sign3A_13 = arith.subi %sign3A_9, %sign3A_12 : i32
    %ne3A = arith.cmpi ne, %sign3A_6, %sign3A_13 : i32
    %rem3A = arith.remsi %add3A, %jit3A : i32
    %ne3A_14 = arith.constant 0 : i32
    %ne3A_15 = arith.cmpi ne, %rem3A, %ne3A_14 : i32
    %and3A = arith.andi %ne3A, %ne3A_15 : i1
    %sub3A = arith.constant 1 : i32
    %sub3A_16 = arith.subi %div3A, %sub3A : i32
    %select_n3A = arith.select %and3A, %sub3A_16, %div3A : i32
    %mul3A_17 = arith.constant 64 : i32
    %mul3A_18 = arith.muli %add3A, %mul3A_17 : i32
    "tpu.region"() ({
      %run_scoped3A = tpu.sem_alloc : memref<!tpu.dma_semaphore, #tpu.memory_space<semaphore_mem>>
      %dma_start3A = arith.constant 0 : i32
      %dma_start3A_35 = tpu.memref_slice %arg2[%select_n3A, %dma_start3A] : memref<8x1024xf32, #tpu.memory_space<hbm>> -> memref<1x1024xf32, #tpu.memory_space<hbm>>
      %dma_start3A_36 = tpu.memref_squeeze %dma_start3A_35 : memref<1x1024xf32, #tpu.memory_space<hbm>> -> memref<1024xf32, #tpu.memory_space<hbm>>
      %dma_start3A_37 = arith.constant 0 : i32
      %dma_start3A_38 = tpu.memref_slice %arg2[%select_n3A, %dma_start3A_37] : memref<8x1024xf32, #tpu.memory_space<hbm>> -> memref<1x1024xf32, #tpu.memory_space<hbm>>
      %dma_start3A_39 = tpu.memref_squeeze %dma_start3A_38 : memref<1x1024xf32, #tpu.memory_space<hbm>> -> memref<1024xf32, #tpu.memory_space<hbm>>
      tpu.enqueue_dma source(%dma_start3A_39 : memref<1024xf32, #tpu.memory_space<hbm>>) target(%arg12 : memref<1024xf32, #tpu.memory_space<vmem>>) target_semaphore(%run_scoped3A : memref<!tpu.dma_semaphore, #tpu.memory_space<semaphore_mem>>)
      %dma_wait3A = arith.constant 0 : i32
      %dma_wait3A_40 = tpu.memref_slice %arg2[%select_n3A, %dma_wait3A] : memref<8x1024xf32, #tpu.memory_space<hbm>> -> memref<1x1024xf32, #tpu.memory_space<hbm>>
      %dma_wait3A_41 = tpu.memref_squeeze %dma_wait3A_40 : memref<1x1024xf32, #tpu.memory_space<hbm>> -> memref<1024xf32, #tpu.memory_space<hbm>>
      %dma_wait3A_42 = arith.constant 0 : i32
      %dma_wait3A_43 = tpu.memref_slice %arg2[%select_n3A, %dma_wait3A_42] : memref<8x1024xf32, #tpu.memory_space<hbm>> -> memref<1x1024xf32, #tpu.memory_space<hbm>>
      %dma_wait3A_44 = tpu.memref_squeeze %dma_wait3A_43 : memref<1x1024xf32, #tpu.memory_space<hbm>> -> memref<1024xf32, #tpu.memory_space<hbm>>
      tpu.wait_dma2 semaphore(%run_scoped3A : memref<!tpu.dma_semaphore, #tpu.memory_space<semaphore_mem>>) src(%dma_wait3A_44 : memref<1024xf32, #tpu.memory_space<hbm>>) dst(%arg12 : memref<1024xf32, #tpu.memory_space<vmem>>)
      tpu.yield
    }) : () -> ()
    "tpu.region"() ({
      %run_scoped3A = tpu.sem_alloc : memref<!tpu.dma_semaphore, #tpu.memory_space<semaphore_mem>>
      %dma_start3A = arith.constant 0 : i32
      %dma_start3A_35 = tpu.memref_slice %arg3[%select_n3A, %dma_start3A] : memref<8x1024xf32, #tpu.memory_space<hbm>> -> memref<1x1024xf32, #tpu.memory_space<hbm>>
      %dma_start3A_36 = tpu.memref_squeeze %dma_start3A_35 : memref<1x1024xf32, #tpu.memory_space<hbm>> -> memref<1024xf32, #tpu.memory_space<hbm>>
      %dma_start3A_37 = arith.constant 0 : i32
      %dma_start3A_38 = tpu.memref_slice %arg3[%select_n3A, %dma_start3A_37] : memref<8x1024xf32, #tpu.memory_space<hbm>> -> memref<1x1024xf32, #tpu.memory_space<hbm>>
      %dma_start3A_39 = tpu.memref_squeeze %dma_start3A_38 : memref<1x1024xf32, #tpu.memory_space<hbm>> -> memref<1024xf32, #tpu.memory_space<hbm>>
      tpu.enqueue_dma source(%dma_start3A_39 : memref<1024xf32, #tpu.memory_space<hbm>>) target(%arg13 : memref<1024xf32, #tpu.memory_space<vmem>>) target_semaphore(%run_scoped3A : memref<!tpu.dma_semaphore, #tpu.memory_space<semaphore_mem>>)
      %dma_wait3A = arith.constant 0 : i32
      %dma_wait3A_40 = tpu.memref_slice %arg3[%select_n3A, %dma_wait3A] : memref<8x1024xf32, #tpu.memory_space<hbm>> -> memref<1x1024xf32, #tpu.memory_space<hbm>>
      %dma_wait3A_41 = tpu.memref_squeeze %dma_wait3A_40 : memref<1x1024xf32, #tpu.memory_space<hbm>> -> memref<1024xf32, #tpu.memory_space<hbm>>
      %dma_wait3A_42 = arith.constant 0 : i32
      %dma_wait3A_43 = tpu.memref_slice %arg3[%select_n3A, %dma_wait3A_42] : memref<8x1024xf32, #tpu.memory_space<hbm>> -> memref<1x1024xf32, #tpu.memory_space<hbm>>
      %dma_wait3A_44 = tpu.memref_squeeze %dma_wait3A_43 : memref<1x1024xf32, #tpu.memory_space<hbm>> -> memref<1024xf32, #tpu.memory_space<hbm>>
      tpu.wait_dma2 semaphore(%run_scoped3A : memref<!tpu.dma_semaphore, #tpu.memory_space<semaphore_mem>>) src(%dma_wait3A_44 : memref<1024xf32, #tpu.memory_space<hbm>>) dst(%arg13 : memref<1024xf32, #tpu.memory_space<vmem>>)
      tpu.yield
    }) : () -> ()
    "tpu.region"() ({
      %run_scoped3A = tpu.sem_alloc : memref<!tpu.dma_semaphore, #tpu.memory_space<semaphore_mem>>
      %dma_start3A = arith.constant 0 : i32
      %dma_start3A_35 = tpu.memref_slice %arg4[%select_n3A, %dma_start3A] : memref<8x1024xf32, #tpu.memory_space<hbm>> -> memref<1x1024xf32, #tpu.memory_space<hbm>>
      %dma_start3A_36 = tpu.memref_squeeze %dma_start3A_35 : memref<1x1024xf32, #tpu.memory_space<hbm>> -> memref<1024xf32, #tpu.memory_space<hbm>>
      %dma_start3A_37 = arith.constant 0 : i32
      %dma_start3A_38 = tpu.memref_slice %arg4[%select_n3A, %dma_start3A_37] : memref<8x1024xf32, #tpu.memory_space<hbm>> -> memref<1x1024xf32, #tpu.memory_space<hbm>>
      %dma_start3A_39 = tpu.memref_squeeze %dma_start3A_38 : memref<1x1024xf32, #tpu.memory_space<hbm>> -> memref<1024xf32, #tpu.memory_space<hbm>>
      tpu.enqueue_dma source(%dma_start3A_39 : memref<1024xf32, #tpu.memory_space<hbm>>) target(%arg14 : memref<1024xf32, #tpu.memory_space<vmem>>) target_semaphore(%run_scoped3A : memref<!tpu.dma_semaphore, #tpu.memory_space<semaphore_mem>>)
      %dma_wait3A = arith.constant 0 : i32
      %dma_wait3A_40 = tpu.memref_slice %arg4[%select_n3A, %dma_wait3A] : memref<8x1024xf32, #tpu.memory_space<hbm>> -> memref<1x1024xf32, #tpu.memory_space<hbm>>
      %dma_wait3A_41 = tpu.memref_squeeze %dma_wait3A_40 : memref<1x1024xf32, #tpu.memory_space<hbm>> -> memref<1024xf32, #tpu.memory_space<hbm>>
      %dma_wait3A_42 = arith.constant 0 : i32
      %dma_wait3A_43 = tpu.memref_slice %arg4[%select_n3A, %dma_wait3A_42] : memref<8x1024xf32, #tpu.memory_space<hbm>> -> memref<1x1024xf32, #tpu.memory_space<hbm>>
      %dma_wait3A_44 = tpu.memref_squeeze %dma_wait3A_43 : memref<1x1024xf32, #tpu.memory_space<hbm>> -> memref<1024xf32, #tpu.memory_space<hbm>>
      tpu.wait_dma2 semaphore(%run_scoped3A : memref<!tpu.dma_semaphore, #tpu.memory_space<semaphore_mem>>) src(%dma_wait3A_44 : memref<1024xf32, #tpu.memory_space<hbm>>) dst(%arg14 : memref<1024xf32, #tpu.memory_space<vmem>>)
      tpu.yield
    }) : () -> ()
    %mul3A_19 = arith.constant 1024 : i32
    %mul3A_20 = arith.muli %select_n3A, %mul3A_19 : i32
    "tpu.region"() ({
      %run_scoped3A = tpu.sem_alloc : memref<!tpu.dma_semaphore, #tpu.memory_space<semaphore_mem>>
      %dma_start3A = arith.constant 0 : i32
      %dma_start3A_35 = tpu.memref_slice %arg5[%dma_start3A, %mul3A_20] : memref<64x8192xf32, #tpu.memory_space<hbm>> -> memref<64x1024xf32, #tpu.memory_space<hbm>>
      %dma_start3A_36 = arith.constant 0 : i32
      %dma_start3A_37 = tpu.memref_slice %arg5[%dma_start3A_36, %mul3A_20] : memref<64x8192xf32, #tpu.memory_space<hbm>> -> memref<64x1024xf32, #tpu.memory_space<hbm>>
      tpu.enqueue_dma source(%dma_start3A_37 : memref<64x1024xf32, #tpu.memory_space<hbm>>) target(%arg15 : memref<64x1024xf32, #tpu.memory_space<vmem>>) target_semaphore(%run_scoped3A : memref<!tpu.dma_semaphore, #tpu.memory_space<semaphore_mem>>)
      %dma_wait3A = arith.constant 0 : i32
      %dma_wait3A_38 = tpu.memref_slice %arg5[%dma_wait3A, %mul3A_20] : memref<64x8192xf32, #tpu.memory_space<hbm>> -> memref<64x1024xf32, #tpu.memory_space<hbm>>
      %dma_wait3A_39 = arith.constant 0 : i32
      %dma_wait3A_40 = tpu.memref_slice %arg5[%dma_wait3A_39, %mul3A_20] : memref<64x8192xf32, #tpu.memory_space<hbm>> -> memref<64x1024xf32, #tpu.memory_space<hbm>>
      tpu.wait_dma2 semaphore(%run_scoped3A : memref<!tpu.dma_semaphore, #tpu.memory_space<semaphore_mem>>) src(%dma_wait3A_40 : memref<64x1024xf32, #tpu.memory_space<hbm>>) dst(%arg15 : memref<64x1024xf32, #tpu.memory_space<vmem>>)
      tpu.yield
    }) : () -> ()
    "tpu.region"() ({
      %run_scoped3A = tpu.sem_alloc : memref<!tpu.dma_semaphore, #tpu.memory_space<semaphore_mem>>
      %dma_start3A = tpu.memref_slice %arg6[%mul3A_18] : memref<2048xi32, #tpu.memory_space<hbm>> -> memref<64xi32, #tpu.memory_space<hbm>>
      %dma_start3A_35 = tpu.memref_slice %arg6[%mul3A_18] : memref<2048xi32, #tpu.memory_space<hbm>> -> memref<64xi32, #tpu.memory_space<hbm>>
      tpu.enqueue_dma source(%dma_start3A_35 : memref<64xi32, #tpu.memory_space<hbm>>) target(%arg16 : memref<64xi32, #tpu.memory_space<vmem>>) target_semaphore(%run_scoped3A : memref<!tpu.dma_semaphore, #tpu.memory_space<semaphore_mem>>)
      %dma_wait3A = tpu.memref_slice %arg6[%mul3A_18] : memref<2048xi32, #tpu.memory_space<hbm>> -> memref<64xi32, #tpu.memory_space<hbm>>
      %dma_wait3A_36 = tpu.memref_slice %arg6[%mul3A_18] : memref<2048xi32, #tpu.memory_space<hbm>> -> memref<64xi32, #tpu.memory_space<hbm>>
      tpu.wait_dma2 semaphore(%run_scoped3A : memref<!tpu.dma_semaphore, #tpu.memory_space<semaphore_mem>>) src(%dma_wait3A_36 : memref<64xi32, #tpu.memory_space<hbm>>) dst(%arg16 : memref<64xi32, #tpu.memory_space<vmem>>)
      tpu.yield
    }) : () -> ()
    %iota3A = tpu.iota {dimensions = array<i32: 0>} : vector<16xi32>
    %broadcast_in_dim3A = arith.constant 0.000000e+00 : f32
    %broadcast_in_dim3A_21 = vector.broadcast %broadcast_in_dim3A : f32 to vector<16xf32>
    %scan3A = arith.constant 0 : i32
    %scan3A_22 = arith.constant 0 : i32
    %scan3A_23 = arith.constant 4 : i32
    %scan3A_24 = arith.addi %scan3A_22, %scan3A_23 : i32
    %scan3A_25 = arith.constant 1 : i32
    %scan3A_26 = scf.for %scan3A_35 = %scan3A_22 to %scan3A_24 step %scan3A_25 iter_args(%scan3A_36 = %scan3A) -> (i32)  : i32 {
      %mul3A_37 = arith.constant 16 : i32
      %mul3A_38 = arith.muli %scan3A_35, %mul3A_37 : i32
      %get3A = arith.index_cast %mul3A_38 : i32 to index
      %get3A_39 = tpu.vector_load %arg16[%get3A] {strides = array<i32>} : memref<64xi32, #tpu.memory_space<vmem>>, vector<16xi32>,
      %gather3A = tpu.vector_load_idx %arg12[%get3A_39] : memref<1024xf32, #tpu.memory_space<vmem>>[vector<16xi32>], vector<16xf32>,
      %mul3A_40 = arith.constant 16 : i32
      %mul3A_41 = arith.muli %scan3A_35, %mul3A_40 : i32
      %swap3A = arith.index_cast %mul3A_41 : i32 to index
      %swap3A_42 = tpu.vector_load %arg17[%swap3A] {strides = array<i32>} : memref<64xf32, #tpu.memory_space<vmem>>, vector<16xf32>,
      tpu.vector_store %arg17[%swap3A], %gather3A {strides = array<i32>} : memref<64xf32, #tpu.memory_space<vmem>>, vector<16xf32>,
      %gather3A_43 = tpu.vector_load_idx %arg13[%get3A_39] : memref<1024xf32, #tpu.memory_space<vmem>>[vector<16xi32>], vector<16xf32>,
      %mul3A_44 = arith.constant 16 : i32
      %mul3A_45 = arith.muli %scan3A_35, %mul3A_44 : i32
      %swap3A_46 = arith.index_cast %mul3A_45 : i32 to index
      %swap3A_47 = tpu.vector_load %arg18[%swap3A_46] {strides = array<i32>} : memref<64xf32, #tpu.memory_space<vmem>>, vector<16xf32>,
      tpu.vector_store %arg18[%swap3A_46], %gather3A_43 {strides = array<i32>} : memref<64xf32, #tpu.memory_space<vmem>>, vector<16xf32>,
      %gather3A_48 = tpu.vector_load_idx %arg14[%get3A_39] : memref<1024xf32, #tpu.memory_space<vmem>>[vector<16xi32>], vector<16xf32>,
      %mul3A_49 = arith.constant 16 : i32
      %mul3A_50 = arith.muli %scan3A_35, %mul3A_49 : i32
      %swap3A_51 = arith.index_cast %mul3A_50 : i32 to index
      %swap3A_52 = tpu.vector_load %arg19[%swap3A_51] {strides = array<i32>} : memref<64xf32, #tpu.memory_space<vmem>>, vector<16xf32>,
      tpu.vector_store %arg19[%swap3A_51], %gather3A_48 {strides = array<i32>} : memref<64xf32, #tpu.memory_space<vmem>>, vector<16xf32>,
      %scan3A_53 = arith.constant 0 : i32
      scf.yield %scan3A_53 : i32
    }
    %scan3A_27 = arith.constant 4 : i32
    "tpu.region"() ({
      %run_scoped3A = tpu.sem_alloc : memref<!tpu.dma_semaphore, #tpu.memory_space<semaphore_mem>>
      %dma_start3A = tpu.memref_slice %arg9[%mul3A_18] : memref<2048xf32, #tpu.memory_space<hbm>> -> memref<64xf32, #tpu.memory_space<hbm>>
      %dma_start3A_35 = tpu.memref_slice %arg9[%mul3A_18] : memref<2048xf32, #tpu.memory_space<hbm>> -> memref<64xf32, #tpu.memory_space<hbm>>
      tpu.enqueue_dma source(%arg17 : memref<64xf32, #tpu.memory_space<vmem>>) target(%dma_start3A_35 : memref<64xf32, #tpu.memory_space<hbm>>) target_semaphore(%run_scoped3A : memref<!tpu.dma_semaphore, #tpu.memory_space<semaphore_mem>>)
      %dma_wait3A = tpu.memref_slice %arg9[%mul3A_18] : memref<2048xf32, #tpu.memory_space<hbm>> -> memref<64xf32, #tpu.memory_space<hbm>>
      %dma_wait3A_36 = tpu.memref_slice %arg9[%mul3A_18] : memref<2048xf32, #tpu.memory_space<hbm>> -> memref<64xf32, #tpu.memory_space<hbm>>
      tpu.wait_dma2 semaphore(%run_scoped3A : memref<!tpu.dma_semaphore, #tpu.memory_space<semaphore_mem>>) src(%arg17 : memref<64xf32, #tpu.memory_space<vmem>>) dst(%dma_wait3A_36 : memref<64xf32, #tpu.memory_space<hbm>>)
      tpu.yield
    }) : () -> ()
    "tpu.region"() ({
      %run_scoped3A = tpu.sem_alloc : memref<!tpu.dma_semaphore, #tpu.memory_space<semaphore_mem>>
      %dma_start3A = tpu.memref_slice %arg10[%mul3A_18] : memref<2048xf32, #tpu.memory_space<hbm>> -> memref<64xf32, #tpu.memory_space<hbm>>
      %dma_start3A_35 = tpu.memref_slice %arg10[%mul3A_18] : memref<2048xf32, #tpu.memory_space<hbm>> -> memref<64xf32, #tpu.memory_space<hbm>>
      tpu.enqueue_dma source(%arg18 : memref<64xf32, #tpu.memory_space<vmem>>) target(%dma_start3A_35 : memref<64xf32, #tpu.memory_space<hbm>>) target_semaphore(%run_scoped3A : memref<!tpu.dma_semaphore, #tpu.memory_space<semaphore_mem>>)
      %dma_wait3A = tpu.memref_slice %arg10[%mul3A_18] : memref<2048xf32, #tpu.memory_space<hbm>> -> memref<64xf32, #tpu.memory_space<hbm>>
      %dma_wait3A_36 = tpu.memref_slice %arg10[%mul3A_18] : memref<2048xf32, #tpu.memory_space<hbm>> -> memref<64xf32, #tpu.memory_space<hbm>>
      tpu.wait_dma2 semaphore(%run_scoped3A : memref<!tpu.dma_semaphore, #tpu.memory_space<semaphore_mem>>) src(%arg18 : memref<64xf32, #tpu.memory_space<vmem>>) dst(%dma_wait3A_36 : memref<64xf32, #tpu.memory_space<hbm>>)
      tpu.yield
    }) : () -> ()
    "tpu.region"() ({
      %run_scoped3A = tpu.sem_alloc : memref<!tpu.dma_semaphore, #tpu.memory_space<semaphore_mem>>
      %dma_start3A = tpu.memref_slice %arg11[%mul3A_18] : memref<2048xf32, #tpu.memory_space<hbm>> -> memref<64xf32, #tpu.memory_space<hbm>>
      %dma_start3A_35 = tpu.memref_slice %arg11[%mul3A_18] : memref<2048xf32, #tpu.memory_space<hbm>> -> memref<64xf32, #tpu.memory_space<hbm>>
      tpu.enqueue_dma source(%arg19 : memref<64xf32, #tpu.memory_space<vmem>>) target(%dma_start3A_35 : memref<64xf32, #tpu.memory_space<hbm>>) target_semaphore(%run_scoped3A : memref<!tpu.dma_semaphore, #tpu.memory_space<semaphore_mem>>)
      %dma_wait3A = tpu.memref_slice %arg11[%mul3A_18] : memref<2048xf32, #tpu.memory_space<hbm>> -> memref<64xf32, #tpu.memory_space<hbm>>
      %dma_wait3A_36 = tpu.memref_slice %arg11[%mul3A_18] : memref<2048xf32, #tpu.memory_space<hbm>> -> memref<64xf32, #tpu.memory_space<hbm>>
      tpu.wait_dma2 semaphore(%run_scoped3A : memref<!tpu.dma_semaphore, #tpu.memory_space<semaphore_mem>>) src(%arg19 : memref<64xf32, #tpu.memory_space<vmem>>) dst(%dma_wait3A_36 : memref<64xf32, #tpu.memory_space<hbm>>)
      tpu.yield
    }) : () -> ()
    %scan3A_28 = arith.constant 0 : i32
    %scan3A_29 = arith.constant 0 : i32
    %scan3A_30 = arith.constant 4 : i32
    %scan3A_31 = arith.addi %scan3A_29, %scan3A_30 : i32
    %scan3A_32 = arith.constant 1 : i32
    %scan3A_33 = scf.for %scan3A_35 = %scan3A_29 to %scan3A_31 step %scan3A_32 iter_args(%scan3A_36 = %scan3A_28) -> (i32)  : i32 {
      %mul3A_37 = arith.constant 16 : i32
      %mul3A_38 = arith.muli %scan3A_35, %mul3A_37 : i32
      %scan3A_39 = arith.constant 0 : i32
      %scan3A_40 = arith.constant 0 : i32
      %scan3A_41 = arith.constant 16 : i32
      %scan3A_42 = arith.addi %scan3A_40, %scan3A_41 : i32
      %scan3A_43 = arith.constant 1 : i32
      %scan3A_44 = scf.for %scan3A_52 = %scan3A_40 to %scan3A_42 step %scan3A_43 iter_args(%scan3A_53 = %scan3A_39) -> (i32)  : i32 {
        %add3A_54 = arith.addi %mul3A_38, %scan3A_52 : i32
        %broadcast_in_dim3A_55 = vector.broadcast %add3A_54 : i32 to vector<16xi32>
        %gather3A = tpu.vector_load_idx %arg17[%broadcast_in_dim3A_55] : memref<64xf32, #tpu.memory_space<vmem>>[vector<16xi32>], vector<16xf32>,
        %gather3A_56 = tpu.vector_load_idx %arg18[%broadcast_in_dim3A_55] : memref<64xf32, #tpu.memory_space<vmem>>[vector<16xi32>], vector<16xf32>,
        %gather3A_57 = tpu.vector_load_idx %arg19[%broadcast_in_dim3A_55] : memref<64xf32, #tpu.memory_space<vmem>>[vector<16xi32>], vector<16xf32>,
        %scan3A_58 = arith.constant 0 : i32
        %scan3A_59 = arith.constant 0 : i32
        %scan3A_60 = arith.constant 4 : i32
        %scan3A_61 = arith.addi %scan3A_59, %scan3A_60 : i32
        %scan3A_62 = arith.constant 1 : i32
        %scan3A_63 = scf.for %scan3A_201 = %scan3A_59 to %scan3A_61 step %scan3A_62 iter_args(%scan3A_202 = %scan3A_58) -> (i32)  : i32 {
          %broadcast_in_dim3A_203 = arith.constant 0 : i32
          %broadcast_in_dim3A_204 = vector.broadcast %broadcast_in_dim3A_203 : i32 to vector<16xi32>
          %mul3A_205 = arith.constant 16 : i32
          %mul3A_206 = arith.muli %scan3A_201, %mul3A_205 : i32
          %add3A_207 = arith.constant 0 : i32
          %add3A_208 = arith.addi %mul3A_206, %add3A_207 : i32
          %mul3A_209 = arith.constant 16 : i32
          %mul3A_210 = arith.muli %add3A_208, %mul3A_209 : i32
          %get3A_211 = arith.index_cast %mul3A_210 : i32 to index
          %get3A_212 = tpu.vector_load %arg12[%get3A_211] {strides = array<i32>} : memref<1024xf32, #tpu.memory_space<vmem>>, vector<16xf32>,
          %mul3A_213 = arith.constant 16 : i32
          %mul3A_214 = arith.muli %add3A_208, %mul3A_213 : i32
          %get3A_215 = arith.index_cast %mul3A_214 : i32 to index
          %get3A_216 = tpu.vector_load %arg13[%get3A_215] {strides = array<i32>} : memref<1024xf32, #tpu.memory_space<vmem>>, vector<16xf32>,
          %mul3A_217 = arith.constant 16 : i32
          %mul3A_218 = arith.muli %add3A_208, %mul3A_217 : i32
          %get3A_219 = arith.index_cast %mul3A_218 : i32 to index
          %get3A_220 = tpu.vector_load %arg14[%get3A_219] {strides = array<i32>} : memref<1024xf32, #tpu.memory_space<vmem>>, vector<16xf32>,
          %sub3A_221 = arith.subf %gather3A, %get3A_212 : vector<16xf32>
          %sub3A_222 = arith.subf %gather3A_56, %get3A_216 : vector<16xf32>
          %sub3A_223 = arith.subf %gather3A_57, %get3A_220 : vector<16xf32>
          %mul3A_224 = arith.mulf %sub3A_221, %sub3A_221 : vector<16xf32>
          %mul3A_225 = arith.mulf %sub3A_222, %sub3A_222 : vector<16xf32>
          %add3A_226 = arith.addf %mul3A_224, %mul3A_225 : vector<16xf32>
          %mul3A_227 = arith.mulf %sub3A_223, %sub3A_223 : vector<16xf32>
          %add3A_228 = arith.addf %add3A_226, %mul3A_227 : vector<16xf32>
          %le3A = arith.constant 1.000000e+00 : f32
          %le3A_229 = vector.broadcast %le3A : f32 to vector<16xf32>
          %le3A_230 = arith.cmpf ole, %add3A_228, %le3A_229 : vector<16xf32>
          %convert_element_type3A_231 = arith.extui %le3A_230 : vector<16xi1> to vector<16xi32>
          %mul3A_232 = arith.constant 16 : i32
          %mul3A_233 = arith.muli %add3A_208, %mul3A_232 : i32
          %swap3A_234 = arith.index_cast %mul3A_233 : i32 to index
          %swap3A_235 = tpu.vector_load %arg20[%swap3A_234] {strides = array<i32>} : memref<1024xi32, #tpu.memory_space<vmem>>, vector<16xi32>,
          tpu.vector_store %arg20[%swap3A_234], %convert_element_type3A_231 {strides = array<i32>} : memref<1024xi32, #tpu.memory_space<vmem>>, vector<16xi32>,
          %eq3A = arith.constant 0 : i32
          %eq3A_236 = vector.broadcast %eq3A : i32 to vector<16xi32>
          %eq3A_237 = arith.cmpi eq, %iota3A, %eq3A_236 : vector<16xi32>
          %all_reduce_population_count3A = tpu.all_reduce %le3A_230 {dim = 0 : i64, kind = #tpu.reduction_kind<sum>} : vector<16xi1> -> vector<16xi32>
          %select_n3A_238 = arith.select %eq3A_237, %all_reduce_population_count3A, %broadcast_in_dim3A_204 : vector<16xi1>, vector<16xi32>
          %mul3A_239 = arith.constant 16 : i32
          %mul3A_240 = arith.muli %scan3A_201, %mul3A_239 : i32
          %add3A_241 = arith.constant 1 : i32
          %add3A_242 = arith.addi %mul3A_240, %add3A_241 : i32
          %mul3A_243 = arith.constant 16 : i32
          %mul3A_244 = arith.muli %add3A_242, %mul3A_243 : i32
          %get3A_245 = arith.index_cast %mul3A_244 : i32 to index
          %get3A_246 = tpu.vector_load %arg12[%get3A_245] {strides = array<i32>} : memref<1024xf32, #tpu.memory_space<vmem>>, vector<16xf32>,
          %mul3A_247 = arith.constant 16 : i32
          %mul3A_248 = arith.muli %add3A_242, %mul3A_247 : i32
          %get3A_249 = arith.index_cast %mul3A_248 : i32 to index
          %get3A_250 = tpu.vector_load %arg13[%get3A_249] {strides = array<i32>} : memref<1024xf32, #tpu.memory_space<vmem>>, vector<16xf32>,
          %mul3A_251 = arith.constant 16 : i32
          %mul3A_252 = arith.muli %add3A_242, %mul3A_251 : i32
          %get3A_253 = arith.index_cast %mul3A_252 : i32 to index
          %get3A_254 = tpu.vector_load %arg14[%get3A_253] {strides = array<i32>} : memref<1024xf32, #tpu.memory_space<vmem>>, vector<16xf32>,
          %sub3A_255 = arith.subf %gather3A, %get3A_246 : vector<16xf32>
          %sub3A_256 = arith.subf %gather3A_56, %get3A_250 : vector<16xf32>
          %sub3A_257 = arith.subf %gather3A_57, %get3A_254 : vector<16xf32>
          %mul3A_258 = arith.mulf %sub3A_255, %sub3A_255 : vector<16xf32>
          %mul3A_259 = arith.mulf %sub3A_256, %sub3A_256 : vector<16xf32>
          %add3A_260 = arith.addf %mul3A_258, %mul3A_259 : vector<16xf32>
          %mul3A_261 = arith.mulf %sub3A_257, %sub3A_257 : vector<16xf32>
          %add3A_262 = arith.addf %add3A_260, %mul3A_261 : vector<16xf32>
          %le3A_263 = arith.constant 1.000000e+00 : f32
          %le3A_264 = vector.broadcast %le3A_263 : f32 to vector<16xf32>
          %le3A_265 = arith.cmpf ole, %add3A_262, %le3A_264 : vector<16xf32>
          %convert_element_type3A_266 = arith.extui %le3A_265 : vector<16xi1> to vector<16xi32>
          %mul3A_267 = arith.constant 16 : i32
          %mul3A_268 = arith.muli %add3A_242, %mul3A_267 : i32
          %swap3A_269 = arith.index_cast %mul3A_268 : i32 to index
          %swap3A_270 = tpu.vector_load %arg20[%swap3A_269] {strides = array<i32>} : memref<1024xi32, #tpu.memory_space<vmem>>, vector<16xi32>,
          tpu.vector_store %arg20[%swap3A_269], %convert_element_type3A_266 {strides = array<i32>} : memref<1024xi32, #tpu.memory_space<vmem>>, vector<16xi32>,
          %eq3A_271 = arith.constant 1 : i32
          %eq3A_272 = vector.broadcast %eq3A_271 : i32 to vector<16xi32>
          %eq3A_273 = arith.cmpi eq, %iota3A, %eq3A_272 : vector<16xi32>
          %all_reduce_population_count3A_274 = tpu.all_reduce %le3A_265 {dim = 0 : i64, kind = #tpu.reduction_kind<sum>} : vector<16xi1> -> vector<16xi32>
          %select_n3A_275 = arith.select %eq3A_273, %all_reduce_population_count3A_274, %select_n3A_238 : vector<16xi1>, vector<16xi32>
          %mul3A_276 = arith.constant 16 : i32
          %mul3A_277 = arith.muli %scan3A_201, %mul3A_276 : i32
          %add3A_278 = arith.constant 2 : i32
          %add3A_279 = arith.addi %mul3A_277, %add3A_278 : i32
          %mul3A_280 = arith.constant 16 : i32
          %mul3A_281 = arith.muli %add3A_279, %mul3A_280 : i32
          %get3A_282 = arith.index_cast %mul3A_281 : i32 to index
          %get3A_283 = tpu.vector_load %arg12[%get3A_282] {strides = array<i32>} : memref<1024xf32, #tpu.memory_space<vmem>>, vector<16xf32>,
          %mul3A_284 = arith.constant 16 : i32
          %mul3A_285 = arith.muli %add3A_279, %mul3A_284 : i32
          %get3A_286 = arith.index_cast %mul3A_285 : i32 to index
          %get3A_287 = tpu.vector_load %arg13[%get3A_286] {strides = array<i32>} : memref<1024xf32, #tpu.memory_space<vmem>>, vector<16xf32>,
          %mul3A_288 = arith.constant 16 : i32
          %mul3A_289 = arith.muli %add3A_279, %mul3A_288 : i32
          %get3A_290 = arith.index_cast %mul3A_289 : i32 to index
          %get3A_291 = tpu.vector_load %arg14[%get3A_290] {strides = array<i32>} : memref<1024xf32, #tpu.memory_space<vmem>>, vector<16xf32>,
          %sub3A_292 = arith.subf %gather3A, %get3A_283 : vector<16xf32>
          %sub3A_293 = arith.subf %gather3A_56, %get3A_287 : vector<16xf32>
          %sub3A_294 = arith.subf %gather3A_57, %get3A_291 : vector<16xf32>
          %mul3A_295 = arith.mulf %sub3A_292, %sub3A_292 : vector<16xf32>
          %mul3A_296 = arith.mulf %sub3A_293, %sub3A_293 : vector<16xf32>
          %add3A_297 = arith.addf %mul3A_295, %mul3A_296 : vector<16xf32>
          %mul3A_298 = arith.mulf %sub3A_294, %sub3A_294 : vector<16xf32>
          %add3A_299 = arith.addf %add3A_297, %mul3A_298 : vector<16xf32>
          %le3A_300 = arith.constant 1.000000e+00 : f32
          %le3A_301 = vector.broadcast %le3A_300 : f32 to vector<16xf32>
          %le3A_302 = arith.cmpf ole, %add3A_299, %le3A_301 : vector<16xf32>
          %convert_element_type3A_303 = arith.extui %le3A_302 : vector<16xi1> to vector<16xi32>
          %mul3A_304 = arith.constant 16 : i32
          %mul3A_305 = arith.muli %add3A_279, %mul3A_304 : i32
          %swap3A_306 = arith.index_cast %mul3A_305 : i32 to index
          %swap3A_307 = tpu.vector_load %arg20[%swap3A_306] {strides = array<i32>} : memref<1024xi32, #tpu.memory_space<vmem>>, vector<16xi32>,
          tpu.vector_store %arg20[%swap3A_306], %convert_element_type3A_303 {strides = array<i32>} : memref<1024xi32, #tpu.memory_space<vmem>>, vector<16xi32>,
          %eq3A_308 = arith.constant 2 : i32
          %eq3A_309 = vector.broadcast %eq3A_308 : i32 to vector<16xi32>
          %eq3A_310 = arith.cmpi eq, %iota3A, %eq3A_309 : vector<16xi32>
          %all_reduce_population_count3A_311 = tpu.all_reduce %le3A_302 {dim = 0 : i64, kind = #tpu.reduction_kind<sum>} : vector<16xi1> -> vector<16xi32>
          %select_n3A_312 = arith.select %eq3A_310, %all_reduce_population_count3A_311, %select_n3A_275 : vector<16xi1>, vector<16xi32>
          %mul3A_313 = arith.constant 16 : i32
          %mul3A_314 = arith.muli %scan3A_201, %mul3A_313 : i32
          %add3A_315 = arith.constant 3 : i32
          %add3A_316 = arith.addi %mul3A_314, %add3A_315 : i32
          %mul3A_317 = arith.constant 16 : i32
          %mul3A_318 = arith.muli %add3A_316, %mul3A_317 : i32
          %get3A_319 = arith.index_cast %mul3A_318 : i32 to index
          %get3A_320 = tpu.vector_load %arg12[%get3A_319] {strides = array<i32>} : memref<1024xf32, #tpu.memory_space<vmem>>, vector<16xf32>,
          %mul3A_321 = arith.constant 16 : i32
          %mul3A_322 = arith.muli %add3A_316, %mul3A_321 : i32
          %get3A_323 = arith.index_cast %mul3A_322 : i32 to index
          %get3A_324 = tpu.vector_load %arg13[%get3A_323] {strides = array<i32>} : memref<1024xf32, #tpu.memory_space<vmem>>, vector<16xf32>,
          %mul3A_325 = arith.constant 16 : i32
          %mul3A_326 = arith.muli %add3A_316, %mul3A_325 : i32
          %get3A_327 = arith.index_cast %mul3A_326 : i32 to index
          %get3A_328 = tpu.vector_load %arg14[%get3A_327] {strides = array<i32>} : memref<1024xf32, #tpu.memory_space<vmem>>, vector<16xf32>,
          %sub3A_329 = arith.subf %gather3A, %get3A_320 : vector<16xf32>
          %sub3A_330 = arith.subf %gather3A_56, %get3A_324 : vector<16xf32>
          %sub3A_331 = arith.subf %gather3A_57, %get3A_328 : vector<16xf32>
          %mul3A_332 = arith.mulf %sub3A_329, %sub3A_329 : vector<16xf32>
          %mul3A_333 = arith.mulf %sub3A_330, %sub3A_330 : vector<16xf32>
          %add3A_334 = arith.addf %mul3A_332, %mul3A_333 : vector<16xf32>
          %mul3A_335 = arith.mulf %sub3A_331, %sub3A_331 : vector<16xf32>
          %add3A_336 = arith.addf %add3A_334, %mul3A_335 : vector<16xf32>
          %le3A_337 = arith.constant 1.000000e+00 : f32
          %le3A_338 = vector.broadcast %le3A_337 : f32 to vector<16xf32>
          %le3A_339 = arith.cmpf ole, %add3A_336, %le3A_338 : vector<16xf32>
          %convert_element_type3A_340 = arith.extui %le3A_339 : vector<16xi1> to vector<16xi32>
          %mul3A_341 = arith.constant 16 : i32
          %mul3A_342 = arith.muli %add3A_316, %mul3A_341 : i32
          %swap3A_343 = arith.index_cast %mul3A_342 : i32 to index
          %swap3A_344 = tpu.vector_load %arg20[%swap3A_343] {strides = array<i32>} : memref<1024xi32, #tpu.memory_space<vmem>>, vector<16xi32>,
          tpu.vector_store %arg20[%swap3A_343], %convert_element_type3A_340 {strides = array<i32>} : memref<1024xi32, #tpu.memory_space<vmem>>, vector<16xi32>,
          %eq3A_345 = arith.constant 3 : i32
          %eq3A_346 = vector.broadcast %eq3A_345 : i32 to vector<16xi32>
          %eq3A_347 = arith.cmpi eq, %iota3A, %eq3A_346 : vector<16xi32>
          %all_reduce_population_count3A_348 = tpu.all_reduce %le3A_339 {dim = 0 : i64, kind = #tpu.reduction_kind<sum>} : vector<16xi1> -> vector<16xi32>
          %select_n3A_349 = arith.select %eq3A_347, %all_reduce_population_count3A_348, %select_n3A_312 : vector<16xi1>, vector<16xi32>
          %mul3A_350 = arith.constant 16 : i32
          %mul3A_351 = arith.muli %scan3A_201, %mul3A_350 : i32
          %add3A_352 = arith.constant 4 : i32
          %add3A_353 = arith.addi %mul3A_351, %add3A_352 : i32
          %mul3A_354 = arith.constant 16 : i32
          %mul3A_355 = arith.muli %add3A_353, %mul3A_354 : i32
          %get3A_356 = arith.index_cast %mul3A_355 : i32 to index
          %get3A_357 = tpu.vector_load %arg12[%get3A_356] {strides = array<i32>} : memref<1024xf32, #tpu.memory_space<vmem>>, vector<16xf32>,
          %mul3A_358 = arith.constant 16 : i32
          %mul3A_359 = arith.muli %add3A_353, %mul3A_358 : i32
          %get3A_360 = arith.index_cast %mul3A_359 : i32 to index
          %get3A_361 = tpu.vector_load %arg13[%get3A_360] {strides = array<i32>} : memref<1024xf32, #tpu.memory_space<vmem>>, vector<16xf32>,
          %mul3A_362 = arith.constant 16 : i32
          %mul3A_363 = arith.muli %add3A_353, %mul3A_362 : i32
          %get3A_364 = arith.index_cast %mul3A_363 : i32 to index
          %get3A_365 = tpu.vector_load %arg14[%get3A_364] {strides = array<i32>} : memref<1024xf32, #tpu.memory_space<vmem>>, vector<16xf32>,
          %sub3A_366 = arith.subf %gather3A, %get3A_357 : vector<16xf32>
          %sub3A_367 = arith.subf %gather3A_56, %get3A_361 : vector<16xf32>
          %sub3A_368 = arith.subf %gather3A_57, %get3A_365 : vector<16xf32>
          %mul3A_369 = arith.mulf %sub3A_366, %sub3A_366 : vector<16xf32>
          %mul3A_370 = arith.mulf %sub3A_367, %sub3A_367 : vector<16xf32>
          %add3A_371 = arith.addf %mul3A_369, %mul3A_370 : vector<16xf32>
          %mul3A_372 = arith.mulf %sub3A_368, %sub3A_368 : vector<16xf32>
          %add3A_373 = arith.addf %add3A_371, %mul3A_372 : vector<16xf32>
          %le3A_374 = arith.constant 1.000000e+00 : f32
          %le3A_375 = vector.broadcast %le3A_374 : f32 to vector<16xf32>
          %le3A_376 = arith.cmpf ole, %add3A_373, %le3A_375 : vector<16xf32>
          %convert_element_type3A_377 = arith.extui %le3A_376 : vector<16xi1> to vector<16xi32>
          %mul3A_378 = arith.constant 16 : i32
          %mul3A_379 = arith.muli %add3A_353, %mul3A_378 : i32
          %swap3A_380 = arith.index_cast %mul3A_379 : i32 to index
          %swap3A_381 = tpu.vector_load %arg20[%swap3A_380] {strides = array<i32>} : memref<1024xi32, #tpu.memory_space<vmem>>, vector<16xi32>,
          tpu.vector_store %arg20[%swap3A_380], %convert_element_type3A_377 {strides = array<i32>} : memref<1024xi32, #tpu.memory_space<vmem>>, vector<16xi32>,
          %eq3A_382 = arith.constant 4 : i32
          %eq3A_383 = vector.broadcast %eq3A_382 : i32 to vector<16xi32>
          %eq3A_384 = arith.cmpi eq, %iota3A, %eq3A_383 : vector<16xi32>
          %all_reduce_population_count3A_385 = tpu.all_reduce %le3A_376 {dim = 0 : i64, kind = #tpu.reduction_kind<sum>} : vector<16xi1> -> vector<16xi32>
          %select_n3A_386 = arith.select %eq3A_384, %all_reduce_population_count3A_385, %select_n3A_349 : vector<16xi1>, vector<16xi32>
          %mul3A_387 = arith.constant 16 : i32
          %mul3A_388 = arith.muli %scan3A_201, %mul3A_387 : i32
          %add3A_389 = arith.constant 5 : i32
          %add3A_390 = arith.addi %mul3A_388, %add3A_389 : i32
          %mul3A_391 = arith.constant 16 : i32
          %mul3A_392 = arith.muli %add3A_390, %mul3A_391 : i32
          %get3A_393 = arith.index_cast %mul3A_392 : i32 to index
          %get3A_394 = tpu.vector_load %arg12[%get3A_393] {strides = array<i32>} : memref<1024xf32, #tpu.memory_space<vmem>>, vector<16xf32>,
          %mul3A_395 = arith.constant 16 : i32
          %mul3A_396 = arith.muli %add3A_390, %mul3A_395 : i32
          %get3A_397 = arith.index_cast %mul3A_396 : i32 to index
          %get3A_398 = tpu.vector_load %arg13[%get3A_397] {strides = array<i32>} : memref<1024xf32, #tpu.memory_space<vmem>>, vector<16xf32>,
          %mul3A_399 = arith.constant 16 : i32
          %mul3A_400 = arith.muli %add3A_390, %mul3A_399 : i32
          %get3A_401 = arith.index_cast %mul3A_400 : i32 to index
          %get3A_402 = tpu.vector_load %arg14[%get3A_401] {strides = array<i32>} : memref<1024xf32, #tpu.memory_space<vmem>>, vector<16xf32>,
          %sub3A_403 = arith.subf %gather3A, %get3A_394 : vector<16xf32>
          %sub3A_404 = arith.subf %gather3A_56, %get3A_398 : vector<16xf32>
          %sub3A_405 = arith.subf %gather3A_57, %get3A_402 : vector<16xf32>
          %mul3A_406 = arith.mulf %sub3A_403, %sub3A_403 : vector<16xf32>
          %mul3A_407 = arith.mulf %sub3A_404, %sub3A_404 : vector<16xf32>
          %add3A_408 = arith.addf %mul3A_406, %mul3A_407 : vector<16xf32>
          %mul3A_409 = arith.mulf %sub3A_405, %sub3A_405 : vector<16xf32>
          %add3A_410 = arith.addf %add3A_408, %mul3A_409 : vector<16xf32>
          %le3A_411 = arith.constant 1.000000e+00 : f32
          %le3A_412 = vector.broadcast %le3A_411 : f32 to vector<16xf32>
          %le3A_413 = arith.cmpf ole, %add3A_410, %le3A_412 : vector<16xf32>
          %convert_element_type3A_414 = arith.extui %le3A_413 : vector<16xi1> to vector<16xi32>
          %mul3A_415 = arith.constant 16 : i32
          %mul3A_416 = arith.muli %add3A_390, %mul3A_415 : i32
          %swap3A_417 = arith.index_cast %mul3A_416 : i32 to index
          %swap3A_418 = tpu.vector_load %arg20[%swap3A_417] {strides = array<i32>} : memref<1024xi32, #tpu.memory_space<vmem>>, vector<16xi32>,
          tpu.vector_store %arg20[%swap3A_417], %convert_element_type3A_414 {strides = array<i32>} : memref<1024xi32, #tpu.memory_space<vmem>>, vector<16xi32>,
          %eq3A_419 = arith.constant 5 : i32
          %eq3A_420 = vector.broadcast %eq3A_419 : i32 to vector<16xi32>
          %eq3A_421 = arith.cmpi eq, %iota3A, %eq3A_420 : vector<16xi32>
          %all_reduce_population_count3A_422 = tpu.all_reduce %le3A_413 {dim = 0 : i64, kind = #tpu.reduction_kind<sum>} : vector<16xi1> -> vector<16xi32>
          %select_n3A_423 = arith.select %eq3A_421, %all_reduce_population_count3A_422, %select_n3A_386 : vector<16xi1>, vector<16xi32>
          %mul3A_424 = arith.constant 16 : i32
          %mul3A_425 = arith.muli %scan3A_201, %mul3A_424 : i32
          %add3A_426 = arith.constant 6 : i32
          %add3A_427 = arith.addi %mul3A_425, %add3A_426 : i32
          %mul3A_428 = arith.constant 16 : i32
          %mul3A_429 = arith.muli %add3A_427, %mul3A_428 : i32
          %get3A_430 = arith.index_cast %mul3A_429 : i32 to index
          %get3A_431 = tpu.vector_load %arg12[%get3A_430] {strides = array<i32>} : memref<1024xf32, #tpu.memory_space<vmem>>, vector<16xf32>,
          %mul3A_432 = arith.constant 16 : i32
          %mul3A_433 = arith.muli %add3A_427, %mul3A_432 : i32
          %get3A_434 = arith.index_cast %mul3A_433 : i32 to index
          %get3A_435 = tpu.vector_load %arg13[%get3A_434] {strides = array<i32>} : memref<1024xf32, #tpu.memory_space<vmem>>, vector<16xf32>,
          %mul3A_436 = arith.constant 16 : i32
          %mul3A_437 = arith.muli %add3A_427, %mul3A_436 : i32
          %get3A_438 = arith.index_cast %mul3A_437 : i32 to index
          %get3A_439 = tpu.vector_load %arg14[%get3A_438] {strides = array<i32>} : memref<1024xf32, #tpu.memory_space<vmem>>, vector<16xf32>,
          %sub3A_440 = arith.subf %gather3A, %get3A_431 : vector<16xf32>
          %sub3A_441 = arith.subf %gather3A_56, %get3A_435 : vector<16xf32>
          %sub3A_442 = arith.subf %gather3A_57, %get3A_439 : vector<16xf32>
          %mul3A_443 = arith.mulf %sub3A_440, %sub3A_440 : vector<16xf32>
          %mul3A_444 = arith.mulf %sub3A_441, %sub3A_441 : vector<16xf32>
          %add3A_445 = arith.addf %mul3A_443, %mul3A_444 : vector<16xf32>
          %mul3A_446 = arith.mulf %sub3A_442, %sub3A_442 : vector<16xf32>
          %add3A_447 = arith.addf %add3A_445, %mul3A_446 : vector<16xf32>
          %le3A_448 = arith.constant 1.000000e+00 : f32
          %le3A_449 = vector.broadcast %le3A_448 : f32 to vector<16xf32>
          %le3A_450 = arith.cmpf ole, %add3A_447, %le3A_449 : vector<16xf32>
          %convert_element_type3A_451 = arith.extui %le3A_450 : vector<16xi1> to vector<16xi32>
          %mul3A_452 = arith.constant 16 : i32
          %mul3A_453 = arith.muli %add3A_427, %mul3A_452 : i32
          %swap3A_454 = arith.index_cast %mul3A_453 : i32 to index
          %swap3A_455 = tpu.vector_load %arg20[%swap3A_454] {strides = array<i32>} : memref<1024xi32, #tpu.memory_space<vmem>>, vector<16xi32>,
          tpu.vector_store %arg20[%swap3A_454], %convert_element_type3A_451 {strides = array<i32>} : memref<1024xi32, #tpu.memory_space<vmem>>, vector<16xi32>,
          %eq3A_456 = arith.constant 6 : i32
          %eq3A_457 = vector.broadcast %eq3A_456 : i32 to vector<16xi32>
          %eq3A_458 = arith.cmpi eq, %iota3A, %eq3A_457 : vector<16xi32>
          %all_reduce_population_count3A_459 = tpu.all_reduce %le3A_450 {dim = 0 : i64, kind = #tpu.reduction_kind<sum>} : vector<16xi1> -> vector<16xi32>
          %select_n3A_460 = arith.select %eq3A_458, %all_reduce_population_count3A_459, %select_n3A_423 : vector<16xi1>, vector<16xi32>
          %mul3A_461 = arith.constant 16 : i32
          %mul3A_462 = arith.muli %scan3A_201, %mul3A_461 : i32
          %add3A_463 = arith.constant 7 : i32
          %add3A_464 = arith.addi %mul3A_462, %add3A_463 : i32
          %mul3A_465 = arith.constant 16 : i32
          %mul3A_466 = arith.muli %add3A_464, %mul3A_465 : i32
          %get3A_467 = arith.index_cast %mul3A_466 : i32 to index
          %get3A_468 = tpu.vector_load %arg12[%get3A_467] {strides = array<i32>} : memref<1024xf32, #tpu.memory_space<vmem>>, vector<16xf32>,
          %mul3A_469 = arith.constant 16 : i32
          %mul3A_470 = arith.muli %add3A_464, %mul3A_469 : i32
          %get3A_471 = arith.index_cast %mul3A_470 : i32 to index
          %get3A_472 = tpu.vector_load %arg13[%get3A_471] {strides = array<i32>} : memref<1024xf32, #tpu.memory_space<vmem>>, vector<16xf32>,
          %mul3A_473 = arith.constant 16 : i32
          %mul3A_474 = arith.muli %add3A_464, %mul3A_473 : i32
          %get3A_475 = arith.index_cast %mul3A_474 : i32 to index
          %get3A_476 = tpu.vector_load %arg14[%get3A_475] {strides = array<i32>} : memref<1024xf32, #tpu.memory_space<vmem>>, vector<16xf32>,
          %sub3A_477 = arith.subf %gather3A, %get3A_468 : vector<16xf32>
          %sub3A_478 = arith.subf %gather3A_56, %get3A_472 : vector<16xf32>
          %sub3A_479 = arith.subf %gather3A_57, %get3A_476 : vector<16xf32>
          %mul3A_480 = arith.mulf %sub3A_477, %sub3A_477 : vector<16xf32>
          %mul3A_481 = arith.mulf %sub3A_478, %sub3A_478 : vector<16xf32>
          %add3A_482 = arith.addf %mul3A_480, %mul3A_481 : vector<16xf32>
          %mul3A_483 = arith.mulf %sub3A_479, %sub3A_479 : vector<16xf32>
          %add3A_484 = arith.addf %add3A_482, %mul3A_483 : vector<16xf32>
          %le3A_485 = arith.constant 1.000000e+00 : f32
          %le3A_486 = vector.broadcast %le3A_485 : f32 to vector<16xf32>
          %le3A_487 = arith.cmpf ole, %add3A_484, %le3A_486 : vector<16xf32>
          %convert_element_type3A_488 = arith.extui %le3A_487 : vector<16xi1> to vector<16xi32>
          %mul3A_489 = arith.constant 16 : i32
          %mul3A_490 = arith.muli %add3A_464, %mul3A_489 : i32
          %swap3A_491 = arith.index_cast %mul3A_490 : i32 to index
          %swap3A_492 = tpu.vector_load %arg20[%swap3A_491] {strides = array<i32>} : memref<1024xi32, #tpu.memory_space<vmem>>, vector<16xi32>,
          tpu.vector_store %arg20[%swap3A_491], %convert_element_type3A_488 {strides = array<i32>} : memref<1024xi32, #tpu.memory_space<vmem>>, vector<16xi32>,
          %eq3A_493 = arith.constant 7 : i32
          %eq3A_494 = vector.broadcast %eq3A_493 : i32 to vector<16xi32>
          %eq3A_495 = arith.cmpi eq, %iota3A, %eq3A_494 : vector<16xi32>
          %all_reduce_population_count3A_496 = tpu.all_reduce %le3A_487 {dim = 0 : i64, kind = #tpu.reduction_kind<sum>} : vector<16xi1> -> vector<16xi32>
          %select_n3A_497 = arith.select %eq3A_495, %all_reduce_population_count3A_496, %select_n3A_460 : vector<16xi1>, vector<16xi32>
          %mul3A_498 = arith.constant 16 : i32
          %mul3A_499 = arith.muli %scan3A_201, %mul3A_498 : i32
          %add3A_500 = arith.constant 8 : i32
          %add3A_501 = arith.addi %mul3A_499, %add3A_500 : i32
          %mul3A_502 = arith.constant 16 : i32
          %mul3A_503 = arith.muli %add3A_501, %mul3A_502 : i32
          %get3A_504 = arith.index_cast %mul3A_503 : i32 to index
          %get3A_505 = tpu.vector_load %arg12[%get3A_504] {strides = array<i32>} : memref<1024xf32, #tpu.memory_space<vmem>>, vector<16xf32>,
          %mul3A_506 = arith.constant 16 : i32
          %mul3A_507 = arith.muli %add3A_501, %mul3A_506 : i32
          %get3A_508 = arith.index_cast %mul3A_507 : i32 to index
          %get3A_509 = tpu.vector_load %arg13[%get3A_508] {strides = array<i32>} : memref<1024xf32, #tpu.memory_space<vmem>>, vector<16xf32>,
          %mul3A_510 = arith.constant 16 : i32
          %mul3A_511 = arith.muli %add3A_501, %mul3A_510 : i32
          %get3A_512 = arith.index_cast %mul3A_511 : i32 to index
          %get3A_513 = tpu.vector_load %arg14[%get3A_512] {strides = array<i32>} : memref<1024xf32, #tpu.memory_space<vmem>>, vector<16xf32>,
          %sub3A_514 = arith.subf %gather3A, %get3A_505 : vector<16xf32>
          %sub3A_515 = arith.subf %gather3A_56, %get3A_509 : vector<16xf32>
          %sub3A_516 = arith.subf %gather3A_57, %get3A_513 : vector<16xf32>
          %mul3A_517 = arith.mulf %sub3A_514, %sub3A_514 : vector<16xf32>
          %mul3A_518 = arith.mulf %sub3A_515, %sub3A_515 : vector<16xf32>
          %add3A_519 = arith.addf %mul3A_517, %mul3A_518 : vector<16xf32>
          %mul3A_520 = arith.mulf %sub3A_516, %sub3A_516 : vector<16xf32>
          %add3A_521 = arith.addf %add3A_519, %mul3A_520 : vector<16xf32>
          %le3A_522 = arith.constant 1.000000e+00 : f32
          %le3A_523 = vector.broadcast %le3A_522 : f32 to vector<16xf32>
          %le3A_524 = arith.cmpf ole, %add3A_521, %le3A_523 : vector<16xf32>
          %convert_element_type3A_525 = arith.extui %le3A_524 : vector<16xi1> to vector<16xi32>
          %mul3A_526 = arith.constant 16 : i32
          %mul3A_527 = arith.muli %add3A_501, %mul3A_526 : i32
          %swap3A_528 = arith.index_cast %mul3A_527 : i32 to index
          %swap3A_529 = tpu.vector_load %arg20[%swap3A_528] {strides = array<i32>} : memref<1024xi32, #tpu.memory_space<vmem>>, vector<16xi32>,
          tpu.vector_store %arg20[%swap3A_528], %convert_element_type3A_525 {strides = array<i32>} : memref<1024xi32, #tpu.memory_space<vmem>>, vector<16xi32>,
          %eq3A_530 = arith.constant 8 : i32
          %eq3A_531 = vector.broadcast %eq3A_530 : i32 to vector<16xi32>
          %eq3A_532 = arith.cmpi eq, %iota3A, %eq3A_531 : vector<16xi32>
          %all_reduce_population_count3A_533 = tpu.all_reduce %le3A_524 {dim = 0 : i64, kind = #tpu.reduction_kind<sum>} : vector<16xi1> -> vector<16xi32>
          %select_n3A_534 = arith.select %eq3A_532, %all_reduce_population_count3A_533, %select_n3A_497 : vector<16xi1>, vector<16xi32>
          %mul3A_535 = arith.constant 16 : i32
          %mul3A_536 = arith.muli %scan3A_201, %mul3A_535 : i32
          %add3A_537 = arith.constant 9 : i32
          %add3A_538 = arith.addi %mul3A_536, %add3A_537 : i32
          %mul3A_539 = arith.constant 16 : i32
          %mul3A_540 = arith.muli %add3A_538, %mul3A_539 : i32
          %get3A_541 = arith.index_cast %mul3A_540 : i32 to index
          %get3A_542 = tpu.vector_load %arg12[%get3A_541] {strides = array<i32>} : memref<1024xf32, #tpu.memory_space<vmem>>, vector<16xf32>,
          %mul3A_543 = arith.constant 16 : i32
          %mul3A_544 = arith.muli %add3A_538, %mul3A_543 : i32
          %get3A_545 = arith.index_cast %mul3A_544 : i32 to index
          %get3A_546 = tpu.vector_load %arg13[%get3A_545] {strides = array<i32>} : memref<1024xf32, #tpu.memory_space<vmem>>, vector<16xf32>,
          %mul3A_547 = arith.constant 16 : i32
          %mul3A_548 = arith.muli %add3A_538, %mul3A_547 : i32
          %get3A_549 = arith.index_cast %mul3A_548 : i32 to index
          %get3A_550 = tpu.vector_load %arg14[%get3A_549] {strides = array<i32>} : memref<1024xf32, #tpu.memory_space<vmem>>, vector<16xf32>,
          %sub3A_551 = arith.subf %gather3A, %get3A_542 : vector<16xf32>
          %sub3A_552 = arith.subf %gather3A_56, %get3A_546 : vector<16xf32>
          %sub3A_553 = arith.subf %gather3A_57, %get3A_550 : vector<16xf32>
          %mul3A_554 = arith.mulf %sub3A_551, %sub3A_551 : vector<16xf32>
          %mul3A_555 = arith.mulf %sub3A_552, %sub3A_552 : vector<16xf32>
          %add3A_556 = arith.addf %mul3A_554, %mul3A_555 : vector<16xf32>
          %mul3A_557 = arith.mulf %sub3A_553, %sub3A_553 : vector<16xf32>
          %add3A_558 = arith.addf %add3A_556, %mul3A_557 : vector<16xf32>
          %le3A_559 = arith.constant 1.000000e+00 : f32
          %le3A_560 = vector.broadcast %le3A_559 : f32 to vector<16xf32>
          %le3A_561 = arith.cmpf ole, %add3A_558, %le3A_560 : vector<16xf32>
          %convert_element_type3A_562 = arith.extui %le3A_561 : vector<16xi1> to vector<16xi32>
          %mul3A_563 = arith.constant 16 : i32
          %mul3A_564 = arith.muli %add3A_538, %mul3A_563 : i32
          %swap3A_565 = arith.index_cast %mul3A_564 : i32 to index
          %swap3A_566 = tpu.vector_load %arg20[%swap3A_565] {strides = array<i32>} : memref<1024xi32, #tpu.memory_space<vmem>>, vector<16xi32>,
          tpu.vector_store %arg20[%swap3A_565], %convert_element_type3A_562 {strides = array<i32>} : memref<1024xi32, #tpu.memory_space<vmem>>, vector<16xi32>,
          %eq3A_567 = arith.constant 9 : i32
          %eq3A_568 = vector.broadcast %eq3A_567 : i32 to vector<16xi32>
          %eq3A_569 = arith.cmpi eq, %iota3A, %eq3A_568 : vector<16xi32>
          %all_reduce_population_count3A_570 = tpu.all_reduce %le3A_561 {dim = 0 : i64, kind = #tpu.reduction_kind<sum>} : vector<16xi1> -> vector<16xi32>
          %select_n3A_571 = arith.select %eq3A_569, %all_reduce_population_count3A_570, %select_n3A_534 : vector<16xi1>, vector<16xi32>
          %mul3A_572 = arith.constant 16 : i32
          %mul3A_573 = arith.muli %scan3A_201, %mul3A_572 : i32
          %add3A_574 = arith.constant 10 : i32
          %add3A_575 = arith.addi %mul3A_573, %add3A_574 : i32
          %mul3A_576 = arith.constant 16 : i32
          %mul3A_577 = arith.muli %add3A_575, %mul3A_576 : i32
          %get3A_578 = arith.index_cast %mul3A_577 : i32 to index
          %get3A_579 = tpu.vector_load %arg12[%get3A_578] {strides = array<i32>} : memref<1024xf32, #tpu.memory_space<vmem>>, vector<16xf32>,
          %mul3A_580 = arith.constant 16 : i32
          %mul3A_581 = arith.muli %add3A_575, %mul3A_580 : i32
          %get3A_582 = arith.index_cast %mul3A_581 : i32 to index
          %get3A_583 = tpu.vector_load %arg13[%get3A_582] {strides = array<i32>} : memref<1024xf32, #tpu.memory_space<vmem>>, vector<16xf32>,
          %mul3A_584 = arith.constant 16 : i32
          %mul3A_585 = arith.muli %add3A_575, %mul3A_584 : i32
          %get3A_586 = arith.index_cast %mul3A_585 : i32 to index
          %get3A_587 = tpu.vector_load %arg14[%get3A_586] {strides = array<i32>} : memref<1024xf32, #tpu.memory_space<vmem>>, vector<16xf32>,
          %sub3A_588 = arith.subf %gather3A, %get3A_579 : vector<16xf32>
          %sub3A_589 = arith.subf %gather3A_56, %get3A_583 : vector<16xf32>
          %sub3A_590 = arith.subf %gather3A_57, %get3A_587 : vector<16xf32>
          %mul3A_591 = arith.mulf %sub3A_588, %sub3A_588 : vector<16xf32>
          %mul3A_592 = arith.mulf %sub3A_589, %sub3A_589 : vector<16xf32>
          %add3A_593 = arith.addf %mul3A_591, %mul3A_592 : vector<16xf32>
          %mul3A_594 = arith.mulf %sub3A_590, %sub3A_590 : vector<16xf32>
          %add3A_595 = arith.addf %add3A_593, %mul3A_594 : vector<16xf32>
          %le3A_596 = arith.constant 1.000000e+00 : f32
          %le3A_597 = vector.broadcast %le3A_596 : f32 to vector<16xf32>
          %le3A_598 = arith.cmpf ole, %add3A_595, %le3A_597 : vector<16xf32>
          %convert_element_type3A_599 = arith.extui %le3A_598 : vector<16xi1> to vector<16xi32>
          %mul3A_600 = arith.constant 16 : i32
          %mul3A_601 = arith.muli %add3A_575, %mul3A_600 : i32
          %swap3A_602 = arith.index_cast %mul3A_601 : i32 to index
          %swap3A_603 = tpu.vector_load %arg20[%swap3A_602] {strides = array<i32>} : memref<1024xi32, #tpu.memory_space<vmem>>, vector<16xi32>,
          tpu.vector_store %arg20[%swap3A_602], %convert_element_type3A_599 {strides = array<i32>} : memref<1024xi32, #tpu.memory_space<vmem>>, vector<16xi32>,
          %eq3A_604 = arith.constant 10 : i32
          %eq3A_605 = vector.broadcast %eq3A_604 : i32 to vector<16xi32>
          %eq3A_606 = arith.cmpi eq, %iota3A, %eq3A_605 : vector<16xi32>
          %all_reduce_population_count3A_607 = tpu.all_reduce %le3A_598 {dim = 0 : i64, kind = #tpu.reduction_kind<sum>} : vector<16xi1> -> vector<16xi32>
          %select_n3A_608 = arith.select %eq3A_606, %all_reduce_population_count3A_607, %select_n3A_571 : vector<16xi1>, vector<16xi32>
          %mul3A_609 = arith.constant 16 : i32
          %mul3A_610 = arith.muli %scan3A_201, %mul3A_609 : i32
          %add3A_611 = arith.constant 11 : i32
          %add3A_612 = arith.addi %mul3A_610, %add3A_611 : i32
          %mul3A_613 = arith.constant 16 : i32
          %mul3A_614 = arith.muli %add3A_612, %mul3A_613 : i32
          %get3A_615 = arith.index_cast %mul3A_614 : i32 to index
          %get3A_616 = tpu.vector_load %arg12[%get3A_615] {strides = array<i32>} : memref<1024xf32, #tpu.memory_space<vmem>>, vector<16xf32>,
          %mul3A_617 = arith.constant 16 : i32
          %mul3A_618 = arith.muli %add3A_612, %mul3A_617 : i32
          %get3A_619 = arith.index_cast %mul3A_618 : i32 to index
          %get3A_620 = tpu.vector_load %arg13[%get3A_619] {strides = array<i32>} : memref<1024xf32, #tpu.memory_space<vmem>>, vector<16xf32>,
          %mul3A_621 = arith.constant 16 : i32
          %mul3A_622 = arith.muli %add3A_612, %mul3A_621 : i32
          %get3A_623 = arith.index_cast %mul3A_622 : i32 to index
          %get3A_624 = tpu.vector_load %arg14[%get3A_623] {strides = array<i32>} : memref<1024xf32, #tpu.memory_space<vmem>>, vector<16xf32>,
          %sub3A_625 = arith.subf %gather3A, %get3A_616 : vector<16xf32>
          %sub3A_626 = arith.subf %gather3A_56, %get3A_620 : vector<16xf32>
          %sub3A_627 = arith.subf %gather3A_57, %get3A_624 : vector<16xf32>
          %mul3A_628 = arith.mulf %sub3A_625, %sub3A_625 : vector<16xf32>
          %mul3A_629 = arith.mulf %sub3A_626, %sub3A_626 : vector<16xf32>
          %add3A_630 = arith.addf %mul3A_628, %mul3A_629 : vector<16xf32>
          %mul3A_631 = arith.mulf %sub3A_627, %sub3A_627 : vector<16xf32>
          %add3A_632 = arith.addf %add3A_630, %mul3A_631 : vector<16xf32>
          %le3A_633 = arith.constant 1.000000e+00 : f32
          %le3A_634 = vector.broadcast %le3A_633 : f32 to vector<16xf32>
          %le3A_635 = arith.cmpf ole, %add3A_632, %le3A_634 : vector<16xf32>
          %convert_element_type3A_636 = arith.extui %le3A_635 : vector<16xi1> to vector<16xi32>
          %mul3A_637 = arith.constant 16 : i32
          %mul3A_638 = arith.muli %add3A_612, %mul3A_637 : i32
          %swap3A_639 = arith.index_cast %mul3A_638 : i32 to index
          %swap3A_640 = tpu.vector_load %arg20[%swap3A_639] {strides = array<i32>} : memref<1024xi32, #tpu.memory_space<vmem>>, vector<16xi32>,
          tpu.vector_store %arg20[%swap3A_639], %convert_element_type3A_636 {strides = array<i32>} : memref<1024xi32, #tpu.memory_space<vmem>>, vector<16xi32>,
          %eq3A_641 = arith.constant 11 : i32
          %eq3A_642 = vector.broadcast %eq3A_641 : i32 to vector<16xi32>
          %eq3A_643 = arith.cmpi eq, %iota3A, %eq3A_642 : vector<16xi32>
          %all_reduce_population_count3A_644 = tpu.all_reduce %le3A_635 {dim = 0 : i64, kind = #tpu.reduction_kind<sum>} : vector<16xi1> -> vector<16xi32>
          %select_n3A_645 = arith.select %eq3A_643, %all_reduce_population_count3A_644, %select_n3A_608 : vector<16xi1>, vector<16xi32>
          %mul3A_646 = arith.constant 16 : i32
          %mul3A_647 = arith.muli %scan3A_201, %mul3A_646 : i32
          %add3A_648 = arith.constant 12 : i32
          %add3A_649 = arith.addi %mul3A_647, %add3A_648 : i32
          %mul3A_650 = arith.constant 16 : i32
          %mul3A_651 = arith.muli %add3A_649, %mul3A_650 : i32
          %get3A_652 = arith.index_cast %mul3A_651 : i32 to index
          %get3A_653 = tpu.vector_load %arg12[%get3A_652] {strides = array<i32>} : memref<1024xf32, #tpu.memory_space<vmem>>, vector<16xf32>,
          %mul3A_654 = arith.constant 16 : i32
          %mul3A_655 = arith.muli %add3A_649, %mul3A_654 : i32
          %get3A_656 = arith.index_cast %mul3A_655 : i32 to index
          %get3A_657 = tpu.vector_load %arg13[%get3A_656] {strides = array<i32>} : memref<1024xf32, #tpu.memory_space<vmem>>, vector<16xf32>,
          %mul3A_658 = arith.constant 16 : i32
          %mul3A_659 = arith.muli %add3A_649, %mul3A_658 : i32
          %get3A_660 = arith.index_cast %mul3A_659 : i32 to index
          %get3A_661 = tpu.vector_load %arg14[%get3A_660] {strides = array<i32>} : memref<1024xf32, #tpu.memory_space<vmem>>, vector<16xf32>,
          %sub3A_662 = arith.subf %gather3A, %get3A_653 : vector<16xf32>
          %sub3A_663 = arith.subf %gather3A_56, %get3A_657 : vector<16xf32>
          %sub3A_664 = arith.subf %gather3A_57, %get3A_661 : vector<16xf32>
          %mul3A_665 = arith.mulf %sub3A_662, %sub3A_662 : vector<16xf32>
          %mul3A_666 = arith.mulf %sub3A_663, %sub3A_663 : vector<16xf32>
          %add3A_667 = arith.addf %mul3A_665, %mul3A_666 : vector<16xf32>
          %mul3A_668 = arith.mulf %sub3A_664, %sub3A_664 : vector<16xf32>
          %add3A_669 = arith.addf %add3A_667, %mul3A_668 : vector<16xf32>
          %le3A_670 = arith.constant 1.000000e+00 : f32
          %le3A_671 = vector.broadcast %le3A_670 : f32 to vector<16xf32>
          %le3A_672 = arith.cmpf ole, %add3A_669, %le3A_671 : vector<16xf32>
          %convert_element_type3A_673 = arith.extui %le3A_672 : vector<16xi1> to vector<16xi32>
          %mul3A_674 = arith.constant 16 : i32
          %mul3A_675 = arith.muli %add3A_649, %mul3A_674 : i32
          %swap3A_676 = arith.index_cast %mul3A_675 : i32 to index
          %swap3A_677 = tpu.vector_load %arg20[%swap3A_676] {strides = array<i32>} : memref<1024xi32, #tpu.memory_space<vmem>>, vector<16xi32>,
          tpu.vector_store %arg20[%swap3A_676], %convert_element_type3A_673 {strides = array<i32>} : memref<1024xi32, #tpu.memory_space<vmem>>, vector<16xi32>,
          %eq3A_678 = arith.constant 12 : i32
          %eq3A_679 = vector.broadcast %eq3A_678 : i32 to vector<16xi32>
          %eq3A_680 = arith.cmpi eq, %iota3A, %eq3A_679 : vector<16xi32>
          %all_reduce_population_count3A_681 = tpu.all_reduce %le3A_672 {dim = 0 : i64, kind = #tpu.reduction_kind<sum>} : vector<16xi1> -> vector<16xi32>
          %select_n3A_682 = arith.select %eq3A_680, %all_reduce_population_count3A_681, %select_n3A_645 : vector<16xi1>, vector<16xi32>
          %mul3A_683 = arith.constant 16 : i32
          %mul3A_684 = arith.muli %scan3A_201, %mul3A_683 : i32
          %add3A_685 = arith.constant 13 : i32
          %add3A_686 = arith.addi %mul3A_684, %add3A_685 : i32
          %mul3A_687 = arith.constant 16 : i32
          %mul3A_688 = arith.muli %add3A_686, %mul3A_687 : i32
          %get3A_689 = arith.index_cast %mul3A_688 : i32 to index
          %get3A_690 = tpu.vector_load %arg12[%get3A_689] {strides = array<i32>} : memref<1024xf32, #tpu.memory_space<vmem>>, vector<16xf32>,
          %mul3A_691 = arith.constant 16 : i32
          %mul3A_692 = arith.muli %add3A_686, %mul3A_691 : i32
          %get3A_693 = arith.index_cast %mul3A_692 : i32 to index
          %get3A_694 = tpu.vector_load %arg13[%get3A_693] {strides = array<i32>} : memref<1024xf32, #tpu.memory_space<vmem>>, vector<16xf32>,
          %mul3A_695 = arith.constant 16 : i32
          %mul3A_696 = arith.muli %add3A_686, %mul3A_695 : i32
          %get3A_697 = arith.index_cast %mul3A_696 : i32 to index
          %get3A_698 = tpu.vector_load %arg14[%get3A_697] {strides = array<i32>} : memref<1024xf32, #tpu.memory_space<vmem>>, vector<16xf32>,
          %sub3A_699 = arith.subf %gather3A, %get3A_690 : vector<16xf32>
          %sub3A_700 = arith.subf %gather3A_56, %get3A_694 : vector<16xf32>
          %sub3A_701 = arith.subf %gather3A_57, %get3A_698 : vector<16xf32>
          %mul3A_702 = arith.mulf %sub3A_699, %sub3A_699 : vector<16xf32>
          %mul3A_703 = arith.mulf %sub3A_700, %sub3A_700 : vector<16xf32>
          %add3A_704 = arith.addf %mul3A_702, %mul3A_703 : vector<16xf32>
          %mul3A_705 = arith.mulf %sub3A_701, %sub3A_701 : vector<16xf32>
          %add3A_706 = arith.addf %add3A_704, %mul3A_705 : vector<16xf32>
          %le3A_707 = arith.constant 1.000000e+00 : f32
          %le3A_708 = vector.broadcast %le3A_707 : f32 to vector<16xf32>
          %le3A_709 = arith.cmpf ole, %add3A_706, %le3A_708 : vector<16xf32>
          %convert_element_type3A_710 = arith.extui %le3A_709 : vector<16xi1> to vector<16xi32>
          %mul3A_711 = arith.constant 16 : i32
          %mul3A_712 = arith.muli %add3A_686, %mul3A_711 : i32
          %swap3A_713 = arith.index_cast %mul3A_712 : i32 to index
          %swap3A_714 = tpu.vector_load %arg20[%swap3A_713] {strides = array<i32>} : memref<1024xi32, #tpu.memory_space<vmem>>, vector<16xi32>,
          tpu.vector_store %arg20[%swap3A_713], %convert_element_type3A_710 {strides = array<i32>} : memref<1024xi32, #tpu.memory_space<vmem>>, vector<16xi32>,
          %eq3A_715 = arith.constant 13 : i32
          %eq3A_716 = vector.broadcast %eq3A_715 : i32 to vector<16xi32>
          %eq3A_717 = arith.cmpi eq, %iota3A, %eq3A_716 : vector<16xi32>
          %all_reduce_population_count3A_718 = tpu.all_reduce %le3A_709 {dim = 0 : i64, kind = #tpu.reduction_kind<sum>} : vector<16xi1> -> vector<16xi32>
          %select_n3A_719 = arith.select %eq3A_717, %all_reduce_population_count3A_718, %select_n3A_682 : vector<16xi1>, vector<16xi32>
          %mul3A_720 = arith.constant 16 : i32
          %mul3A_721 = arith.muli %scan3A_201, %mul3A_720 : i32
          %add3A_722 = arith.constant 14 : i32
          %add3A_723 = arith.addi %mul3A_721, %add3A_722 : i32
          %mul3A_724 = arith.constant 16 : i32
          %mul3A_725 = arith.muli %add3A_723, %mul3A_724 : i32
          %get3A_726 = arith.index_cast %mul3A_725 : i32 to index
          %get3A_727 = tpu.vector_load %arg12[%get3A_726] {strides = array<i32>} : memref<1024xf32, #tpu.memory_space<vmem>>, vector<16xf32>,
          %mul3A_728 = arith.constant 16 : i32
          %mul3A_729 = arith.muli %add3A_723, %mul3A_728 : i32
          %get3A_730 = arith.index_cast %mul3A_729 : i32 to index
          %get3A_731 = tpu.vector_load %arg13[%get3A_730] {strides = array<i32>} : memref<1024xf32, #tpu.memory_space<vmem>>, vector<16xf32>,
          %mul3A_732 = arith.constant 16 : i32
          %mul3A_733 = arith.muli %add3A_723, %mul3A_732 : i32
          %get3A_734 = arith.index_cast %mul3A_733 : i32 to index
          %get3A_735 = tpu.vector_load %arg14[%get3A_734] {strides = array<i32>} : memref<1024xf32, #tpu.memory_space<vmem>>, vector<16xf32>,
          %sub3A_736 = arith.subf %gather3A, %get3A_727 : vector<16xf32>
          %sub3A_737 = arith.subf %gather3A_56, %get3A_731 : vector<16xf32>
          %sub3A_738 = arith.subf %gather3A_57, %get3A_735 : vector<16xf32>
          %mul3A_739 = arith.mulf %sub3A_736, %sub3A_736 : vector<16xf32>
          %mul3A_740 = arith.mulf %sub3A_737, %sub3A_737 : vector<16xf32>
          %add3A_741 = arith.addf %mul3A_739, %mul3A_740 : vector<16xf32>
          %mul3A_742 = arith.mulf %sub3A_738, %sub3A_738 : vector<16xf32>
          %add3A_743 = arith.addf %add3A_741, %mul3A_742 : vector<16xf32>
          %le3A_744 = arith.constant 1.000000e+00 : f32
          %le3A_745 = vector.broadcast %le3A_744 : f32 to vector<16xf32>
          %le3A_746 = arith.cmpf ole, %add3A_743, %le3A_745 : vector<16xf32>
          %convert_element_type3A_747 = arith.extui %le3A_746 : vector<16xi1> to vector<16xi32>
          %mul3A_748 = arith.constant 16 : i32
          %mul3A_749 = arith.muli %add3A_723, %mul3A_748 : i32
          %swap3A_750 = arith.index_cast %mul3A_749 : i32 to index
          %swap3A_751 = tpu.vector_load %arg20[%swap3A_750] {strides = array<i32>} : memref<1024xi32, #tpu.memory_space<vmem>>, vector<16xi32>,
          tpu.vector_store %arg20[%swap3A_750], %convert_element_type3A_747 {strides = array<i32>} : memref<1024xi32, #tpu.memory_space<vmem>>, vector<16xi32>,
          %eq3A_752 = arith.constant 14 : i32
          %eq3A_753 = vector.broadcast %eq3A_752 : i32 to vector<16xi32>
          %eq3A_754 = arith.cmpi eq, %iota3A, %eq3A_753 : vector<16xi32>
          %all_reduce_population_count3A_755 = tpu.all_reduce %le3A_746 {dim = 0 : i64, kind = #tpu.reduction_kind<sum>} : vector<16xi1> -> vector<16xi32>
          %select_n3A_756 = arith.select %eq3A_754, %all_reduce_population_count3A_755, %select_n3A_719 : vector<16xi1>, vector<16xi32>
          %mul3A_757 = arith.constant 16 : i32
          %mul3A_758 = arith.muli %scan3A_201, %mul3A_757 : i32
          %add3A_759 = arith.constant 15 : i32
          %add3A_760 = arith.addi %mul3A_758, %add3A_759 : i32
          %mul3A_761 = arith.constant 16 : i32
          %mul3A_762 = arith.muli %add3A_760, %mul3A_761 : i32
          %get3A_763 = arith.index_cast %mul3A_762 : i32 to index
          %get3A_764 = tpu.vector_load %arg12[%get3A_763] {strides = array<i32>} : memref<1024xf32, #tpu.memory_space<vmem>>, vector<16xf32>,
          %mul3A_765 = arith.constant 16 : i32
          %mul3A_766 = arith.muli %add3A_760, %mul3A_765 : i32
          %get3A_767 = arith.index_cast %mul3A_766 : i32 to index
          %get3A_768 = tpu.vector_load %arg13[%get3A_767] {strides = array<i32>} : memref<1024xf32, #tpu.memory_space<vmem>>, vector<16xf32>,
          %mul3A_769 = arith.constant 16 : i32
          %mul3A_770 = arith.muli %add3A_760, %mul3A_769 : i32
          %get3A_771 = arith.index_cast %mul3A_770 : i32 to index
          %get3A_772 = tpu.vector_load %arg14[%get3A_771] {strides = array<i32>} : memref<1024xf32, #tpu.memory_space<vmem>>, vector<16xf32>,
          %sub3A_773 = arith.subf %gather3A, %get3A_764 : vector<16xf32>
          %sub3A_774 = arith.subf %gather3A_56, %get3A_768 : vector<16xf32>
          %sub3A_775 = arith.subf %gather3A_57, %get3A_772 : vector<16xf32>
          %mul3A_776 = arith.mulf %sub3A_773, %sub3A_773 : vector<16xf32>
          %mul3A_777 = arith.mulf %sub3A_774, %sub3A_774 : vector<16xf32>
          %add3A_778 = arith.addf %mul3A_776, %mul3A_777 : vector<16xf32>
          %mul3A_779 = arith.mulf %sub3A_775, %sub3A_775 : vector<16xf32>
          %add3A_780 = arith.addf %add3A_778, %mul3A_779 : vector<16xf32>
          %le3A_781 = arith.constant 1.000000e+00 : f32
          %le3A_782 = vector.broadcast %le3A_781 : f32 to vector<16xf32>
          %le3A_783 = arith.cmpf ole, %add3A_780, %le3A_782 : vector<16xf32>
          %convert_element_type3A_784 = arith.extui %le3A_783 : vector<16xi1> to vector<16xi32>
          %mul3A_785 = arith.constant 16 : i32
          %mul3A_786 = arith.muli %add3A_760, %mul3A_785 : i32
          %swap3A_787 = arith.index_cast %mul3A_786 : i32 to index
          %swap3A_788 = tpu.vector_load %arg20[%swap3A_787] {strides = array<i32>} : memref<1024xi32, #tpu.memory_space<vmem>>, vector<16xi32>,
          tpu.vector_store %arg20[%swap3A_787], %convert_element_type3A_784 {strides = array<i32>} : memref<1024xi32, #tpu.memory_space<vmem>>, vector<16xi32>,
          %eq3A_789 = arith.constant 15 : i32
          %eq3A_790 = vector.broadcast %eq3A_789 : i32 to vector<16xi32>
          %eq3A_791 = arith.cmpi eq, %iota3A, %eq3A_790 : vector<16xi32>
          %all_reduce_population_count3A_792 = tpu.all_reduce %le3A_783 {dim = 0 : i64, kind = #tpu.reduction_kind<sum>} : vector<16xi1> -> vector<16xi32>
          %select_n3A_793 = arith.select %eq3A_791, %all_reduce_population_count3A_792, %select_n3A_756 : vector<16xi1>, vector<16xi32>
          %mul3A_794 = arith.constant 16 : i32
          %mul3A_795 = arith.muli %scan3A_201, %mul3A_794 : i32
          %swap3A_796 = arith.index_cast %mul3A_795 : i32 to index
          %swap3A_797 = tpu.vector_load %arg21[%swap3A_796] {strides = array<i32>} : memref<64xi32, #tpu.memory_space<vmem>>, vector<16xi32>,
          tpu.vector_store %arg21[%swap3A_796], %select_n3A_793 {strides = array<i32>} : memref<64xi32, #tpu.memory_space<vmem>>, vector<16xi32>,
          %scan3A_798 = arith.constant 0 : i32
          scf.yield %scan3A_798 : i32
        }
        %scan3A_64 = arith.constant 4 : i32
        %broadcast_in_dim3A_65 = arith.constant 0 : i32
        %broadcast_in_dim3A_66 = vector.broadcast %broadcast_in_dim3A_65 : i32 to vector<16xi32>
        %scan3A_67 = arith.constant 0 : i32
        %scan3A_68 = arith.constant 4 : i32
        %scan3A_69 = arith.addi %scan3A_67, %scan3A_68 : i32
        %scan3A_70 = arith.constant 1 : i32
        %scan3A_71 = scf.for %scan3A_201 = %scan3A_67 to %scan3A_69 step %scan3A_70 iter_args(%scan3A_202 = %broadcast_in_dim3A_66) -> (vector<16xi32>)  : i32 {
          %mul3A_203 = arith.constant 16 : i32
          %mul3A_204 = arith.muli %scan3A_201, %mul3A_203 : i32
          %get3A_205 = arith.index_cast %mul3A_204 : i32 to index
          %get3A_206 = tpu.vector_load %arg21[%get3A_205] {strides = array<i32>} : memref<64xi32, #tpu.memory_space<vmem>>, vector<16xi32>,
          %gt3A = arith.constant 0 : i32
          %gt3A_207 = vector.broadcast %gt3A : i32 to vector<16xi32>
          %gt3A_208 = arith.cmpi sgt, %get3A_206, %gt3A_207 : vector<16xi32>
          %convert_element_type3A_209 = arith.extui %gt3A_208 : vector<16xi1> to vector<16xi32>
          %gt3A_210 = arith.constant 0 : i32
          %gt3A_211 = vector.broadcast %gt3A_210 : i32 to vector<16xi32>
          %gt3A_212 = arith.cmpi sgt, %get3A_206, %gt3A_211 : vector<16xi32>
          %broadcast_in_dim3A_213 = arith.constant true
          %broadcast_in_dim3A_214 = vector.broadcast %broadcast_in_dim3A_213 : i1 to vector<16xi1>
          %masked_cumsum3A = tpu.scan <sum>, %convert_element_type3A_209 masked %broadcast_in_dim3A_214 : vector<16xi32>, vector<16xi1> -> vector<16xi32>
          %sub3A_215 = arith.subi %masked_cumsum3A, %convert_element_type3A_209 : vector<16xi32>
          %add3A_216 = arith.addi %scan3A_202, %sub3A_215 : vector<16xi32>
          %mul3A_217 = arith.constant 16 : i32
          %mul3A_218 = arith.muli %scan3A_201, %mul3A_217 : i32
          %add3A_219 = vector.broadcast %mul3A_218 : i32 to vector<16xi32>
          %add3A_220 = arith.addi %add3A_219, %iota3A : vector<16xi32>
          tpu.vector_store_idx %arg22[%add3A_216], %add3A_220 masked %gt3A_212 : memref<64xi32, #tpu.memory_space<vmem>>[vector<16xi32>], vector<16xi32>, vector<16xi1>
          %all_reduce_population_count3A = tpu.all_reduce %gt3A_212 {dim = 0 : i64, kind = #tpu.reduction_kind<sum>} : vector<16xi1> -> vector<16xi32>
          %add3A_221 = arith.addi %scan3A_202, %all_reduce_population_count3A : vector<16xi32>
          scf.yield %add3A_221 : vector<16xi32>
        }
        %scan3A_72 = arith.constant 4 : i32
        %reduce_max3A = arith.constant true
        %reduce_max3A_73 = vector.broadcast %reduce_max3A : i1 to vector<16xi1>
        %reduce_max3A_74 = arith.constant -2147483648 : i32
        %reduce_max3A_75 = vector.broadcast %reduce_max3A_74 : i32 to vector<16xi32>
        %reduce_max3A_76 = arith.xori %scan3A_71, %reduce_max3A_75 : vector<16xi32>
        %reduce_max3A_77 = tpu.scan <max>, %reduce_max3A_76 masked %reduce_max3A_73 : vector<16xi32>, vector<16xi1> -> vector<16xi32>
        %reduce_max3A_78 = arith.xori %reduce_max3A_77, %reduce_max3A_75 : vector<16xi32>
        %reduce_max3A_79 = vector.extract %reduce_max3A_78[15] : i32 from vector<16xi32>
        %mul3A_80 = arith.constant 32 : i32
        %mul3A_81 = vector.broadcast %mul3A_80 : i32 to vector<16xi32>
        %mul3A_82 = arith.muli %broadcast_in_dim3A_55, %mul3A_81 : vector<16xi32>
        %broadcast_in_dim3A_83 = arith.constant 0 : i32
        %broadcast_in_dim3A_84 = vector.broadcast %broadcast_in_dim3A_83 : i32 to vector<16xi32>
        %while3A = arith.constant 0 : i32
        %while3A_85 = arith.subi %reduce_max3A_79, %while3A : i32
        %while3A_86 = arith.addi %while3A, %while3A_85 : i32
        %while3A_87 = arith.constant 1 : i32
        %while3A_88 = arith.divsi %while3A_85, %while3A_87 : i32
        %while3A_89 = arith.muli %while3A_88, %while3A_87 : i32
        %while3A_90 = arith.addi %while3A, %while3A_89 : i32
        %while3A_91 = arith.constant 1 : i32
        %while3A_92 = scf.for %while3A_201 = %while3A to %while3A_90 step %while3A_91 iter_args(%while3A_202 = %broadcast_in_dim3A_84) -> (vector<16xi32>)  : i32 {
          %broadcast_in_dim3A_203 = vector.broadcast %while3A_201 : i32 to vector<16xi32>
          %gather3A_204 = tpu.vector_load_idx %arg22[%broadcast_in_dim3A_203] : memref<64xi32, #tpu.memory_space<vmem>>[vector<16xi32>], vector<16xi32>,
          %mul3A_205 = arith.constant 16 : i32
          %mul3A_206 = vector.broadcast %mul3A_205 : i32 to vector<16xi32>
          %mul3A_207 = arith.muli %gather3A_204, %mul3A_206 : vector<16xi32>
          %add3A_208 = arith.addi %mul3A_207, %iota3A : vector<16xi32>
          %gather3A_209 = tpu.vector_load_idx %arg20[%add3A_208] : memref<1024xi32, #tpu.memory_space<vmem>>[vector<16xi32>], vector<16xi32>,
          %gt3A = arith.constant 0 : i32
          %gt3A_210 = vector.broadcast %gt3A : i32 to vector<16xi32>
          %gt3A_211 = arith.cmpi sgt, %gather3A_209, %gt3A_210 : vector<16xi32>
          %broadcast_in_dim3A_212 = arith.constant true
          %broadcast_in_dim3A_213 = vector.broadcast %broadcast_in_dim3A_212 : i1 to vector<16xi1>
          %masked_cumsum3A = tpu.scan <sum>, %gather3A_209 masked %broadcast_in_dim3A_213 : vector<16xi32>, vector<16xi1> -> vector<16xi32>
          %sub3A_214 = arith.subi %masked_cumsum3A, %gather3A_209 : vector<16xi32>
          %add3A_215 = arith.addi %while3A_202, %sub3A_214 : vector<16xi32>
          %add3A_216 = arith.addi %mul3A_82, %add3A_215 : vector<16xi32>
          %lt3A_217 = arith.constant 32 : i32
          %lt3A_218 = vector.broadcast %lt3A_217 : i32 to vector<16xi32>
          %lt3A_219 = arith.cmpi slt, %add3A_215, %lt3A_218 : vector<16xi32>
          %and3A_220 = arith.andi %gt3A_211, %lt3A_219 : vector<16xi1>
          tpu.vector_store_idx %arg23[%add3A_216], %add3A_208 masked %and3A_220 : memref<2048xi32, #tpu.memory_space<vmem>>[vector<16xi32>], vector<16xi32>, vector<16xi1>
          %all_reduce_population_count3A = tpu.all_reduce %gt3A_211 {dim = 0 : i64, kind = #tpu.reduction_kind<sum>} : vector<16xi1> -> vector<16xi32>
          %add3A_221 = arith.addi %while3A_202, %all_reduce_population_count3A : vector<16xi32>
          scf.yield %add3A_221 : vector<16xi32>
        }
        %while3A_93 = arith.constant 1 : i32
        %while3A_94 = scf.for %while3A_201 = %while3A_90 to %while3A_86 step %while3A_93 iter_args(%while3A_202 = %while3A_92) -> (vector<16xi32>)  : i32 {
          %broadcast_in_dim3A_203 = vector.broadcast %while3A_201 : i32 to vector<16xi32>
          %gather3A_204 = tpu.vector_load_idx %arg22[%broadcast_in_dim3A_203] : memref<64xi32, #tpu.memory_space<vmem>>[vector<16xi32>], vector<16xi32>,
          %mul3A_205 = arith.constant 16 : i32
          %mul3A_206 = vector.broadcast %mul3A_205 : i32 to vector<16xi32>
          %mul3A_207 = arith.muli %gather3A_204, %mul3A_206 : vector<16xi32>
          %add3A_208 = arith.addi %mul3A_207, %iota3A : vector<16xi32>
          %gather3A_209 = tpu.vector_load_idx %arg20[%add3A_208] : memref<1024xi32, #tpu.memory_space<vmem>>[vector<16xi32>], vector<16xi32>,
          %gt3A = arith.constant 0 : i32
          %gt3A_210 = vector.broadcast %gt3A : i32 to vector<16xi32>
          %gt3A_211 = arith.cmpi sgt, %gather3A_209, %gt3A_210 : vector<16xi32>
          %broadcast_in_dim3A_212 = arith.constant true
          %broadcast_in_dim3A_213 = vector.broadcast %broadcast_in_dim3A_212 : i1 to vector<16xi1>
          %masked_cumsum3A = tpu.scan <sum>, %gather3A_209 masked %broadcast_in_dim3A_213 : vector<16xi32>, vector<16xi1> -> vector<16xi32>
          %sub3A_214 = arith.subi %masked_cumsum3A, %gather3A_209 : vector<16xi32>
          %add3A_215 = arith.addi %while3A_202, %sub3A_214 : vector<16xi32>
          %add3A_216 = arith.addi %mul3A_82, %add3A_215 : vector<16xi32>
          %lt3A_217 = arith.constant 32 : i32
          %lt3A_218 = vector.broadcast %lt3A_217 : i32 to vector<16xi32>
          %lt3A_219 = arith.cmpi slt, %add3A_215, %lt3A_218 : vector<16xi32>
          %and3A_220 = arith.andi %gt3A_211, %lt3A_219 : vector<16xi1>
          tpu.vector_store_idx %arg23[%add3A_216], %add3A_208 masked %and3A_220 : memref<2048xi32, #tpu.memory_space<vmem>>[vector<16xi32>], vector<16xi32>, vector<16xi1>
          %all_reduce_population_count3A = tpu.all_reduce %gt3A_211 {dim = 0 : i64, kind = #tpu.reduction_kind<sum>} : vector<16xi1> -> vector<16xi32>
          %add3A_221 = arith.addi %while3A_202, %all_reduce_population_count3A : vector<16xi32>
          scf.yield %add3A_221 : vector<16xi32>
        }
        %min3A = arith.constant 32 : i32
        %min3A_95 = vector.broadcast %min3A : i32 to vector<16xi32>
        %min3A_96 = arith.minsi %while3A_94, %min3A_95 : vector<16xi32>
        %add3A_97 = arith.constant 0 : i32
        %add3A_98 = vector.broadcast %add3A_97 : i32 to vector<16xi32>
        %add3A_99 = arith.addi %add3A_98, %iota3A : vector<16xi32>
        %mul3A_100 = arith.constant 32 : i32
        %mul3A_101 = arith.muli %add3A_54, %mul3A_100 : i32
        %add3A_102 = arith.constant 0 : i32
        %add3A_103 = arith.addi %mul3A_101, %add3A_102 : i32
        %get3A = arith.index_cast %add3A_103 : i32 to index
        %get3A_104 = tpu.vector_load %arg23[%get3A] {strides = array<i32>} : memref<2048xi32, #tpu.memory_space<vmem>>, vector<16xi32>,
        %max3A = arith.constant 0 : i32
        %max3A_105 = vector.broadcast %max3A : i32 to vector<16xi32>
        %max3A_106 = arith.maxsi %get3A_104, %max3A_105 : vector<16xi32>
        %min3A_107 = arith.constant 1023 : i32
        %min3A_108 = vector.broadcast %min3A_107 : i32 to vector<16xi32>
        %min3A_109 = arith.minsi %max3A_106, %min3A_108 : vector<16xi32>
        %gather3A_110 = tpu.vector_load_idx %arg12[%min3A_109] : memref<1024xf32, #tpu.memory_space<vmem>>[vector<16xi32>], vector<16xf32>,
        %gather3A_111 = tpu.vector_load_idx %arg13[%min3A_109] : memref<1024xf32, #tpu.memory_space<vmem>>[vector<16xi32>], vector<16xf32>,
        %gather3A_112 = tpu.vector_load_idx %arg14[%min3A_109] : memref<1024xf32, #tpu.memory_space<vmem>>[vector<16xi32>], vector<16xf32>,
        %mul3A_113 = arith.constant 32 : i32
        %mul3A_114 = arith.muli %scan3A_52, %mul3A_113 : i32
        %add3A_115 = arith.constant 0 : i32
        %add3A_116 = arith.addi %mul3A_114, %add3A_115 : i32
        %add3A_117 = vector.broadcast %add3A_116 : i32 to vector<16xi32>
        %add3A_118 = arith.addi %add3A_117, %iota3A : vector<16xi32>
        %mul3A_119 = arith.constant 67 : i32
        %mul3A_120 = vector.broadcast %mul3A_119 : i32 to vector<16xi32>
        %mul3A_121 = arith.muli %add3A_118, %mul3A_120 : vector<16xi32>
        %add3A_122 = arith.constant 64 : i32
        %add3A_123 = vector.broadcast %add3A_122 : i32 to vector<16xi32>
        %add3A_124 = arith.addi %mul3A_121, %add3A_123 : vector<16xi32>
        %sub3A_125 = arith.subf %gather3A_110, %gather3A : vector<16xf32>
        tpu.vector_store_idx %arg24[%add3A_124], %sub3A_125 : memref<34304xf32, #tpu.memory_space<vmem>>[vector<16xi32>], vector<16xf32>,
        %add3A_126 = arith.constant 65 : i32
        %add3A_127 = vector.broadcast %add3A_126 : i32 to vector<16xi32>
        %add3A_128 = arith.addi %mul3A_121, %add3A_127 : vector<16xi32>
        %sub3A_129 = arith.subf %gather3A_111, %gather3A_56 : vector<16xf32>
        tpu.vector_store_idx %arg24[%add3A_128], %sub3A_129 : memref<34304xf32, #tpu.memory_space<vmem>>[vector<16xi32>], vector<16xf32>,
        %add3A_130 = arith.constant 66 : i32
        %add3A_131 = vector.broadcast %add3A_130 : i32 to vector<16xi32>
        %add3A_132 = arith.addi %mul3A_121, %add3A_131 : vector<16xi32>
        %sub3A_133 = arith.subf %gather3A_112, %gather3A_57 : vector<16xf32>
        tpu.vector_store_idx %arg24[%add3A_132], %sub3A_133 : memref<34304xf32, #tpu.memory_space<vmem>>[vector<16xi32>], vector<16xf32>,
        %scan3A_134 = arith.constant 0 : i32
        %scan3A_135 = arith.constant 0 : i32
        %scan3A_136 = arith.constant 8 : i32
        %scan3A_137 = arith.addi %scan3A_135, %scan3A_136 : i32
        %scan3A_138 = arith.constant 1 : i32
        %scan3A_139 = scf.for %scan3A_201 = %scan3A_135 to %scan3A_137 step %scan3A_138 iter_args(%scan3A_202 = %scan3A_134) -> (i32)  : i32 {
          %mul3A_203 = arith.constant 8 : i32
          %mul3A_204 = arith.muli %scan3A_201, %mul3A_203 : i32
          %add3A_205 = arith.constant 0 : i32
          %add3A_206 = arith.addi %mul3A_204, %add3A_205 : i32
          %broadcast_in_dim3A_207 = vector.broadcast %add3A_206 : i32 to vector<16xi32>
          %gather3A_208 = tpu.vector_load_idx %arg15[%broadcast_in_dim3A_207, %min3A_109] : memref<64x1024xf32, #tpu.memory_space<vmem>>[vector<16xi32>, vector<16xi32>], vector<16xf32>,
          %add3A_209 = vector.broadcast %add3A_206 : i32 to vector<16xi32>
          %add3A_210 = arith.addi %mul3A_121, %add3A_209 : vector<16xi32>
          tpu.vector_store_idx %arg24[%add3A_210], %gather3A_208 : memref<34304xf32, #tpu.memory_space<vmem>>[vector<16xi32>], vector<16xf32>,
          %mul3A_211 = arith.constant 8 : i32
          %mul3A_212 = arith.muli %scan3A_201, %mul3A_211 : i32
          %add3A_213 = arith.constant 1 : i32
          %add3A_214 = arith.addi %mul3A_212, %add3A_213 : i32
          %broadcast_in_dim3A_215 = vector.broadcast %add3A_214 : i32 to vector<16xi32>
          %gather3A_216 = tpu.vector_load_idx %arg15[%broadcast_in_dim3A_215, %min3A_109] : memref<64x1024xf32, #tpu.memory_space<vmem>>[vector<16xi32>, vector<16xi32>], vector<16xf32>,
          %add3A_217 = vector.broadcast %add3A_214 : i32 to vector<16xi32>
          %add3A_218 = arith.addi %mul3A_121, %add3A_217 : vector<16xi32>
          tpu.vector_store_idx %arg24[%add3A_218], %gather3A_216 : memref<34304xf32, #tpu.memory_space<vmem>>[vector<16xi32>], vector<16xf32>,
          %mul3A_219 = arith.constant 8 : i32
          %mul3A_220 = arith.muli %scan3A_201, %mul3A_219 : i32
          %add3A_221 = arith.constant 2 : i32
          %add3A_222 = arith.addi %mul3A_220, %add3A_221 : i32
          %broadcast_in_dim3A_223 = vector.broadcast %add3A_222 : i32 to vector<16xi32>
          %gather3A_224 = tpu.vector_load_idx %arg15[%broadcast_in_dim3A_223, %min3A_109] : memref<64x1024xf32, #tpu.memory_space<vmem>>[vector<16xi32>, vector<16xi32>], vector<16xf32>,
          %add3A_225 = vector.broadcast %add3A_222 : i32 to vector<16xi32>
          %add3A_226 = arith.addi %mul3A_121, %add3A_225 : vector<16xi32>
          tpu.vector_store_idx %arg24[%add3A_226], %gather3A_224 : memref<34304xf32, #tpu.memory_space<vmem>>[vector<16xi32>], vector<16xf32>,
          %mul3A_227 = arith.constant 8 : i32
          %mul3A_228 = arith.muli %scan3A_201, %mul3A_227 : i32
          %add3A_229 = arith.constant 3 : i32
          %add3A_230 = arith.addi %mul3A_228, %add3A_229 : i32
          %broadcast_in_dim3A_231 = vector.broadcast %add3A_230 : i32 to vector<16xi32>
          %gather3A_232 = tpu.vector_load_idx %arg15[%broadcast_in_dim3A_231, %min3A_109] : memref<64x1024xf32, #tpu.memory_space<vmem>>[vector<16xi32>, vector<16xi32>], vector<16xf32>,
          %add3A_233 = vector.broadcast %add3A_230 : i32 to vector<16xi32>
          %add3A_234 = arith.addi %mul3A_121, %add3A_233 : vector<16xi32>
          tpu.vector_store_idx %arg24[%add3A_234], %gather3A_232 : memref<34304xf32, #tpu.memory_space<vmem>>[vector<16xi32>], vector<16xf32>,
          %mul3A_235 = arith.constant 8 : i32
          %mul3A_236 = arith.muli %scan3A_201, %mul3A_235 : i32
          %add3A_237 = arith.constant 4 : i32
          %add3A_238 = arith.addi %mul3A_236, %add3A_237 : i32
          %broadcast_in_dim3A_239 = vector.broadcast %add3A_238 : i32 to vector<16xi32>
          %gather3A_240 = tpu.vector_load_idx %arg15[%broadcast_in_dim3A_239, %min3A_109] : memref<64x1024xf32, #tpu.memory_space<vmem>>[vector<16xi32>, vector<16xi32>], vector<16xf32>,
          %add3A_241 = vector.broadcast %add3A_238 : i32 to vector<16xi32>
          %add3A_242 = arith.addi %mul3A_121, %add3A_241 : vector<16xi32>
          tpu.vector_store_idx %arg24[%add3A_242], %gather3A_240 : memref<34304xf32, #tpu.memory_space<vmem>>[vector<16xi32>], vector<16xf32>,
          %mul3A_243 = arith.constant 8 : i32
          %mul3A_244 = arith.muli %scan3A_201, %mul3A_243 : i32
          %add3A_245 = arith.constant 5 : i32
          %add3A_246 = arith.addi %mul3A_244, %add3A_245 : i32
          %broadcast_in_dim3A_247 = vector.broadcast %add3A_246 : i32 to vector<16xi32>
          %gather3A_248 = tpu.vector_load_idx %arg15[%broadcast_in_dim3A_247, %min3A_109] : memref<64x1024xf32, #tpu.memory_space<vmem>>[vector<16xi32>, vector<16xi32>], vector<16xf32>,
          %add3A_249 = vector.broadcast %add3A_246 : i32 to vector<16xi32>
          %add3A_250 = arith.addi %mul3A_121, %add3A_249 : vector<16xi32>
          tpu.vector_store_idx %arg24[%add3A_250], %gather3A_248 : memref<34304xf32, #tpu.memory_space<vmem>>[vector<16xi32>], vector<16xf32>,
          %mul3A_251 = arith.constant 8 : i32
          %mul3A_252 = arith.muli %scan3A_201, %mul3A_251 : i32
          %add3A_253 = arith.constant 6 : i32
          %add3A_254 = arith.addi %mul3A_252, %add3A_253 : i32
          %broadcast_in_dim3A_255 = vector.broadcast %add3A_254 : i32 to vector<16xi32>
          %gather3A_256 = tpu.vector_load_idx %arg15[%broadcast_in_dim3A_255, %min3A_109] : memref<64x1024xf32, #tpu.memory_space<vmem>>[vector<16xi32>, vector<16xi32>], vector<16xf32>,
          %add3A_257 = vector.broadcast %add3A_254 : i32 to vector<16xi32>
          %add3A_258 = arith.addi %mul3A_121, %add3A_257 : vector<16xi32>
          tpu.vector_store_idx %arg24[%add3A_258], %gather3A_256 : memref<34304xf32, #tpu.memory_space<vmem>>[vector<16xi32>], vector<16xf32>,
          %mul3A_259 = arith.constant 8 : i32
          %mul3A_260 = arith.muli %scan3A_201, %mul3A_259 : i32
          %add3A_261 = arith.constant 7 : i32
          %add3A_262 = arith.addi %mul3A_260, %add3A_261 : i32
          %broadcast_in_dim3A_263 = vector.broadcast %add3A_262 : i32 to vector<16xi32>
          %gather3A_264 = tpu.vector_load_idx %arg15[%broadcast_in_dim3A_263, %min3A_109] : memref<64x1024xf32, #tpu.memory_space<vmem>>[vector<16xi32>, vector<16xi32>], vector<16xf32>,
          %add3A_265 = vector.broadcast %add3A_262 : i32 to vector<16xi32>
          %add3A_266 = arith.addi %mul3A_121, %add3A_265 : vector<16xi32>
          tpu.vector_store_idx %arg24[%add3A_266], %gather3A_264 : memref<34304xf32, #tpu.memory_space<vmem>>[vector<16xi32>], vector<16xf32>,
          %scan3A_267 = arith.constant 0 : i32
          scf.yield %scan3A_267 : i32
        }
        %scan3A_140 = arith.constant 8 : i32
        %lt3A = arith.cmpi slt, %add3A_99, %min3A_96 : vector<16xi32>
        %convert_element_type3A = arith.extui %lt3A : vector<16xi1> to vector<16xi32>
        %mul3A_141 = arith.constant 32 : i32
        %mul3A_142 = arith.muli %scan3A_52, %mul3A_141 : i32
        %add3A_143 = arith.constant 0 : i32
        %add3A_144 = arith.addi %mul3A_142, %add3A_143 : i32
        %swap3A = arith.index_cast %add3A_144 : i32 to index
        %swap3A_145 = tpu.vector_load %arg25[%swap3A] {strides = array<i32>} : memref<512xi32, #tpu.memory_space<vmem>>, vector<16xi32>,
        tpu.vector_store %arg25[%swap3A], %convert_element_type3A {strides = array<i32>} : memref<512xi32, #tpu.memory_space<vmem>>, vector<16xi32>,
        %add3A_146 = arith.constant 16 : i32
        %add3A_147 = vector.broadcast %add3A_146 : i32 to vector<16xi32>
        %add3A_148 = arith.addi %add3A_147, %iota3A : vector<16xi32>
        %mul3A_149 = arith.constant 32 : i32
        %mul3A_150 = arith.muli %add3A_54, %mul3A_149 : i32
        %add3A_151 = arith.constant 16 : i32
        %add3A_152 = arith.addi %mul3A_150, %add3A_151 : i32
        %get3A_153 = arith.index_cast %add3A_152 : i32 to index
        %get3A_154 = tpu.vector_load %arg23[%get3A_153] {strides = array<i32>} : memref<2048xi32, #tpu.memory_space<vmem>>, vector<16xi32>,
        %max3A_155 = arith.constant 0 : i32
        %max3A_156 = vector.broadcast %max3A_155 : i32 to vector<16xi32>
        %max3A_157 = arith.maxsi %get3A_154, %max3A_156 : vector<16xi32>
        %min3A_158 = arith.constant 1023 : i32
        %min3A_159 = vector.broadcast %min3A_158 : i32 to vector<16xi32>
        %min3A_160 = arith.minsi %max3A_157, %min3A_159 : vector<16xi32>
        %gather3A_161 = tpu.vector_load_idx %arg12[%min3A_160] : memref<1024xf32, #tpu.memory_space<vmem>>[vector<16xi32>], vector<16xf32>,
        %gather3A_162 = tpu.vector_load_idx %arg13[%min3A_160] : memref<1024xf32, #tpu.memory_space<vmem>>[vector<16xi32>], vector<16xf32>,
        %gather3A_163 = tpu.vector_load_idx %arg14[%min3A_160] : memref<1024xf32, #tpu.memory_space<vmem>>[vector<16xi32>], vector<16xf32>,
        %mul3A_164 = arith.constant 32 : i32
        %mul3A_165 = arith.muli %scan3A_52, %mul3A_164 : i32
        %add3A_166 = arith.constant 16 : i32
        %add3A_167 = arith.addi %mul3A_165, %add3A_166 : i32
        %add3A_168 = vector.broadcast %add3A_167 : i32 to vector<16xi32>
        %add3A_169 = arith.addi %add3A_168, %iota3A : vector<16xi32>
        %mul3A_170 = arith.constant 67 : i32
        %mul3A_171 = vector.broadcast %mul3A_170 : i32 to vector<16xi32>
        %mul3A_172 = arith.muli %add3A_169, %mul3A_171 : vector<16xi32>
        %add3A_173 = arith.constant 64 : i32
        %add3A_174 = vector.broadcast %add3A_173 : i32 to vector<16xi32>
        %add3A_175 = arith.addi %mul3A_172, %add3A_174 : vector<16xi32>
        %sub3A_176 = arith.subf %gather3A_161, %gather3A : vector<16xf32>
        tpu.vector_store_idx %arg24[%add3A_175], %sub3A_176 : memref<34304xf32, #tpu.memory_space<vmem>>[vector<16xi32>], vector<16xf32>,
        %add3A_177 = arith.constant 65 : i32
        %add3A_178 = vector.broadcast %add3A_177 : i32 to vector<16xi32>
        %add3A_179 = arith.addi %mul3A_172, %add3A_178 : vector<16xi32>
        %sub3A_180 = arith.subf %gather3A_162, %gather3A_56 : vector<16xf32>
        tpu.vector_store_idx %arg24[%add3A_179], %sub3A_180 : memref<34304xf32, #tpu.memory_space<vmem>>[vector<16xi32>], vector<16xf32>,
        %add3A_181 = arith.constant 66 : i32
        %add3A_182 = vector.broadcast %add3A_181 : i32 to vector<16xi32>
        %add3A_183 = arith.addi %mul3A_172, %add3A_182 : vector<16xi32>
        %sub3A_184 = arith.subf %gather3A_163, %gather3A_57 : vector<16xf32>
        tpu.vector_store_idx %arg24[%add3A_183], %sub3A_184 : memref<34304xf32, #tpu.memory_space<vmem>>[vector<16xi32>], vector<16xf32>,
        %scan3A_185 = arith.constant 0 : i32
        %scan3A_186 = arith.constant 0 : i32
        %scan3A_187 = arith.constant 8 : i32
        %scan3A_188 = arith.addi %scan3A_186, %scan3A_187 : i32
        %scan3A_189 = arith.constant 1 : i32
        %scan3A_190 = scf.for %scan3A_201 = %scan3A_186 to %scan3A_188 step %scan3A_189 iter_args(%scan3A_202 = %scan3A_185) -> (i32)  : i32 {
          %mul3A_203 = arith.constant 8 : i32
          %mul3A_204 = arith.muli %scan3A_201, %mul3A_203 : i32
          %add3A_205 = arith.constant 0 : i32
          %add3A_206 = arith.addi %mul3A_204, %add3A_205 : i32
          %broadcast_in_dim3A_207 = vector.broadcast %add3A_206 : i32 to vector<16xi32>
          %gather3A_208 = tpu.vector_load_idx %arg15[%broadcast_in_dim3A_207, %min3A_160] : memref<64x1024xf32, #tpu.memory_space<vmem>>[vector<16xi32>, vector<16xi32>], vector<16xf32>,
          %add3A_209 = vector.broadcast %add3A_206 : i32 to vector<16xi32>
          %add3A_210 = arith.addi %mul3A_172, %add3A_209 : vector<16xi32>
          tpu.vector_store_idx %arg24[%add3A_210], %gather3A_208 : memref<34304xf32, #tpu.memory_space<vmem>>[vector<16xi32>], vector<16xf32>,
          %mul3A_211 = arith.constant 8 : i32
          %mul3A_212 = arith.muli %scan3A_201, %mul3A_211 : i32
          %add3A_213 = arith.constant 1 : i32
          %add3A_214 = arith.addi %mul3A_212, %add3A_213 : i32
          %broadcast_in_dim3A_215 = vector.broadcast %add3A_214 : i32 to vector<16xi32>
          %gather3A_216 = tpu.vector_load_idx %arg15[%broadcast_in_dim3A_215, %min3A_160] : memref<64x1024xf32, #tpu.memory_space<vmem>>[vector<16xi32>, vector<16xi32>], vector<16xf32>,
          %add3A_217 = vector.broadcast %add3A_214 : i32 to vector<16xi32>
          %add3A_218 = arith.addi %mul3A_172, %add3A_217 : vector<16xi32>
          tpu.vector_store_idx %arg24[%add3A_218], %gather3A_216 : memref<34304xf32, #tpu.memory_space<vmem>>[vector<16xi32>], vector<16xf32>,
          %mul3A_219 = arith.constant 8 : i32
          %mul3A_220 = arith.muli %scan3A_201, %mul3A_219 : i32
          %add3A_221 = arith.constant 2 : i32
          %add3A_222 = arith.addi %mul3A_220, %add3A_221 : i32
          %broadcast_in_dim3A_223 = vector.broadcast %add3A_222 : i32 to vector<16xi32>
          %gather3A_224 = tpu.vector_load_idx %arg15[%broadcast_in_dim3A_223, %min3A_160] : memref<64x1024xf32, #tpu.memory_space<vmem>>[vector<16xi32>, vector<16xi32>], vector<16xf32>,
          %add3A_225 = vector.broadcast %add3A_222 : i32 to vector<16xi32>
          %add3A_226 = arith.addi %mul3A_172, %add3A_225 : vector<16xi32>
          tpu.vector_store_idx %arg24[%add3A_226], %gather3A_224 : memref<34304xf32, #tpu.memory_space<vmem>>[vector<16xi32>], vector<16xf32>,
          %mul3A_227 = arith.constant 8 : i32
          %mul3A_228 = arith.muli %scan3A_201, %mul3A_227 : i32
          %add3A_229 = arith.constant 3 : i32
          %add3A_230 = arith.addi %mul3A_228, %add3A_229 : i32
          %broadcast_in_dim3A_231 = vector.broadcast %add3A_230 : i32 to vector<16xi32>
          %gather3A_232 = tpu.vector_load_idx %arg15[%broadcast_in_dim3A_231, %min3A_160] : memref<64x1024xf32, #tpu.memory_space<vmem>>[vector<16xi32>, vector<16xi32>], vector<16xf32>,
          %add3A_233 = vector.broadcast %add3A_230 : i32 to vector<16xi32>
          %add3A_234 = arith.addi %mul3A_172, %add3A_233 : vector<16xi32>
          tpu.vector_store_idx %arg24[%add3A_234], %gather3A_232 : memref<34304xf32, #tpu.memory_space<vmem>>[vector<16xi32>], vector<16xf32>,
          %mul3A_235 = arith.constant 8 : i32
          %mul3A_236 = arith.muli %scan3A_201, %mul3A_235 : i32
          %add3A_237 = arith.constant 4 : i32
          %add3A_238 = arith.addi %mul3A_236, %add3A_237 : i32
          %broadcast_in_dim3A_239 = vector.broadcast %add3A_238 : i32 to vector<16xi32>
          %gather3A_240 = tpu.vector_load_idx %arg15[%broadcast_in_dim3A_239, %min3A_160] : memref<64x1024xf32, #tpu.memory_space<vmem>>[vector<16xi32>, vector<16xi32>], vector<16xf32>,
          %add3A_241 = vector.broadcast %add3A_238 : i32 to vector<16xi32>
          %add3A_242 = arith.addi %mul3A_172, %add3A_241 : vector<16xi32>
          tpu.vector_store_idx %arg24[%add3A_242], %gather3A_240 : memref<34304xf32, #tpu.memory_space<vmem>>[vector<16xi32>], vector<16xf32>,
          %mul3A_243 = arith.constant 8 : i32
          %mul3A_244 = arith.muli %scan3A_201, %mul3A_243 : i32
          %add3A_245 = arith.constant 5 : i32
          %add3A_246 = arith.addi %mul3A_244, %add3A_245 : i32
          %broadcast_in_dim3A_247 = vector.broadcast %add3A_246 : i32 to vector<16xi32>
          %gather3A_248 = tpu.vector_load_idx %arg15[%broadcast_in_dim3A_247, %min3A_160] : memref<64x1024xf32, #tpu.memory_space<vmem>>[vector<16xi32>, vector<16xi32>], vector<16xf32>,
          %add3A_249 = vector.broadcast %add3A_246 : i32 to vector<16xi32>
          %add3A_250 = arith.addi %mul3A_172, %add3A_249 : vector<16xi32>
          tpu.vector_store_idx %arg24[%add3A_250], %gather3A_248 : memref<34304xf32, #tpu.memory_space<vmem>>[vector<16xi32>], vector<16xf32>,
          %mul3A_251 = arith.constant 8 : i32
          %mul3A_252 = arith.muli %scan3A_201, %mul3A_251 : i32
          %add3A_253 = arith.constant 6 : i32
          %add3A_254 = arith.addi %mul3A_252, %add3A_253 : i32
          %broadcast_in_dim3A_255 = vector.broadcast %add3A_254 : i32 to vector<16xi32>
          %gather3A_256 = tpu.vector_load_idx %arg15[%broadcast_in_dim3A_255, %min3A_160] : memref<64x1024xf32, #tpu.memory_space<vmem>>[vector<16xi32>, vector<16xi32>], vector<16xf32>,
          %add3A_257 = vector.broadcast %add3A_254 : i32 to vector<16xi32>
          %add3A_258 = arith.addi %mul3A_172, %add3A_257 : vector<16xi32>
          tpu.vector_store_idx %arg24[%add3A_258], %gather3A_256 : memref<34304xf32, #tpu.memory_space<vmem>>[vector<16xi32>], vector<16xf32>,
          %mul3A_259 = arith.constant 8 : i32
          %mul3A_260 = arith.muli %scan3A_201, %mul3A_259 : i32
          %add3A_261 = arith.constant 7 : i32
          %add3A_262 = arith.addi %mul3A_260, %add3A_261 : i32
          %broadcast_in_dim3A_263 = vector.broadcast %add3A_262 : i32 to vector<16xi32>
          %gather3A_264 = tpu.vector_load_idx %arg15[%broadcast_in_dim3A_263, %min3A_160] : memref<64x1024xf32, #tpu.memory_space<vmem>>[vector<16xi32>, vector<16xi32>], vector<16xf32>,
          %add3A_265 = vector.broadcast %add3A_262 : i32 to vector<16xi32>
          %add3A_266 = arith.addi %mul3A_172, %add3A_265 : vector<16xi32>
          tpu.vector_store_idx %arg24[%add3A_266], %gather3A_264 : memref<34304xf32, #tpu.memory_space<vmem>>[vector<16xi32>], vector<16xf32>,
          %scan3A_267 = arith.constant 0 : i32
          scf.yield %scan3A_267 : i32
        }
        %scan3A_191 = arith.constant 8 : i32
        %lt3A_192 = arith.cmpi slt, %add3A_148, %min3A_96 : vector<16xi32>
        %convert_element_type3A_193 = arith.extui %lt3A_192 : vector<16xi1> to vector<16xi32>
        %mul3A_194 = arith.constant 32 : i32
        %mul3A_195 = arith.muli %scan3A_52, %mul3A_194 : i32
        %add3A_196 = arith.constant 16 : i32
        %add3A_197 = arith.addi %mul3A_195, %add3A_196 : i32
        %swap3A_198 = arith.index_cast %add3A_197 : i32 to index
        %swap3A_199 = tpu.vector_load %arg25[%swap3A_198] {strides = array<i32>} : memref<512xi32, #tpu.memory_space<vmem>>, vector<16xi32>,
        tpu.vector_store %arg25[%swap3A_198], %convert_element_type3A_193 {strides = array<i32>} : memref<512xi32, #tpu.memory_space<vmem>>, vector<16xi32>,
        %scan3A_200 = arith.constant 0 : i32
        scf.yield %scan3A_200 : i32
      }
      %scan3A_45 = arith.constant 16 : i32
      %add3A_46 = arith.addi %mul3A_18, %mul3A_38 : i32
      %mul3A_47 = arith.constant 32 : i32
      %mul3A_48 = arith.muli %add3A_46, %mul3A_47 : i32
      %mul3A_49 = arith.constant 67 : i32
      %mul3A_50 = arith.muli %mul3A_48, %mul3A_49 : i32
      "tpu.region"() ({
        %run_scoped3A = tpu.sem_alloc : memref<!tpu.dma_semaphore, #tpu.memory_space<semaphore_mem>>
        %dma_start3A = tpu.memref_slice %arg7[%mul3A_50] : memref<4390912xf32, #tpu.memory_space<hbm>> -> memref<34304xf32, #tpu.memory_space<hbm>>
        %dma_start3A_52 = tpu.memref_slice %arg7[%mul3A_50] : memref<4390912xf32, #tpu.memory_space<hbm>> -> memref<34304xf32, #tpu.memory_space<hbm>>
        tpu.enqueue_dma source(%arg24 : memref<34304xf32, #tpu.memory_space<vmem>>) target(%dma_start3A_52 : memref<34304xf32, #tpu.memory_space<hbm>>) target_semaphore(%run_scoped3A : memref<!tpu.dma_semaphore, #tpu.memory_space<semaphore_mem>>)
        %dma_wait3A = tpu.memref_slice %arg7[%mul3A_50] : memref<4390912xf32, #tpu.memory_space<hbm>> -> memref<34304xf32, #tpu.memory_space<hbm>>
        %dma_wait3A_53 = tpu.memref_slice %arg7[%mul3A_50] : memref<4390912xf32, #tpu.memory_space<hbm>> -> memref<34304xf32, #tpu.memory_space<hbm>>
        tpu.wait_dma2 semaphore(%run_scoped3A : memref<!tpu.dma_semaphore, #tpu.memory_space<semaphore_mem>>) src(%arg24 : memref<34304xf32, #tpu.memory_space<vmem>>) dst(%dma_wait3A_53 : memref<34304xf32, #tpu.memory_space<hbm>>)
        tpu.yield
      }) : () -> ()
      "tpu.region"() ({
        %run_scoped3A = tpu.sem_alloc : memref<!tpu.dma_semaphore, #tpu.memory_space<semaphore_mem>>
        %dma_start3A = tpu.memref_slice %arg8[%mul3A_48] : memref<65536xi32, #tpu.memory_space<hbm>> -> memref<512xi32, #tpu.memory_space<hbm>>
        %dma_start3A_52 = tpu.memref_slice %arg8[%mul3A_48] : memref<65536xi32, #tpu.memory_space<hbm>> -> memref<512xi32, #tpu.memory_space<hbm>>
        tpu.enqueue_dma source(%arg25 : memref<512xi32, #tpu.memory_space<vmem>>) target(%dma_start3A_52 : memref<512xi32, #tpu.memory_space<hbm>>) target_semaphore(%run_scoped3A : memref<!tpu.dma_semaphore, #tpu.memory_space<semaphore_mem>>)
        %dma_wait3A = tpu.memref_slice %arg8[%mul3A_48] : memref<65536xi32, #tpu.memory_space<hbm>> -> memref<512xi32, #tpu.memory_space<hbm>>
        %dma_wait3A_53 = tpu.memref_slice %arg8[%mul3A_48] : memref<65536xi32, #tpu.memory_space<hbm>> -> memref<512xi32, #tpu.memory_space<hbm>>
        tpu.wait_dma2 semaphore(%run_scoped3A : memref<!tpu.dma_semaphore, #tpu.memory_space<semaphore_mem>>) src(%arg25 : memref<512xi32, #tpu.memory_space<vmem>>) dst(%dma_wait3A_53 : memref<512xi32, #tpu.memory_space<hbm>>)
        tpu.yield
      }) : () -> ()
      %scan3A_51 = arith.constant 0 : i32
      scf.yield %scan3A_51 : i32
    }
    %scan3A_34 = arith.constant 4 : i32
    return
  }
}

module attributes {stable_mosaic.version = 14 : i64} {
  func.func @_split_body(%arg0: memref<16384x6xf32, #tpu.memory_space<vmem>>, %arg1: memref<16384x1xi32, #tpu.memory_space<vmem>>, %arg2: memref<16384x3xf32, #tpu.memory_space<vmem>>, %arg3: memref<16384x3xf32, #tpu.memory_space<vmem>>) attributes {dimension_semantics = [], scalar_prefetch = 0 : i64, scratch_operands = 0 : i64, tpu.core_type = #tpu.core_type<tc>} {
    %get3A = arith.constant 0 : index
    %get3A_0 = arith.constant 0 : index
    %get3A_1 = vector.load %arg0[%get3A, %get3A_0] : memref<16384x6xf32, #tpu.memory_space<vmem>>, vector<16384x6xf32>
    %get3A_2 = arith.constant 0 : index
    %get3A_3 = arith.constant 0 : index
    %get3A_4 = vector.load %arg1[%get3A_2, %get3A_3] : memref<16384x1xi32, #tpu.memory_space<vmem>>, vector<16384x1xi32>
    %gt3A = arith.constant 0 : i32
    %gt3A_5 = vector.broadcast %gt3A : i32 to vector<16384x1xi32>
    %gt3A_6 = arith.cmpi sgt, %get3A_4, %gt3A_5 : vector<16384x1xi32>
    %slice3A = vector.extract_strided_slice %get3A_1 {offsets = [0, 3], sizes = [16384, 3], strides = [1, 1]} : vector<16384x6xf32> to vector<16384x3xf32>
    %jit3A = arith.constant 0.000000e+00 : f32
    %broadcast_in_dim3A = vector.shape_cast %gt3A_6 : vector<16384x1xi1> to vector<16384x1xi1>
    %broadcast_in_dim3A_7 = vector.broadcast %broadcast_in_dim3A : vector<16384x1xi1> to vector<16384x3xi1>
    %broadcast_in_dim3A_8 = vector.broadcast %jit3A : f32 to vector<16384x3xf32>
    %select_n3A = arith.select %broadcast_in_dim3A_7, %slice3A, %broadcast_in_dim3A_8 : vector<16384x3xi1>, vector<16384x3xf32>
    %swap3A = arith.constant 0 : index
    %swap3A_9 = arith.constant 0 : index
    %swap3A_10 = vector.load %arg2[%swap3A, %swap3A_9] : memref<16384x3xf32, #tpu.memory_space<vmem>>, vector<16384x3xf32>
    tpu.vector_store %arg2[%swap3A, %swap3A_9], %select_n3A {strides = array<i32>} : memref<16384x3xf32, #tpu.memory_space<vmem>>, vector<16384x3xf32>,
    %slice3A_11 = vector.extract_strided_slice %get3A_1 {offsets = [0, 0], sizes = [16384, 3], strides = [1, 1]} : vector<16384x6xf32> to vector<16384x3xf32>
    %jit3A_12 = arith.constant 0.000000e+00 : f32
    %broadcast_in_dim3A_13 = vector.shape_cast %gt3A_6 : vector<16384x1xi1> to vector<16384x1xi1>
    %broadcast_in_dim3A_14 = vector.broadcast %broadcast_in_dim3A_13 : vector<16384x1xi1> to vector<16384x3xi1>
    %broadcast_in_dim3A_15 = vector.broadcast %jit3A_12 : f32 to vector<16384x3xf32>
    %select_n3A_16 = arith.select %broadcast_in_dim3A_14, %slice3A_11, %broadcast_in_dim3A_15 : vector<16384x3xi1>, vector<16384x3xf32>
    %swap3A_17 = arith.constant 0 : index
    %swap3A_18 = arith.constant 0 : index
    %swap3A_19 = vector.load %arg3[%swap3A_17, %swap3A_18] : memref<16384x3xf32, #tpu.memory_space<vmem>>, vector<16384x3xf32>
    tpu.vector_store %arg3[%swap3A_17, %swap3A_18], %select_n3A_16 {strides = array<i32>} : memref<16384x3xf32, #tpu.memory_space<vmem>>, vector<16384x3xf32>,
    return
  }
}

module attributes {stable_mosaic.version = 14 : i64} {
  func.func @_fps_body(%arg0: memref<8x2048xf32, #tpu.memory_space<vmem>>, %arg1: memref<8x2048xf32, #tpu.memory_space<vmem>>, %arg2: memref<8x2048xf32, #tpu.memory_space<vmem>>, %arg3: memref<8x1024xi32, #tpu.memory_space<vmem>>) attributes {dimension_semantics = [], scalar_prefetch = 0 : i64, scratch_operands = 0 : i64, tpu.core_type = #tpu.core_type<tc>} {
    %get3A = arith.constant 0 : index
    %get3A_0 = arith.constant 0 : index
    %get3A_1 = vector.load %arg0[%get3A, %get3A_0] : memref<8x2048xf32, #tpu.memory_space<vmem>>, vector<8x2048xf32>
    %get3A_2 = arith.constant 0 : index
    %get3A_3 = arith.constant 0 : index
    %get3A_4 = vector.load %arg1[%get3A_2, %get3A_3] : memref<8x2048xf32, #tpu.memory_space<vmem>>, vector<8x2048xf32>
    %get3A_5 = arith.constant 0 : index
    %get3A_6 = arith.constant 0 : index
    %get3A_7 = vector.load %arg2[%get3A_5, %get3A_6] : memref<8x2048xf32, #tpu.memory_space<vmem>>, vector<8x2048xf32>
    %iota3A = tpu.iota {dimensions = array<i32: 1>} : vector<8x2048xi32>
    %iota3A_8 = tpu.iota {dimensions = array<i32: 1>} : vector<8x1024xi32>
    %broadcast_in_dim3A = arith.constant 0x7F800000 : f32
    %broadcast_in_dim3A_9 = vector.broadcast %broadcast_in_dim3A : f32 to vector<8x2048xf32>
    %slice3A = vector.extract_strided_slice %get3A_1 {offsets = [0, 0], sizes = [8, 1], strides = [1, 1]} : vector<8x2048xf32> to vector<8x1xf32>
    %slice3A_10 = vector.extract_strided_slice %get3A_4 {offsets = [0, 0], sizes = [8, 1], strides = [1, 1]} : vector<8x2048xf32> to vector<8x1xf32>
    %slice3A_11 = vector.extract_strided_slice %get3A_7 {offsets = [0, 0], sizes = [8, 1], strides = [1, 1]} : vector<8x2048xf32> to vector<8x1xf32>
    %broadcast_in_dim3A_12 = arith.constant 0 : i32
    %broadcast_in_dim3A_13 = vector.broadcast %broadcast_in_dim3A_12 : i32 to vector<8x1024xi32>
    %scan3A = arith.constant 0 : i32
    %scan3A_14 = arith.constant 511 : i32
    %scan3A_15 = arith.addi %scan3A, %scan3A_14 : i32
    %scan3A_16 = arith.constant 1 : i32
    %scan3A_17:5 = scf.for %scan3A_41 = %scan3A to %scan3A_15 step %scan3A_16 iter_args(%scan3A_42 = %broadcast_in_dim3A_9, %scan3A_43 = %slice3A, %scan3A_44 = %slice3A_10, %scan3A_45 = %slice3A_11, %scan3A_46 = %broadcast_in_dim3A_13) -> (vector<8x2048xf32>, vector<8x1xf32>, vector<8x1xf32>, vector<8x1xf32>, vector<8x1024xi32>)  : i32 {
      %mul3A_47 = arith.constant 2 : i32
      %mul3A_48 = arith.muli %scan3A_41, %mul3A_47 : i32
      %add3A_49 = arith.constant 1 : i32
      %add3A_50 = arith.addi %mul3A_48, %add3A_49 : i32
      %sub3A_51 = vector.broadcast %scan3A_43 : vector<8x1xf32> to vector<8x2048xf32>
      %sub3A_52 = arith.subf %get3A_1, %sub3A_51 : vector<8x2048xf32>
      %sub3A_53 = vector.broadcast %scan3A_44 : vector<8x1xf32> to vector<8x2048xf32>
      %sub3A_54 = arith.subf %get3A_4, %sub3A_53 : vector<8x2048xf32>
      %sub3A_55 = vector.broadcast %scan3A_45 : vector<8x1xf32> to vector<8x2048xf32>
      %sub3A_56 = arith.subf %get3A_7, %sub3A_55 : vector<8x2048xf32>
      %mul3A_57 = arith.mulf %sub3A_52, %sub3A_52 : vector<8x2048xf32>
      %mul3A_58 = arith.mulf %sub3A_54, %sub3A_54 : vector<8x2048xf32>
      %add3A_59 = arith.addf %mul3A_57, %mul3A_58 : vector<8x2048xf32>
      %mul3A_60 = arith.mulf %sub3A_56, %sub3A_56 : vector<8x2048xf32>
      %add3A_61 = arith.addf %add3A_59, %mul3A_60 : vector<8x2048xf32>
      %min3A_62 = arith.minimumf %scan3A_42, %add3A_61 : vector<8x2048xf32>
      %reduce_max3A_63 = arith.constant dense<0xFF800000> : vector<8xf32>
      %reduce_max3A_64 = vector.multi_reduction <maximumf>, %min3A_62, %reduce_max3A_63 [1] : vector<8x2048xf32> to vector<8xf32>
      %broadcast_in_dim3A_65 = vector.shape_cast %reduce_max3A_64 : vector<8xf32> to vector<8x1xf32>
      %eq3A_66 = vector.broadcast %broadcast_in_dim3A_65 : vector<8x1xf32> to vector<8x2048xf32>
      %eq3A_67 = arith.cmpf oeq, %min3A_62, %eq3A_66 : vector<8x2048xf32>
      %jit3A_68 = arith.constant 2048 : i32
      %broadcast_in_dim3A_69 = vector.broadcast %jit3A_68 : i32 to vector<8x2048xi32>
      %select_n3A_70 = arith.select %eq3A_67, %iota3A, %broadcast_in_dim3A_69 : vector<8x2048xi1>, vector<8x2048xi32>
      %reduce_min3A_71 = arith.constant dense<2147483647> : vector<8xi32>
      %reduce_min3A_72 = vector.multi_reduction <minsi>, %select_n3A_70, %reduce_min3A_71 [1] : vector<8x2048xi32> to vector<8xi32>
      %broadcast_in_dim3A_73 = vector.shape_cast %reduce_min3A_72 : vector<8xi32> to vector<8x1xi32>
      %eq3A_74 = vector.broadcast %add3A_50 : i32 to vector<8x1024xi32>
      %eq3A_75 = arith.cmpi eq, %iota3A_8, %eq3A_74 : vector<8x1024xi32>
      %broadcast_in_dim3A_76 = vector.shape_cast %broadcast_in_dim3A_73 : vector<8x1xi32> to vector<8x1xi32>
      %broadcast_in_dim3A_77 = vector.broadcast %broadcast_in_dim3A_76 : vector<8x1xi32> to vector<8x1024xi32>
      %select_n3A_78 = arith.select %eq3A_75, %broadcast_in_dim3A_77, %scan3A_46 : vector<8x1024xi1>, vector<8x1024xi32>
      %eq3A_79 = vector.broadcast %broadcast_in_dim3A_73 : vector<8x1xi32> to vector<8x2048xi32>
      %eq3A_80 = arith.cmpi eq, %iota3A, %eq3A_79 : vector<8x2048xi32>
      %jit3A_81 = arith.constant 0.000000e+00 : f32
      %broadcast_in_dim3A_82 = vector.broadcast %jit3A_81 : f32 to vector<8x2048xf32>
      %select_n3A_83 = arith.select %eq3A_80, %get3A_1, %broadcast_in_dim3A_82 : vector<8x2048xi1>, vector<8x2048xf32>
      %reduce_sum3A = arith.constant dense<0.000000e+00> : vector<8xf32>
      %reduce_sum3A_84 = vector.multi_reduction <add>, %select_n3A_83, %reduce_sum3A [1] : vector<8x2048xf32> to vector<8xf32>
      %broadcast_in_dim3A_85 = vector.shape_cast %reduce_sum3A_84 : vector<8xf32> to vector<8x1xf32>
      %jit3A_86 = arith.constant 0.000000e+00 : f32
      %broadcast_in_dim3A_87 = vector.broadcast %jit3A_86 : f32 to vector<8x2048xf32>
      %select_n3A_88 = arith.select %eq3A_80, %get3A_4, %broadcast_in_dim3A_87 : vector<8x2048xi1>, vector<8x2048xf32>
      %reduce_sum3A_89 = arith.constant dense<0.000000e+00> : vector<8xf32>
      %reduce_sum3A_90 = vector.multi_reduction <add>, %select_n3A_88, %reduce_sum3A_89 [1] : vector<8x2048xf32> to vector<8xf32>
      %broadcast_in_dim3A_91 = vector.shape_cast %reduce_sum3A_90 : vector<8xf32> to vector<8x1xf32>
      %jit3A_92 = arith.constant 0.000000e+00 : f32
      %broadcast_in_dim3A_93 = vector.broadcast %jit3A_92 : f32 to vector<8x2048xf32>
      %select_n3A_94 = arith.select %eq3A_80, %get3A_7, %broadcast_in_dim3A_93 : vector<8x2048xi1>, vector<8x2048xf32>
      %reduce_sum3A_95 = arith.constant dense<0.000000e+00> : vector<8xf32>
      %reduce_sum3A_96 = vector.multi_reduction <add>, %select_n3A_94, %reduce_sum3A_95 [1] : vector<8x2048xf32> to vector<8xf32>
      %broadcast_in_dim3A_97 = vector.shape_cast %reduce_sum3A_96 : vector<8xf32> to vector<8x1xf32>
      %mul3A_98 = arith.constant 2 : i32
      %mul3A_99 = arith.muli %scan3A_41, %mul3A_98 : i32
      %add3A_100 = arith.constant 2 : i32
      %add3A_101 = arith.addi %mul3A_99, %add3A_100 : i32
      %sub3A_102 = vector.broadcast %broadcast_in_dim3A_85 : vector<8x1xf32> to vector<8x2048xf32>
      %sub3A_103 = arith.subf %get3A_1, %sub3A_102 : vector<8x2048xf32>
      %sub3A_104 = vector.broadcast %broadcast_in_dim3A_91 : vector<8x1xf32> to vector<8x2048xf32>
      %sub3A_105 = arith.subf %get3A_4, %sub3A_104 : vector<8x2048xf32>
      %sub3A_106 = vector.broadcast %broadcast_in_dim3A_97 : vector<8x1xf32> to vector<8x2048xf32>
      %sub3A_107 = arith.subf %get3A_7, %sub3A_106 : vector<8x2048xf32>
      %mul3A_108 = arith.mulf %sub3A_103, %sub3A_103 : vector<8x2048xf32>
      %mul3A_109 = arith.mulf %sub3A_105, %sub3A_105 : vector<8x2048xf32>
      %add3A_110 = arith.addf %mul3A_108, %mul3A_109 : vector<8x2048xf32>
      %mul3A_111 = arith.mulf %sub3A_107, %sub3A_107 : vector<8x2048xf32>
      %add3A_112 = arith.addf %add3A_110, %mul3A_111 : vector<8x2048xf32>
      %min3A_113 = arith.minimumf %min3A_62, %add3A_112 : vector<8x2048xf32>
      %reduce_max3A_114 = arith.constant dense<0xFF800000> : vector<8xf32>
      %reduce_max3A_115 = vector.multi_reduction <maximumf>, %min3A_113, %reduce_max3A_114 [1] : vector<8x2048xf32> to vector<8xf32>
      %broadcast_in_dim3A_116 = vector.shape_cast %reduce_max3A_115 : vector<8xf32> to vector<8x1xf32>
      %eq3A_117 = vector.broadcast %broadcast_in_dim3A_116 : vector<8x1xf32> to vector<8x2048xf32>
      %eq3A_118 = arith.cmpf oeq, %min3A_113, %eq3A_117 : vector<8x2048xf32>
      %jit3A_119 = arith.constant 2048 : i32
      %broadcast_in_dim3A_120 = vector.broadcast %jit3A_119 : i32 to vector<8x2048xi32>
      %select_n3A_121 = arith.select %eq3A_118, %iota3A, %broadcast_in_dim3A_120 : vector<8x2048xi1>, vector<8x2048xi32>
      %reduce_min3A_122 = arith.constant dense<2147483647> : vector<8xi32>
      %reduce_min3A_123 = vector.multi_reduction <minsi>, %select_n3A_121, %reduce_min3A_122 [1] : vector<8x2048xi32> to vector<8xi32>
      %broadcast_in_dim3A_124 = vector.shape_cast %reduce_min3A_123 : vector<8xi32> to vector<8x1xi32>
      %eq3A_125 = vector.broadcast %add3A_101 : i32 to vector<8x1024xi32>
      %eq3A_126 = arith.cmpi eq, %iota3A_8, %eq3A_125 : vector<8x1024xi32>
      %broadcast_in_dim3A_127 = vector.shape_cast %broadcast_in_dim3A_124 : vector<8x1xi32> to vector<8x1xi32>
      %broadcast_in_dim3A_128 = vector.broadcast %broadcast_in_dim3A_127 : vector<8x1xi32> to vector<8x1024xi32>
      %select_n3A_129 = arith.select %eq3A_126, %broadcast_in_dim3A_128, %select_n3A_78 : vector<8x1024xi1>, vector<8x1024xi32>
      %eq3A_130 = vector.broadcast %broadcast_in_dim3A_124 : vector<8x1xi32> to vector<8x2048xi32>
      %eq3A_131 = arith.cmpi eq, %iota3A, %eq3A_130 : vector<8x2048xi32>
      %jit3A_132 = arith.constant 0.000000e+00 : f32
      %broadcast_in_dim3A_133 = vector.broadcast %jit3A_132 : f32 to vector<8x2048xf32>
      %select_n3A_134 = arith.select %eq3A_131, %get3A_1, %broadcast_in_dim3A_133 : vector<8x2048xi1>, vector<8x2048xf32>
      %reduce_sum3A_135 = arith.constant dense<0.000000e+00> : vector<8xf32>
      %reduce_sum3A_136 = vector.multi_reduction <add>, %select_n3A_134, %reduce_sum3A_135 [1] : vector<8x2048xf32> to vector<8xf32>
      %broadcast_in_dim3A_137 = vector.shape_cast %reduce_sum3A_136 : vector<8xf32> to vector<8x1xf32>
      %jit3A_138 = arith.constant 0.000000e+00 : f32
      %broadcast_in_dim3A_139 = vector.broadcast %jit3A_138 : f32 to vector<8x2048xf32>
      %select_n3A_140 = arith.select %eq3A_131, %get3A_4, %broadcast_in_dim3A_139 : vector<8x2048xi1>, vector<8x2048xf32>
      %reduce_sum3A_141 = arith.constant dense<0.000000e+00> : vector<8xf32>
      %reduce_sum3A_142 = vector.multi_reduction <add>, %select_n3A_140, %reduce_sum3A_141 [1] : vector<8x2048xf32> to vector<8xf32>
      %broadcast_in_dim3A_143 = vector.shape_cast %reduce_sum3A_142 : vector<8xf32> to vector<8x1xf32>
      %jit3A_144 = arith.constant 0.000000e+00 : f32
      %broadcast_in_dim3A_145 = vector.broadcast %jit3A_144 : f32 to vector<8x2048xf32>
      %select_n3A_146 = arith.select %eq3A_131, %get3A_7, %broadcast_in_dim3A_145 : vector<8x2048xi1>, vector<8x2048xf32>
      %reduce_sum3A_147 = arith.constant dense<0.000000e+00> : vector<8xf32>
      %reduce_sum3A_148 = vector.multi_reduction <add>, %select_n3A_146, %reduce_sum3A_147 [1] : vector<8x2048xf32> to vector<8xf32>
      %broadcast_in_dim3A_149 = vector.shape_cast %reduce_sum3A_148 : vector<8xf32> to vector<8x1xf32>
      scf.yield %min3A_113, %broadcast_in_dim3A_137, %broadcast_in_dim3A_143, %broadcast_in_dim3A_149, %select_n3A_129 : vector<8x2048xf32>, vector<8x1xf32>, vector<8x1xf32>, vector<8x1xf32>, vector<8x1024xi32>
    }
    %scan3A_18 = arith.constant 511 : i32
    %sub3A = vector.broadcast %scan3A_17#1 : vector<8x1xf32> to vector<8x2048xf32>
    %sub3A_19 = arith.subf %get3A_1, %sub3A : vector<8x2048xf32>
    %sub3A_20 = vector.broadcast %scan3A_17#2 : vector<8x1xf32> to vector<8x2048xf32>
    %sub3A_21 = arith.subf %get3A_4, %sub3A_20 : vector<8x2048xf32>
    %sub3A_22 = vector.broadcast %scan3A_17#3 : vector<8x1xf32> to vector<8x2048xf32>
    %sub3A_23 = arith.subf %get3A_7, %sub3A_22 : vector<8x2048xf32>
    %mul3A = arith.mulf %sub3A_19, %sub3A_19 : vector<8x2048xf32>
    %mul3A_24 = arith.mulf %sub3A_21, %sub3A_21 : vector<8x2048xf32>
    %add3A = arith.addf %mul3A, %mul3A_24 : vector<8x2048xf32>
    %mul3A_25 = arith.mulf %sub3A_23, %sub3A_23 : vector<8x2048xf32>
    %add3A_26 = arith.addf %add3A, %mul3A_25 : vector<8x2048xf32>
    %min3A = arith.minimumf %scan3A_17#0, %add3A_26 : vector<8x2048xf32>
    %reduce_max3A = arith.constant dense<0xFF800000> : vector<8xf32>
    %reduce_max3A_27 = vector.multi_reduction <maximumf>, %min3A, %reduce_max3A [1] : vector<8x2048xf32> to vector<8xf32>
    %broadcast_in_dim3A_28 = vector.shape_cast %reduce_max3A_27 : vector<8xf32> to vector<8x1xf32>
    %eq3A = vector.broadcast %broadcast_in_dim3A_28 : vector<8x1xf32> to vector<8x2048xf32>
    %eq3A_29 = arith.cmpf oeq, %min3A, %eq3A : vector<8x2048xf32>
    %jit3A = arith.constant 2048 : i32
    %broadcast_in_dim3A_30 = vector.broadcast %jit3A : i32 to vector<8x2048xi32>
    %select_n3A = arith.select %eq3A_29, %iota3A, %broadcast_in_dim3A_30 : vector<8x2048xi1>, vector<8x2048xi32>
    %reduce_min3A = arith.constant dense<2147483647> : vector<8xi32>
    %reduce_min3A_31 = vector.multi_reduction <minsi>, %select_n3A, %reduce_min3A [1] : vector<8x2048xi32> to vector<8xi32>
    %broadcast_in_dim3A_32 = vector.shape_cast %reduce_min3A_31 : vector<8xi32> to vector<8x1xi32>
    %eq3A_33 = arith.constant 1023 : i32
    %eq3A_34 = vector.broadcast %eq3A_33 : i32 to vector<8x1024xi32>
    %eq3A_35 = arith.cmpi eq, %iota3A_8, %eq3A_34 : vector<8x1024xi32>
    %broadcast_in_dim3A_36 = vector.shape_cast %broadcast_in_dim3A_32 : vector<8x1xi32> to vector<8x1xi32>
    %broadcast_in_dim3A_37 = vector.broadcast %broadcast_in_dim3A_36 : vector<8x1xi32> to vector<8x1024xi32>
    %select_n3A_38 = arith.select %eq3A_35, %broadcast_in_dim3A_37, %scan3A_17#4 : vector<8x1024xi1>, vector<8x1024xi32>
    %swap3A = arith.constant 0 : index
    %swap3A_39 = arith.constant 0 : index
    %swap3A_40 = vector.load %arg3[%swap3A, %swap3A_39] : memref<8x1024xi32, #tpu.memory_space<vmem>>, vector<8x1024xi32>
    tpu.vector_store %arg3[%swap3A, %swap3A_39], %select_n3A_38 {strides = array<i32>} : memref<8x1024xi32, #tpu.memory_space<vmem>>, vector<8x1024xi32>,
    return
  }
}

module attributes {stable_mosaic.version = 14 : i64} {
  func.func @_fps_body(%arg0: memref<8x1024xf32, #tpu.memory_space<vmem>>, %arg1: memref<8x1024xf32, #tpu.memory_space<vmem>>, %arg2: memref<8x1024xf32, #tpu.memory_space<vmem>>, %arg3: memref<8x256xi32, #tpu.memory_space<vmem>>) attributes {dimension_semantics = [], scalar_prefetch = 0 : i64, scratch_operands = 0 : i64, tpu.core_type = #tpu.core_type<tc>} {
    %get3A = arith.constant 0 : index
    %get3A_0 = arith.constant 0 : index
    %get3A_1 = vector.load %arg0[%get3A, %get3A_0] : memref<8x1024xf32, #tpu.memory_space<vmem>>, vector<8x1024xf32>
    %get3A_2 = arith.constant 0 : index
    %get3A_3 = arith.constant 0 : index
    %get3A_4 = vector.load %arg1[%get3A_2, %get3A_3] : memref<8x1024xf32, #tpu.memory_space<vmem>>, vector<8x1024xf32>
    %get3A_5 = arith.constant 0 : index
    %get3A_6 = arith.constant 0 : index
    %get3A_7 = vector.load %arg2[%get3A_5, %get3A_6] : memref<8x1024xf32, #tpu.memory_space<vmem>>, vector<8x1024xf32>
    %iota3A = tpu.iota {dimensions = array<i32: 1>} : vector<8x1024xi32>
    %iota3A_8 = tpu.iota {dimensions = array<i32: 1>} : vector<8x256xi32>
    %broadcast_in_dim3A = arith.constant 0x7F800000 : f32
    %broadcast_in_dim3A_9 = vector.broadcast %broadcast_in_dim3A : f32 to vector<8x1024xf32>
    %slice3A = vector.extract_strided_slice %get3A_1 {offsets = [0, 0], sizes = [8, 1], strides = [1, 1]} : vector<8x1024xf32> to vector<8x1xf32>
    %slice3A_10 = vector.extract_strided_slice %get3A_4 {offsets = [0, 0], sizes = [8, 1], strides = [1, 1]} : vector<8x1024xf32> to vector<8x1xf32>
    %slice3A_11 = vector.extract_strided_slice %get3A_7 {offsets = [0, 0], sizes = [8, 1], strides = [1, 1]} : vector<8x1024xf32> to vector<8x1xf32>
    %broadcast_in_dim3A_12 = arith.constant 0 : i32
    %broadcast_in_dim3A_13 = vector.broadcast %broadcast_in_dim3A_12 : i32 to vector<8x256xi32>
    %scan3A = arith.constant 0 : i32
    %scan3A_14 = arith.constant 127 : i32
    %scan3A_15 = arith.addi %scan3A, %scan3A_14 : i32
    %scan3A_16 = arith.constant 1 : i32
    %scan3A_17:5 = scf.for %scan3A_41 = %scan3A to %scan3A_15 step %scan3A_16 iter_args(%scan3A_42 = %broadcast_in_dim3A_9, %scan3A_43 = %slice3A, %scan3A_44 = %slice3A_10, %scan3A_45 = %slice3A_11, %scan3A_46 = %broadcast_in_dim3A_13) -> (vector<8x1024xf32>, vector<8x1xf32>, vector<8x1xf32>, vector<8x1xf32>, vector<8x256xi32>)  : i32 {
      %mul3A_47 = arith.constant 2 : i32
      %mul3A_48 = arith.muli %scan3A_41, %mul3A_47 : i32
      %add3A_49 = arith.constant 1 : i32
      %add3A_50 = arith.addi %mul3A_48, %add3A_49 : i32
      %sub3A_51 = vector.broadcast %scan3A_43 : vector<8x1xf32> to vector<8x1024xf32>
      %sub3A_52 = arith.subf %get3A_1, %sub3A_51 : vector<8x1024xf32>
      %sub3A_53 = vector.broadcast %scan3A_44 : vector<8x1xf32> to vector<8x1024xf32>
      %sub3A_54 = arith.subf %get3A_4, %sub3A_53 : vector<8x1024xf32>
      %sub3A_55 = vector.broadcast %scan3A_45 : vector<8x1xf32> to vector<8x1024xf32>
      %sub3A_56 = arith.subf %get3A_7, %sub3A_55 : vector<8x1024xf32>
      %mul3A_57 = arith.mulf %sub3A_52, %sub3A_52 : vector<8x1024xf32>
      %mul3A_58 = arith.mulf %sub3A_54, %sub3A_54 : vector<8x1024xf32>
      %add3A_59 = arith.addf %mul3A_57, %mul3A_58 : vector<8x1024xf32>
      %mul3A_60 = arith.mulf %sub3A_56, %sub3A_56 : vector<8x1024xf32>
      %add3A_61 = arith.addf %add3A_59, %mul3A_60 : vector<8x1024xf32>
      %min3A_62 = arith.minimumf %scan3A_42, %add3A_61 : vector<8x1024xf32>
      %reduce_max3A_63 = arith.constant dense<0xFF800000> : vector<8xf32>
      %reduce_max3A_64 = vector.multi_reduction <maximumf>, %min3A_62, %reduce_max3A_63 [1] : vector<8x1024xf32> to vector<8xf32>
      %broadcast_in_dim3A_65 = vector.shape_cast %reduce_max3A_64 : vector<8xf32> to vector<8x1xf32>
      %eq3A_66 = vector.broadcast %broadcast_in_dim3A_65 : vector<8x1xf32> to vector<8x1024xf32>
      %eq3A_67 = arith.cmpf oeq, %min3A_62, %eq3A_66 : vector<8x1024xf32>
      %jit3A_68 = arith.constant 1024 : i32
      %broadcast_in_dim3A_69 = vector.broadcast %jit3A_68 : i32 to vector<8x1024xi32>
      %select_n3A_70 = arith.select %eq3A_67, %iota3A, %broadcast_in_dim3A_69 : vector<8x1024xi1>, vector<8x1024xi32>
      %reduce_min3A_71 = arith.constant dense<2147483647> : vector<8xi32>
      %reduce_min3A_72 = vector.multi_reduction <minsi>, %select_n3A_70, %reduce_min3A_71 [1] : vector<8x1024xi32> to vector<8xi32>
      %broadcast_in_dim3A_73 = vector.shape_cast %reduce_min3A_72 : vector<8xi32> to vector<8x1xi32>
      %eq3A_74 = vector.broadcast %add3A_50 : i32 to vector<8x256xi32>
      %eq3A_75 = arith.cmpi eq, %iota3A_8, %eq3A_74 : vector<8x256xi32>
      %broadcast_in_dim3A_76 = vector.shape_cast %broadcast_in_dim3A_73 : vector<8x1xi32> to vector<8x1xi32>
      %broadcast_in_dim3A_77 = vector.broadcast %broadcast_in_dim3A_76 : vector<8x1xi32> to vector<8x256xi32>
      %select_n3A_78 = arith.select %eq3A_75, %broadcast_in_dim3A_77, %scan3A_46 : vector<8x256xi1>, vector<8x256xi32>
      %eq3A_79 = vector.broadcast %broadcast_in_dim3A_73 : vector<8x1xi32> to vector<8x1024xi32>
      %eq3A_80 = arith.cmpi eq, %iota3A, %eq3A_79 : vector<8x1024xi32>
      %jit3A_81 = arith.constant 0.000000e+00 : f32
      %broadcast_in_dim3A_82 = vector.broadcast %jit3A_81 : f32 to vector<8x1024xf32>
      %select_n3A_83 = arith.select %eq3A_80, %get3A_1, %broadcast_in_dim3A_82 : vector<8x1024xi1>, vector<8x1024xf32>
      %reduce_sum3A = arith.constant dense<0.000000e+00> : vector<8xf32>
      %reduce_sum3A_84 = vector.multi_reduction <add>, %select_n3A_83, %reduce_sum3A [1] : vector<8x1024xf32> to vector<8xf32>
      %broadcast_in_dim3A_85 = vector.shape_cast %reduce_sum3A_84 : vector<8xf32> to vector<8x1xf32>
      %jit3A_86 = arith.constant 0.000000e+00 : f32
      %broadcast_in_dim3A_87 = vector.broadcast %jit3A_86 : f32 to vector<8x1024xf32>
      %select_n3A_88 = arith.select %eq3A_80, %get3A_4, %broadcast_in_dim3A_87 : vector<8x1024xi1>, vector<8x1024xf32>
      %reduce_sum3A_89 = arith.constant dense<0.000000e+00> : vector<8xf32>
      %reduce_sum3A_90 = vector.multi_reduction <add>, %select_n3A_88, %reduce_sum3A_89 [1] : vector<8x1024xf32> to vector<8xf32>
      %broadcast_in_dim3A_91 = vector.shape_cast %reduce_sum3A_90 : vector<8xf32> to vector<8x1xf32>
      %jit3A_92 = arith.constant 0.000000e+00 : f32
      %broadcast_in_dim3A_93 = vector.broadcast %jit3A_92 : f32 to vector<8x1024xf32>
      %select_n3A_94 = arith.select %eq3A_80, %get3A_7, %broadcast_in_dim3A_93 : vector<8x1024xi1>, vector<8x1024xf32>
      %reduce_sum3A_95 = arith.constant dense<0.000000e+00> : vector<8xf32>
      %reduce_sum3A_96 = vector.multi_reduction <add>, %select_n3A_94, %reduce_sum3A_95 [1] : vector<8x1024xf32> to vector<8xf32>
      %broadcast_in_dim3A_97 = vector.shape_cast %reduce_sum3A_96 : vector<8xf32> to vector<8x1xf32>
      %mul3A_98 = arith.constant 2 : i32
      %mul3A_99 = arith.muli %scan3A_41, %mul3A_98 : i32
      %add3A_100 = arith.constant 2 : i32
      %add3A_101 = arith.addi %mul3A_99, %add3A_100 : i32
      %sub3A_102 = vector.broadcast %broadcast_in_dim3A_85 : vector<8x1xf32> to vector<8x1024xf32>
      %sub3A_103 = arith.subf %get3A_1, %sub3A_102 : vector<8x1024xf32>
      %sub3A_104 = vector.broadcast %broadcast_in_dim3A_91 : vector<8x1xf32> to vector<8x1024xf32>
      %sub3A_105 = arith.subf %get3A_4, %sub3A_104 : vector<8x1024xf32>
      %sub3A_106 = vector.broadcast %broadcast_in_dim3A_97 : vector<8x1xf32> to vector<8x1024xf32>
      %sub3A_107 = arith.subf %get3A_7, %sub3A_106 : vector<8x1024xf32>
      %mul3A_108 = arith.mulf %sub3A_103, %sub3A_103 : vector<8x1024xf32>
      %mul3A_109 = arith.mulf %sub3A_105, %sub3A_105 : vector<8x1024xf32>
      %add3A_110 = arith.addf %mul3A_108, %mul3A_109 : vector<8x1024xf32>
      %mul3A_111 = arith.mulf %sub3A_107, %sub3A_107 : vector<8x1024xf32>
      %add3A_112 = arith.addf %add3A_110, %mul3A_111 : vector<8x1024xf32>
      %min3A_113 = arith.minimumf %min3A_62, %add3A_112 : vector<8x1024xf32>
      %reduce_max3A_114 = arith.constant dense<0xFF800000> : vector<8xf32>
      %reduce_max3A_115 = vector.multi_reduction <maximumf>, %min3A_113, %reduce_max3A_114 [1] : vector<8x1024xf32> to vector<8xf32>
      %broadcast_in_dim3A_116 = vector.shape_cast %reduce_max3A_115 : vector<8xf32> to vector<8x1xf32>
      %eq3A_117 = vector.broadcast %broadcast_in_dim3A_116 : vector<8x1xf32> to vector<8x1024xf32>
      %eq3A_118 = arith.cmpf oeq, %min3A_113, %eq3A_117 : vector<8x1024xf32>
      %jit3A_119 = arith.constant 1024 : i32
      %broadcast_in_dim3A_120 = vector.broadcast %jit3A_119 : i32 to vector<8x1024xi32>
      %select_n3A_121 = arith.select %eq3A_118, %iota3A, %broadcast_in_dim3A_120 : vector<8x1024xi1>, vector<8x1024xi32>
      %reduce_min3A_122 = arith.constant dense<2147483647> : vector<8xi32>
      %reduce_min3A_123 = vector.multi_reduction <minsi>, %select_n3A_121, %reduce_min3A_122 [1] : vector<8x1024xi32> to vector<8xi32>
      %broadcast_in_dim3A_124 = vector.shape_cast %reduce_min3A_123 : vector<8xi32> to vector<8x1xi32>
      %eq3A_125 = vector.broadcast %add3A_101 : i32 to vector<8x256xi32>
      %eq3A_126 = arith.cmpi eq, %iota3A_8, %eq3A_125 : vector<8x256xi32>
      %broadcast_in_dim3A_127 = vector.shape_cast %broadcast_in_dim3A_124 : vector<8x1xi32> to vector<8x1xi32>
      %broadcast_in_dim3A_128 = vector.broadcast %broadcast_in_dim3A_127 : vector<8x1xi32> to vector<8x256xi32>
      %select_n3A_129 = arith.select %eq3A_126, %broadcast_in_dim3A_128, %select_n3A_78 : vector<8x256xi1>, vector<8x256xi32>
      %eq3A_130 = vector.broadcast %broadcast_in_dim3A_124 : vector<8x1xi32> to vector<8x1024xi32>
      %eq3A_131 = arith.cmpi eq, %iota3A, %eq3A_130 : vector<8x1024xi32>
      %jit3A_132 = arith.constant 0.000000e+00 : f32
      %broadcast_in_dim3A_133 = vector.broadcast %jit3A_132 : f32 to vector<8x1024xf32>
      %select_n3A_134 = arith.select %eq3A_131, %get3A_1, %broadcast_in_dim3A_133 : vector<8x1024xi1>, vector<8x1024xf32>
      %reduce_sum3A_135 = arith.constant dense<0.000000e+00> : vector<8xf32>
      %reduce_sum3A_136 = vector.multi_reduction <add>, %select_n3A_134, %reduce_sum3A_135 [1] : vector<8x1024xf32> to vector<8xf32>
      %broadcast_in_dim3A_137 = vector.shape_cast %reduce_sum3A_136 : vector<8xf32> to vector<8x1xf32>
      %jit3A_138 = arith.constant 0.000000e+00 : f32
      %broadcast_in_dim3A_139 = vector.broadcast %jit3A_138 : f32 to vector<8x1024xf32>
      %select_n3A_140 = arith.select %eq3A_131, %get3A_4, %broadcast_in_dim3A_139 : vector<8x1024xi1>, vector<8x1024xf32>
      %reduce_sum3A_141 = arith.constant dense<0.000000e+00> : vector<8xf32>
      %reduce_sum3A_142 = vector.multi_reduction <add>, %select_n3A_140, %reduce_sum3A_141 [1] : vector<8x1024xf32> to vector<8xf32>
      %broadcast_in_dim3A_143 = vector.shape_cast %reduce_sum3A_142 : vector<8xf32> to vector<8x1xf32>
      %jit3A_144 = arith.constant 0.000000e+00 : f32
      %broadcast_in_dim3A_145 = vector.broadcast %jit3A_144 : f32 to vector<8x1024xf32>
      %select_n3A_146 = arith.select %eq3A_131, %get3A_7, %broadcast_in_dim3A_145 : vector<8x1024xi1>, vector<8x1024xf32>
      %reduce_sum3A_147 = arith.constant dense<0.000000e+00> : vector<8xf32>
      %reduce_sum3A_148 = vector.multi_reduction <add>, %select_n3A_146, %reduce_sum3A_147 [1] : vector<8x1024xf32> to vector<8xf32>
      %broadcast_in_dim3A_149 = vector.shape_cast %reduce_sum3A_148 : vector<8xf32> to vector<8x1xf32>
      scf.yield %min3A_113, %broadcast_in_dim3A_137, %broadcast_in_dim3A_143, %broadcast_in_dim3A_149, %select_n3A_129 : vector<8x1024xf32>, vector<8x1xf32>, vector<8x1xf32>, vector<8x1xf32>, vector<8x256xi32>
    }
    %scan3A_18 = arith.constant 127 : i32
    %sub3A = vector.broadcast %scan3A_17#1 : vector<8x1xf32> to vector<8x1024xf32>
    %sub3A_19 = arith.subf %get3A_1, %sub3A : vector<8x1024xf32>
    %sub3A_20 = vector.broadcast %scan3A_17#2 : vector<8x1xf32> to vector<8x1024xf32>
    %sub3A_21 = arith.subf %get3A_4, %sub3A_20 : vector<8x1024xf32>
    %sub3A_22 = vector.broadcast %scan3A_17#3 : vector<8x1xf32> to vector<8x1024xf32>
    %sub3A_23 = arith.subf %get3A_7, %sub3A_22 : vector<8x1024xf32>
    %mul3A = arith.mulf %sub3A_19, %sub3A_19 : vector<8x1024xf32>
    %mul3A_24 = arith.mulf %sub3A_21, %sub3A_21 : vector<8x1024xf32>
    %add3A = arith.addf %mul3A, %mul3A_24 : vector<8x1024xf32>
    %mul3A_25 = arith.mulf %sub3A_23, %sub3A_23 : vector<8x1024xf32>
    %add3A_26 = arith.addf %add3A, %mul3A_25 : vector<8x1024xf32>
    %min3A = arith.minimumf %scan3A_17#0, %add3A_26 : vector<8x1024xf32>
    %reduce_max3A = arith.constant dense<0xFF800000> : vector<8xf32>
    %reduce_max3A_27 = vector.multi_reduction <maximumf>, %min3A, %reduce_max3A [1] : vector<8x1024xf32> to vector<8xf32>
    %broadcast_in_dim3A_28 = vector.shape_cast %reduce_max3A_27 : vector<8xf32> to vector<8x1xf32>
    %eq3A = vector.broadcast %broadcast_in_dim3A_28 : vector<8x1xf32> to vector<8x1024xf32>
    %eq3A_29 = arith.cmpf oeq, %min3A, %eq3A : vector<8x1024xf32>
    %jit3A = arith.constant 1024 : i32
    %broadcast_in_dim3A_30 = vector.broadcast %jit3A : i32 to vector<8x1024xi32>
    %select_n3A = arith.select %eq3A_29, %iota3A, %broadcast_in_dim3A_30 : vector<8x1024xi1>, vector<8x1024xi32>
    %reduce_min3A = arith.constant dense<2147483647> : vector<8xi32>
    %reduce_min3A_31 = vector.multi_reduction <minsi>, %select_n3A, %reduce_min3A [1] : vector<8x1024xi32> to vector<8xi32>
    %broadcast_in_dim3A_32 = vector.shape_cast %reduce_min3A_31 : vector<8xi32> to vector<8x1xi32>
    %eq3A_33 = arith.constant 255 : i32
    %eq3A_34 = vector.broadcast %eq3A_33 : i32 to vector<8x256xi32>
    %eq3A_35 = arith.cmpi eq, %iota3A_8, %eq3A_34 : vector<8x256xi32>
    %broadcast_in_dim3A_36 = vector.shape_cast %broadcast_in_dim3A_32 : vector<8x1xi32> to vector<8x1xi32>
    %broadcast_in_dim3A_37 = vector.broadcast %broadcast_in_dim3A_36 : vector<8x1xi32> to vector<8x256xi32>
    %select_n3A_38 = arith.select %eq3A_35, %broadcast_in_dim3A_37, %scan3A_17#4 : vector<8x256xi1>, vector<8x256xi32>
    %swap3A = arith.constant 0 : index
    %swap3A_39 = arith.constant 0 : index
    %swap3A_40 = vector.load %arg3[%swap3A, %swap3A_39] : memref<8x256xi32, #tpu.memory_space<vmem>>, vector<8x256xi32>
    tpu.vector_store %arg3[%swap3A, %swap3A_39], %select_n3A_38 {strides = array<i32>} : memref<8x256xi32, #tpu.memory_space<vmem>>, vector<8x256xi32>,
    return
  }
}

module attributes {stable_mosaic.version = 14 : i64} {
  func.func @_mlp_body_t(%arg0: i32, %arg1: memref<256x512xf32, #tpu.memory_space<vmem>>, %arg2: memref<32x512xi32, #tpu.memory_space<vmem>>, %arg3: memref<32x8xf32, #tpu.memory_space<vmem>>, %arg4: memref<32x1xf32, #tpu.memory_space<vmem>>, %arg5: memref<32x32xf32, #tpu.memory_space<vmem>>, %arg6: memref<32x1xf32, #tpu.memory_space<vmem>>, %arg7: memref<64x32xf32, #tpu.memory_space<vmem>>, %arg8: memref<64x1xf32, #tpu.memory_space<vmem>>, %arg9: memref<64x512xf32, #tpu.memory_space<vmem>>, %arg10: memref<512x64xf32, #tpu.memory_space<vmem>>) attributes {dimension_semantics = [#tpu.dimension_semantics<arbitrary>], iteration_bounds = array<i64: 16>, scalar_prefetch = 0 : i64, scratch_operands = 0 : i64, tpu.core_type = #tpu.core_type<tc>, window_params = [{transform_indices = @transform_0, window_bounds = array<i64: 256, 512>}, {transform_indices = @transform_1, window_bounds = array<i64: 32, 512>}, {pipeline_mode = #tpu.pipeline_mode<synchronous>, transform_indices = @transform_2, window_bounds = array<i64: 32, 8>}, {pipeline_mode = #tpu.pipeline_mode<synchronous>, transform_indices = @transform_3, window_bounds = array<i64: 32, 1>}, {pipeline_mode = #tpu.pipeline_mode<synchronous>, transform_indices = @transform_4, window_bounds = array<i64: 32, 32>}, {pipeline_mode = #tpu.pipeline_mode<synchronous>, transform_indices = @transform_5, window_bounds = array<i64: 32, 1>}, {pipeline_mode = #tpu.pipeline_mode<synchronous>, transform_indices = @transform_6, window_bounds = array<i64: 64, 32>}, {pipeline_mode = #tpu.pipeline_mode<synchronous>, transform_indices = @transform_7, window_bounds = array<i64: 64, 1>}, {transform_indices = @transform_8, window_bounds = array<i64: 64, 512>}, {transform_indices = @transform_9, window_bounds = array<i64: 512, 64>}]} {
    %get3A = arith.constant 0 : index
    %get3A_0 = arith.constant 0 : index
    %get3A_1 = vector.load %arg3[%get3A, %get3A_0] : memref<32x8xf32, #tpu.memory_space<vmem>>, vector<32x8xf32>
    %get3A_2 = arith.constant 0 : index
    %get3A_3 = arith.constant 0 : index
    %get3A_4 = vector.load %arg5[%get3A_2, %get3A_3] : memref<32x32xf32, #tpu.memory_space<vmem>>, vector<32x32xf32>
    %get3A_5 = arith.constant 0 : index
    %get3A_6 = arith.constant 0 : index
    %get3A_7 = vector.load %arg7[%get3A_5, %get3A_6] : memref<64x32xf32, #tpu.memory_space<vmem>>, vector<64x32xf32>
    %get3A_8 = arith.constant 0 : index
    %get3A_9 = arith.constant 0 : index
    %get3A_10 = vector.load %arg4[%get3A_8, %get3A_9] : memref<32x1xf32, #tpu.memory_space<vmem>>, vector<32x1xf32>
    %get3A_11 = arith.constant 0 : index
    %get3A_12 = arith.constant 0 : index
    %get3A_13 = vector.load %arg6[%get3A_11, %get3A_12] : memref<32x1xf32, #tpu.memory_space<vmem>>, vector<32x1xf32>
    %get3A_14 = arith.constant 0 : index
    %get3A_15 = arith.constant 0 : index
    %get3A_16 = vector.load %arg8[%get3A_14, %get3A_15] : memref<64x1xf32, #tpu.memory_space<vmem>>, vector<64x1xf32>
    %get3A_17 = arith.constant 0 : index
    %get3A_18 = arith.constant 0 : index
    %get3A_19 = vector.load %arg1[%get3A_17, %get3A_18] : memref<256x512xf32, #tpu.memory_space<vmem>>, vector<8x512xf32>
    %dot_general3A = arith.constant dense<0.000000e+00> : vector<32x512xf32>
    %dot_general3A_20 = tpu.matmul %get3A_1, %get3A_19, %dot_general3A {dimension_numbers = #tpu.dot_dimension_numbers<[1], [0], [0], [1], [0, 0, 1, 1], [], []>, transpose_lhs_hint = false} : vector<32x8xf32>, vector<8x512xf32>, vector<32x512xf32> -> vector<32x512xf32>
    %add3A = vector.broadcast %get3A_10 : vector<32x1xf32> to vector<32x512xf32>
    %add3A_21 = arith.addf %dot_general3A_20, %add3A : vector<32x512xf32>
    %max3A = arith.constant 0.000000e+00 : f32
    %max3A_22 = vector.broadcast %max3A : f32 to vector<32x512xf32>
    %max3A_23 = arith.maximumf %add3A_21, %max3A_22 : vector<32x512xf32>
    %dot_general3A_24 = arith.constant dense<0.000000e+00> : vector<32x512xf32>
    %dot_general3A_25 = tpu.matmul %get3A_4, %max3A_23, %dot_general3A_24 {dimension_numbers = #tpu.dot_dimension_numbers<[1], [0], [0], [1], [0, 0, 1, 1], [], []>, transpose_lhs_hint = false} : vector<32x32xf32>, vector<32x512xf32>, vector<32x512xf32> -> vector<32x512xf32>
    %add3A_26 = vector.broadcast %get3A_13 : vector<32x1xf32> to vector<32x512xf32>
    %add3A_27 = arith.addf %dot_general3A_25, %add3A_26 : vector<32x512xf32>
    %max3A_28 = arith.constant 0.000000e+00 : f32
    %max3A_29 = vector.broadcast %max3A_28 : f32 to vector<32x512xf32>
    %max3A_30 = arith.maximumf %add3A_27, %max3A_29 : vector<32x512xf32>
    %dot_general3A_31 = arith.constant dense<0.000000e+00> : vector<64x512xf32>
    %dot_general3A_32 = tpu.matmul %get3A_7, %max3A_30, %dot_general3A_31 {dimension_numbers = #tpu.dot_dimension_numbers<[1], [0], [0], [1], [0, 0, 1, 1], [], []>, transpose_lhs_hint = false} : vector<64x32xf32>, vector<32x512xf32>, vector<64x512xf32> -> vector<64x512xf32>
    %add3A_33 = vector.broadcast %get3A_16 : vector<64x1xf32> to vector<64x512xf32>
    %add3A_34 = arith.addf %dot_general3A_32, %add3A_33 : vector<64x512xf32>
    %max3A_35 = arith.constant 0.000000e+00 : f32
    %max3A_36 = vector.broadcast %max3A_35 : f32 to vector<64x512xf32>
    %max3A_37 = arith.maximumf %add3A_34, %max3A_36 : vector<64x512xf32>
    %get3A_38 = arith.constant 0 : index
    %get3A_39 = arith.constant 0 : index
    %get3A_40 = vector.load %arg2[%get3A_38, %get3A_39] : memref<32x512xi32, #tpu.memory_space<vmem>>, vector<1x512xi32>
    %gt3A = arith.constant 0 : i32
    %gt3A_41 = vector.broadcast %gt3A : i32 to vector<1x512xi32>
    %gt3A_42 = arith.cmpi sgt, %get3A_40, %gt3A_41 : vector<1x512xi32>
    %jit3A = arith.constant 0.000000e+00 : f32
    %broadcast_in_dim3A = vector.shape_cast %gt3A_42 : vector<1x512xi1> to vector<1x512xi1>
    %broadcast_in_dim3A_43 = vector.broadcast %broadcast_in_dim3A : vector<1x512xi1> to vector<64x512xi1>
    %broadcast_in_dim3A_44 = vector.broadcast %jit3A : f32 to vector<64x512xf32>
    %select_n3A = arith.select %broadcast_in_dim3A_43, %max3A_37, %broadcast_in_dim3A_44 : vector<64x512xi1>, vector<64x512xf32>
    %get3A_45 = arith.constant 8 : index
    %get3A_46 = arith.constant 0 : index
    %get3A_47 = vector.load %arg1[%get3A_45, %get3A_46] : memref<256x512xf32, #tpu.memory_space<vmem>>, vector<8x512xf32>
    %dot_general3A_48 = arith.constant dense<0.000000e+00> : vector<32x512xf32>
    %dot_general3A_49 = tpu.matmul %get3A_1, %get3A_47, %dot_general3A_48 {dimension_numbers = #tpu.dot_dimension_numbers<[1], [0], [0], [1], [0, 0, 1, 1], [], []>, transpose_lhs_hint = false} : vector<32x8xf32>, vector<8x512xf32>, vector<32x512xf32> -> vector<32x512xf32>
    %add3A_50 = vector.broadcast %get3A_10 : vector<32x1xf32> to vector<32x512xf32>
    %add3A_51 = arith.addf %dot_general3A_49, %add3A_50 : vector<32x512xf32>
    %max3A_52 = arith.constant 0.000000e+00 : f32
    %max3A_53 = vector.broadcast %max3A_52 : f32 to vector<32x512xf32>
    %max3A_54 = arith.maximumf %add3A_51, %max3A_53 : vector<32x512xf32>
    %dot_general3A_55 = arith.constant dense<0.000000e+00> : vector<32x512xf32>
    %dot_general3A_56 = tpu.matmul %get3A_4, %max3A_54, %dot_general3A_55 {dimension_numbers = #tpu.dot_dimension_numbers<[1], [0], [0], [1], [0, 0, 1, 1], [], []>, transpose_lhs_hint = false} : vector<32x32xf32>, vector<32x512xf32>, vector<32x512xf32> -> vector<32x512xf32>
    %add3A_57 = vector.broadcast %get3A_13 : vector<32x1xf32> to vector<32x512xf32>
    %add3A_58 = arith.addf %dot_general3A_56, %add3A_57 : vector<32x512xf32>
    %max3A_59 = arith.constant 0.000000e+00 : f32
    %max3A_60 = vector.broadcast %max3A_59 : f32 to vector<32x512xf32>
    %max3A_61 = arith.maximumf %add3A_58, %max3A_60 : vector<32x512xf32>
    %dot_general3A_62 = arith.constant dense<0.000000e+00> : vector<64x512xf32>
    %dot_general3A_63 = tpu.matmul %get3A_7, %max3A_61, %dot_general3A_62 {dimension_numbers = #tpu.dot_dimension_numbers<[1], [0], [0], [1], [0, 0, 1, 1], [], []>, transpose_lhs_hint = false} : vector<64x32xf32>, vector<32x512xf32>, vector<64x512xf32> -> vector<64x512xf32>
    %add3A_64 = vector.broadcast %get3A_16 : vector<64x1xf32> to vector<64x512xf32>
    %add3A_65 = arith.addf %dot_general3A_63, %add3A_64 : vector<64x512xf32>
    %max3A_66 = arith.constant 0.000000e+00 : f32
    %max3A_67 = vector.broadcast %max3A_66 : f32 to vector<64x512xf32>
    %max3A_68 = arith.maximumf %add3A_65, %max3A_67 : vector<64x512xf32>
    %get3A_69 = arith.constant 1 : index
    %get3A_70 = arith.constant 0 : index
    %get3A_71 = vector.load %arg2[%get3A_69, %get3A_70] : memref<32x512xi32, #tpu.memory_space<vmem>>, vector<1x512xi32>
    %gt3A_72 = arith.constant 0 : i32
    %gt3A_73 = vector.broadcast %gt3A_72 : i32 to vector<1x512xi32>
    %gt3A_74 = arith.cmpi sgt, %get3A_71, %gt3A_73 : vector<1x512xi32>
    %jit3A_75 = arith.constant 0.000000e+00 : f32
    %broadcast_in_dim3A_76 = vector.shape_cast %gt3A_74 : vector<1x512xi1> to vector<1x512xi1>
    %broadcast_in_dim3A_77 = vector.broadcast %broadcast_in_dim3A_76 : vector<1x512xi1> to vector<64x512xi1>
    %broadcast_in_dim3A_78 = vector.broadcast %jit3A_75 : f32 to vector<64x512xf32>
    %select_n3A_79 = arith.select %broadcast_in_dim3A_77, %max3A_68, %broadcast_in_dim3A_78 : vector<64x512xi1>, vector<64x512xf32>
    %max3A_80 = arith.maximumf %select_n3A, %select_n3A_79 : vector<64x512xf32>
    %get3A_81 = arith.constant 16 : index
    %get3A_82 = arith.constant 0 : index
    %get3A_83 = vector.load %arg1[%get3A_81, %get3A_82] : memref<256x512xf32, #tpu.memory_space<vmem>>, vector<8x512xf32>
    %dot_general3A_84 = arith.constant dense<0.000000e+00> : vector<32x512xf32>
    %dot_general3A_85 = tpu.matmul %get3A_1, %get3A_83, %dot_general3A_84 {dimension_numbers = #tpu.dot_dimension_numbers<[1], [0], [0], [1], [0, 0, 1, 1], [], []>, transpose_lhs_hint = false} : vector<32x8xf32>, vector<8x512xf32>, vector<32x512xf32> -> vector<32x512xf32>
    %add3A_86 = vector.broadcast %get3A_10 : vector<32x1xf32> to vector<32x512xf32>
    %add3A_87 = arith.addf %dot_general3A_85, %add3A_86 : vector<32x512xf32>
    %max3A_88 = arith.constant 0.000000e+00 : f32
    %max3A_89 = vector.broadcast %max3A_88 : f32 to vector<32x512xf32>
    %max3A_90 = arith.maximumf %add3A_87, %max3A_89 : vector<32x512xf32>
    %dot_general3A_91 = arith.constant dense<0.000000e+00> : vector<32x512xf32>
    %dot_general3A_92 = tpu.matmul %get3A_4, %max3A_90, %dot_general3A_91 {dimension_numbers = #tpu.dot_dimension_numbers<[1], [0], [0], [1], [0, 0, 1, 1], [], []>, transpose_lhs_hint = false} : vector<32x32xf32>, vector<32x512xf32>, vector<32x512xf32> -> vector<32x512xf32>
    %add3A_93 = vector.broadcast %get3A_13 : vector<32x1xf32> to vector<32x512xf32>
    %add3A_94 = arith.addf %dot_general3A_92, %add3A_93 : vector<32x512xf32>
    %max3A_95 = arith.constant 0.000000e+00 : f32
    %max3A_96 = vector.broadcast %max3A_95 : f32 to vector<32x512xf32>
    %max3A_97 = arith.maximumf %add3A_94, %max3A_96 : vector<32x512xf32>
    %dot_general3A_98 = arith.constant dense<0.000000e+00> : vector<64x512xf32>
    %dot_general3A_99 = tpu.matmul %get3A_7, %max3A_97, %dot_general3A_98 {dimension_numbers = #tpu.dot_dimension_numbers<[1], [0], [0], [1], [0, 0, 1, 1], [], []>, transpose_lhs_hint = false} : vector<64x32xf32>, vector<32x512xf32>, vector<64x512xf32> -> vector<64x512xf32>
    %add3A_100 = vector.broadcast %get3A_16 : vector<64x1xf32> to vector<64x512xf32>
    %add3A_101 = arith.addf %dot_general3A_99, %add3A_100 : vector<64x512xf32>
    %max3A_102 = arith.constant 0.000000e+00 : f32
    %max3A_103 = vector.broadcast %max3A_102 : f32 to vector<64x512xf32>
    %max3A_104 = arith.maximumf %add3A_101, %max3A_103 : vector<64x512xf32>
    %get3A_105 = arith.constant 2 : index
    %get3A_106 = arith.constant 0 : index
    %get3A_107 = vector.load %arg2[%get3A_105, %get3A_106] : memref<32x512xi32, #tpu.memory_space<vmem>>, vector<1x512xi32>
    %gt3A_108 = arith.constant 0 : i32
    %gt3A_109 = vector.broadcast %gt3A_108 : i32 to vector<1x512xi32>
    %gt3A_110 = arith.cmpi sgt, %get3A_107, %gt3A_109 : vector<1x512xi32>
    %jit3A_111 = arith.constant 0.000000e+00 : f32
    %broadcast_in_dim3A_112 = vector.shape_cast %gt3A_110 : vector<1x512xi1> to vector<1x512xi1>
    %broadcast_in_dim3A_113 = vector.broadcast %broadcast_in_dim3A_112 : vector<1x512xi1> to vector<64x512xi1>
    %broadcast_in_dim3A_114 = vector.broadcast %jit3A_111 : f32 to vector<64x512xf32>
    %select_n3A_115 = arith.select %broadcast_in_dim3A_113, %max3A_104, %broadcast_in_dim3A_114 : vector<64x512xi1>, vector<64x512xf32>
    %max3A_116 = arith.maximumf %max3A_80, %select_n3A_115 : vector<64x512xf32>
    %get3A_117 = arith.constant 24 : index
    %get3A_118 = arith.constant 0 : index
    %get3A_119 = vector.load %arg1[%get3A_117, %get3A_118] : memref<256x512xf32, #tpu.memory_space<vmem>>, vector<8x512xf32>
    %dot_general3A_120 = arith.constant dense<0.000000e+00> : vector<32x512xf32>
    %dot_general3A_121 = tpu.matmul %get3A_1, %get3A_119, %dot_general3A_120 {dimension_numbers = #tpu.dot_dimension_numbers<[1], [0], [0], [1], [0, 0, 1, 1], [], []>, transpose_lhs_hint = false} : vector<32x8xf32>, vector<8x512xf32>, vector<32x512xf32> -> vector<32x512xf32>
    %add3A_122 = vector.broadcast %get3A_10 : vector<32x1xf32> to vector<32x512xf32>
    %add3A_123 = arith.addf %dot_general3A_121, %add3A_122 : vector<32x512xf32>
    %max3A_124 = arith.constant 0.000000e+00 : f32
    %max3A_125 = vector.broadcast %max3A_124 : f32 to vector<32x512xf32>
    %max3A_126 = arith.maximumf %add3A_123, %max3A_125 : vector<32x512xf32>
    %dot_general3A_127 = arith.constant dense<0.000000e+00> : vector<32x512xf32>
    %dot_general3A_128 = tpu.matmul %get3A_4, %max3A_126, %dot_general3A_127 {dimension_numbers = #tpu.dot_dimension_numbers<[1], [0], [0], [1], [0, 0, 1, 1], [], []>, transpose_lhs_hint = false} : vector<32x32xf32>, vector<32x512xf32>, vector<32x512xf32> -> vector<32x512xf32>
    %add3A_129 = vector.broadcast %get3A_13 : vector<32x1xf32> to vector<32x512xf32>
    %add3A_130 = arith.addf %dot_general3A_128, %add3A_129 : vector<32x512xf32>
    %max3A_131 = arith.constant 0.000000e+00 : f32
    %max3A_132 = vector.broadcast %max3A_131 : f32 to vector<32x512xf32>
    %max3A_133 = arith.maximumf %add3A_130, %max3A_132 : vector<32x512xf32>
    %dot_general3A_134 = arith.constant dense<0.000000e+00> : vector<64x512xf32>
    %dot_general3A_135 = tpu.matmul %get3A_7, %max3A_133, %dot_general3A_134 {dimension_numbers = #tpu.dot_dimension_numbers<[1], [0], [0], [1], [0, 0, 1, 1], [], []>, transpose_lhs_hint = false} : vector<64x32xf32>, vector<32x512xf32>, vector<64x512xf32> -> vector<64x512xf32>
    %add3A_136 = vector.broadcast %get3A_16 : vector<64x1xf32> to vector<64x512xf32>
    %add3A_137 = arith.addf %dot_general3A_135, %add3A_136 : vector<64x512xf32>
    %max3A_138 = arith.constant 0.000000e+00 : f32
    %max3A_139 = vector.broadcast %max3A_138 : f32 to vector<64x512xf32>
    %max3A_140 = arith.maximumf %add3A_137, %max3A_139 : vector<64x512xf32>
    %get3A_141 = arith.constant 3 : index
    %get3A_142 = arith.constant 0 : index
    %get3A_143 = vector.load %arg2[%get3A_141, %get3A_142] : memref<32x512xi32, #tpu.memory_space<vmem>>, vector<1x512xi32>
    %gt3A_144 = arith.constant 0 : i32
    %gt3A_145 = vector.broadcast %gt3A_144 : i32 to vector<1x512xi32>
    %gt3A_146 = arith.cmpi sgt, %get3A_143, %gt3A_145 : vector<1x512xi32>
    %jit3A_147 = arith.constant 0.000000e+00 : f32
    %broadcast_in_dim3A_148 = vector.shape_cast %gt3A_146 : vector<1x512xi1> to vector<1x512xi1>
    %broadcast_in_dim3A_149 = vector.broadcast %broadcast_in_dim3A_148 : vector<1x512xi1> to vector<64x512xi1>
    %broadcast_in_dim3A_150 = vector.broadcast %jit3A_147 : f32 to vector<64x512xf32>
    %select_n3A_151 = arith.select %broadcast_in_dim3A_149, %max3A_140, %broadcast_in_dim3A_150 : vector<64x512xi1>, vector<64x512xf32>
    %max3A_152 = arith.maximumf %max3A_116, %select_n3A_151 : vector<64x512xf32>
    %get3A_153 = arith.constant 32 : index
    %get3A_154 = arith.constant 0 : index
    %get3A_155 = vector.load %arg1[%get3A_153, %get3A_154] : memref<256x512xf32, #tpu.memory_space<vmem>>, vector<8x512xf32>
    %dot_general3A_156 = arith.constant dense<0.000000e+00> : vector<32x512xf32>
    %dot_general3A_157 = tpu.matmul %get3A_1, %get3A_155, %dot_general3A_156 {dimension_numbers = #tpu.dot_dimension_numbers<[1], [0], [0], [1], [0, 0, 1, 1], [], []>, transpose_lhs_hint = false} : vector<32x8xf32>, vector<8x512xf32>, vector<32x512xf32> -> vector<32x512xf32>
    %add3A_158 = vector.broadcast %get3A_10 : vector<32x1xf32> to vector<32x512xf32>
    %add3A_159 = arith.addf %dot_general3A_157, %add3A_158 : vector<32x512xf32>
    %max3A_160 = arith.constant 0.000000e+00 : f32
    %max3A_161 = vector.broadcast %max3A_160 : f32 to vector<32x512xf32>
    %max3A_162 = arith.maximumf %add3A_159, %max3A_161 : vector<32x512xf32>
    %dot_general3A_163 = arith.constant dense<0.000000e+00> : vector<32x512xf32>
    %dot_general3A_164 = tpu.matmul %get3A_4, %max3A_162, %dot_general3A_163 {dimension_numbers = #tpu.dot_dimension_numbers<[1], [0], [0], [1], [0, 0, 1, 1], [], []>, transpose_lhs_hint = false} : vector<32x32xf32>, vector<32x512xf32>, vector<32x512xf32> -> vector<32x512xf32>
    %add3A_165 = vector.broadcast %get3A_13 : vector<32x1xf32> to vector<32x512xf32>
    %add3A_166 = arith.addf %dot_general3A_164, %add3A_165 : vector<32x512xf32>
    %max3A_167 = arith.constant 0.000000e+00 : f32
    %max3A_168 = vector.broadcast %max3A_167 : f32 to vector<32x512xf32>
    %max3A_169 = arith.maximumf %add3A_166, %max3A_168 : vector<32x512xf32>
    %dot_general3A_170 = arith.constant dense<0.000000e+00> : vector<64x512xf32>
    %dot_general3A_171 = tpu.matmul %get3A_7, %max3A_169, %dot_general3A_170 {dimension_numbers = #tpu.dot_dimension_numbers<[1], [0], [0], [1], [0, 0, 1, 1], [], []>, transpose_lhs_hint = false} : vector<64x32xf32>, vector<32x512xf32>, vector<64x512xf32> -> vector<64x512xf32>
    %add3A_172 = vector.broadcast %get3A_16 : vector<64x1xf32> to vector<64x512xf32>
    %add3A_173 = arith.addf %dot_general3A_171, %add3A_172 : vector<64x512xf32>
    %max3A_174 = arith.constant 0.000000e+00 : f32
    %max3A_175 = vector.broadcast %max3A_174 : f32 to vector<64x512xf32>
    %max3A_176 = arith.maximumf %add3A_173, %max3A_175 : vector<64x512xf32>
    %get3A_177 = arith.constant 4 : index
    %get3A_178 = arith.constant 0 : index
    %get3A_179 = vector.load %arg2[%get3A_177, %get3A_178] : memref<32x512xi32, #tpu.memory_space<vmem>>, vector<1x512xi32>
    %gt3A_180 = arith.constant 0 : i32
    %gt3A_181 = vector.broadcast %gt3A_180 : i32 to vector<1x512xi32>
    %gt3A_182 = arith.cmpi sgt, %get3A_179, %gt3A_181 : vector<1x512xi32>
    %jit3A_183 = arith.constant 0.000000e+00 : f32
    %broadcast_in_dim3A_184 = vector.shape_cast %gt3A_182 : vector<1x512xi1> to vector<1x512xi1>
    %broadcast_in_dim3A_185 = vector.broadcast %broadcast_in_dim3A_184 : vector<1x512xi1> to vector<64x512xi1>
    %broadcast_in_dim3A_186 = vector.broadcast %jit3A_183 : f32 to vector<64x512xf32>
    %select_n3A_187 = arith.select %broadcast_in_dim3A_185, %max3A_176, %broadcast_in_dim3A_186 : vector<64x512xi1>, vector<64x512xf32>
    %max3A_188 = arith.maximumf %max3A_152, %select_n3A_187 : vector<64x512xf32>
    %get3A_189 = arith.constant 40 : index
    %get3A_190 = arith.constant 0 : index
    %get3A_191 = vector.load %arg1[%get3A_189, %get3A_190] : memref<256x512xf32, #tpu.memory_space<vmem>>, vector<8x512xf32>
    %dot_general3A_192 = arith.constant dense<0.000000e+00> : vector<32x512xf32>
    %dot_general3A_193 = tpu.matmul %get3A_1, %get3A_191, %dot_general3A_192 {dimension_numbers = #tpu.dot_dimension_numbers<[1], [0], [0], [1], [0, 0, 1, 1], [], []>, transpose_lhs_hint = false} : vector<32x8xf32>, vector<8x512xf32>, vector<32x512xf32> -> vector<32x512xf32>
    %add3A_194 = vector.broadcast %get3A_10 : vector<32x1xf32> to vector<32x512xf32>
    %add3A_195 = arith.addf %dot_general3A_193, %add3A_194 : vector<32x512xf32>
    %max3A_196 = arith.constant 0.000000e+00 : f32
    %max3A_197 = vector.broadcast %max3A_196 : f32 to vector<32x512xf32>
    %max3A_198 = arith.maximumf %add3A_195, %max3A_197 : vector<32x512xf32>
    %dot_general3A_199 = arith.constant dense<0.000000e+00> : vector<32x512xf32>
    %dot_general3A_200 = tpu.matmul %get3A_4, %max3A_198, %dot_general3A_199 {dimension_numbers = #tpu.dot_dimension_numbers<[1], [0], [0], [1], [0, 0, 1, 1], [], []>, transpose_lhs_hint = false} : vector<32x32xf32>, vector<32x512xf32>, vector<32x512xf32> -> vector<32x512xf32>
    %add3A_201 = vector.broadcast %get3A_13 : vector<32x1xf32> to vector<32x512xf32>
    %add3A_202 = arith.addf %dot_general3A_200, %add3A_201 : vector<32x512xf32>
    %max3A_203 = arith.constant 0.000000e+00 : f32
    %max3A_204 = vector.broadcast %max3A_203 : f32 to vector<32x512xf32>
    %max3A_205 = arith.maximumf %add3A_202, %max3A_204 : vector<32x512xf32>
    %dot_general3A_206 = arith.constant dense<0.000000e+00> : vector<64x512xf32>
    %dot_general3A_207 = tpu.matmul %get3A_7, %max3A_205, %dot_general3A_206 {dimension_numbers = #tpu.dot_dimension_numbers<[1], [0], [0], [1], [0, 0, 1, 1], [], []>, transpose_lhs_hint = false} : vector<64x32xf32>, vector<32x512xf32>, vector<64x512xf32> -> vector<64x512xf32>
    %add3A_208 = vector.broadcast %get3A_16 : vector<64x1xf32> to vector<64x512xf32>
    %add3A_209 = arith.addf %dot_general3A_207, %add3A_208 : vector<64x512xf32>
    %max3A_210 = arith.constant 0.000000e+00 : f32
    %max3A_211 = vector.broadcast %max3A_210 : f32 to vector<64x512xf32>
    %max3A_212 = arith.maximumf %add3A_209, %max3A_211 : vector<64x512xf32>
    %get3A_213 = arith.constant 5 : index
    %get3A_214 = arith.constant 0 : index
    %get3A_215 = vector.load %arg2[%get3A_213, %get3A_214] : memref<32x512xi32, #tpu.memory_space<vmem>>, vector<1x512xi32>
    %gt3A_216 = arith.constant 0 : i32
    %gt3A_217 = vector.broadcast %gt3A_216 : i32 to vector<1x512xi32>
    %gt3A_218 = arith.cmpi sgt, %get3A_215, %gt3A_217 : vector<1x512xi32>
    %jit3A_219 = arith.constant 0.000000e+00 : f32
    %broadcast_in_dim3A_220 = vector.shape_cast %gt3A_218 : vector<1x512xi1> to vector<1x512xi1>
    %broadcast_in_dim3A_221 = vector.broadcast %broadcast_in_dim3A_220 : vector<1x512xi1> to vector<64x512xi1>
    %broadcast_in_dim3A_222 = vector.broadcast %jit3A_219 : f32 to vector<64x512xf32>
    %select_n3A_223 = arith.select %broadcast_in_dim3A_221, %max3A_212, %broadcast_in_dim3A_222 : vector<64x512xi1>, vector<64x512xf32>
    %max3A_224 = arith.maximumf %max3A_188, %select_n3A_223 : vector<64x512xf32>
    %get3A_225 = arith.constant 48 : index
    %get3A_226 = arith.constant 0 : index
    %get3A_227 = vector.load %arg1[%get3A_225, %get3A_226] : memref<256x512xf32, #tpu.memory_space<vmem>>, vector<8x512xf32>
    %dot_general3A_228 = arith.constant dense<0.000000e+00> : vector<32x512xf32>
    %dot_general3A_229 = tpu.matmul %get3A_1, %get3A_227, %dot_general3A_228 {dimension_numbers = #tpu.dot_dimension_numbers<[1], [0], [0], [1], [0, 0, 1, 1], [], []>, transpose_lhs_hint = false} : vector<32x8xf32>, vector<8x512xf32>, vector<32x512xf32> -> vector<32x512xf32>
    %add3A_230 = vector.broadcast %get3A_10 : vector<32x1xf32> to vector<32x512xf32>
    %add3A_231 = arith.addf %dot_general3A_229, %add3A_230 : vector<32x512xf32>
    %max3A_232 = arith.constant 0.000000e+00 : f32
    %max3A_233 = vector.broadcast %max3A_232 : f32 to vector<32x512xf32>
    %max3A_234 = arith.maximumf %add3A_231, %max3A_233 : vector<32x512xf32>
    %dot_general3A_235 = arith.constant dense<0.000000e+00> : vector<32x512xf32>
    %dot_general3A_236 = tpu.matmul %get3A_4, %max3A_234, %dot_general3A_235 {dimension_numbers = #tpu.dot_dimension_numbers<[1], [0], [0], [1], [0, 0, 1, 1], [], []>, transpose_lhs_hint = false} : vector<32x32xf32>, vector<32x512xf32>, vector<32x512xf32> -> vector<32x512xf32>
    %add3A_237 = vector.broadcast %get3A_13 : vector<32x1xf32> to vector<32x512xf32>
    %add3A_238 = arith.addf %dot_general3A_236, %add3A_237 : vector<32x512xf32>
    %max3A_239 = arith.constant 0.000000e+00 : f32
    %max3A_240 = vector.broadcast %max3A_239 : f32 to vector<32x512xf32>
    %max3A_241 = arith.maximumf %add3A_238, %max3A_240 : vector<32x512xf32>
    %dot_general3A_242 = arith.constant dense<0.000000e+00> : vector<64x512xf32>
    %dot_general3A_243 = tpu.matmul %get3A_7, %max3A_241, %dot_general3A_242 {dimension_numbers = #tpu.dot_dimension_numbers<[1], [0], [0], [1], [0, 0, 1, 1], [], []>, transpose_lhs_hint = false} : vector<64x32xf32>, vector<32x512xf32>, vector<64x512xf32> -> vector<64x512xf32>
    %add3A_244 = vector.broadcast %get3A_16 : vector<64x1xf32> to vector<64x512xf32>
    %add3A_245 = arith.addf %dot_general3A_243, %add3A_244 : vector<64x512xf32>
    %max3A_246 = arith.constant 0.000000e+00 : f32
    %max3A_247 = vector.broadcast %max3A_246 : f32 to vector<64x512xf32>
    %max3A_248 = arith.maximumf %add3A_245, %max3A_247 : vector<64x512xf32>
    %get3A_249 = arith.constant 6 : index
    %get3A_250 = arith.constant 0 : index
    %get3A_251 = vector.load %arg2[%get3A_249, %get3A_250] : memref<32x512xi32, #tpu.memory_space<vmem>>, vector<1x512xi32>
    %gt3A_252 = arith.constant 0 : i32
    %gt3A_253 = vector.broadcast %gt3A_252 : i32 to vector<1x512xi32>
    %gt3A_254 = arith.cmpi sgt, %get3A_251, %gt3A_253 : vector<1x512xi32>
    %jit3A_255 = arith.constant 0.000000e+00 : f32
    %broadcast_in_dim3A_256 = vector.shape_cast %gt3A_254 : vector<1x512xi1> to vector<1x512xi1>
    %broadcast_in_dim3A_257 = vector.broadcast %broadcast_in_dim3A_256 : vector<1x512xi1> to vector<64x512xi1>
    %broadcast_in_dim3A_258 = vector.broadcast %jit3A_255 : f32 to vector<64x512xf32>
    %select_n3A_259 = arith.select %broadcast_in_dim3A_257, %max3A_248, %broadcast_in_dim3A_258 : vector<64x512xi1>, vector<64x512xf32>
    %max3A_260 = arith.maximumf %max3A_224, %select_n3A_259 : vector<64x512xf32>
    %get3A_261 = arith.constant 56 : index
    %get3A_262 = arith.constant 0 : index
    %get3A_263 = vector.load %arg1[%get3A_261, %get3A_262] : memref<256x512xf32, #tpu.memory_space<vmem>>, vector<8x512xf32>
    %dot_general3A_264 = arith.constant dense<0.000000e+00> : vector<32x512xf32>
    %dot_general3A_265 = tpu.matmul %get3A_1, %get3A_263, %dot_general3A_264 {dimension_numbers = #tpu.dot_dimension_numbers<[1], [0], [0], [1], [0, 0, 1, 1], [], []>, transpose_lhs_hint = false} : vector<32x8xf32>, vector<8x512xf32>, vector<32x512xf32> -> vector<32x512xf32>
    %add3A_266 = vector.broadcast %get3A_10 : vector<32x1xf32> to vector<32x512xf32>
    %add3A_267 = arith.addf %dot_general3A_265, %add3A_266 : vector<32x512xf32>
    %max3A_268 = arith.constant 0.000000e+00 : f32
    %max3A_269 = vector.broadcast %max3A_268 : f32 to vector<32x512xf32>
    %max3A_270 = arith.maximumf %add3A_267, %max3A_269 : vector<32x512xf32>
    %dot_general3A_271 = arith.constant dense<0.000000e+00> : vector<32x512xf32>
    %dot_general3A_272 = tpu.matmul %get3A_4, %max3A_270, %dot_general3A_271 {dimension_numbers = #tpu.dot_dimension_numbers<[1], [0], [0], [1], [0, 0, 1, 1], [], []>, transpose_lhs_hint = false} : vector<32x32xf32>, vector<32x512xf32>, vector<32x512xf32> -> vector<32x512xf32>
    %add3A_273 = vector.broadcast %get3A_13 : vector<32x1xf32> to vector<32x512xf32>
    %add3A_274 = arith.addf %dot_general3A_272, %add3A_273 : vector<32x512xf32>
    %max3A_275 = arith.constant 0.000000e+00 : f32
    %max3A_276 = vector.broadcast %max3A_275 : f32 to vector<32x512xf32>
    %max3A_277 = arith.maximumf %add3A_274, %max3A_276 : vector<32x512xf32>
    %dot_general3A_278 = arith.constant dense<0.000000e+00> : vector<64x512xf32>
    %dot_general3A_279 = tpu.matmul %get3A_7, %max3A_277, %dot_general3A_278 {dimension_numbers = #tpu.dot_dimension_numbers<[1], [0], [0], [1], [0, 0, 1, 1], [], []>, transpose_lhs_hint = false} : vector<64x32xf32>, vector<32x512xf32>, vector<64x512xf32> -> vector<64x512xf32>
    %add3A_280 = vector.broadcast %get3A_16 : vector<64x1xf32> to vector<64x512xf32>
    %add3A_281 = arith.addf %dot_general3A_279, %add3A_280 : vector<64x512xf32>
    %max3A_282 = arith.constant 0.000000e+00 : f32
    %max3A_283 = vector.broadcast %max3A_282 : f32 to vector<64x512xf32>
    %max3A_284 = arith.maximumf %add3A_281, %max3A_283 : vector<64x512xf32>
    %get3A_285 = arith.constant 7 : index
    %get3A_286 = arith.constant 0 : index
    %get3A_287 = vector.load %arg2[%get3A_285, %get3A_286] : memref<32x512xi32, #tpu.memory_space<vmem>>, vector<1x512xi32>
    %gt3A_288 = arith.constant 0 : i32
    %gt3A_289 = vector.broadcast %gt3A_288 : i32 to vector<1x512xi32>
    %gt3A_290 = arith.cmpi sgt, %get3A_287, %gt3A_289 : vector<1x512xi32>
    %jit3A_291 = arith.constant 0.000000e+00 : f32
    %broadcast_in_dim3A_292 = vector.shape_cast %gt3A_290 : vector<1x512xi1> to vector<1x512xi1>
    %broadcast_in_dim3A_293 = vector.broadcast %broadcast_in_dim3A_292 : vector<1x512xi1> to vector<64x512xi1>
    %broadcast_in_dim3A_294 = vector.broadcast %jit3A_291 : f32 to vector<64x512xf32>
    %select_n3A_295 = arith.select %broadcast_in_dim3A_293, %max3A_284, %broadcast_in_dim3A_294 : vector<64x512xi1>, vector<64x512xf32>
    %max3A_296 = arith.maximumf %max3A_260, %select_n3A_295 : vector<64x512xf32>
    %get3A_297 = arith.constant 64 : index
    %get3A_298 = arith.constant 0 : index
    %get3A_299 = vector.load %arg1[%get3A_297, %get3A_298] : memref<256x512xf32, #tpu.memory_space<vmem>>, vector<8x512xf32>
    %dot_general3A_300 = arith.constant dense<0.000000e+00> : vector<32x512xf32>
    %dot_general3A_301 = tpu.matmul %get3A_1, %get3A_299, %dot_general3A_300 {dimension_numbers = #tpu.dot_dimension_numbers<[1], [0], [0], [1], [0, 0, 1, 1], [], []>, transpose_lhs_hint = false} : vector<32x8xf32>, vector<8x512xf32>, vector<32x512xf32> -> vector<32x512xf32>
    %add3A_302 = vector.broadcast %get3A_10 : vector<32x1xf32> to vector<32x512xf32>
    %add3A_303 = arith.addf %dot_general3A_301, %add3A_302 : vector<32x512xf32>
    %max3A_304 = arith.constant 0.000000e+00 : f32
    %max3A_305 = vector.broadcast %max3A_304 : f32 to vector<32x512xf32>
    %max3A_306 = arith.maximumf %add3A_303, %max3A_305 : vector<32x512xf32>
    %dot_general3A_307 = arith.constant dense<0.000000e+00> : vector<32x512xf32>
    %dot_general3A_308 = tpu.matmul %get3A_4, %max3A_306, %dot_general3A_307 {dimension_numbers = #tpu.dot_dimension_numbers<[1], [0], [0], [1], [0, 0, 1, 1], [], []>, transpose_lhs_hint = false} : vector<32x32xf32>, vector<32x512xf32>, vector<32x512xf32> -> vector<32x512xf32>
    %add3A_309 = vector.broadcast %get3A_13 : vector<32x1xf32> to vector<32x512xf32>
    %add3A_310 = arith.addf %dot_general3A_308, %add3A_309 : vector<32x512xf32>
    %max3A_311 = arith.constant 0.000000e+00 : f32
    %max3A_312 = vector.broadcast %max3A_311 : f32 to vector<32x512xf32>
    %max3A_313 = arith.maximumf %add3A_310, %max3A_312 : vector<32x512xf32>
    %dot_general3A_314 = arith.constant dense<0.000000e+00> : vector<64x512xf32>
    %dot_general3A_315 = tpu.matmul %get3A_7, %max3A_313, %dot_general3A_314 {dimension_numbers = #tpu.dot_dimension_numbers<[1], [0], [0], [1], [0, 0, 1, 1], [], []>, transpose_lhs_hint = false} : vector<64x32xf32>, vector<32x512xf32>, vector<64x512xf32> -> vector<64x512xf32>
    %add3A_316 = vector.broadcast %get3A_16 : vector<64x1xf32> to vector<64x512xf32>
    %add3A_317 = arith.addf %dot_general3A_315, %add3A_316 : vector<64x512xf32>
    %max3A_318 = arith.constant 0.000000e+00 : f32
    %max3A_319 = vector.broadcast %max3A_318 : f32 to vector<64x512xf32>
    %max3A_320 = arith.maximumf %add3A_317, %max3A_319 : vector<64x512xf32>
    %get3A_321 = arith.constant 8 : index
    %get3A_322 = arith.constant 0 : index
    %get3A_323 = vector.load %arg2[%get3A_321, %get3A_322] : memref<32x512xi32, #tpu.memory_space<vmem>>, vector<1x512xi32>
    %gt3A_324 = arith.constant 0 : i32
    %gt3A_325 = vector.broadcast %gt3A_324 : i32 to vector<1x512xi32>
    %gt3A_326 = arith.cmpi sgt, %get3A_323, %gt3A_325 : vector<1x512xi32>
    %jit3A_327 = arith.constant 0.000000e+00 : f32
    %broadcast_in_dim3A_328 = vector.shape_cast %gt3A_326 : vector<1x512xi1> to vector<1x512xi1>
    %broadcast_in_dim3A_329 = vector.broadcast %broadcast_in_dim3A_328 : vector<1x512xi1> to vector<64x512xi1>
    %broadcast_in_dim3A_330 = vector.broadcast %jit3A_327 : f32 to vector<64x512xf32>
    %select_n3A_331 = arith.select %broadcast_in_dim3A_329, %max3A_320, %broadcast_in_dim3A_330 : vector<64x512xi1>, vector<64x512xf32>
    %max3A_332 = arith.maximumf %max3A_296, %select_n3A_331 : vector<64x512xf32>
    %get3A_333 = arith.constant 72 : index
    %get3A_334 = arith.constant 0 : index
    %get3A_335 = vector.load %arg1[%get3A_333, %get3A_334] : memref<256x512xf32, #tpu.memory_space<vmem>>, vector<8x512xf32>
    %dot_general3A_336 = arith.constant dense<0.000000e+00> : vector<32x512xf32>
    %dot_general3A_337 = tpu.matmul %get3A_1, %get3A_335, %dot_general3A_336 {dimension_numbers = #tpu.dot_dimension_numbers<[1], [0], [0], [1], [0, 0, 1, 1], [], []>, transpose_lhs_hint = false} : vector<32x8xf32>, vector<8x512xf32>, vector<32x512xf32> -> vector<32x512xf32>
    %add3A_338 = vector.broadcast %get3A_10 : vector<32x1xf32> to vector<32x512xf32>
    %add3A_339 = arith.addf %dot_general3A_337, %add3A_338 : vector<32x512xf32>
    %max3A_340 = arith.constant 0.000000e+00 : f32
    %max3A_341 = vector.broadcast %max3A_340 : f32 to vector<32x512xf32>
    %max3A_342 = arith.maximumf %add3A_339, %max3A_341 : vector<32x512xf32>
    %dot_general3A_343 = arith.constant dense<0.000000e+00> : vector<32x512xf32>
    %dot_general3A_344 = tpu.matmul %get3A_4, %max3A_342, %dot_general3A_343 {dimension_numbers = #tpu.dot_dimension_numbers<[1], [0], [0], [1], [0, 0, 1, 1], [], []>, transpose_lhs_hint = false} : vector<32x32xf32>, vector<32x512xf32>, vector<32x512xf32> -> vector<32x512xf32>
    %add3A_345 = vector.broadcast %get3A_13 : vector<32x1xf32> to vector<32x512xf32>
    %add3A_346 = arith.addf %dot_general3A_344, %add3A_345 : vector<32x512xf32>
    %max3A_347 = arith.constant 0.000000e+00 : f32
    %max3A_348 = vector.broadcast %max3A_347 : f32 to vector<32x512xf32>
    %max3A_349 = arith.maximumf %add3A_346, %max3A_348 : vector<32x512xf32>
    %dot_general3A_350 = arith.constant dense<0.000000e+00> : vector<64x512xf32>
    %dot_general3A_351 = tpu.matmul %get3A_7, %max3A_349, %dot_general3A_350 {dimension_numbers = #tpu.dot_dimension_numbers<[1], [0], [0], [1], [0, 0, 1, 1], [], []>, transpose_lhs_hint = false} : vector<64x32xf32>, vector<32x512xf32>, vector<64x512xf32> -> vector<64x512xf32>
    %add3A_352 = vector.broadcast %get3A_16 : vector<64x1xf32> to vector<64x512xf32>
    %add3A_353 = arith.addf %dot_general3A_351, %add3A_352 : vector<64x512xf32>
    %max3A_354 = arith.constant 0.000000e+00 : f32
    %max3A_355 = vector.broadcast %max3A_354 : f32 to vector<64x512xf32>
    %max3A_356 = arith.maximumf %add3A_353, %max3A_355 : vector<64x512xf32>
    %get3A_357 = arith.constant 9 : index
    %get3A_358 = arith.constant 0 : index
    %get3A_359 = vector.load %arg2[%get3A_357, %get3A_358] : memref<32x512xi32, #tpu.memory_space<vmem>>, vector<1x512xi32>
    %gt3A_360 = arith.constant 0 : i32
    %gt3A_361 = vector.broadcast %gt3A_360 : i32 to vector<1x512xi32>
    %gt3A_362 = arith.cmpi sgt, %get3A_359, %gt3A_361 : vector<1x512xi32>
    %jit3A_363 = arith.constant 0.000000e+00 : f32
    %broadcast_in_dim3A_364 = vector.shape_cast %gt3A_362 : vector<1x512xi1> to vector<1x512xi1>
    %broadcast_in_dim3A_365 = vector.broadcast %broadcast_in_dim3A_364 : vector<1x512xi1> to vector<64x512xi1>
    %broadcast_in_dim3A_366 = vector.broadcast %jit3A_363 : f32 to vector<64x512xf32>
    %select_n3A_367 = arith.select %broadcast_in_dim3A_365, %max3A_356, %broadcast_in_dim3A_366 : vector<64x512xi1>, vector<64x512xf32>
    %max3A_368 = arith.maximumf %max3A_332, %select_n3A_367 : vector<64x512xf32>
    %get3A_369 = arith.constant 80 : index
    %get3A_370 = arith.constant 0 : index
    %get3A_371 = vector.load %arg1[%get3A_369, %get3A_370] : memref<256x512xf32, #tpu.memory_space<vmem>>, vector<8x512xf32>
    %dot_general3A_372 = arith.constant dense<0.000000e+00> : vector<32x512xf32>
    %dot_general3A_373 = tpu.matmul %get3A_1, %get3A_371, %dot_general3A_372 {dimension_numbers = #tpu.dot_dimension_numbers<[1], [0], [0], [1], [0, 0, 1, 1], [], []>, transpose_lhs_hint = false} : vector<32x8xf32>, vector<8x512xf32>, vector<32x512xf32> -> vector<32x512xf32>
    %add3A_374 = vector.broadcast %get3A_10 : vector<32x1xf32> to vector<32x512xf32>
    %add3A_375 = arith.addf %dot_general3A_373, %add3A_374 : vector<32x512xf32>
    %max3A_376 = arith.constant 0.000000e+00 : f32
    %max3A_377 = vector.broadcast %max3A_376 : f32 to vector<32x512xf32>
    %max3A_378 = arith.maximumf %add3A_375, %max3A_377 : vector<32x512xf32>
    %dot_general3A_379 = arith.constant dense<0.000000e+00> : vector<32x512xf32>
    %dot_general3A_380 = tpu.matmul %get3A_4, %max3A_378, %dot_general3A_379 {dimension_numbers = #tpu.dot_dimension_numbers<[1], [0], [0], [1], [0, 0, 1, 1], [], []>, transpose_lhs_hint = false} : vector<32x32xf32>, vector<32x512xf32>, vector<32x512xf32> -> vector<32x512xf32>
    %add3A_381 = vector.broadcast %get3A_13 : vector<32x1xf32> to vector<32x512xf32>
    %add3A_382 = arith.addf %dot_general3A_380, %add3A_381 : vector<32x512xf32>
    %max3A_383 = arith.constant 0.000000e+00 : f32
    %max3A_384 = vector.broadcast %max3A_383 : f32 to vector<32x512xf32>
    %max3A_385 = arith.maximumf %add3A_382, %max3A_384 : vector<32x512xf32>
    %dot_general3A_386 = arith.constant dense<0.000000e+00> : vector<64x512xf32>
    %dot_general3A_387 = tpu.matmul %get3A_7, %max3A_385, %dot_general3A_386 {dimension_numbers = #tpu.dot_dimension_numbers<[1], [0], [0], [1], [0, 0, 1, 1], [], []>, transpose_lhs_hint = false} : vector<64x32xf32>, vector<32x512xf32>, vector<64x512xf32> -> vector<64x512xf32>
    %add3A_388 = vector.broadcast %get3A_16 : vector<64x1xf32> to vector<64x512xf32>
    %add3A_389 = arith.addf %dot_general3A_387, %add3A_388 : vector<64x512xf32>
    %max3A_390 = arith.constant 0.000000e+00 : f32
    %max3A_391 = vector.broadcast %max3A_390 : f32 to vector<64x512xf32>
    %max3A_392 = arith.maximumf %add3A_389, %max3A_391 : vector<64x512xf32>
    %get3A_393 = arith.constant 10 : index
    %get3A_394 = arith.constant 0 : index
    %get3A_395 = vector.load %arg2[%get3A_393, %get3A_394] : memref<32x512xi32, #tpu.memory_space<vmem>>, vector<1x512xi32>
    %gt3A_396 = arith.constant 0 : i32
    %gt3A_397 = vector.broadcast %gt3A_396 : i32 to vector<1x512xi32>
    %gt3A_398 = arith.cmpi sgt, %get3A_395, %gt3A_397 : vector<1x512xi32>
    %jit3A_399 = arith.constant 0.000000e+00 : f32
    %broadcast_in_dim3A_400 = vector.shape_cast %gt3A_398 : vector<1x512xi1> to vector<1x512xi1>
    %broadcast_in_dim3A_401 = vector.broadcast %broadcast_in_dim3A_400 : vector<1x512xi1> to vector<64x512xi1>
    %broadcast_in_dim3A_402 = vector.broadcast %jit3A_399 : f32 to vector<64x512xf32>
    %select_n3A_403 = arith.select %broadcast_in_dim3A_401, %max3A_392, %broadcast_in_dim3A_402 : vector<64x512xi1>, vector<64x512xf32>
    %max3A_404 = arith.maximumf %max3A_368, %select_n3A_403 : vector<64x512xf32>
    %get3A_405 = arith.constant 88 : index
    %get3A_406 = arith.constant 0 : index
    %get3A_407 = vector.load %arg1[%get3A_405, %get3A_406] : memref<256x512xf32, #tpu.memory_space<vmem>>, vector<8x512xf32>
    %dot_general3A_408 = arith.constant dense<0.000000e+00> : vector<32x512xf32>
    %dot_general3A_409 = tpu.matmul %get3A_1, %get3A_407, %dot_general3A_408 {dimension_numbers = #tpu.dot_dimension_numbers<[1], [0], [0], [1], [0, 0, 1, 1], [], []>, transpose_lhs_hint = false} : vector<32x8xf32>, vector<8x512xf32>, vector<32x512xf32> -> vector<32x512xf32>
    %add3A_410 = vector.broadcast %get3A_10 : vector<32x1xf32> to vector<32x512xf32>
    %add3A_411 = arith.addf %dot_general3A_409, %add3A_410 : vector<32x512xf32>
    %max3A_412 = arith.constant 0.000000e+00 : f32
    %max3A_413 = vector.broadcast %max3A_412 : f32 to vector<32x512xf32>
    %max3A_414 = arith.maximumf %add3A_411, %max3A_413 : vector<32x512xf32>
    %dot_general3A_415 = arith.constant dense<0.000000e+00> : vector<32x512xf32>
    %dot_general3A_416 = tpu.matmul %get3A_4, %max3A_414, %dot_general3A_415 {dimension_numbers = #tpu.dot_dimension_numbers<[1], [0], [0], [1], [0, 0, 1, 1], [], []>, transpose_lhs_hint = false} : vector<32x32xf32>, vector<32x512xf32>, vector<32x512xf32> -> vector<32x512xf32>
    %add3A_417 = vector.broadcast %get3A_13 : vector<32x1xf32> to vector<32x512xf32>
    %add3A_418 = arith.addf %dot_general3A_416, %add3A_417 : vector<32x512xf32>
    %max3A_419 = arith.constant 0.000000e+00 : f32
    %max3A_420 = vector.broadcast %max3A_419 : f32 to vector<32x512xf32>
    %max3A_421 = arith.maximumf %add3A_418, %max3A_420 : vector<32x512xf32>
    %dot_general3A_422 = arith.constant dense<0.000000e+00> : vector<64x512xf32>
    %dot_general3A_423 = tpu.matmul %get3A_7, %max3A_421, %dot_general3A_422 {dimension_numbers = #tpu.dot_dimension_numbers<[1], [0], [0], [1], [0, 0, 1, 1], [], []>, transpose_lhs_hint = false} : vector<64x32xf32>, vector<32x512xf32>, vector<64x512xf32> -> vector<64x512xf32>
    %add3A_424 = vector.broadcast %get3A_16 : vector<64x1xf32> to vector<64x512xf32>
    %add3A_425 = arith.addf %dot_general3A_423, %add3A_424 : vector<64x512xf32>
    %max3A_426 = arith.constant 0.000000e+00 : f32
    %max3A_427 = vector.broadcast %max3A_426 : f32 to vector<64x512xf32>
    %max3A_428 = arith.maximumf %add3A_425, %max3A_427 : vector<64x512xf32>
    %get3A_429 = arith.constant 11 : index
    %get3A_430 = arith.constant 0 : index
    %get3A_431 = vector.load %arg2[%get3A_429, %get3A_430] : memref<32x512xi32, #tpu.memory_space<vmem>>, vector<1x512xi32>
    %gt3A_432 = arith.constant 0 : i32
    %gt3A_433 = vector.broadcast %gt3A_432 : i32 to vector<1x512xi32>
    %gt3A_434 = arith.cmpi sgt, %get3A_431, %gt3A_433 : vector<1x512xi32>
    %jit3A_435 = arith.constant 0.000000e+00 : f32
    %broadcast_in_dim3A_436 = vector.shape_cast %gt3A_434 : vector<1x512xi1> to vector<1x512xi1>
    %broadcast_in_dim3A_437 = vector.broadcast %broadcast_in_dim3A_436 : vector<1x512xi1> to vector<64x512xi1>
    %broadcast_in_dim3A_438 = vector.broadcast %jit3A_435 : f32 to vector<64x512xf32>
    %select_n3A_439 = arith.select %broadcast_in_dim3A_437, %max3A_428, %broadcast_in_dim3A_438 : vector<64x512xi1>, vector<64x512xf32>
    %max3A_440 = arith.maximumf %max3A_404, %select_n3A_439 : vector<64x512xf32>
    %get3A_441 = arith.constant 96 : index
    %get3A_442 = arith.constant 0 : index
    %get3A_443 = vector.load %arg1[%get3A_441, %get3A_442] : memref<256x512xf32, #tpu.memory_space<vmem>>, vector<8x512xf32>
    %dot_general3A_444 = arith.constant dense<0.000000e+00> : vector<32x512xf32>
    %dot_general3A_445 = tpu.matmul %get3A_1, %get3A_443, %dot_general3A_444 {dimension_numbers = #tpu.dot_dimension_numbers<[1], [0], [0], [1], [0, 0, 1, 1], [], []>, transpose_lhs_hint = false} : vector<32x8xf32>, vector<8x512xf32>, vector<32x512xf32> -> vector<32x512xf32>
    %add3A_446 = vector.broadcast %get3A_10 : vector<32x1xf32> to vector<32x512xf32>
    %add3A_447 = arith.addf %dot_general3A_445, %add3A_446 : vector<32x512xf32>
    %max3A_448 = arith.constant 0.000000e+00 : f32
    %max3A_449 = vector.broadcast %max3A_448 : f32 to vector<32x512xf32>
    %max3A_450 = arith.maximumf %add3A_447, %max3A_449 : vector<32x512xf32>
    %dot_general3A_451 = arith.constant dense<0.000000e+00> : vector<32x512xf32>
    %dot_general3A_452 = tpu.matmul %get3A_4, %max3A_450, %dot_general3A_451 {dimension_numbers = #tpu.dot_dimension_numbers<[1], [0], [0], [1], [0, 0, 1, 1], [], []>, transpose_lhs_hint = false} : vector<32x32xf32>, vector<32x512xf32>, vector<32x512xf32> -> vector<32x512xf32>
    %add3A_453 = vector.broadcast %get3A_13 : vector<32x1xf32> to vector<32x512xf32>
    %add3A_454 = arith.addf %dot_general3A_452, %add3A_453 : vector<32x512xf32>
    %max3A_455 = arith.constant 0.000000e+00 : f32
    %max3A_456 = vector.broadcast %max3A_455 : f32 to vector<32x512xf32>
    %max3A_457 = arith.maximumf %add3A_454, %max3A_456 : vector<32x512xf32>
    %dot_general3A_458 = arith.constant dense<0.000000e+00> : vector<64x512xf32>
    %dot_general3A_459 = tpu.matmul %get3A_7, %max3A_457, %dot_general3A_458 {dimension_numbers = #tpu.dot_dimension_numbers<[1], [0], [0], [1], [0, 0, 1, 1], [], []>, transpose_lhs_hint = false} : vector<64x32xf32>, vector<32x512xf32>, vector<64x512xf32> -> vector<64x512xf32>
    %add3A_460 = vector.broadcast %get3A_16 : vector<64x1xf32> to vector<64x512xf32>
    %add3A_461 = arith.addf %dot_general3A_459, %add3A_460 : vector<64x512xf32>
    %max3A_462 = arith.constant 0.000000e+00 : f32
    %max3A_463 = vector.broadcast %max3A_462 : f32 to vector<64x512xf32>
    %max3A_464 = arith.maximumf %add3A_461, %max3A_463 : vector<64x512xf32>
    %get3A_465 = arith.constant 12 : index
    %get3A_466 = arith.constant 0 : index
    %get3A_467 = vector.load %arg2[%get3A_465, %get3A_466] : memref<32x512xi32, #tpu.memory_space<vmem>>, vector<1x512xi32>
    %gt3A_468 = arith.constant 0 : i32
    %gt3A_469 = vector.broadcast %gt3A_468 : i32 to vector<1x512xi32>
    %gt3A_470 = arith.cmpi sgt, %get3A_467, %gt3A_469 : vector<1x512xi32>
    %jit3A_471 = arith.constant 0.000000e+00 : f32
    %broadcast_in_dim3A_472 = vector.shape_cast %gt3A_470 : vector<1x512xi1> to vector<1x512xi1>
    %broadcast_in_dim3A_473 = vector.broadcast %broadcast_in_dim3A_472 : vector<1x512xi1> to vector<64x512xi1>
    %broadcast_in_dim3A_474 = vector.broadcast %jit3A_471 : f32 to vector<64x512xf32>
    %select_n3A_475 = arith.select %broadcast_in_dim3A_473, %max3A_464, %broadcast_in_dim3A_474 : vector<64x512xi1>, vector<64x512xf32>
    %max3A_476 = arith.maximumf %max3A_440, %select_n3A_475 : vector<64x512xf32>
    %get3A_477 = arith.constant 104 : index
    %get3A_478 = arith.constant 0 : index
    %get3A_479 = vector.load %arg1[%get3A_477, %get3A_478] : memref<256x512xf32, #tpu.memory_space<vmem>>, vector<8x512xf32>
    %dot_general3A_480 = arith.constant dense<0.000000e+00> : vector<32x512xf32>
    %dot_general3A_481 = tpu.matmul %get3A_1, %get3A_479, %dot_general3A_480 {dimension_numbers = #tpu.dot_dimension_numbers<[1], [0], [0], [1], [0, 0, 1, 1], [], []>, transpose_lhs_hint = false} : vector<32x8xf32>, vector<8x512xf32>, vector<32x512xf32> -> vector<32x512xf32>
    %add3A_482 = vector.broadcast %get3A_10 : vector<32x1xf32> to vector<32x512xf32>
    %add3A_483 = arith.addf %dot_general3A_481, %add3A_482 : vector<32x512xf32>
    %max3A_484 = arith.constant 0.000000e+00 : f32
    %max3A_485 = vector.broadcast %max3A_484 : f32 to vector<32x512xf32>
    %max3A_486 = arith.maximumf %add3A_483, %max3A_485 : vector<32x512xf32>
    %dot_general3A_487 = arith.constant dense<0.000000e+00> : vector<32x512xf32>
    %dot_general3A_488 = tpu.matmul %get3A_4, %max3A_486, %dot_general3A_487 {dimension_numbers = #tpu.dot_dimension_numbers<[1], [0], [0], [1], [0, 0, 1, 1], [], []>, transpose_lhs_hint = false} : vector<32x32xf32>, vector<32x512xf32>, vector<32x512xf32> -> vector<32x512xf32>
    %add3A_489 = vector.broadcast %get3A_13 : vector<32x1xf32> to vector<32x512xf32>
    %add3A_490 = arith.addf %dot_general3A_488, %add3A_489 : vector<32x512xf32>
    %max3A_491 = arith.constant 0.000000e+00 : f32
    %max3A_492 = vector.broadcast %max3A_491 : f32 to vector<32x512xf32>
    %max3A_493 = arith.maximumf %add3A_490, %max3A_492 : vector<32x512xf32>
    %dot_general3A_494 = arith.constant dense<0.000000e+00> : vector<64x512xf32>
    %dot_general3A_495 = tpu.matmul %get3A_7, %max3A_493, %dot_general3A_494 {dimension_numbers = #tpu.dot_dimension_numbers<[1], [0], [0], [1], [0, 0, 1, 1], [], []>, transpose_lhs_hint = false} : vector<64x32xf32>, vector<32x512xf32>, vector<64x512xf32> -> vector<64x512xf32>
    %add3A_496 = vector.broadcast %get3A_16 : vector<64x1xf32> to vector<64x512xf32>
    %add3A_497 = arith.addf %dot_general3A_495, %add3A_496 : vector<64x512xf32>
    %max3A_498 = arith.constant 0.000000e+00 : f32
    %max3A_499 = vector.broadcast %max3A_498 : f32 to vector<64x512xf32>
    %max3A_500 = arith.maximumf %add3A_497, %max3A_499 : vector<64x512xf32>
    %get3A_501 = arith.constant 13 : index
    %get3A_502 = arith.constant 0 : index
    %get3A_503 = vector.load %arg2[%get3A_501, %get3A_502] : memref<32x512xi32, #tpu.memory_space<vmem>>, vector<1x512xi32>
    %gt3A_504 = arith.constant 0 : i32
    %gt3A_505 = vector.broadcast %gt3A_504 : i32 to vector<1x512xi32>
    %gt3A_506 = arith.cmpi sgt, %get3A_503, %gt3A_505 : vector<1x512xi32>
    %jit3A_507 = arith.constant 0.000000e+00 : f32
    %broadcast_in_dim3A_508 = vector.shape_cast %gt3A_506 : vector<1x512xi1> to vector<1x512xi1>
    %broadcast_in_dim3A_509 = vector.broadcast %broadcast_in_dim3A_508 : vector<1x512xi1> to vector<64x512xi1>
    %broadcast_in_dim3A_510 = vector.broadcast %jit3A_507 : f32 to vector<64x512xf32>
    %select_n3A_511 = arith.select %broadcast_in_dim3A_509, %max3A_500, %broadcast_in_dim3A_510 : vector<64x512xi1>, vector<64x512xf32>
    %max3A_512 = arith.maximumf %max3A_476, %select_n3A_511 : vector<64x512xf32>
    %get3A_513 = arith.constant 112 : index
    %get3A_514 = arith.constant 0 : index
    %get3A_515 = vector.load %arg1[%get3A_513, %get3A_514] : memref<256x512xf32, #tpu.memory_space<vmem>>, vector<8x512xf32>
    %dot_general3A_516 = arith.constant dense<0.000000e+00> : vector<32x512xf32>
    %dot_general3A_517 = tpu.matmul %get3A_1, %get3A_515, %dot_general3A_516 {dimension_numbers = #tpu.dot_dimension_numbers<[1], [0], [0], [1], [0, 0, 1, 1], [], []>, transpose_lhs_hint = false} : vector<32x8xf32>, vector<8x512xf32>, vector<32x512xf32> -> vector<32x512xf32>
    %add3A_518 = vector.broadcast %get3A_10 : vector<32x1xf32> to vector<32x512xf32>
    %add3A_519 = arith.addf %dot_general3A_517, %add3A_518 : vector<32x512xf32>
    %max3A_520 = arith.constant 0.000000e+00 : f32
    %max3A_521 = vector.broadcast %max3A_520 : f32 to vector<32x512xf32>
    %max3A_522 = arith.maximumf %add3A_519, %max3A_521 : vector<32x512xf32>
    %dot_general3A_523 = arith.constant dense<0.000000e+00> : vector<32x512xf32>
    %dot_general3A_524 = tpu.matmul %get3A_4, %max3A_522, %dot_general3A_523 {dimension_numbers = #tpu.dot_dimension_numbers<[1], [0], [0], [1], [0, 0, 1, 1], [], []>, transpose_lhs_hint = false} : vector<32x32xf32>, vector<32x512xf32>, vector<32x512xf32> -> vector<32x512xf32>
    %add3A_525 = vector.broadcast %get3A_13 : vector<32x1xf32> to vector<32x512xf32>
    %add3A_526 = arith.addf %dot_general3A_524, %add3A_525 : vector<32x512xf32>
    %max3A_527 = arith.constant 0.000000e+00 : f32
    %max3A_528 = vector.broadcast %max3A_527 : f32 to vector<32x512xf32>
    %max3A_529 = arith.maximumf %add3A_526, %max3A_528 : vector<32x512xf32>
    %dot_general3A_530 = arith.constant dense<0.000000e+00> : vector<64x512xf32>
    %dot_general3A_531 = tpu.matmul %get3A_7, %max3A_529, %dot_general3A_530 {dimension_numbers = #tpu.dot_dimension_numbers<[1], [0], [0], [1], [0, 0, 1, 1], [], []>, transpose_lhs_hint = false} : vector<64x32xf32>, vector<32x512xf32>, vector<64x512xf32> -> vector<64x512xf32>
    %add3A_532 = vector.broadcast %get3A_16 : vector<64x1xf32> to vector<64x512xf32>
    %add3A_533 = arith.addf %dot_general3A_531, %add3A_532 : vector<64x512xf32>
    %max3A_534 = arith.constant 0.000000e+00 : f32
    %max3A_535 = vector.broadcast %max3A_534 : f32 to vector<64x512xf32>
    %max3A_536 = arith.maximumf %add3A_533, %max3A_535 : vector<64x512xf32>
    %get3A_537 = arith.constant 14 : index
    %get3A_538 = arith.constant 0 : index
    %get3A_539 = vector.load %arg2[%get3A_537, %get3A_538] : memref<32x512xi32, #tpu.memory_space<vmem>>, vector<1x512xi32>
    %gt3A_540 = arith.constant 0 : i32
    %gt3A_541 = vector.broadcast %gt3A_540 : i32 to vector<1x512xi32>
    %gt3A_542 = arith.cmpi sgt, %get3A_539, %gt3A_541 : vector<1x512xi32>
    %jit3A_543 = arith.constant 0.000000e+00 : f32
    %broadcast_in_dim3A_544 = vector.shape_cast %gt3A_542 : vector<1x512xi1> to vector<1x512xi1>
    %broadcast_in_dim3A_545 = vector.broadcast %broadcast_in_dim3A_544 : vector<1x512xi1> to vector<64x512xi1>
    %broadcast_in_dim3A_546 = vector.broadcast %jit3A_543 : f32 to vector<64x512xf32>
    %select_n3A_547 = arith.select %broadcast_in_dim3A_545, %max3A_536, %broadcast_in_dim3A_546 : vector<64x512xi1>, vector<64x512xf32>
    %max3A_548 = arith.maximumf %max3A_512, %select_n3A_547 : vector<64x512xf32>
    %get3A_549 = arith.constant 120 : index
    %get3A_550 = arith.constant 0 : index
    %get3A_551 = vector.load %arg1[%get3A_549, %get3A_550] : memref<256x512xf32, #tpu.memory_space<vmem>>, vector<8x512xf32>
    %dot_general3A_552 = arith.constant dense<0.000000e+00> : vector<32x512xf32>
    %dot_general3A_553 = tpu.matmul %get3A_1, %get3A_551, %dot_general3A_552 {dimension_numbers = #tpu.dot_dimension_numbers<[1], [0], [0], [1], [0, 0, 1, 1], [], []>, transpose_lhs_hint = false} : vector<32x8xf32>, vector<8x512xf32>, vector<32x512xf32> -> vector<32x512xf32>
    %add3A_554 = vector.broadcast %get3A_10 : vector<32x1xf32> to vector<32x512xf32>
    %add3A_555 = arith.addf %dot_general3A_553, %add3A_554 : vector<32x512xf32>
    %max3A_556 = arith.constant 0.000000e+00 : f32
    %max3A_557 = vector.broadcast %max3A_556 : f32 to vector<32x512xf32>
    %max3A_558 = arith.maximumf %add3A_555, %max3A_557 : vector<32x512xf32>
    %dot_general3A_559 = arith.constant dense<0.000000e+00> : vector<32x512xf32>
    %dot_general3A_560 = tpu.matmul %get3A_4, %max3A_558, %dot_general3A_559 {dimension_numbers = #tpu.dot_dimension_numbers<[1], [0], [0], [1], [0, 0, 1, 1], [], []>, transpose_lhs_hint = false} : vector<32x32xf32>, vector<32x512xf32>, vector<32x512xf32> -> vector<32x512xf32>
    %add3A_561 = vector.broadcast %get3A_13 : vector<32x1xf32> to vector<32x512xf32>
    %add3A_562 = arith.addf %dot_general3A_560, %add3A_561 : vector<32x512xf32>
    %max3A_563 = arith.constant 0.000000e+00 : f32
    %max3A_564 = vector.broadcast %max3A_563 : f32 to vector<32x512xf32>
    %max3A_565 = arith.maximumf %add3A_562, %max3A_564 : vector<32x512xf32>
    %dot_general3A_566 = arith.constant dense<0.000000e+00> : vector<64x512xf32>
    %dot_general3A_567 = tpu.matmul %get3A_7, %max3A_565, %dot_general3A_566 {dimension_numbers = #tpu.dot_dimension_numbers<[1], [0], [0], [1], [0, 0, 1, 1], [], []>, transpose_lhs_hint = false} : vector<64x32xf32>, vector<32x512xf32>, vector<64x512xf32> -> vector<64x512xf32>
    %add3A_568 = vector.broadcast %get3A_16 : vector<64x1xf32> to vector<64x512xf32>
    %add3A_569 = arith.addf %dot_general3A_567, %add3A_568 : vector<64x512xf32>
    %max3A_570 = arith.constant 0.000000e+00 : f32
    %max3A_571 = vector.broadcast %max3A_570 : f32 to vector<64x512xf32>
    %max3A_572 = arith.maximumf %add3A_569, %max3A_571 : vector<64x512xf32>
    %get3A_573 = arith.constant 15 : index
    %get3A_574 = arith.constant 0 : index
    %get3A_575 = vector.load %arg2[%get3A_573, %get3A_574] : memref<32x512xi32, #tpu.memory_space<vmem>>, vector<1x512xi32>
    %gt3A_576 = arith.constant 0 : i32
    %gt3A_577 = vector.broadcast %gt3A_576 : i32 to vector<1x512xi32>
    %gt3A_578 = arith.cmpi sgt, %get3A_575, %gt3A_577 : vector<1x512xi32>
    %jit3A_579 = arith.constant 0.000000e+00 : f32
    %broadcast_in_dim3A_580 = vector.shape_cast %gt3A_578 : vector<1x512xi1> to vector<1x512xi1>
    %broadcast_in_dim3A_581 = vector.broadcast %broadcast_in_dim3A_580 : vector<1x512xi1> to vector<64x512xi1>
    %broadcast_in_dim3A_582 = vector.broadcast %jit3A_579 : f32 to vector<64x512xf32>
    %select_n3A_583 = arith.select %broadcast_in_dim3A_581, %max3A_572, %broadcast_in_dim3A_582 : vector<64x512xi1>, vector<64x512xf32>
    %max3A_584 = arith.maximumf %max3A_548, %select_n3A_583 : vector<64x512xf32>
    %get3A_585 = arith.constant 128 : index
    %get3A_586 = arith.constant 0 : index
    %get3A_587 = vector.load %arg1[%get3A_585, %get3A_586] : memref<256x512xf32, #tpu.memory_space<vmem>>, vector<8x512xf32>
    %dot_general3A_588 = arith.constant dense<0.000000e+00> : vector<32x512xf32>
    %dot_general3A_589 = tpu.matmul %get3A_1, %get3A_587, %dot_general3A_588 {dimension_numbers = #tpu.dot_dimension_numbers<[1], [0], [0], [1], [0, 0, 1, 1], [], []>, transpose_lhs_hint = false} : vector<32x8xf32>, vector<8x512xf32>, vector<32x512xf32> -> vector<32x512xf32>
    %add3A_590 = vector.broadcast %get3A_10 : vector<32x1xf32> to vector<32x512xf32>
    %add3A_591 = arith.addf %dot_general3A_589, %add3A_590 : vector<32x512xf32>
    %max3A_592 = arith.constant 0.000000e+00 : f32
    %max3A_593 = vector.broadcast %max3A_592 : f32 to vector<32x512xf32>
    %max3A_594 = arith.maximumf %add3A_591, %max3A_593 : vector<32x512xf32>
    %dot_general3A_595 = arith.constant dense<0.000000e+00> : vector<32x512xf32>
    %dot_general3A_596 = tpu.matmul %get3A_4, %max3A_594, %dot_general3A_595 {dimension_numbers = #tpu.dot_dimension_numbers<[1], [0], [0], [1], [0, 0, 1, 1], [], []>, transpose_lhs_hint = false} : vector<32x32xf32>, vector<32x512xf32>, vector<32x512xf32> -> vector<32x512xf32>
    %add3A_597 = vector.broadcast %get3A_13 : vector<32x1xf32> to vector<32x512xf32>
    %add3A_598 = arith.addf %dot_general3A_596, %add3A_597 : vector<32x512xf32>
    %max3A_599 = arith.constant 0.000000e+00 : f32
    %max3A_600 = vector.broadcast %max3A_599 : f32 to vector<32x512xf32>
    %max3A_601 = arith.maximumf %add3A_598, %max3A_600 : vector<32x512xf32>
    %dot_general3A_602 = arith.constant dense<0.000000e+00> : vector<64x512xf32>
    %dot_general3A_603 = tpu.matmul %get3A_7, %max3A_601, %dot_general3A_602 {dimension_numbers = #tpu.dot_dimension_numbers<[1], [0], [0], [1], [0, 0, 1, 1], [], []>, transpose_lhs_hint = false} : vector<64x32xf32>, vector<32x512xf32>, vector<64x512xf32> -> vector<64x512xf32>
    %add3A_604 = vector.broadcast %get3A_16 : vector<64x1xf32> to vector<64x512xf32>
    %add3A_605 = arith.addf %dot_general3A_603, %add3A_604 : vector<64x512xf32>
    %max3A_606 = arith.constant 0.000000e+00 : f32
    %max3A_607 = vector.broadcast %max3A_606 : f32 to vector<64x512xf32>
    %max3A_608 = arith.maximumf %add3A_605, %max3A_607 : vector<64x512xf32>
    %get3A_609 = arith.constant 16 : index
    %get3A_610 = arith.constant 0 : index
    %get3A_611 = vector.load %arg2[%get3A_609, %get3A_610] : memref<32x512xi32, #tpu.memory_space<vmem>>, vector<1x512xi32>
    %gt3A_612 = arith.constant 0 : i32
    %gt3A_613 = vector.broadcast %gt3A_612 : i32 to vector<1x512xi32>
    %gt3A_614 = arith.cmpi sgt, %get3A_611, %gt3A_613 : vector<1x512xi32>
    %jit3A_615 = arith.constant 0.000000e+00 : f32
    %broadcast_in_dim3A_616 = vector.shape_cast %gt3A_614 : vector<1x512xi1> to vector<1x512xi1>
    %broadcast_in_dim3A_617 = vector.broadcast %broadcast_in_dim3A_616 : vector<1x512xi1> to vector<64x512xi1>
    %broadcast_in_dim3A_618 = vector.broadcast %jit3A_615 : f32 to vector<64x512xf32>
    %select_n3A_619 = arith.select %broadcast_in_dim3A_617, %max3A_608, %broadcast_in_dim3A_618 : vector<64x512xi1>, vector<64x512xf32>
    %max3A_620 = arith.maximumf %max3A_584, %select_n3A_619 : vector<64x512xf32>
    %get3A_621 = arith.constant 136 : index
    %get3A_622 = arith.constant 0 : index
    %get3A_623 = vector.load %arg1[%get3A_621, %get3A_622] : memref<256x512xf32, #tpu.memory_space<vmem>>, vector<8x512xf32>
    %dot_general3A_624 = arith.constant dense<0.000000e+00> : vector<32x512xf32>
    %dot_general3A_625 = tpu.matmul %get3A_1, %get3A_623, %dot_general3A_624 {dimension_numbers = #tpu.dot_dimension_numbers<[1], [0], [0], [1], [0, 0, 1, 1], [], []>, transpose_lhs_hint = false} : vector<32x8xf32>, vector<8x512xf32>, vector<32x512xf32> -> vector<32x512xf32>
    %add3A_626 = vector.broadcast %get3A_10 : vector<32x1xf32> to vector<32x512xf32>
    %add3A_627 = arith.addf %dot_general3A_625, %add3A_626 : vector<32x512xf32>
    %max3A_628 = arith.constant 0.000000e+00 : f32
    %max3A_629 = vector.broadcast %max3A_628 : f32 to vector<32x512xf32>
    %max3A_630 = arith.maximumf %add3A_627, %max3A_629 : vector<32x512xf32>
    %dot_general3A_631 = arith.constant dense<0.000000e+00> : vector<32x512xf32>
    %dot_general3A_632 = tpu.matmul %get3A_4, %max3A_630, %dot_general3A_631 {dimension_numbers = #tpu.dot_dimension_numbers<[1], [0], [0], [1], [0, 0, 1, 1], [], []>, transpose_lhs_hint = false} : vector<32x32xf32>, vector<32x512xf32>, vector<32x512xf32> -> vector<32x512xf32>
    %add3A_633 = vector.broadcast %get3A_13 : vector<32x1xf32> to vector<32x512xf32>
    %add3A_634 = arith.addf %dot_general3A_632, %add3A_633 : vector<32x512xf32>
    %max3A_635 = arith.constant 0.000000e+00 : f32
    %max3A_636 = vector.broadcast %max3A_635 : f32 to vector<32x512xf32>
    %max3A_637 = arith.maximumf %add3A_634, %max3A_636 : vector<32x512xf32>
    %dot_general3A_638 = arith.constant dense<0.000000e+00> : vector<64x512xf32>
    %dot_general3A_639 = tpu.matmul %get3A_7, %max3A_637, %dot_general3A_638 {dimension_numbers = #tpu.dot_dimension_numbers<[1], [0], [0], [1], [0, 0, 1, 1], [], []>, transpose_lhs_hint = false} : vector<64x32xf32>, vector<32x512xf32>, vector<64x512xf32> -> vector<64x512xf32>
    %add3A_640 = vector.broadcast %get3A_16 : vector<64x1xf32> to vector<64x512xf32>
    %add3A_641 = arith.addf %dot_general3A_639, %add3A_640 : vector<64x512xf32>
    %max3A_642 = arith.constant 0.000000e+00 : f32
    %max3A_643 = vector.broadcast %max3A_642 : f32 to vector<64x512xf32>
    %max3A_644 = arith.maximumf %add3A_641, %max3A_643 : vector<64x512xf32>
    %get3A_645 = arith.constant 17 : index
    %get3A_646 = arith.constant 0 : index
    %get3A_647 = vector.load %arg2[%get3A_645, %get3A_646] : memref<32x512xi32, #tpu.memory_space<vmem>>, vector<1x512xi32>
    %gt3A_648 = arith.constant 0 : i32
    %gt3A_649 = vector.broadcast %gt3A_648 : i32 to vector<1x512xi32>
    %gt3A_650 = arith.cmpi sgt, %get3A_647, %gt3A_649 : vector<1x512xi32>
    %jit3A_651 = arith.constant 0.000000e+00 : f32
    %broadcast_in_dim3A_652 = vector.shape_cast %gt3A_650 : vector<1x512xi1> to vector<1x512xi1>
    %broadcast_in_dim3A_653 = vector.broadcast %broadcast_in_dim3A_652 : vector<1x512xi1> to vector<64x512xi1>
    %broadcast_in_dim3A_654 = vector.broadcast %jit3A_651 : f32 to vector<64x512xf32>
    %select_n3A_655 = arith.select %broadcast_in_dim3A_653, %max3A_644, %broadcast_in_dim3A_654 : vector<64x512xi1>, vector<64x512xf32>
    %max3A_656 = arith.maximumf %max3A_620, %select_n3A_655 : vector<64x512xf32>
    %get3A_657 = arith.constant 144 : index
    %get3A_658 = arith.constant 0 : index
    %get3A_659 = vector.load %arg1[%get3A_657, %get3A_658] : memref<256x512xf32, #tpu.memory_space<vmem>>, vector<8x512xf32>
    %dot_general3A_660 = arith.constant dense<0.000000e+00> : vector<32x512xf32>
    %dot_general3A_661 = tpu.matmul %get3A_1, %get3A_659, %dot_general3A_660 {dimension_numbers = #tpu.dot_dimension_numbers<[1], [0], [0], [1], [0, 0, 1, 1], [], []>, transpose_lhs_hint = false} : vector<32x8xf32>, vector<8x512xf32>, vector<32x512xf32> -> vector<32x512xf32>
    %add3A_662 = vector.broadcast %get3A_10 : vector<32x1xf32> to vector<32x512xf32>
    %add3A_663 = arith.addf %dot_general3A_661, %add3A_662 : vector<32x512xf32>
    %max3A_664 = arith.constant 0.000000e+00 : f32
    %max3A_665 = vector.broadcast %max3A_664 : f32 to vector<32x512xf32>
    %max3A_666 = arith.maximumf %add3A_663, %max3A_665 : vector<32x512xf32>
    %dot_general3A_667 = arith.constant dense<0.000000e+00> : vector<32x512xf32>
    %dot_general3A_668 = tpu.matmul %get3A_4, %max3A_666, %dot_general3A_667 {dimension_numbers = #tpu.dot_dimension_numbers<[1], [0], [0], [1], [0, 0, 1, 1], [], []>, transpose_lhs_hint = false} : vector<32x32xf32>, vector<32x512xf32>, vector<32x512xf32> -> vector<32x512xf32>
    %add3A_669 = vector.broadcast %get3A_13 : vector<32x1xf32> to vector<32x512xf32>
    %add3A_670 = arith.addf %dot_general3A_668, %add3A_669 : vector<32x512xf32>
    %max3A_671 = arith.constant 0.000000e+00 : f32
    %max3A_672 = vector.broadcast %max3A_671 : f32 to vector<32x512xf32>
    %max3A_673 = arith.maximumf %add3A_670, %max3A_672 : vector<32x512xf32>
    %dot_general3A_674 = arith.constant dense<0.000000e+00> : vector<64x512xf32>
    %dot_general3A_675 = tpu.matmul %get3A_7, %max3A_673, %dot_general3A_674 {dimension_numbers = #tpu.dot_dimension_numbers<[1], [0], [0], [1], [0, 0, 1, 1], [], []>, transpose_lhs_hint = false} : vector<64x32xf32>, vector<32x512xf32>, vector<64x512xf32> -> vector<64x512xf32>
    %add3A_676 = vector.broadcast %get3A_16 : vector<64x1xf32> to vector<64x512xf32>
    %add3A_677 = arith.addf %dot_general3A_675, %add3A_676 : vector<64x512xf32>
    %max3A_678 = arith.constant 0.000000e+00 : f32
    %max3A_679 = vector.broadcast %max3A_678 : f32 to vector<64x512xf32>
    %max3A_680 = arith.maximumf %add3A_677, %max3A_679 : vector<64x512xf32>
    %get3A_681 = arith.constant 18 : index
    %get3A_682 = arith.constant 0 : index
    %get3A_683 = vector.load %arg2[%get3A_681, %get3A_682] : memref<32x512xi32, #tpu.memory_space<vmem>>, vector<1x512xi32>
    %gt3A_684 = arith.constant 0 : i32
    %gt3A_685 = vector.broadcast %gt3A_684 : i32 to vector<1x512xi32>
    %gt3A_686 = arith.cmpi sgt, %get3A_683, %gt3A_685 : vector<1x512xi32>
    %jit3A_687 = arith.constant 0.000000e+00 : f32
    %broadcast_in_dim3A_688 = vector.shape_cast %gt3A_686 : vector<1x512xi1> to vector<1x512xi1>
    %broadcast_in_dim3A_689 = vector.broadcast %broadcast_in_dim3A_688 : vector<1x512xi1> to vector<64x512xi1>
    %broadcast_in_dim3A_690 = vector.broadcast %jit3A_687 : f32 to vector<64x512xf32>
    %select_n3A_691 = arith.select %broadcast_in_dim3A_689, %max3A_680, %broadcast_in_dim3A_690 : vector<64x512xi1>, vector<64x512xf32>
    %max3A_692 = arith.maximumf %max3A_656, %select_n3A_691 : vector<64x512xf32>
    %get3A_693 = arith.constant 152 : index
    %get3A_694 = arith.constant 0 : index
    %get3A_695 = vector.load %arg1[%get3A_693, %get3A_694] : memref<256x512xf32, #tpu.memory_space<vmem>>, vector<8x512xf32>
    %dot_general3A_696 = arith.constant dense<0.000000e+00> : vector<32x512xf32>
    %dot_general3A_697 = tpu.matmul %get3A_1, %get3A_695, %dot_general3A_696 {dimension_numbers = #tpu.dot_dimension_numbers<[1], [0], [0], [1], [0, 0, 1, 1], [], []>, transpose_lhs_hint = false} : vector<32x8xf32>, vector<8x512xf32>, vector<32x512xf32> -> vector<32x512xf32>
    %add3A_698 = vector.broadcast %get3A_10 : vector<32x1xf32> to vector<32x512xf32>
    %add3A_699 = arith.addf %dot_general3A_697, %add3A_698 : vector<32x512xf32>
    %max3A_700 = arith.constant 0.000000e+00 : f32
    %max3A_701 = vector.broadcast %max3A_700 : f32 to vector<32x512xf32>
    %max3A_702 = arith.maximumf %add3A_699, %max3A_701 : vector<32x512xf32>
    %dot_general3A_703 = arith.constant dense<0.000000e+00> : vector<32x512xf32>
    %dot_general3A_704 = tpu.matmul %get3A_4, %max3A_702, %dot_general3A_703 {dimension_numbers = #tpu.dot_dimension_numbers<[1], [0], [0], [1], [0, 0, 1, 1], [], []>, transpose_lhs_hint = false} : vector<32x32xf32>, vector<32x512xf32>, vector<32x512xf32> -> vector<32x512xf32>
    %add3A_705 = vector.broadcast %get3A_13 : vector<32x1xf32> to vector<32x512xf32>
    %add3A_706 = arith.addf %dot_general3A_704, %add3A_705 : vector<32x512xf32>
    %max3A_707 = arith.constant 0.000000e+00 : f32
    %max3A_708 = vector.broadcast %max3A_707 : f32 to vector<32x512xf32>
    %max3A_709 = arith.maximumf %add3A_706, %max3A_708 : vector<32x512xf32>
    %dot_general3A_710 = arith.constant dense<0.000000e+00> : vector<64x512xf32>
    %dot_general3A_711 = tpu.matmul %get3A_7, %max3A_709, %dot_general3A_710 {dimension_numbers = #tpu.dot_dimension_numbers<[1], [0], [0], [1], [0, 0, 1, 1], [], []>, transpose_lhs_hint = false} : vector<64x32xf32>, vector<32x512xf32>, vector<64x512xf32> -> vector<64x512xf32>
    %add3A_712 = vector.broadcast %get3A_16 : vector<64x1xf32> to vector<64x512xf32>
    %add3A_713 = arith.addf %dot_general3A_711, %add3A_712 : vector<64x512xf32>
    %max3A_714 = arith.constant 0.000000e+00 : f32
    %max3A_715 = vector.broadcast %max3A_714 : f32 to vector<64x512xf32>
    %max3A_716 = arith.maximumf %add3A_713, %max3A_715 : vector<64x512xf32>
    %get3A_717 = arith.constant 19 : index
    %get3A_718 = arith.constant 0 : index
    %get3A_719 = vector.load %arg2[%get3A_717, %get3A_718] : memref<32x512xi32, #tpu.memory_space<vmem>>, vector<1x512xi32>
    %gt3A_720 = arith.constant 0 : i32
    %gt3A_721 = vector.broadcast %gt3A_720 : i32 to vector<1x512xi32>
    %gt3A_722 = arith.cmpi sgt, %get3A_719, %gt3A_721 : vector<1x512xi32>
    %jit3A_723 = arith.constant 0.000000e+00 : f32
    %broadcast_in_dim3A_724 = vector.shape_cast %gt3A_722 : vector<1x512xi1> to vector<1x512xi1>
    %broadcast_in_dim3A_725 = vector.broadcast %broadcast_in_dim3A_724 : vector<1x512xi1> to vector<64x512xi1>
    %broadcast_in_dim3A_726 = vector.broadcast %jit3A_723 : f32 to vector<64x512xf32>
    %select_n3A_727 = arith.select %broadcast_in_dim3A_725, %max3A_716, %broadcast_in_dim3A_726 : vector<64x512xi1>, vector<64x512xf32>
    %max3A_728 = arith.maximumf %max3A_692, %select_n3A_727 : vector<64x512xf32>
    %get3A_729 = arith.constant 160 : index
    %get3A_730 = arith.constant 0 : index
    %get3A_731 = vector.load %arg1[%get3A_729, %get3A_730] : memref<256x512xf32, #tpu.memory_space<vmem>>, vector<8x512xf32>
    %dot_general3A_732 = arith.constant dense<0.000000e+00> : vector<32x512xf32>
    %dot_general3A_733 = tpu.matmul %get3A_1, %get3A_731, %dot_general3A_732 {dimension_numbers = #tpu.dot_dimension_numbers<[1], [0], [0], [1], [0, 0, 1, 1], [], []>, transpose_lhs_hint = false} : vector<32x8xf32>, vector<8x512xf32>, vector<32x512xf32> -> vector<32x512xf32>
    %add3A_734 = vector.broadcast %get3A_10 : vector<32x1xf32> to vector<32x512xf32>
    %add3A_735 = arith.addf %dot_general3A_733, %add3A_734 : vector<32x512xf32>
    %max3A_736 = arith.constant 0.000000e+00 : f32
    %max3A_737 = vector.broadcast %max3A_736 : f32 to vector<32x512xf32>
    %max3A_738 = arith.maximumf %add3A_735, %max3A_737 : vector<32x512xf32>
    %dot_general3A_739 = arith.constant dense<0.000000e+00> : vector<32x512xf32>
    %dot_general3A_740 = tpu.matmul %get3A_4, %max3A_738, %dot_general3A_739 {dimension_numbers = #tpu.dot_dimension_numbers<[1], [0], [0], [1], [0, 0, 1, 1], [], []>, transpose_lhs_hint = false} : vector<32x32xf32>, vector<32x512xf32>, vector<32x512xf32> -> vector<32x512xf32>
    %add3A_741 = vector.broadcast %get3A_13 : vector<32x1xf32> to vector<32x512xf32>
    %add3A_742 = arith.addf %dot_general3A_740, %add3A_741 : vector<32x512xf32>
    %max3A_743 = arith.constant 0.000000e+00 : f32
    %max3A_744 = vector.broadcast %max3A_743 : f32 to vector<32x512xf32>
    %max3A_745 = arith.maximumf %add3A_742, %max3A_744 : vector<32x512xf32>
    %dot_general3A_746 = arith.constant dense<0.000000e+00> : vector<64x512xf32>
    %dot_general3A_747 = tpu.matmul %get3A_7, %max3A_745, %dot_general3A_746 {dimension_numbers = #tpu.dot_dimension_numbers<[1], [0], [0], [1], [0, 0, 1, 1], [], []>, transpose_lhs_hint = false} : vector<64x32xf32>, vector<32x512xf32>, vector<64x512xf32> -> vector<64x512xf32>
    %add3A_748 = vector.broadcast %get3A_16 : vector<64x1xf32> to vector<64x512xf32>
    %add3A_749 = arith.addf %dot_general3A_747, %add3A_748 : vector<64x512xf32>
    %max3A_750 = arith.constant 0.000000e+00 : f32
    %max3A_751 = vector.broadcast %max3A_750 : f32 to vector<64x512xf32>
    %max3A_752 = arith.maximumf %add3A_749, %max3A_751 : vector<64x512xf32>
    %get3A_753 = arith.constant 20 : index
    %get3A_754 = arith.constant 0 : index
    %get3A_755 = vector.load %arg2[%get3A_753, %get3A_754] : memref<32x512xi32, #tpu.memory_space<vmem>>, vector<1x512xi32>
    %gt3A_756 = arith.constant 0 : i32
    %gt3A_757 = vector.broadcast %gt3A_756 : i32 to vector<1x512xi32>
    %gt3A_758 = arith.cmpi sgt, %get3A_755, %gt3A_757 : vector<1x512xi32>
    %jit3A_759 = arith.constant 0.000000e+00 : f32
    %broadcast_in_dim3A_760 = vector.shape_cast %gt3A_758 : vector<1x512xi1> to vector<1x512xi1>
    %broadcast_in_dim3A_761 = vector.broadcast %broadcast_in_dim3A_760 : vector<1x512xi1> to vector<64x512xi1>
    %broadcast_in_dim3A_762 = vector.broadcast %jit3A_759 : f32 to vector<64x512xf32>
    %select_n3A_763 = arith.select %broadcast_in_dim3A_761, %max3A_752, %broadcast_in_dim3A_762 : vector<64x512xi1>, vector<64x512xf32>
    %max3A_764 = arith.maximumf %max3A_728, %select_n3A_763 : vector<64x512xf32>
    %get3A_765 = arith.constant 168 : index
    %get3A_766 = arith.constant 0 : index
    %get3A_767 = vector.load %arg1[%get3A_765, %get3A_766] : memref<256x512xf32, #tpu.memory_space<vmem>>, vector<8x512xf32>
    %dot_general3A_768 = arith.constant dense<0.000000e+00> : vector<32x512xf32>
    %dot_general3A_769 = tpu.matmul %get3A_1, %get3A_767, %dot_general3A_768 {dimension_numbers = #tpu.dot_dimension_numbers<[1], [0], [0], [1], [0, 0, 1, 1], [], []>, transpose_lhs_hint = false} : vector<32x8xf32>, vector<8x512xf32>, vector<32x512xf32> -> vector<32x512xf32>
    %add3A_770 = vector.broadcast %get3A_10 : vector<32x1xf32> to vector<32x512xf32>
    %add3A_771 = arith.addf %dot_general3A_769, %add3A_770 : vector<32x512xf32>
    %max3A_772 = arith.constant 0.000000e+00 : f32
    %max3A_773 = vector.broadcast %max3A_772 : f32 to vector<32x512xf32>
    %max3A_774 = arith.maximumf %add3A_771, %max3A_773 : vector<32x512xf32>
    %dot_general3A_775 = arith.constant dense<0.000000e+00> : vector<32x512xf32>
    %dot_general3A_776 = tpu.matmul %get3A_4, %max3A_774, %dot_general3A_775 {dimension_numbers = #tpu.dot_dimension_numbers<[1], [0], [0], [1], [0, 0, 1, 1], [], []>, transpose_lhs_hint = false} : vector<32x32xf32>, vector<32x512xf32>, vector<32x512xf32> -> vector<32x512xf32>
    %add3A_777 = vector.broadcast %get3A_13 : vector<32x1xf32> to vector<32x512xf32>
    %add3A_778 = arith.addf %dot_general3A_776, %add3A_777 : vector<32x512xf32>
    %max3A_779 = arith.constant 0.000000e+00 : f32
    %max3A_780 = vector.broadcast %max3A_779 : f32 to vector<32x512xf32>
    %max3A_781 = arith.maximumf %add3A_778, %max3A_780 : vector<32x512xf32>
    %dot_general3A_782 = arith.constant dense<0.000000e+00> : vector<64x512xf32>
    %dot_general3A_783 = tpu.matmul %get3A_7, %max3A_781, %dot_general3A_782 {dimension_numbers = #tpu.dot_dimension_numbers<[1], [0], [0], [1], [0, 0, 1, 1], [], []>, transpose_lhs_hint = false} : vector<64x32xf32>, vector<32x512xf32>, vector<64x512xf32> -> vector<64x512xf32>
    %add3A_784 = vector.broadcast %get3A_16 : vector<64x1xf32> to vector<64x512xf32>
    %add3A_785 = arith.addf %dot_general3A_783, %add3A_784 : vector<64x512xf32>
    %max3A_786 = arith.constant 0.000000e+00 : f32
    %max3A_787 = vector.broadcast %max3A_786 : f32 to vector<64x512xf32>
    %max3A_788 = arith.maximumf %add3A_785, %max3A_787 : vector<64x512xf32>
    %get3A_789 = arith.constant 21 : index
    %get3A_790 = arith.constant 0 : index
    %get3A_791 = vector.load %arg2[%get3A_789, %get3A_790] : memref<32x512xi32, #tpu.memory_space<vmem>>, vector<1x512xi32>
    %gt3A_792 = arith.constant 0 : i32
    %gt3A_793 = vector.broadcast %gt3A_792 : i32 to vector<1x512xi32>
    %gt3A_794 = arith.cmpi sgt, %get3A_791, %gt3A_793 : vector<1x512xi32>
    %jit3A_795 = arith.constant 0.000000e+00 : f32
    %broadcast_in_dim3A_796 = vector.shape_cast %gt3A_794 : vector<1x512xi1> to vector<1x512xi1>
    %broadcast_in_dim3A_797 = vector.broadcast %broadcast_in_dim3A_796 : vector<1x512xi1> to vector<64x512xi1>
    %broadcast_in_dim3A_798 = vector.broadcast %jit3A_795 : f32 to vector<64x512xf32>
    %select_n3A_799 = arith.select %broadcast_in_dim3A_797, %max3A_788, %broadcast_in_dim3A_798 : vector<64x512xi1>, vector<64x512xf32>
    %max3A_800 = arith.maximumf %max3A_764, %select_n3A_799 : vector<64x512xf32>
    %get3A_801 = arith.constant 176 : index
    %get3A_802 = arith.constant 0 : index
    %get3A_803 = vector.load %arg1[%get3A_801, %get3A_802] : memref<256x512xf32, #tpu.memory_space<vmem>>, vector<8x512xf32>
    %dot_general3A_804 = arith.constant dense<0.000000e+00> : vector<32x512xf32>
    %dot_general3A_805 = tpu.matmul %get3A_1, %get3A_803, %dot_general3A_804 {dimension_numbers = #tpu.dot_dimension_numbers<[1], [0], [0], [1], [0, 0, 1, 1], [], []>, transpose_lhs_hint = false} : vector<32x8xf32>, vector<8x512xf32>, vector<32x512xf32> -> vector<32x512xf32>
    %add3A_806 = vector.broadcast %get3A_10 : vector<32x1xf32> to vector<32x512xf32>
    %add3A_807 = arith.addf %dot_general3A_805, %add3A_806 : vector<32x512xf32>
    %max3A_808 = arith.constant 0.000000e+00 : f32
    %max3A_809 = vector.broadcast %max3A_808 : f32 to vector<32x512xf32>
    %max3A_810 = arith.maximumf %add3A_807, %max3A_809 : vector<32x512xf32>
    %dot_general3A_811 = arith.constant dense<0.000000e+00> : vector<32x512xf32>
    %dot_general3A_812 = tpu.matmul %get3A_4, %max3A_810, %dot_general3A_811 {dimension_numbers = #tpu.dot_dimension_numbers<[1], [0], [0], [1], [0, 0, 1, 1], [], []>, transpose_lhs_hint = false} : vector<32x32xf32>, vector<32x512xf32>, vector<32x512xf32> -> vector<32x512xf32>
    %add3A_813 = vector.broadcast %get3A_13 : vector<32x1xf32> to vector<32x512xf32>
    %add3A_814 = arith.addf %dot_general3A_812, %add3A_813 : vector<32x512xf32>
    %max3A_815 = arith.constant 0.000000e+00 : f32
    %max3A_816 = vector.broadcast %max3A_815 : f32 to vector<32x512xf32>
    %max3A_817 = arith.maximumf %add3A_814, %max3A_816 : vector<32x512xf32>
    %dot_general3A_818 = arith.constant dense<0.000000e+00> : vector<64x512xf32>
    %dot_general3A_819 = tpu.matmul %get3A_7, %max3A_817, %dot_general3A_818 {dimension_numbers = #tpu.dot_dimension_numbers<[1], [0], [0], [1], [0, 0, 1, 1], [], []>, transpose_lhs_hint = false} : vector<64x32xf32>, vector<32x512xf32>, vector<64x512xf32> -> vector<64x512xf32>
    %add3A_820 = vector.broadcast %get3A_16 : vector<64x1xf32> to vector<64x512xf32>
    %add3A_821 = arith.addf %dot_general3A_819, %add3A_820 : vector<64x512xf32>
    %max3A_822 = arith.constant 0.000000e+00 : f32
    %max3A_823 = vector.broadcast %max3A_822 : f32 to vector<64x512xf32>
    %max3A_824 = arith.maximumf %add3A_821, %max3A_823 : vector<64x512xf32>
    %get3A_825 = arith.constant 22 : index
    %get3A_826 = arith.constant 0 : index
    %get3A_827 = vector.load %arg2[%get3A_825, %get3A_826] : memref<32x512xi32, #tpu.memory_space<vmem>>, vector<1x512xi32>
    %gt3A_828 = arith.constant 0 : i32
    %gt3A_829 = vector.broadcast %gt3A_828 : i32 to vector<1x512xi32>
    %gt3A_830 = arith.cmpi sgt, %get3A_827, %gt3A_829 : vector<1x512xi32>
    %jit3A_831 = arith.constant 0.000000e+00 : f32
    %broadcast_in_dim3A_832 = vector.shape_cast %gt3A_830 : vector<1x512xi1> to vector<1x512xi1>
    %broadcast_in_dim3A_833 = vector.broadcast %broadcast_in_dim3A_832 : vector<1x512xi1> to vector<64x512xi1>
    %broadcast_in_dim3A_834 = vector.broadcast %jit3A_831 : f32 to vector<64x512xf32>
    %select_n3A_835 = arith.select %broadcast_in_dim3A_833, %max3A_824, %broadcast_in_dim3A_834 : vector<64x512xi1>, vector<64x512xf32>
    %max3A_836 = arith.maximumf %max3A_800, %select_n3A_835 : vector<64x512xf32>
    %get3A_837 = arith.constant 184 : index
    %get3A_838 = arith.constant 0 : index
    %get3A_839 = vector.load %arg1[%get3A_837, %get3A_838] : memref<256x512xf32, #tpu.memory_space<vmem>>, vector<8x512xf32>
    %dot_general3A_840 = arith.constant dense<0.000000e+00> : vector<32x512xf32>
    %dot_general3A_841 = tpu.matmul %get3A_1, %get3A_839, %dot_general3A_840 {dimension_numbers = #tpu.dot_dimension_numbers<[1], [0], [0], [1], [0, 0, 1, 1], [], []>, transpose_lhs_hint = false} : vector<32x8xf32>, vector<8x512xf32>, vector<32x512xf32> -> vector<32x512xf32>
    %add3A_842 = vector.broadcast %get3A_10 : vector<32x1xf32> to vector<32x512xf32>
    %add3A_843 = arith.addf %dot_general3A_841, %add3A_842 : vector<32x512xf32>
    %max3A_844 = arith.constant 0.000000e+00 : f32
    %max3A_845 = vector.broadcast %max3A_844 : f32 to vector<32x512xf32>
    %max3A_846 = arith.maximumf %add3A_843, %max3A_845 : vector<32x512xf32>
    %dot_general3A_847 = arith.constant dense<0.000000e+00> : vector<32x512xf32>
    %dot_general3A_848 = tpu.matmul %get3A_4, %max3A_846, %dot_general3A_847 {dimension_numbers = #tpu.dot_dimension_numbers<[1], [0], [0], [1], [0, 0, 1, 1], [], []>, transpose_lhs_hint = false} : vector<32x32xf32>, vector<32x512xf32>, vector<32x512xf32> -> vector<32x512xf32>
    %add3A_849 = vector.broadcast %get3A_13 : vector<32x1xf32> to vector<32x512xf32>
    %add3A_850 = arith.addf %dot_general3A_848, %add3A_849 : vector<32x512xf32>
    %max3A_851 = arith.constant 0.000000e+00 : f32
    %max3A_852 = vector.broadcast %max3A_851 : f32 to vector<32x512xf32>
    %max3A_853 = arith.maximumf %add3A_850, %max3A_852 : vector<32x512xf32>
    %dot_general3A_854 = arith.constant dense<0.000000e+00> : vector<64x512xf32>
    %dot_general3A_855 = tpu.matmul %get3A_7, %max3A_853, %dot_general3A_854 {dimension_numbers = #tpu.dot_dimension_numbers<[1], [0], [0], [1], [0, 0, 1, 1], [], []>, transpose_lhs_hint = false} : vector<64x32xf32>, vector<32x512xf32>, vector<64x512xf32> -> vector<64x512xf32>
    %add3A_856 = vector.broadcast %get3A_16 : vector<64x1xf32> to vector<64x512xf32>
    %add3A_857 = arith.addf %dot_general3A_855, %add3A_856 : vector<64x512xf32>
    %max3A_858 = arith.constant 0.000000e+00 : f32
    %max3A_859 = vector.broadcast %max3A_858 : f32 to vector<64x512xf32>
    %max3A_860 = arith.maximumf %add3A_857, %max3A_859 : vector<64x512xf32>
    %get3A_861 = arith.constant 23 : index
    %get3A_862 = arith.constant 0 : index
    %get3A_863 = vector.load %arg2[%get3A_861, %get3A_862] : memref<32x512xi32, #tpu.memory_space<vmem>>, vector<1x512xi32>
    %gt3A_864 = arith.constant 0 : i32
    %gt3A_865 = vector.broadcast %gt3A_864 : i32 to vector<1x512xi32>
    %gt3A_866 = arith.cmpi sgt, %get3A_863, %gt3A_865 : vector<1x512xi32>
    %jit3A_867 = arith.constant 0.000000e+00 : f32
    %broadcast_in_dim3A_868 = vector.shape_cast %gt3A_866 : vector<1x512xi1> to vector<1x512xi1>
    %broadcast_in_dim3A_869 = vector.broadcast %broadcast_in_dim3A_868 : vector<1x512xi1> to vector<64x512xi1>
    %broadcast_in_dim3A_870 = vector.broadcast %jit3A_867 : f32 to vector<64x512xf32>
    %select_n3A_871 = arith.select %broadcast_in_dim3A_869, %max3A_860, %broadcast_in_dim3A_870 : vector<64x512xi1>, vector<64x512xf32>
    %max3A_872 = arith.maximumf %max3A_836, %select_n3A_871 : vector<64x512xf32>
    %get3A_873 = arith.constant 192 : index
    %get3A_874 = arith.constant 0 : index
    %get3A_875 = vector.load %arg1[%get3A_873, %get3A_874] : memref<256x512xf32, #tpu.memory_space<vmem>>, vector<8x512xf32>
    %dot_general3A_876 = arith.constant dense<0.000000e+00> : vector<32x512xf32>
    %dot_general3A_877 = tpu.matmul %get3A_1, %get3A_875, %dot_general3A_876 {dimension_numbers = #tpu.dot_dimension_numbers<[1], [0], [0], [1], [0, 0, 1, 1], [], []>, transpose_lhs_hint = false} : vector<32x8xf32>, vector<8x512xf32>, vector<32x512xf32> -> vector<32x512xf32>
    %add3A_878 = vector.broadcast %get3A_10 : vector<32x1xf32> to vector<32x512xf32>
    %add3A_879 = arith.addf %dot_general3A_877, %add3A_878 : vector<32x512xf32>
    %max3A_880 = arith.constant 0.000000e+00 : f32
    %max3A_881 = vector.broadcast %max3A_880 : f32 to vector<32x512xf32>
    %max3A_882 = arith.maximumf %add3A_879, %max3A_881 : vector<32x512xf32>
    %dot_general3A_883 = arith.constant dense<0.000000e+00> : vector<32x512xf32>
    %dot_general3A_884 = tpu.matmul %get3A_4, %max3A_882, %dot_general3A_883 {dimension_numbers = #tpu.dot_dimension_numbers<[1], [0], [0], [1], [0, 0, 1, 1], [], []>, transpose_lhs_hint = false} : vector<32x32xf32>, vector<32x512xf32>, vector<32x512xf32> -> vector<32x512xf32>
    %add3A_885 = vector.broadcast %get3A_13 : vector<32x1xf32> to vector<32x512xf32>
    %add3A_886 = arith.addf %dot_general3A_884, %add3A_885 : vector<32x512xf32>
    %max3A_887 = arith.constant 0.000000e+00 : f32
    %max3A_888 = vector.broadcast %max3A_887 : f32 to vector<32x512xf32>
    %max3A_889 = arith.maximumf %add3A_886, %max3A_888 : vector<32x512xf32>
    %dot_general3A_890 = arith.constant dense<0.000000e+00> : vector<64x512xf32>
    %dot_general3A_891 = tpu.matmul %get3A_7, %max3A_889, %dot_general3A_890 {dimension_numbers = #tpu.dot_dimension_numbers<[1], [0], [0], [1], [0, 0, 1, 1], [], []>, transpose_lhs_hint = false} : vector<64x32xf32>, vector<32x512xf32>, vector<64x512xf32> -> vector<64x512xf32>
    %add3A_892 = vector.broadcast %get3A_16 : vector<64x1xf32> to vector<64x512xf32>
    %add3A_893 = arith.addf %dot_general3A_891, %add3A_892 : vector<64x512xf32>
    %max3A_894 = arith.constant 0.000000e+00 : f32
    %max3A_895 = vector.broadcast %max3A_894 : f32 to vector<64x512xf32>
    %max3A_896 = arith.maximumf %add3A_893, %max3A_895 : vector<64x512xf32>
    %get3A_897 = arith.constant 24 : index
    %get3A_898 = arith.constant 0 : index
    %get3A_899 = vector.load %arg2[%get3A_897, %get3A_898] : memref<32x512xi32, #tpu.memory_space<vmem>>, vector<1x512xi32>
    %gt3A_900 = arith.constant 0 : i32
    %gt3A_901 = vector.broadcast %gt3A_900 : i32 to vector<1x512xi32>
    %gt3A_902 = arith.cmpi sgt, %get3A_899, %gt3A_901 : vector<1x512xi32>
    %jit3A_903 = arith.constant 0.000000e+00 : f32
    %broadcast_in_dim3A_904 = vector.shape_cast %gt3A_902 : vector<1x512xi1> to vector<1x512xi1>
    %broadcast_in_dim3A_905 = vector.broadcast %broadcast_in_dim3A_904 : vector<1x512xi1> to vector<64x512xi1>
    %broadcast_in_dim3A_906 = vector.broadcast %jit3A_903 : f32 to vector<64x512xf32>
    %select_n3A_907 = arith.select %broadcast_in_dim3A_905, %max3A_896, %broadcast_in_dim3A_906 : vector<64x512xi1>, vector<64x512xf32>
    %max3A_908 = arith.maximumf %max3A_872, %select_n3A_907 : vector<64x512xf32>
    %get3A_909 = arith.constant 200 : index
    %get3A_910 = arith.constant 0 : index
    %get3A_911 = vector.load %arg1[%get3A_909, %get3A_910] : memref<256x512xf32, #tpu.memory_space<vmem>>, vector<8x512xf32>
    %dot_general3A_912 = arith.constant dense<0.000000e+00> : vector<32x512xf32>
    %dot_general3A_913 = tpu.matmul %get3A_1, %get3A_911, %dot_general3A_912 {dimension_numbers = #tpu.dot_dimension_numbers<[1], [0], [0], [1], [0, 0, 1, 1], [], []>, transpose_lhs_hint = false} : vector<32x8xf32>, vector<8x512xf32>, vector<32x512xf32> -> vector<32x512xf32>
    %add3A_914 = vector.broadcast %get3A_10 : vector<32x1xf32> to vector<32x512xf32>
    %add3A_915 = arith.addf %dot_general3A_913, %add3A_914 : vector<32x512xf32>
    %max3A_916 = arith.constant 0.000000e+00 : f32
    %max3A_917 = vector.broadcast %max3A_916 : f32 to vector<32x512xf32>
    %max3A_918 = arith.maximumf %add3A_915, %max3A_917 : vector<32x512xf32>
    %dot_general3A_919 = arith.constant dense<0.000000e+00> : vector<32x512xf32>
    %dot_general3A_920 = tpu.matmul %get3A_4, %max3A_918, %dot_general3A_919 {dimension_numbers = #tpu.dot_dimension_numbers<[1], [0], [0], [1], [0, 0, 1, 1], [], []>, transpose_lhs_hint = false} : vector<32x32xf32>, vector<32x512xf32>, vector<32x512xf32> -> vector<32x512xf32>
    %add3A_921 = vector.broadcast %get3A_13 : vector<32x1xf32> to vector<32x512xf32>
    %add3A_922 = arith.addf %dot_general3A_920, %add3A_921 : vector<32x512xf32>
    %max3A_923 = arith.constant 0.000000e+00 : f32
    %max3A_924 = vector.broadcast %max3A_923 : f32 to vector<32x512xf32>
    %max3A_925 = arith.maximumf %add3A_922, %max3A_924 : vector<32x512xf32>
    %dot_general3A_926 = arith.constant dense<0.000000e+00> : vector<64x512xf32>
    %dot_general3A_927 = tpu.matmul %get3A_7, %max3A_925, %dot_general3A_926 {dimension_numbers = #tpu.dot_dimension_numbers<[1], [0], [0], [1], [0, 0, 1, 1], [], []>, transpose_lhs_hint = false} : vector<64x32xf32>, vector<32x512xf32>, vector<64x512xf32> -> vector<64x512xf32>
    %add3A_928 = vector.broadcast %get3A_16 : vector<64x1xf32> to vector<64x512xf32>
    %add3A_929 = arith.addf %dot_general3A_927, %add3A_928 : vector<64x512xf32>
    %max3A_930 = arith.constant 0.000000e+00 : f32
    %max3A_931 = vector.broadcast %max3A_930 : f32 to vector<64x512xf32>
    %max3A_932 = arith.maximumf %add3A_929, %max3A_931 : vector<64x512xf32>
    %get3A_933 = arith.constant 25 : index
    %get3A_934 = arith.constant 0 : index
    %get3A_935 = vector.load %arg2[%get3A_933, %get3A_934] : memref<32x512xi32, #tpu.memory_space<vmem>>, vector<1x512xi32>
    %gt3A_936 = arith.constant 0 : i32
    %gt3A_937 = vector.broadcast %gt3A_936 : i32 to vector<1x512xi32>
    %gt3A_938 = arith.cmpi sgt, %get3A_935, %gt3A_937 : vector<1x512xi32>
    %jit3A_939 = arith.constant 0.000000e+00 : f32
    %broadcast_in_dim3A_940 = vector.shape_cast %gt3A_938 : vector<1x512xi1> to vector<1x512xi1>
    %broadcast_in_dim3A_941 = vector.broadcast %broadcast_in_dim3A_940 : vector<1x512xi1> to vector<64x512xi1>
    %broadcast_in_dim3A_942 = vector.broadcast %jit3A_939 : f32 to vector<64x512xf32>
    %select_n3A_943 = arith.select %broadcast_in_dim3A_941, %max3A_932, %broadcast_in_dim3A_942 : vector<64x512xi1>, vector<64x512xf32>
    %max3A_944 = arith.maximumf %max3A_908, %select_n3A_943 : vector<64x512xf32>
    %get3A_945 = arith.constant 208 : index
    %get3A_946 = arith.constant 0 : index
    %get3A_947 = vector.load %arg1[%get3A_945, %get3A_946] : memref<256x512xf32, #tpu.memory_space<vmem>>, vector<8x512xf32>
    %dot_general3A_948 = arith.constant dense<0.000000e+00> : vector<32x512xf32>
    %dot_general3A_949 = tpu.matmul %get3A_1, %get3A_947, %dot_general3A_948 {dimension_numbers = #tpu.dot_dimension_numbers<[1], [0], [0], [1], [0, 0, 1, 1], [], []>, transpose_lhs_hint = false} : vector<32x8xf32>, vector<8x512xf32>, vector<32x512xf32> -> vector<32x512xf32>
    %add3A_950 = vector.broadcast %get3A_10 : vector<32x1xf32> to vector<32x512xf32>
    %add3A_951 = arith.addf %dot_general3A_949, %add3A_950 : vector<32x512xf32>
    %max3A_952 = arith.constant 0.000000e+00 : f32
    %max3A_953 = vector.broadcast %max3A_952 : f32 to vector<32x512xf32>
    %max3A_954 = arith.maximumf %add3A_951, %max3A_953 : vector<32x512xf32>
    %dot_general3A_955 = arith.constant dense<0.000000e+00> : vector<32x512xf32>
    %dot_general3A_956 = tpu.matmul %get3A_4, %max3A_954, %dot_general3A_955 {dimension_numbers = #tpu.dot_dimension_numbers<[1], [0], [0], [1], [0, 0, 1, 1], [], []>, transpose_lhs_hint = false} : vector<32x32xf32>, vector<32x512xf32>, vector<32x512xf32> -> vector<32x512xf32>
    %add3A_957 = vector.broadcast %get3A_13 : vector<32x1xf32> to vector<32x512xf32>
    %add3A_958 = arith.addf %dot_general3A_956, %add3A_957 : vector<32x512xf32>
    %max3A_959 = arith.constant 0.000000e+00 : f32
    %max3A_960 = vector.broadcast %max3A_959 : f32 to vector<32x512xf32>
    %max3A_961 = arith.maximumf %add3A_958, %max3A_960 : vector<32x512xf32>
    %dot_general3A_962 = arith.constant dense<0.000000e+00> : vector<64x512xf32>
    %dot_general3A_963 = tpu.matmul %get3A_7, %max3A_961, %dot_general3A_962 {dimension_numbers = #tpu.dot_dimension_numbers<[1], [0], [0], [1], [0, 0, 1, 1], [], []>, transpose_lhs_hint = false} : vector<64x32xf32>, vector<32x512xf32>, vector<64x512xf32> -> vector<64x512xf32>
    %add3A_964 = vector.broadcast %get3A_16 : vector<64x1xf32> to vector<64x512xf32>
    %add3A_965 = arith.addf %dot_general3A_963, %add3A_964 : vector<64x512xf32>
    %max3A_966 = arith.constant 0.000000e+00 : f32
    %max3A_967 = vector.broadcast %max3A_966 : f32 to vector<64x512xf32>
    %max3A_968 = arith.maximumf %add3A_965, %max3A_967 : vector<64x512xf32>
    %get3A_969 = arith.constant 26 : index
    %get3A_970 = arith.constant 0 : index
    %get3A_971 = vector.load %arg2[%get3A_969, %get3A_970] : memref<32x512xi32, #tpu.memory_space<vmem>>, vector<1x512xi32>
    %gt3A_972 = arith.constant 0 : i32
    %gt3A_973 = vector.broadcast %gt3A_972 : i32 to vector<1x512xi32>
    %gt3A_974 = arith.cmpi sgt, %get3A_971, %gt3A_973 : vector<1x512xi32>
    %jit3A_975 = arith.constant 0.000000e+00 : f32
    %broadcast_in_dim3A_976 = vector.shape_cast %gt3A_974 : vector<1x512xi1> to vector<1x512xi1>
    %broadcast_in_dim3A_977 = vector.broadcast %broadcast_in_dim3A_976 : vector<1x512xi1> to vector<64x512xi1>
    %broadcast_in_dim3A_978 = vector.broadcast %jit3A_975 : f32 to vector<64x512xf32>
    %select_n3A_979 = arith.select %broadcast_in_dim3A_977, %max3A_968, %broadcast_in_dim3A_978 : vector<64x512xi1>, vector<64x512xf32>
    %max3A_980 = arith.maximumf %max3A_944, %select_n3A_979 : vector<64x512xf32>
    %get3A_981 = arith.constant 216 : index
    %get3A_982 = arith.constant 0 : index
    %get3A_983 = vector.load %arg1[%get3A_981, %get3A_982] : memref<256x512xf32, #tpu.memory_space<vmem>>, vector<8x512xf32>
    %dot_general3A_984 = arith.constant dense<0.000000e+00> : vector<32x512xf32>
    %dot_general3A_985 = tpu.matmul %get3A_1, %get3A_983, %dot_general3A_984 {dimension_numbers = #tpu.dot_dimension_numbers<[1], [0], [0], [1], [0, 0, 1, 1], [], []>, transpose_lhs_hint = false} : vector<32x8xf32>, vector<8x512xf32>, vector<32x512xf32> -> vector<32x512xf32>
    %add3A_986 = vector.broadcast %get3A_10 : vector<32x1xf32> to vector<32x512xf32>
    %add3A_987 = arith.addf %dot_general3A_985, %add3A_986 : vector<32x512xf32>
    %max3A_988 = arith.constant 0.000000e+00 : f32
    %max3A_989 = vector.broadcast %max3A_988 : f32 to vector<32x512xf32>
    %max3A_990 = arith.maximumf %add3A_987, %max3A_989 : vector<32x512xf32>
    %dot_general3A_991 = arith.constant dense<0.000000e+00> : vector<32x512xf32>
    %dot_general3A_992 = tpu.matmul %get3A_4, %max3A_990, %dot_general3A_991 {dimension_numbers = #tpu.dot_dimension_numbers<[1], [0], [0], [1], [0, 0, 1, 1], [], []>, transpose_lhs_hint = false} : vector<32x32xf32>, vector<32x512xf32>, vector<32x512xf32> -> vector<32x512xf32>
    %add3A_993 = vector.broadcast %get3A_13 : vector<32x1xf32> to vector<32x512xf32>
    %add3A_994 = arith.addf %dot_general3A_992, %add3A_993 : vector<32x512xf32>
    %max3A_995 = arith.constant 0.000000e+00 : f32
    %max3A_996 = vector.broadcast %max3A_995 : f32 to vector<32x512xf32>
    %max3A_997 = arith.maximumf %add3A_994, %max3A_996 : vector<32x512xf32>
    %dot_general3A_998 = arith.constant dense<0.000000e+00> : vector<64x512xf32>
    %dot_general3A_999 = tpu.matmul %get3A_7, %max3A_997, %dot_general3A_998 {dimension_numbers = #tpu.dot_dimension_numbers<[1], [0], [0], [1], [0, 0, 1, 1], [], []>, transpose_lhs_hint = false} : vector<64x32xf32>, vector<32x512xf32>, vector<64x512xf32> -> vector<64x512xf32>
    %add3A_1000 = vector.broadcast %get3A_16 : vector<64x1xf32> to vector<64x512xf32>
    %add3A_1001 = arith.addf %dot_general3A_999, %add3A_1000 : vector<64x512xf32>
    %max3A_1002 = arith.constant 0.000000e+00 : f32
    %max3A_1003 = vector.broadcast %max3A_1002 : f32 to vector<64x512xf32>
    %max3A_1004 = arith.maximumf %add3A_1001, %max3A_1003 : vector<64x512xf32>
    %get3A_1005 = arith.constant 27 : index
    %get3A_1006 = arith.constant 0 : index
    %get3A_1007 = vector.load %arg2[%get3A_1005, %get3A_1006] : memref<32x512xi32, #tpu.memory_space<vmem>>, vector<1x512xi32>
    %gt3A_1008 = arith.constant 0 : i32
    %gt3A_1009 = vector.broadcast %gt3A_1008 : i32 to vector<1x512xi32>
    %gt3A_1010 = arith.cmpi sgt, %get3A_1007, %gt3A_1009 : vector<1x512xi32>
    %jit3A_1011 = arith.constant 0.000000e+00 : f32
    %broadcast_in_dim3A_1012 = vector.shape_cast %gt3A_1010 : vector<1x512xi1> to vector<1x512xi1>
    %broadcast_in_dim3A_1013 = vector.broadcast %broadcast_in_dim3A_1012 : vector<1x512xi1> to vector<64x512xi1>
    %broadcast_in_dim3A_1014 = vector.broadcast %jit3A_1011 : f32 to vector<64x512xf32>
    %select_n3A_1015 = arith.select %broadcast_in_dim3A_1013, %max3A_1004, %broadcast_in_dim3A_1014 : vector<64x512xi1>, vector<64x512xf32>
    %max3A_1016 = arith.maximumf %max3A_980, %select_n3A_1015 : vector<64x512xf32>
    %get3A_1017 = arith.constant 224 : index
    %get3A_1018 = arith.constant 0 : index
    %get3A_1019 = vector.load %arg1[%get3A_1017, %get3A_1018] : memref<256x512xf32, #tpu.memory_space<vmem>>, vector<8x512xf32>
    %dot_general3A_1020 = arith.constant dense<0.000000e+00> : vector<32x512xf32>
    %dot_general3A_1021 = tpu.matmul %get3A_1, %get3A_1019, %dot_general3A_1020 {dimension_numbers = #tpu.dot_dimension_numbers<[1], [0], [0], [1], [0, 0, 1, 1], [], []>, transpose_lhs_hint = false} : vector<32x8xf32>, vector<8x512xf32>, vector<32x512xf32> -> vector<32x512xf32>
    %add3A_1022 = vector.broadcast %get3A_10 : vector<32x1xf32> to vector<32x512xf32>
    %add3A_1023 = arith.addf %dot_general3A_1021, %add3A_1022 : vector<32x512xf32>
    %max3A_1024 = arith.constant 0.000000e+00 : f32
    %max3A_1025 = vector.broadcast %max3A_1024 : f32 to vector<32x512xf32>
    %max3A_1026 = arith.maximumf %add3A_1023, %max3A_1025 : vector<32x512xf32>
    %dot_general3A_1027 = arith.constant dense<0.000000e+00> : vector<32x512xf32>
    %dot_general3A_1028 = tpu.matmul %get3A_4, %max3A_1026, %dot_general3A_1027 {dimension_numbers = #tpu.dot_dimension_numbers<[1], [0], [0], [1], [0, 0, 1, 1], [], []>, transpose_lhs_hint = false} : vector<32x32xf32>, vector<32x512xf32>, vector<32x512xf32> -> vector<32x512xf32>
    %add3A_1029 = vector.broadcast %get3A_13 : vector<32x1xf32> to vector<32x512xf32>
    %add3A_1030 = arith.addf %dot_general3A_1028, %add3A_1029 : vector<32x512xf32>
    %max3A_1031 = arith.constant 0.000000e+00 : f32
    %max3A_1032 = vector.broadcast %max3A_1031 : f32 to vector<32x512xf32>
    %max3A_1033 = arith.maximumf %add3A_1030, %max3A_1032 : vector<32x512xf32>
    %dot_general3A_1034 = arith.constant dense<0.000000e+00> : vector<64x512xf32>
    %dot_general3A_1035 = tpu.matmul %get3A_7, %max3A_1033, %dot_general3A_1034 {dimension_numbers = #tpu.dot_dimension_numbers<[1], [0], [0], [1], [0, 0, 1, 1], [], []>, transpose_lhs_hint = false} : vector<64x32xf32>, vector<32x512xf32>, vector<64x512xf32> -> vector<64x512xf32>
    %add3A_1036 = vector.broadcast %get3A_16 : vector<64x1xf32> to vector<64x512xf32>
    %add3A_1037 = arith.addf %dot_general3A_1035, %add3A_1036 : vector<64x512xf32>
    %max3A_1038 = arith.constant 0.000000e+00 : f32
    %max3A_1039 = vector.broadcast %max3A_1038 : f32 to vector<64x512xf32>
    %max3A_1040 = arith.maximumf %add3A_1037, %max3A_1039 : vector<64x512xf32>
    %get3A_1041 = arith.constant 28 : index
    %get3A_1042 = arith.constant 0 : index
    %get3A_1043 = vector.load %arg2[%get3A_1041, %get3A_1042] : memref<32x512xi32, #tpu.memory_space<vmem>>, vector<1x512xi32>
    %gt3A_1044 = arith.constant 0 : i32
    %gt3A_1045 = vector.broadcast %gt3A_1044 : i32 to vector<1x512xi32>
    %gt3A_1046 = arith.cmpi sgt, %get3A_1043, %gt3A_1045 : vector<1x512xi32>
    %jit3A_1047 = arith.constant 0.000000e+00 : f32
    %broadcast_in_dim3A_1048 = vector.shape_cast %gt3A_1046 : vector<1x512xi1> to vector<1x512xi1>
    %broadcast_in_dim3A_1049 = vector.broadcast %broadcast_in_dim3A_1048 : vector<1x512xi1> to vector<64x512xi1>
    %broadcast_in_dim3A_1050 = vector.broadcast %jit3A_1047 : f32 to vector<64x512xf32>
    %select_n3A_1051 = arith.select %broadcast_in_dim3A_1049, %max3A_1040, %broadcast_in_dim3A_1050 : vector<64x512xi1>, vector<64x512xf32>
    %max3A_1052 = arith.maximumf %max3A_1016, %select_n3A_1051 : vector<64x512xf32>
    %get3A_1053 = arith.constant 232 : index
    %get3A_1054 = arith.constant 0 : index
    %get3A_1055 = vector.load %arg1[%get3A_1053, %get3A_1054] : memref<256x512xf32, #tpu.memory_space<vmem>>, vector<8x512xf32>
    %dot_general3A_1056 = arith.constant dense<0.000000e+00> : vector<32x512xf32>
    %dot_general3A_1057 = tpu.matmul %get3A_1, %get3A_1055, %dot_general3A_1056 {dimension_numbers = #tpu.dot_dimension_numbers<[1], [0], [0], [1], [0, 0, 1, 1], [], []>, transpose_lhs_hint = false} : vector<32x8xf32>, vector<8x512xf32>, vector<32x512xf32> -> vector<32x512xf32>
    %add3A_1058 = vector.broadcast %get3A_10 : vector<32x1xf32> to vector<32x512xf32>
    %add3A_1059 = arith.addf %dot_general3A_1057, %add3A_1058 : vector<32x512xf32>
    %max3A_1060 = arith.constant 0.000000e+00 : f32
    %max3A_1061 = vector.broadcast %max3A_1060 : f32 to vector<32x512xf32>
    %max3A_1062 = arith.maximumf %add3A_1059, %max3A_1061 : vector<32x512xf32>
    %dot_general3A_1063 = arith.constant dense<0.000000e+00> : vector<32x512xf32>
    %dot_general3A_1064 = tpu.matmul %get3A_4, %max3A_1062, %dot_general3A_1063 {dimension_numbers = #tpu.dot_dimension_numbers<[1], [0], [0], [1], [0, 0, 1, 1], [], []>, transpose_lhs_hint = false} : vector<32x32xf32>, vector<32x512xf32>, vector<32x512xf32> -> vector<32x512xf32>
    %add3A_1065 = vector.broadcast %get3A_13 : vector<32x1xf32> to vector<32x512xf32>
    %add3A_1066 = arith.addf %dot_general3A_1064, %add3A_1065 : vector<32x512xf32>
    %max3A_1067 = arith.constant 0.000000e+00 : f32
    %max3A_1068 = vector.broadcast %max3A_1067 : f32 to vector<32x512xf32>
    %max3A_1069 = arith.maximumf %add3A_1066, %max3A_1068 : vector<32x512xf32>
    %dot_general3A_1070 = arith.constant dense<0.000000e+00> : vector<64x512xf32>
    %dot_general3A_1071 = tpu.matmul %get3A_7, %max3A_1069, %dot_general3A_1070 {dimension_numbers = #tpu.dot_dimension_numbers<[1], [0], [0], [1], [0, 0, 1, 1], [], []>, transpose_lhs_hint = false} : vector<64x32xf32>, vector<32x512xf32>, vector<64x512xf32> -> vector<64x512xf32>
    %add3A_1072 = vector.broadcast %get3A_16 : vector<64x1xf32> to vector<64x512xf32>
    %add3A_1073 = arith.addf %dot_general3A_1071, %add3A_1072 : vector<64x512xf32>
    %max3A_1074 = arith.constant 0.000000e+00 : f32
    %max3A_1075 = vector.broadcast %max3A_1074 : f32 to vector<64x512xf32>
    %max3A_1076 = arith.maximumf %add3A_1073, %max3A_1075 : vector<64x512xf32>
    %get3A_1077 = arith.constant 29 : index
    %get3A_1078 = arith.constant 0 : index
    %get3A_1079 = vector.load %arg2[%get3A_1077, %get3A_1078] : memref<32x512xi32, #tpu.memory_space<vmem>>, vector<1x512xi32>
    %gt3A_1080 = arith.constant 0 : i32
    %gt3A_1081 = vector.broadcast %gt3A_1080 : i32 to vector<1x512xi32>
    %gt3A_1082 = arith.cmpi sgt, %get3A_1079, %gt3A_1081 : vector<1x512xi32>
    %jit3A_1083 = arith.constant 0.000000e+00 : f32
    %broadcast_in_dim3A_1084 = vector.shape_cast %gt3A_1082 : vector<1x512xi1> to vector<1x512xi1>
    %broadcast_in_dim3A_1085 = vector.broadcast %broadcast_in_dim3A_1084 : vector<1x512xi1> to vector<64x512xi1>
    %broadcast_in_dim3A_1086 = vector.broadcast %jit3A_1083 : f32 to vector<64x512xf32>
    %select_n3A_1087 = arith.select %broadcast_in_dim3A_1085, %max3A_1076, %broadcast_in_dim3A_1086 : vector<64x512xi1>, vector<64x512xf32>
    %max3A_1088 = arith.maximumf %max3A_1052, %select_n3A_1087 : vector<64x512xf32>
    %get3A_1089 = arith.constant 240 : index
    %get3A_1090 = arith.constant 0 : index
    %get3A_1091 = vector.load %arg1[%get3A_1089, %get3A_1090] : memref<256x512xf32, #tpu.memory_space<vmem>>, vector<8x512xf32>
    %dot_general3A_1092 = arith.constant dense<0.000000e+00> : vector<32x512xf32>
    %dot_general3A_1093 = tpu.matmul %get3A_1, %get3A_1091, %dot_general3A_1092 {dimension_numbers = #tpu.dot_dimension_numbers<[1], [0], [0], [1], [0, 0, 1, 1], [], []>, transpose_lhs_hint = false} : vector<32x8xf32>, vector<8x512xf32>, vector<32x512xf32> -> vector<32x512xf32>
    %add3A_1094 = vector.broadcast %get3A_10 : vector<32x1xf32> to vector<32x512xf32>
    %add3A_1095 = arith.addf %dot_general3A_1093, %add3A_1094 : vector<32x512xf32>
    %max3A_1096 = arith.constant 0.000000e+00 : f32
    %max3A_1097 = vector.broadcast %max3A_1096 : f32 to vector<32x512xf32>
    %max3A_1098 = arith.maximumf %add3A_1095, %max3A_1097 : vector<32x512xf32>
    %dot_general3A_1099 = arith.constant dense<0.000000e+00> : vector<32x512xf32>
    %dot_general3A_1100 = tpu.matmul %get3A_4, %max3A_1098, %dot_general3A_1099 {dimension_numbers = #tpu.dot_dimension_numbers<[1], [0], [0], [1], [0, 0, 1, 1], [], []>, transpose_lhs_hint = false} : vector<32x32xf32>, vector<32x512xf32>, vector<32x512xf32> -> vector<32x512xf32>
    %add3A_1101 = vector.broadcast %get3A_13 : vector<32x1xf32> to vector<32x512xf32>
    %add3A_1102 = arith.addf %dot_general3A_1100, %add3A_1101 : vector<32x512xf32>
    %max3A_1103 = arith.constant 0.000000e+00 : f32
    %max3A_1104 = vector.broadcast %max3A_1103 : f32 to vector<32x512xf32>
    %max3A_1105 = arith.maximumf %add3A_1102, %max3A_1104 : vector<32x512xf32>
    %dot_general3A_1106 = arith.constant dense<0.000000e+00> : vector<64x512xf32>
    %dot_general3A_1107 = tpu.matmul %get3A_7, %max3A_1105, %dot_general3A_1106 {dimension_numbers = #tpu.dot_dimension_numbers<[1], [0], [0], [1], [0, 0, 1, 1], [], []>, transpose_lhs_hint = false} : vector<64x32xf32>, vector<32x512xf32>, vector<64x512xf32> -> vector<64x512xf32>
    %add3A_1108 = vector.broadcast %get3A_16 : vector<64x1xf32> to vector<64x512xf32>
    %add3A_1109 = arith.addf %dot_general3A_1107, %add3A_1108 : vector<64x512xf32>
    %max3A_1110 = arith.constant 0.000000e+00 : f32
    %max3A_1111 = vector.broadcast %max3A_1110 : f32 to vector<64x512xf32>
    %max3A_1112 = arith.maximumf %add3A_1109, %max3A_1111 : vector<64x512xf32>
    %get3A_1113 = arith.constant 30 : index
    %get3A_1114 = arith.constant 0 : index
    %get3A_1115 = vector.load %arg2[%get3A_1113, %get3A_1114] : memref<32x512xi32, #tpu.memory_space<vmem>>, vector<1x512xi32>
    %gt3A_1116 = arith.constant 0 : i32
    %gt3A_1117 = vector.broadcast %gt3A_1116 : i32 to vector<1x512xi32>
    %gt3A_1118 = arith.cmpi sgt, %get3A_1115, %gt3A_1117 : vector<1x512xi32>
    %jit3A_1119 = arith.constant 0.000000e+00 : f32
    %broadcast_in_dim3A_1120 = vector.shape_cast %gt3A_1118 : vector<1x512xi1> to vector<1x512xi1>
    %broadcast_in_dim3A_1121 = vector.broadcast %broadcast_in_dim3A_1120 : vector<1x512xi1> to vector<64x512xi1>
    %broadcast_in_dim3A_1122 = vector.broadcast %jit3A_1119 : f32 to vector<64x512xf32>
    %select_n3A_1123 = arith.select %broadcast_in_dim3A_1121, %max3A_1112, %broadcast_in_dim3A_1122 : vector<64x512xi1>, vector<64x512xf32>
    %max3A_1124 = arith.maximumf %max3A_1088, %select_n3A_1123 : vector<64x512xf32>
    %get3A_1125 = arith.constant 248 : index
    %get3A_1126 = arith.constant 0 : index
    %get3A_1127 = vector.load %arg1[%get3A_1125, %get3A_1126] : memref<256x512xf32, #tpu.memory_space<vmem>>, vector<8x512xf32>
    %dot_general3A_1128 = arith.constant dense<0.000000e+00> : vector<32x512xf32>
    %dot_general3A_1129 = tpu.matmul %get3A_1, %get3A_1127, %dot_general3A_1128 {dimension_numbers = #tpu.dot_dimension_numbers<[1], [0], [0], [1], [0, 0, 1, 1], [], []>, transpose_lhs_hint = false} : vector<32x8xf32>, vector<8x512xf32>, vector<32x512xf32> -> vector<32x512xf32>
    %add3A_1130 = vector.broadcast %get3A_10 : vector<32x1xf32> to vector<32x512xf32>
    %add3A_1131 = arith.addf %dot_general3A_1129, %add3A_1130 : vector<32x512xf32>
    %max3A_1132 = arith.constant 0.000000e+00 : f32
    %max3A_1133 = vector.broadcast %max3A_1132 : f32 to vector<32x512xf32>
    %max3A_1134 = arith.maximumf %add3A_1131, %max3A_1133 : vector<32x512xf32>
    %dot_general3A_1135 = arith.constant dense<0.000000e+00> : vector<32x512xf32>
    %dot_general3A_1136 = tpu.matmul %get3A_4, %max3A_1134, %dot_general3A_1135 {dimension_numbers = #tpu.dot_dimension_numbers<[1], [0], [0], [1], [0, 0, 1, 1], [], []>, transpose_lhs_hint = false} : vector<32x32xf32>, vector<32x512xf32>, vector<32x512xf32> -> vector<32x512xf32>
    %add3A_1137 = vector.broadcast %get3A_13 : vector<32x1xf32> to vector<32x512xf32>
    %add3A_1138 = arith.addf %dot_general3A_1136, %add3A_1137 : vector<32x512xf32>
    %max3A_1139 = arith.constant 0.000000e+00 : f32
    %max3A_1140 = vector.broadcast %max3A_1139 : f32 to vector<32x512xf32>
    %max3A_1141 = arith.maximumf %add3A_1138, %max3A_1140 : vector<32x512xf32>
    %dot_general3A_1142 = arith.constant dense<0.000000e+00> : vector<64x512xf32>
    %dot_general3A_1143 = tpu.matmul %get3A_7, %max3A_1141, %dot_general3A_1142 {dimension_numbers = #tpu.dot_dimension_numbers<[1], [0], [0], [1], [0, 0, 1, 1], [], []>, transpose_lhs_hint = false} : vector<64x32xf32>, vector<32x512xf32>, vector<64x512xf32> -> vector<64x512xf32>
    %add3A_1144 = vector.broadcast %get3A_16 : vector<64x1xf32> to vector<64x512xf32>
    %add3A_1145 = arith.addf %dot_general3A_1143, %add3A_1144 : vector<64x512xf32>
    %max3A_1146 = arith.constant 0.000000e+00 : f32
    %max3A_1147 = vector.broadcast %max3A_1146 : f32 to vector<64x512xf32>
    %max3A_1148 = arith.maximumf %add3A_1145, %max3A_1147 : vector<64x512xf32>
    %get3A_1149 = arith.constant 31 : index
    %get3A_1150 = arith.constant 0 : index
    %get3A_1151 = vector.load %arg2[%get3A_1149, %get3A_1150] : memref<32x512xi32, #tpu.memory_space<vmem>>, vector<1x512xi32>
    %gt3A_1152 = arith.constant 0 : i32
    %gt3A_1153 = vector.broadcast %gt3A_1152 : i32 to vector<1x512xi32>
    %gt3A_1154 = arith.cmpi sgt, %get3A_1151, %gt3A_1153 : vector<1x512xi32>
    %jit3A_1155 = arith.constant 0.000000e+00 : f32
    %broadcast_in_dim3A_1156 = vector.shape_cast %gt3A_1154 : vector<1x512xi1> to vector<1x512xi1>
    %broadcast_in_dim3A_1157 = vector.broadcast %broadcast_in_dim3A_1156 : vector<1x512xi1> to vector<64x512xi1>
    %broadcast_in_dim3A_1158 = vector.broadcast %jit3A_1155 : f32 to vector<64x512xf32>
    %select_n3A_1159 = arith.select %broadcast_in_dim3A_1157, %max3A_1148, %broadcast_in_dim3A_1158 : vector<64x512xi1>, vector<64x512xf32>
    %max3A_1160 = arith.maximumf %max3A_1124, %select_n3A_1159 : vector<64x512xf32>
    %swap3A = arith.constant 0 : index
    %swap3A_1161 = arith.constant 0 : index
    %swap3A_1162 = vector.load %arg9[%swap3A, %swap3A_1161] : memref<64x512xf32, #tpu.memory_space<vmem>>, vector<64x512xf32>
    tpu.vector_store %arg9[%swap3A, %swap3A_1161], %max3A_1160 {strides = array<i32>} : memref<64x512xf32, #tpu.memory_space<vmem>>, vector<64x512xf32>,
    %transpose3A = tpu.transpose %max3A_1160, [1, 0] : vector<64x512xf32> -> vector<512x64xf32>
    %swap3A_1163 = arith.constant 0 : index
    %swap3A_1164 = arith.constant 0 : index
    %swap3A_1165 = vector.load %arg10[%swap3A_1163, %swap3A_1164] : memref<512x64xf32, #tpu.memory_space<vmem>>, vector<512x64xf32>
    tpu.vector_store %arg10[%swap3A_1163, %swap3A_1164], %transpose3A {strides = array<i32>} : memref<512x64xf32, #tpu.memory_space<vmem>>, vector<512x64xf32>,
    return
  }
  func.func @transform_0(%arg0: i32) -> (i32, i32) {
    %c0_i32 = arith.constant 0 : i32
    %c0_i32_0 = arith.constant 0 : i32
    return %c0_i32, %arg0 : i32, i32
  }
  func.func @transform_1(%arg0: i32) -> (i32, i32) {
    %c0_i32 = arith.constant 0 : i32
    %c0_i32_0 = arith.constant 0 : i32
    return %c0_i32, %arg0 : i32, i32
  }
  func.func @transform_2(%arg0: i32) -> (i32, i32) {
    %c0_i32 = arith.constant 0 : i32
    %c0_i32_0 = arith.constant 0 : i32
    %c0_i32_1 = arith.constant 0 : i32
    return %c0_i32, %c0_i32_0 : i32, i32
  }
  func.func @transform_3(%arg0: i32) -> (i32, i32) {
    %c0_i32 = arith.constant 0 : i32
    %c0_i32_0 = arith.constant 0 : i32
    %c0_i32_1 = arith.constant 0 : i32
    return %c0_i32, %c0_i32_0 : i32, i32
  }
  func.func @transform_4(%arg0: i32) -> (i32, i32) {
    %c0_i32 = arith.constant 0 : i32
    %c0_i32_0 = arith.constant 0 : i32
    %c0_i32_1 = arith.constant 0 : i32
    return %c0_i32, %c0_i32_0 : i32, i32
  }
  func.func @transform_5(%arg0: i32) -> (i32, i32) {
    %c0_i32 = arith.constant 0 : i32
    %c0_i32_0 = arith.constant 0 : i32
    %c0_i32_1 = arith.constant 0 : i32
    return %c0_i32, %c0_i32_0 : i32, i32
  }
  func.func @transform_6(%arg0: i32) -> (i32, i32) {
    %c0_i32 = arith.constant 0 : i32
    %c0_i32_0 = arith.constant 0 : i32
    %c0_i32_1 = arith.constant 0 : i32
    return %c0_i32, %c0_i32_0 : i32, i32
  }
  func.func @transform_7(%arg0: i32) -> (i32, i32) {
    %c0_i32 = arith.constant 0 : i32
    %c0_i32_0 = arith.constant 0 : i32
    %c0_i32_1 = arith.constant 0 : i32
    return %c0_i32, %c0_i32_0 : i32, i32
  }
  func.func @transform_8(%arg0: i32) -> (i32, i32) {
    %c0_i32 = arith.constant 0 : i32
    %c0_i32_0 = arith.constant 0 : i32
    return %c0_i32, %arg0 : i32, i32
  }
  func.func @transform_9(%arg0: i32) -> (i32, i32) {
    %c0_i32 = arith.constant 0 : i32
    %c0_i32_0 = arith.constant 0 : i32
    return %arg0, %c0_i32 : i32, i32
  }
}

module attributes {stable_mosaic.version = 14 : i64} {
  func.func @_mlp_body(%arg0: i32, %arg1: memref<4096x67xf32, #tpu.memory_space<vmem>>, %arg2: memref<4096x1xi32, #tpu.memory_space<vmem>>, %arg3: memref<67x64xf32, #tpu.memory_space<vmem>>, %arg4: memref<1x64xf32, #tpu.memory_space<vmem>>, %arg5: memref<64x64xf32, #tpu.memory_space<vmem>>, %arg6: memref<1x64xf32, #tpu.memory_space<vmem>>, %arg7: memref<64x128xf32, #tpu.memory_space<vmem>>, %arg8: memref<1x128xf32, #tpu.memory_space<vmem>>, %arg9: memref<128x128xf32, #tpu.memory_space<vmem>>) attributes {dimension_semantics = [#tpu.dimension_semantics<arbitrary>], iteration_bounds = array<i64: 16>, scalar_prefetch = 0 : i64, scratch_operands = 0 : i64, tpu.core_type = #tpu.core_type<tc>, window_params = [{transform_indices = @transform_0, window_bounds = array<i64: 4096, 67>}, {transform_indices = @transform_1, window_bounds = array<i64: 4096, 1>}, {pipeline_mode = #tpu.pipeline_mode<synchronous>, transform_indices = @transform_2, window_bounds = array<i64: 67, 64>}, {pipeline_mode = #tpu.pipeline_mode<synchronous>, transform_indices = @transform_3, window_bounds = array<i64: 1, 64>}, {pipeline_mode = #tpu.pipeline_mode<synchronous>, transform_indices = @transform_4, window_bounds = array<i64: 64, 64>}, {pipeline_mode = #tpu.pipeline_mode<synchronous>, transform_indices = @transform_5, window_bounds = array<i64: 1, 64>}, {pipeline_mode = #tpu.pipeline_mode<synchronous>, transform_indices = @transform_6, window_bounds = array<i64: 64, 128>}, {pipeline_mode = #tpu.pipeline_mode<synchronous>, transform_indices = @transform_7, window_bounds = array<i64: 1, 128>}, {transform_indices = @transform_8, window_bounds = array<i64: 128, 128>}]} {
    %get3A = arith.constant 0 : index
    %get3A_0 = arith.constant 0 : index
    %get3A_1 = vector.load %arg1[%get3A, %get3A_0] : memref<4096x67xf32, #tpu.memory_space<vmem>>, vector<4096x67xf32>
    %get3A_2 = arith.constant 0 : index
    %get3A_3 = arith.constant 0 : index
    %get3A_4 = vector.load %arg3[%get3A_2, %get3A_3] : memref<67x64xf32, #tpu.memory_space<vmem>>, vector<67x64xf32>
    %dot_general3A = arith.constant dense<0.000000e+00> : vector<4096x64xf32>
    %dot_general3A_5 = tpu.matmul %get3A_1, %get3A_4, %dot_general3A {dimension_numbers = #tpu.dot_dimension_numbers<[1], [0], [0], [1], [0, 0, 1, 1], [], []>, transpose_lhs_hint = false} : vector<4096x67xf32>, vector<67x64xf32>, vector<4096x64xf32> -> vector<4096x64xf32>
    %get3A_6 = arith.constant 0 : index
    %get3A_7 = arith.constant 0 : index
    %get3A_8 = vector.load %arg4[%get3A_6, %get3A_7] : memref<1x64xf32, #tpu.memory_space<vmem>>, vector<1x64xf32>
    %add3A = vector.broadcast %get3A_8 : vector<1x64xf32> to vector<4096x64xf32>
    %add3A_9 = arith.addf %dot_general3A_5, %add3A : vector<4096x64xf32>
    %max3A = arith.constant 0.000000e+00 : f32
    %max3A_10 = vector.broadcast %max3A : f32 to vector<4096x64xf32>
    %max3A_11 = arith.maximumf %add3A_9, %max3A_10 : vector<4096x64xf32>
    %get3A_12 = arith.constant 0 : index
    %get3A_13 = arith.constant 0 : index
    %get3A_14 = vector.load %arg5[%get3A_12, %get3A_13] : memref<64x64xf32, #tpu.memory_space<vmem>>, vector<64x64xf32>
    %dot_general3A_15 = arith.constant dense<0.000000e+00> : vector<4096x64xf32>
    %dot_general3A_16 = tpu.matmul %max3A_11, %get3A_14, %dot_general3A_15 {dimension_numbers = #tpu.dot_dimension_numbers<[1], [0], [0], [1], [0, 0, 1, 1], [], []>, transpose_lhs_hint = false} : vector<4096x64xf32>, vector<64x64xf32>, vector<4096x64xf32> -> vector<4096x64xf32>
    %get3A_17 = arith.constant 0 : index
    %get3A_18 = arith.constant 0 : index
    %get3A_19 = vector.load %arg6[%get3A_17, %get3A_18] : memref<1x64xf32, #tpu.memory_space<vmem>>, vector<1x64xf32>
    %add3A_20 = vector.broadcast %get3A_19 : vector<1x64xf32> to vector<4096x64xf32>
    %add3A_21 = arith.addf %dot_general3A_16, %add3A_20 : vector<4096x64xf32>
    %max3A_22 = arith.constant 0.000000e+00 : f32
    %max3A_23 = vector.broadcast %max3A_22 : f32 to vector<4096x64xf32>
    %max3A_24 = arith.maximumf %add3A_21, %max3A_23 : vector<4096x64xf32>
    %get3A_25 = arith.constant 0 : index
    %get3A_26 = arith.constant 0 : index
    %get3A_27 = vector.load %arg7[%get3A_25, %get3A_26] : memref<64x128xf32, #tpu.memory_space<vmem>>, vector<64x128xf32>
    %dot_general3A_28 = arith.constant dense<0.000000e+00> : vector<4096x128xf32>
    %dot_general3A_29 = tpu.matmul %max3A_24, %get3A_27, %dot_general3A_28 {dimension_numbers = #tpu.dot_dimension_numbers<[1], [0], [0], [1], [0, 0, 1, 1], [], []>, transpose_lhs_hint = false} : vector<4096x64xf32>, vector<64x128xf32>, vector<4096x128xf32> -> vector<4096x128xf32>
    %get3A_30 = arith.constant 0 : index
    %get3A_31 = arith.constant 0 : index
    %get3A_32 = vector.load %arg8[%get3A_30, %get3A_31] : memref<1x128xf32, #tpu.memory_space<vmem>>, vector<1x128xf32>
    %add3A_33 = vector.broadcast %get3A_32 : vector<1x128xf32> to vector<4096x128xf32>
    %add3A_34 = arith.addf %dot_general3A_29, %add3A_33 : vector<4096x128xf32>
    %max3A_35 = arith.constant 0.000000e+00 : f32
    %max3A_36 = vector.broadcast %max3A_35 : f32 to vector<4096x128xf32>
    %max3A_37 = arith.maximumf %add3A_34, %max3A_36 : vector<4096x128xf32>
    %get3A_38 = arith.constant 0 : index
    %get3A_39 = arith.constant 0 : index
    %get3A_40 = vector.load %arg2[%get3A_38, %get3A_39] : memref<4096x1xi32, #tpu.memory_space<vmem>>, vector<4096x1xi32>
    %gt3A = arith.constant 0 : i32
    %gt3A_41 = vector.broadcast %gt3A : i32 to vector<4096x1xi32>
    %gt3A_42 = arith.cmpi sgt, %get3A_40, %gt3A_41 : vector<4096x1xi32>
    %jit3A = arith.constant 0.000000e+00 : f32
    %broadcast_in_dim3A = vector.shape_cast %gt3A_42 : vector<4096x1xi1> to vector<4096x1xi1>
    %broadcast_in_dim3A_43 = vector.broadcast %broadcast_in_dim3A : vector<4096x1xi1> to vector<4096x128xi1>
    %broadcast_in_dim3A_44 = vector.broadcast %jit3A : f32 to vector<4096x128xf32>
    %select_n3A = arith.select %broadcast_in_dim3A_43, %max3A_37, %broadcast_in_dim3A_44 : vector<4096x128xi1>, vector<4096x128xf32>
    %reshape3A = vector.shape_cast %select_n3A : vector<4096x128xf32> to vector<128x32x128xf32>
    %reduce_max3A = arith.constant dense<0xFF800000> : vector<128x128xf32>
    %reduce_max3A_45 = vector.multi_reduction <maximumf>, %reshape3A, %reduce_max3A [1] : vector<128x32x128xf32> to vector<128x128xf32>
    %swap3A = arith.constant 0 : index
    %swap3A_46 = arith.constant 0 : index
    %swap3A_47 = vector.load %arg9[%swap3A, %swap3A_46] : memref<128x128xf32, #tpu.memory_space<vmem>>, vector<128x128xf32>
    tpu.vector_store %arg9[%swap3A, %swap3A_46], %reduce_max3A_45 {strides = array<i32>} : memref<128x128xf32, #tpu.memory_space<vmem>>, vector<128x128xf32>,
    return
  }
  func.func @transform_0(%arg0: i32) -> (i32, i32) {
    %c0_i32 = arith.constant 0 : i32
    %c0_i32_0 = arith.constant 0 : i32
    return %arg0, %c0_i32 : i32, i32
  }
  func.func @transform_1(%arg0: i32) -> (i32, i32) {
    %c0_i32 = arith.constant 0 : i32
    %c0_i32_0 = arith.constant 0 : i32
    return %arg0, %c0_i32 : i32, i32
  }
  func.func @transform_2(%arg0: i32) -> (i32, i32) {
    %c0_i32 = arith.constant 0 : i32
    %c0_i32_0 = arith.constant 0 : i32
    %c0_i32_1 = arith.constant 0 : i32
    return %c0_i32, %c0_i32_0 : i32, i32
  }
  func.func @transform_3(%arg0: i32) -> (i32, i32) {
    %c0_i32 = arith.constant 0 : i32
    %c0_i32_0 = arith.constant 0 : i32
    %c0_i32_1 = arith.constant 0 : i32
    return %c0_i32, %c0_i32_0 : i32, i32
  }
  func.func @transform_4(%arg0: i32) -> (i32, i32) {
    %c0_i32 = arith.constant 0 : i32
    %c0_i32_0 = arith.constant 0 : i32
    %c0_i32_1 = arith.constant 0 : i32
    return %c0_i32, %c0_i32_0 : i32, i32
  }
  func.func @transform_5(%arg0: i32) -> (i32, i32) {
    %c0_i32 = arith.constant 0 : i32
    %c0_i32_0 = arith.constant 0 : i32
    %c0_i32_1 = arith.constant 0 : i32
    return %c0_i32, %c0_i32_0 : i32, i32
  }
  func.func @transform_6(%arg0: i32) -> (i32, i32) {
    %c0_i32 = arith.constant 0 : i32
    %c0_i32_0 = arith.constant 0 : i32
    %c0_i32_1 = arith.constant 0 : i32
    return %c0_i32, %c0_i32_0 : i32, i32
  }
  func.func @transform_7(%arg0: i32) -> (i32, i32) {
    %c0_i32 = arith.constant 0 : i32
    %c0_i32_0 = arith.constant 0 : i32
    %c0_i32_1 = arith.constant 0 : i32
    return %c0_i32, %c0_i32_0 : i32, i32
  }
  func.func @transform_8(%arg0: i32) -> (i32, i32) {
    %c0_i32 = arith.constant 0 : i32
    %c0_i32_0 = arith.constant 0 : i32
    return %arg0, %c0_i32 : i32, i32
  }
}

</mosaic_0001>

<sc_bundles>
// kernel: kernel.12.cloned.1.call-start
scs
__scs_entry_jumppad:
0x0: {  	(pc) =	sbr.rel $0x88, $3  }
0x1: {  	(tag) =	ssettag $0x0;
	lr =	simm.s32 $0x1  }
0x2: {  	[smem:$0x3F93] =	sst lr;
	_ =	strace $0xD0000000  }
0x3: {  	_ = 	snop  }
0x4: {  	_ = 	snop  }
0x5: {  	_ = 	snop  }
0x6: {  	_ = 	snop  }
0x7: {  	_ = 	snop  }
__scs_overlays_trampoline_lowered:
0x8: {  	[smem:$0x3FA2] =	sst s0  }
0x9: {  	[smem:$0x3FA3] =	sst s1  }
0xa: {  	[smem:$0x3FA4] =	sst s2  }
0xb: {  	[smem:$0x3FA5] =	sst s3  }
0xc: {  	[smem:$0x3FA6] =	sst s4  }
0xd: {  	[smem:$0x3FA7] =	sst s5  }
0xe: {  	[smem:$0x3FA8] =	sst s6  }
0xf: {  	[smem:$0x3FA9] =	sst s7  }
0x10: {  	[smem:$0x3FAA] =	sst s8  }
0x11: {  	[smem:$0x3FAB] =	sst s9;
	s0 =	simm.s32 @!p0 $0x0  }
0x12: {  	s1 =	sld [smem:$0x3F91];
	s0 =	simm.s32 @p0 $0x1  }
0x13: {  	[smem:$0x3FAC] =	sst s0;
	s0 =	simm.s32 @!p1 $0x0  }
0x14: {  	s2 =	sld [smem:$0x3F90];
	s0 =	simm.s32 @p1 $0x1  }
0x15: {  	[smem:$0x3FAD] =	sst s0;
	s0 =	simm.s32 @!p2 $0x0  }
0x16: {  	s3 =	sld [smem:$0x3FDB];
	s0 =	simm.s32 @p2 $0x1  }
0x17: {  	s4 =	simm.s32 $0x1BF5;
	[smem:$0x3FAF] =	sst s0  }
0x18: {  	s0 =	sld [smem:$0x3F92];
	_ =	swait.ge [sflag:s4], $0x0  }
0x19: {  	s7 =	sld [smem:$0x3F93]  }
0x1a: {  	s8 =	sadd.s32 $0xFFFFE003, lr  }
0x1b: {  	s9 =	sadd.s32 $0xFFFFFEF7, lr;
	s5 =	simm.s32 $0xFFFFFFFF;
	p2 =	slt.u32 s8, $0xFFFFF086  }
0x1c: {  	p1 =	slt.u32 s9, $0xF7A;
	s5 =	simm.s32 @!p2 $0x0  }
0x1d: {  	s5 =	simm.s32 @p1 $0x1;
	p0 =	seq.s32 s7, s2  }
0x1e: {  	s7 =	smul.u32 @!p0 $0xF7A, s2;
	p2 =	seq.s32 @!p0 s5, $0x0  }
0x1f: {  	s9 =	smul.u32 $0xF7A, s1;
	s8 =	simm.s32 @!p0 $0x1BF5;
	p2 =	por !p2, p0  }
0x20: {  	[sflag:s8] =	ssyncset.s32 @!p0 $0xFFFFF086;
	s6 =	sadd.s32 @!p0 s3, s7;
	s7 =	simm.s32 @!p0 $0x108  }
0x21: {  	s3 =	sadd.s32 s3, s9;
	s6 =	sadd.s32 @!p0 $0x88, s6;
	s7 =	simm.s32 @p2 $0x1082  }
0x22: {  	[simem:s7], [sflag:s8] =	dma.local @!p0 [hbm:s6], $0xF7A  }
0x23: {  	s9 =	sor.u32 $0xD0000000, s2;
	s6 =	simm.s32 $0x108;
	_ =	swait.ge @!p0 [sflag:s8], $0x0  }
0x24: {  	s3 =	sadd.s32 $0x88, s3;
	s6 =	simm.s32 @!p1 $0x1082;
	[sflag:s4] =	ssyncset.s32 $0xFFFFF086  }
0x25: {  	[simem:s6], [sflag:s4] =	dma.local [hbm:s3], $0xF7A  }
0x26: {  	[smem:$0x3F93] =	sst s1;
	(tag) =	ssettag s2;
	_ =	strace s9  }
0x27: {  	s1 =	sld [smem:$0x3FA3]  }
0x28: {  	s2 =	sld [smem:$0x3FA4]  }
0x29: {  	s4 =	sld [smem:$0x3FA6]  }
0x2a: {  	p0 =	seq.s32 s5, $0x0;
	s5 =	sld [smem:$0x3FA7]  }
0x2b: {  	s6 =	sld [smem:$0x3FA8]  }
0x2c: {  	s7 =	sld [smem:$0x3FA9]  }
0x2d: {  	s3 =	simm.s32 $0x108;
	s8 =	sld [smem:$0x3FAA]  }
0x2e: {  	s3 =	simm.s32 @!p0 $0x1082;
	s9 =	sld [smem:$0x3FAB]  }
0x2f: {  	lr =	sadd.s32 s0, s3;
	s0 =	sld [smem:$0x3FA2]  }
0x30: {  	s3 =	sld [smem:$0x3FA5]  }
0x31: {  	[smem:$0x3FAE] =	sst s10  }
0x32: {  	s10 =	sld [smem:$0x3FAC];
	_ =	sdelay $0x3  }
0x33: {  	p0 =	seq.s32 s10, $0x1;
	s10 =	sld [smem:$0x3FAE];
	_ =	sdelay $0x3  }
0x34: {  	[smem:$0x3FAE] =	sst s10  }
0x35: {  	s10 =	sld [smem:$0x3FAD];
	_ =	sdelay $0x3  }
0x36: {  	p1 =	seq.s32 s10, $0x1;
	s10 =	sld [smem:$0x3FAE];
	_ =	sdelay $0x3  }
0x37: {  	[smem:$0x3FAE] =	sst s10  }
0x38: {  	s10 =	sld [smem:$0x3FAF]  }
0x39: {  	_ = 	snop;
	(pc) =	sbr.ind lr, $3  }
0x3a: {  	_ = 	snop  }
0x3b: {  	_ = 	snop  }
0x3c: {  	p2 =	seq.s32 s10, $0x1;
	s10 =	sld [smem:$0x3FAE]  }
0x3d: {  	_ =	shalt  }
0x3e: {  	_ =	shalt  }
0x3f: {  	_ =	shalt  }
0x40: {  	_ =	shalt  }
0x41: {  	_ =	shalt  }
0x42: {  	_ =	shalt  }
0x43: {  	_ =	shalt  }
0x44: {  	_ =	shalt  }
0x45: {  	_ =	shalt  }
0x46: {  	_ =	shalt  }
0x47: {  	_ =	shalt  }
0x48: {  	_ =	shalt  }
0x49: {  	_ =	shalt  }
0x4a: {  	_ =	shalt  }
0x4b: {  	_ =	shalt  }
0x4c: {  	_ =	shalt  }
0x4d: {  	_ =	shalt  }
0x4e: {  	_ =	shalt  }
0x4f: {  	_ =	shalt  }
0x50: {  	_ =	shalt  }
0x51: {  	_ =	shalt  }
0x52: {  	_ =	shalt  }
0x53: {  	_ =	shalt  }
0x54: {  	_ =	shalt  }
0x55: {  	_ =	shalt  }
0x56: {  	_ =	shalt  }
0x57: {  	_ =	shalt  }
0x58: {  	_ =	shalt  }
0x59: {  	_ =	shalt  }
0x5a: {  	_ =	shalt  }
0x5b: {  	_ =	shalt  }
0x5c: {  	_ =	shalt  }
0x5d: {  	_ =	shalt  }
0x5e: {  	_ =	shalt  }
0x5f: {  	_ =	shalt  }
0x60: {  	_ =	shalt  }
0x61: {  	_ =	shalt  }
0x62: {  	_ =	shalt  }
0x63: {  	_ =	shalt  }
0x64: {  	_ =	shalt  }
0x65: {  	_ =	shalt  }
0x66: {  	_ =	shalt  }
0x67: {  	_ =	shalt  }
0x68: {  	_ =	shalt  }
0x69: {  	_ =	shalt  }
0x6a: {  	_ =	shalt  }
0x6b: {  	_ =	shalt  }
0x6c: {  	_ =	shalt  }
0x6d: {  	_ =	shalt  }
0x6e: {  	_ =	shalt  }
0x6f: {  	_ =	shalt  }
0x70: {  	_ =	shalt  }
0x71: {  	_ =	shalt  }
0x72: {  	_ =	shalt  }
0x73: {  	_ =	shalt  }
0x74: {  	_ =	shalt  }
0x75: {  	_ =	shalt  }
0x76: {  	_ =	shalt  }
0x77: {  	_ =	shalt  }
0x78: {  	_ =	shalt  }
0x79: {  	_ =	shalt  }
0x7a: {  	_ =	shalt  }
0x7b: {  	_ =	shalt  }
0x7c: {  	_ =	shalt  }
0x7d: {  	_ =	shalt  }
0x7e: {  	_ =	shalt  }
0x7f: {  	_ =	shalt  }
0x80: {  	_ =	shalt  }
0x81: {  	_ =	shalt  }
0x82: {  	_ =	shalt  }
0x83: {  	_ =	shalt  }
0x84: {  	_ =	shalt  }
0x85: {  	_ =	shalt  }
0x86: {  	_ =	shalt  }
0x87: {  	_ =	shalt  }
.Lfunc_end0:
.L_simem_size_0:
called_computation.1_lowered:
.L_overlay_start_0:
0x88: {  	s2 =	sld [smem:$0x3FD9]  }
0x89: {  	s3 =	sld [smem:$0x3FFE];
	_ =	sdelay $0x1  }
0x8a: {  	s1 =	srdreg.scid  }
0x8b: {  	s0 =	sand.u32 $0x1, s1  }
0x8c: {  	s14 =	sshll.u32 s0, $0xA;
	s2 =	sadd.s32 s3, s2  }
0x8d: {  	s2 =	sadd.s32 s2, s14  }
0x8e: {  	[smem:$0x3FBA] =	sst s2  }
0x8f: {  	_ = 	snop  }
0x90: {  	s2 =	sld [smem:$0x3FD0];
	_ =	sdelay $0x2  }
0x91: {  	s15 =	simm.s32 $0xA;
	s4 =	simm.s32 $0x10  }
0x92: {  	[smem:s4], [sflag:s15] =	dma.local [hbm:s2], $0x1  }
0x93: {  	_ =	swait.eq [sflag:s15], $0x1  }
0x94: {  	[sflag:s15] =	ssyncset.done $0x0  }
0x95: {  	s16 =	sld [smem:$0x16];
	[sflag:s15] =	ssyncadd.s32 $0xFFFFFFFF  }
0x96: {  	s17 =	sld [smem:$0x17];
	(tm) =	ssettm $0x1  }
0x97: {  	s18 =	sld [smem:$0x3FFB];
	_ =	sdelay $0x3  }
0x98: {  	_ =	strace s18  }
0x99: {  	s4 =	sld [smem:$0x3FFC];
	_ =	sdelay $0x3  }
0x9a: {  	_ =	strace s4  }
0x9b: {  	s4 =	sld [smem:$0x3FFD];
	_ =	sdelay $0x3  }
0x9c: {  	_ =	strace s4  }
0x9d: {  	_ =	strace $0x8FFFFFFF  }
0x9e: {  	s19 =	sld [smem:$0x3FDB];
	_ =	sdelay $0x1  }
0x9f: {  	s5 =	simm.s32 $_scs_section_size  }
0xa0: {  	s6 =	simm.s32 $_size__tile_overlayer_lowered;
	s7 =	simm.s32 $_tile_overlayer_lowered  }
0xa1: {  	s22 =	simm.s32 $0x1BFF;
	s21 =	sshll.u32 s7, $0x1;
	s4 =	sadd.s32 s5, s19  }
0xa2: {  	s8 =	simm.s32 $0x0;
	s20 =	sshll.u32 s6, $0x1;
	s6 =	sadd.s32 s21, s4  }
0xa3: {  	[timem:s8], [sflag:s22] =	dma.local [hbm:s6], s20  }
0xa4: {  	_ =	swait.ge [sflag:s22], s20  }
0xa5: {  	s5 =	ssub.s32 $0x0, s20;
	[sflag:s22] =	ssyncset.done $0x0  }
0xa6: {  	[sflag:s22] =	ssyncadd.s32 s5;
	_ =	sdelay $0x1  }
0xa7: {  	s23 =	simm.s32 $0x1B8B  }
0xa8: {  	_ =	swait.ge [sflag:s23], $0x1  }
0xa9: {  	[sflag:s23] =	ssyncset.done $0x0  }
0xaa: {  	s25 =	simm.s32 $0x1B8E;
	s24 =	sld [smem:$0x3FFE];
	[sflag:s23] =	ssyncadd.s32 $0xFFFFFFFF  }
0xab: {  	s26 =	simm.s32 $execute0_lowered;
	[smem:$0x3FD2] =	sst s25  }
0xac: {  	s6 =	sshll.u32 s26, $0x1;
	_ =	strace $0x80000049;
	[dreg:$0x1] =	wrdreg $0xFFFFFFFF  }
0xad: {  	s28 =	simm.s32 $_size_execute0_lowered;
	s4 =	sadd.s32 s4, s6;
	[dreg:$0x0] =	wrdreg $0x0  }
0xae: {  	s6 =	sshll.u32 s28, $0x1;
	[dreg:$0x2] =	wrdreg s4  }
0xaf: {  	[dreg:$0x3] =	wrdreg s6  }
0xb0: {  	[dreg:$0x4] =	wrdreg $0xC0  }
0xb1: {  	_ =	task [dreg:s8], $0x5FFFF  }
0xb2: {  	[dreg:$0x1] =	wrdreg $0xFFFFFFFF  }
0xb3: {  	[dreg:$0x0] =	wrdreg $0x60  }
0xb4: {  	[dreg:$0x2] =	wrdreg s17  }
0xb5: {  	[dreg:$0x3] =	wrdreg s24  }
0xb6: {  	[dreg:$0x4] =	wrdreg s16  }
0xb7: {  	[dreg:$0x5] =	wrdreg $0x9  }
0xb8: {  	_ =	task.clear_ibuf [dreg:s8], $0x6FFFF;
	_ =	strace $0x90000049  }
0xb9: {  	s29 =	simm.s32 $0x9;
	_ =	strace $0x8000004B  }
0xba: {  	_ =	swait.ge [sflag:s29], $0x1  }
0xbb: {  	[sflag:s29] =	ssyncadd.s32 $0xFFFFFFFF  }
0xbc: {  	_ =	strace $0x9000004B  }
0xbd: {  	_ =	sfence  }
0xbe: {  	s30 =	sld [smem:$0x0];
	_ =	sdelay $0x2  }
0xbf: {  	s31 =	sshll.u32 s1, $0xD;
	s1 =	sshrl.u32 s1, $0x2  }
0xc0: {  	s3 =	sand.u32 $0x4000, s31;
	s1 =	sadd.s32 s1, s30  }
0xc1: {  	s0 =	sor.u32 s3, s0;
	s1 =	sshll.u32 s1, $0x11  }
0xc2: {  	s0 =	sor.u32 s1, s0  }
0xc3: {  	s0 =	sadd.s32 $0x8F2B, s0  }
0xc4: {  	[sflag:s0] =	ssyncadd.remote.s32 $0x1  }
0xc5: {  	_ =	sfence.sel $0xFFFF  }
0xc6: {  	[dreg:$0x0] =	wrdreg $0xFFFFFFFF;
	(pc) =	sbr.abs _section_cstart, $3  }
0xc7: {  	[dreg:$0x1] =	wrdreg $0xFFFFFFFF  }
0xc8: {  	_ =	task.clear_ibuf [dreg:s8], $0x2FFFF;
	_ =	strace $0x9FFFFFFF  }
0xc9: {  	(tm) =	ssettm $0x7FFFFFFF  }
tec
execute0_lowered:
.L_overlay_start_1:
0x0: {  	(tag) =	ssettag $0x1  }
0x1: {  	s0 =	rddreg [dreg:$0x0]  }
0x2: {  	s1 =	rddreg [dreg:$0x1];
	s3 =	simm.s32 $0x0;
	vm1 =	vmmov $0x1f;
	v1 =	vimm.s32 $0x0  }
0x3: {  	[smem:$0x7FF] =	sst s3;
	v1 =	vsel vm1, $0xFFFFFFFF, v1  }
0x4: {  	s2 =	rddreg [dreg:$0x2];
	vm1 =	vmmov $0x3f;
	_ =	strace $0x8000004A;
	[tilespmem:$0x1FF10] =	vst v1;
	v1 =	vimm.s32 $0x0  }
0x5: {  	v1 =	vsel vm1, $0xFFFFFFFF, v1  }
0x6: {  	vm1 =	vmmov $0x7f;
	[tilespmem:$0x1FF20] =	vst v1;
	v1 =	vimm.s32 $0x0  }
0x7: {  	v1 =	vsel vm1, $0xFFFFFFFF, v1  }
0x8: {  	vm1 =	vmmov $0xff;
	[tilespmem:$0x1FF30] =	vst v1;
	v1 =	vimm.s32 $0x0  }
0x9: {  	v1 =	vsel vm1, $0xFFFFFFFF, v1  }
0xa: {  	s8 =	stileid.u32;
	vm1 =	vmmov $0x1ff;
	[tilespmem:$0x1FF40] =	vst v1;
	v1 =	vimm.s32 $0x0  }
0xb: {  	s5 =	srdreg.scid;
	s15 =	simm.s32 $0x80;
	s16 =	simm.s32 $0x400;
	v1 =	vsel vm1, $0xFFFFFFFF, v1  }
0xc: {  	s17 =	simm.s32 $0x1;
	s18 =	simm.s32 $0x800;
	s28 =	simm.s32 $0x10E00;
	vm1 =	vmmov $0x3ff;
	[tilespmem:$0x1FF50] =	vst v1;
	v1 =	vimm.s32 $0x0  }
0xd: {  	s29 =	simm.s32 $0x11300;
	s30 =	simm.s32 $0x11B00;
	s31 =	simm.s32 $0x1A100;
	v1 =	vsel vm1, $0xFFFFFFFF, v1  }
0xe: {  	s4 =	sshrl.u32 s8, $0x1;
	s5 =	sand.u32 $0x1, s5;
	s8 =	sshll.u32 s8, $0x1;
	vm1 =	vmmov $0x7ff;
	[tilespmem:$0x1FF60] =	vst v1;
	v1 =	vimm.s32 $0x0  }
0xf: {  	s6 =	sshll.u32 s4, $0x4;
	s4 =	sshll.u32 s4, $0xA;
	s8 =	sor.u32 s5, s8;
	v1 =	vsel vm1, $0xFFFFFFFF, v1  }
0x10: {  	s5 =	ssub.s32 $0x2, s5;
	s7 =	sadd.s32 s6, s1;
	s9 =	sadd.s32 s4, s1;
	vm1 =	vmmov $0xfff;
	[tilespmem:$0x1FF70] =	vst v1;
	v1 =	vimm.s32 $0x0  }
0x11: {  	vm12 =	vmmov $0x1;
	v5 =	vimm.s32 $0x0;
	s10 =	sshll.u32 s8, $0x3;
	s11 =	sshrl.u32 s5, $0x1;
	s0 =	sadd.s32 s0, s6;
	v1 =	vsel vm1, $0xFFFFFFFF, v1  }
0x12: {  	v5 =	vsel vm12, $0xFFFFFFFF, v5;
	s4 =	sadd.s32 $0x45000, s1;
	[dreg:$0x4] =	wrdreg s0;
	s22 =	sadd.s32 $0x44600, s7;
	vm1 =	vmmov $0x1fff;
	[tilespmem:$0x1FF80] =	vst v1;
	v1 =	vimm.s32 $0x0  }
0x13: {  	vm13 =	vmmov $0x3;
	[tilespmem:$0x1FFC0] =	vst v5;
	v5 =	vimm.s32 $0x0;
	s1 =	sadd.s32 s10, s1;
	s23 =	sadd.s32 $0x44A00, s7;
	[dreg:$0x5] =	wrdreg s22;
	v1 =	vsel vm1, $0xFFFFFFFF, v1  }
0x14: {  	v5 =	vsel vm13, $0xFFFFFFFF, v5;
	s21 =	ssub.s32 s5, s11;
	s24 =	sadd.s32 $0x3A00, s9;
	[dreg:$0x6] =	wrdreg s23;
	vm1 =	vmmov $0x3fff;
	[tilespmem:$0x1FF90] =	vst v1;
	v1 =	vimm.s32 $0x0  }
0x15: {  	vm14 =	vmmov $0x7;
	s5 =	sshll.u32 s8, $0x6;
	s0 =	simm.s32 $0x0;
	[tilespmem:$0x1FFD0] =	vst v5;
	v5 =	vimm.s32 $0x0;
	[dreg:$0x7] =	wrdreg s24;
	v1 =	vsel vm1, $0xFFFFFFFF, v1  }
0x16: {  	s25 =	sadd.s32 $0x44E00, s1;
	s26 =	sadd.s32 $0x13A00, s1;
	s12 =	sadd.s32 $0x13C00, s1;
	v5 =	vsel vm14, $0xFFFFFFFF, v5;
	vm1 =	vmmov $0x7fff;
	[tilespmem:$0x1FFA0] =	vst v1;
	v1 =	vimm.s32 $0x0  }
0x17: {  	vm0 =	vmmov $0xf;
	s13 =	sadd.s32 $0x13E00, s1;
	s14 =	smax.u32 s21, $0x1;
	s21 =	simm.s32 $0xC00;
	[tilespmem:$0x1FFE0] =	vst v5;
	v5 =	vimm.s32 $0x0;
	v1 =	vsel vm1, $0xFFFFFFFF, v1  }
0x18: {  	v0 =	vimm.s32 $0x0;
	s23 =	simm.s32 $0x10C80;
	s24 =	simm.s32 $0x10D00;
	[dreg:$0x8] =	wrdreg s25;
	v5 =	vsel vm0, $0xFFFFFFFF, v5;
	[tilespmem:$0x1FFB0] =	vst v1;
	v1 =	vlaneseq.u32  }
0x19: {  	[dreg:$0x9] =	wrdreg s26;
	s25 =	simm.s32 $0x10D80;
	s26 =	simm.s32 $0x11280;
	[tilespmem:$0x1FFF0] =	vst v5;
	v2 =	vor.u32 $0x10, v1;
	v3 =	vor.u32 $0x20, v1;
	v4 =	vor.u32 $0x30, v1  }
.LBB2_1:
0x1a: {  	s1 =	rddreg [dreg:$0x4]  }
0x1b: {  	[tilespmem:s3], [sflag:$0x1] =	stream.strided.gather [hbm4b:s1+s15], $0x400, s16, s15, $0x38;
	[tilespmem:$0x1A300] =	vst v63  }
0x1c: {  	_ =	swait.ge [sflag:s17], $0x400  }
0x1d: {  	[sflag:s17] =	ssyncset.done $0x0  }
0x1e: {  	s9 =	rddreg [dreg:$0x5];
	[sflag:s17] =	ssyncadd.s32 $0xFFFFFC00  }
0x1f: {  	[tilespmem:s16], [sflag:$0x1] =	stream.strided.gather [hbm4b:s9+s15], $0x400, s16, s15, $0x38;
	[tilespmem:$0x1A300] =	vst v63  }
0x20: {  	_ =	swait.ge [sflag:s17], $0x400  }
0x21: {  	[sflag:s17] =	ssyncset.done $0x0  }
0x22: {  	s10 =	rddreg [dreg:$0x6];
	[sflag:s17] =	ssyncadd.s32 $0xFFFFFC00  }
0x23: {  	[tilespmem:s18], [sflag:$0x1] =	stream.strided.gather [hbm4b:s10+s15], $0x400, s16, s15, $0x38;
	[tilespmem:$0x1A300] =	vst v63  }
0x24: {  	_ =	swait.ge [sflag:s17], $0x400  }
0x25: {  	s6 =	simm.s32 $0x2000;
	[sflag:s17] =	ssyncset.done $0x0  }
0x26: {  	s7 =	simm.s32 $0x10000;
	s11 =	rddreg [dreg:$0x7];
	[sflag:s17] =	ssyncadd.s32 $0xFFFFFC00  }
0x27: {  	[tilespmem:s21], [sflag:$0x1] =	stream.strided.gather [hbm4b:s11+s6], $0x10000, s7, s6, $0x38;
	[tilespmem:$0x1A300] =	vst v63  }
0x28: {  	_ =	swait.ge [sflag:s17], $0x10000  }
0x29: {  	[sflag:s17] =	ssyncset.done $0x0  }
0x2a: {  	s20 =	simm.s32 $0x10C00;
	s19 =	rddreg [dreg:$0x8];
	[sflag:s17] =	ssyncadd.s32 $0xFFFF0000  }
0x2b: {  	[tilespmem:s20], [sflag:$0x1] =	stream.linear.gather [hbm4b:s19+s3], $0x40, $0x38;
	[tilespmem:$0x1A300] =	vst v63  }
0x2c: {  	_ =	swait.ge [sflag:s17], $0x40  }
0x2d: {  	[sflag:s17] =	ssyncset.done $0x0  }
0x2e: {  	[sflag:s17] =	ssyncadd.s32 $0xFFFFFFC0  }
0x2f: {  	v5 =	vld [tilespmem:$0x10C00];
	_ =	sdelay $0x7  }
0x30: {  	v6 =	vld.idx.msk [tilespmem:v5+s3+$0x0], $0xffff;
	_ =	sdelay $0x4  }
0x31: {  	[tilespmem:$0x10C80] =	vst v6  }
0x32: {  	v6 =	vld.idx.msk [tilespmem:v5+s16+$0x0], $0xffff;
	_ =	sdelay $0x3  }
0x33: {  	v7 =	vld [tilespmem:$0x10C10]  }
0x34: {  	[tilespmem:$0x10D00] =	vst v6  }
0x35: {  	v5 =	vld.idx.msk [tilespmem:v5+s18+$0x0], $0xffff;
	_ =	sdelay $0x4  }
0x36: {  	[tilespmem:$0x10D80] =	vst v5  }
0x37: {  	v5 =	vld.idx.msk [tilespmem:v7+s3+$0x0], $0xffff;
	_ =	sdelay $0x4  }
0x38: {  	[tilespmem:$0x10C90] =	vst v5  }
0x39: {  	v5 =	vld.idx.msk [tilespmem:v7+s16+$0x0], $0xffff;
	_ =	sdelay $0x3  }
0x3a: {  	v6 =	vld [tilespmem:$0x10C20]  }
0x3b: {  	[tilespmem:$0x10D10] =	vst v5  }
0x3c: {  	v5 =	vld.idx.msk [tilespmem:v7+s18+$0x0], $0xffff;
	_ =	sdelay $0x4  }
0x3d: {  	[tilespmem:$0x10D90] =	vst v5  }
0x3e: {  	v5 =	vld.idx.msk [tilespmem:v6+s3+$0x0], $0xffff;
	_ =	sdelay $0x4  }
0x3f: {  	[tilespmem:$0x10CA0] =	vst v5  }
0x40: {  	v5 =	vld.idx.msk [tilespmem:v6+s16+$0x0], $0xffff;
	_ =	sdelay $0x3  }
0x41: {  	v7 =	vld [tilespmem:$0x10C30]  }
0x42: {  	[tilespmem:$0x10D20] =	vst v5  }
0x43: {  	v5 =	vld.idx.msk [tilespmem:v6+s18+$0x0], $0xffff;
	_ =	sdelay $0x4  }
0x44: {  	[tilespmem:$0x10DA0] =	vst v5  }
0x45: {  	v5 =	vld.idx.msk [tilespmem:v7+s3+$0x0], $0xffff;
	_ =	sdelay $0x4  }
0x46: {  	[tilespmem:$0x10CB0] =	vst v5  }
0x47: {  	v5 =	vld.idx.msk [tilespmem:v7+s16+$0x0], $0xffff;
	_ =	sdelay $0x4  }
0x48: {  	[tilespmem:$0x10D30] =	vst v5  }
0x49: {  	v5 =	vld.idx.msk [tilespmem:v7+s18+$0x0], $0xffff;
	_ =	sdelay $0x4  }
0x4a: {  	s22 =	rddreg [dreg:$0x9];
	[tilespmem:$0x10DB0] =	vst v5  }
0x4b: {  	[hbm4b:s22+s3] =	stream.linear.scatter [tilespmem:s23], [sflag:$0x1], $0x40, $0x38;
	[tilespmem:$0x1A300] =	vst v63  }
0x4c: {  	_ =	swait.ge [sflag:s17], $0x40  }
0x4d: {  	[sflag:s17] =	ssyncset.done $0x0  }
0x4e: {  	[sflag:s17] =	ssyncadd.s32 $0xFFFFFFC0  }
0x4f: {  	[hbm4b:s12+s3] =	stream.linear.scatter [tilespmem:s24], [sflag:$0x1], $0x40, $0x38;
	[tilespmem:$0x1A300] =	vst v63  }
0x50: {  	_ =	swait.ge [sflag:s17], $0x40  }
0x51: {  	[sflag:s17] =	ssyncset.done $0x0  }
0x52: {  	[sflag:s17] =	ssyncadd.s32 $0xFFFFFFC0  }
0x53: {  	[hbm4b:s13+s3] =	stream.linear.scatter [tilespmem:s25], [sflag:$0x1], $0x40, $0x38;
	[tilespmem:$0x1A300] =	vst v63  }
0x54: {  	_ =	swait.ge [sflag:s17], $0x40  }
0x55: {  	[sflag:s17] =	ssyncset.done $0x0  }
0x56: {  	s1 =	simm.s32 $0x0;
	[sflag:s17] =	ssyncadd.s32 $0xFFFFFFC0  }
.LBB2_2:
0x57: {  	s19 =	sshll.u32 s1, $0x4;
	s20 =	simm.s32 $0x0  }
.LBB2_3:
0x58: {  	s7 =	simm.s32 $0x0  }
0x59: {  	v9 =	vld [tilespmem:s7+$0x8F0]  }
0x5a: {  	v10 =	vld [tilespmem:s7+$0x8E0]  }
0x5b: {  	v11 =	vld [tilespmem:s7+$0x4F0]  }
0x5c: {  	s22 =	sor.u32 s19, s20;
	v12 =	vld [tilespmem:s7+$0xF0]  }
0x5d: {  	v8 =	vmov s22;
	v13 =	vld [tilespmem:s7+$0x4E0]  }
0x5e: {  	v14 =	vld [tilespmem:s7+$0xE0]  }
0x5f: {  	v16 =	vld [tilespmem:s7+$0x8C0]  }
0x60: {  	v17 =	vld [tilespmem:s7+$0x4D0]  }
0x61: {  	v19 =	vld [tilespmem:s7+$0x4C0]  }
0x62: {  	v7 =	vld.idx.msk [tilespmem:v8+s23+$0x0], $0xffff  }
0x63: {  	v6 =	vld.idx.msk [tilespmem:v8+s24+$0x0], $0xffff  }
0x64: {  	v5 =	vld.idx.msk [tilespmem:v8+s25+$0x0], $0xffff  }
0x65: {  	v20 =	vld [tilespmem:s7+$0xC0]  }
0x66: {  	v21 =	vld [tilespmem:s7+$0x8B0]  }
0x67: {  	v23 =	vld [tilespmem:s7+$0x4A0]  }
0x68: {  	v25 =	vld [tilespmem:s7+$0x490];
	v11 =	vsub.f32 v6, v11  }
0x69: {  	v29 =	vld [tilespmem:s7+$0x450];
	v12 =	vsub.f32 v7, v12;
	v9 =	vsub.f32 v5, v9  }
0x6a: {  	v30 =	vld [tilespmem:s7+$0x50];
	v14 =	vsub.f32 v7, v14;
	v13 =	vsub.f32 v6, v13  }
0x6b: {  	v31 =	vld [tilespmem:s7+$0x30];
	v10 =	vsub.f32 v5, v10;
	v17 =	vsub.f32 v6, v17  }
0x6c: {  	v32 =	vld [tilespmem:s7+$0x420];
	v20 =	vsub.f32 v7, v20;
	v19 =	vsub.f32 v6, v19  }
0x6d: {  	v33 =	vld [tilespmem:s7+$0x410];
	v16 =	vsub.f32 v5, v16;
	v21 =	vsub.f32 v5, v21  }
0x6e: {  	v23 =	vsub.f32 v6, v23;
	v25 =	vsub.f32 v6, v25  }
0x6f: {  	v34 =	vld [tilespmem:s7+$0x810];
	v29 =	vsub.f32 v6, v29;
	v30 =	vsub.f32 v7, v30  }
0x70: {  	v31 =	vsub.f32 v7, v31;
	v11 =	vmul.f32 v11, v11;
	v12 =	vmul.f32 v12, v12  }
0x71: {  	v18 =	vld [tilespmem:s7+$0xD0];
	v32 =	vsub.f32 v6, v32;
	v9 =	vmul.f32 v9, v9;
	v14 =	vmul.f32 v14, v14  }
0x72: {  	v33 =	vsub.f32 v6, v33;
	v13 =	vmul.f32 v13, v13;
	v10 =	vmul.f32 v10, v10  }
0x73: {  	v15 =	vld [tilespmem:s7+$0x8D0];
	v20 =	vmul.f32 v20, v20;
	v19 =	vmul.f32 v19, v19;
	v11 =	vadd.f32 v11, v12  }
0x74: {  	v22 =	vld [tilespmem:s7+$0x4B0];
	v34 =	vsub.f32 v5, v34;
	v16 =	vmul.f32 v16, v16;
	v21 =	vmul.f32 v21, v21  }
0x75: {  	v23 =	vmul.f32 v23, v23;
	v25 =	vmul.f32 v25, v25;
	v12 =	vld [tilespmem:s7+$0x8A0];
	v9 =	vadd.f32 v9, v11  }
0x76: {  	v29 =	vmul.f32 v29, v29;
	v13 =	vadd.f32 v13, v14;
	v14 =	vsub.f32 v7, v18;
	v11 =	vld [tilespmem:s7+$0xB0]  }
0x77: {  	v18 =	vld [tilespmem:s7+$0x890];
	v19 =	vadd.f32 v19, v20;
	vm1 =	vle.f32 v9, $1.000000000e+00;
	v9 =	vimm.s32 $0x0  }
0x78: {  	v14 =	vmul.f32 v14, v14;
	v10 =	vadd.f32 v10, v13;
	v13 =	vld [tilespmem:s7+$0x880];
	v9 =	vsel vm1, $0xFFFFFFFF, v9  }
0x79: {  	v16 =	vadd.f32 v16, v19;
	v19 =	vld [tilespmem:s7+$0x80];
	[tilespmem:$0x1FF00] =	vst v9;
	v9 =	vsub.f32 v5, v15;
	v15 =	vmul.f32 v17, v17  }
0x7a: {  	v30 =	vmul.f32 v30, v30;
	v31 =	vmul.f32 v31, v31;
	v20 =	vsub.f32 v6, v22;
	v17 =	vld [tilespmem:s7+$0xA0]  }
0x7b: {  	v11 =	vsub.f32 v7, v11;
	v24 =	vmul.f32 v9, v9;
	v14 =	vadd.f32 v15, v14  }
0x7c: {  	v33 =	vmul.f32 v33, v33;
	v20 =	vmul.f32 v20, v20;
	v26 =	vsub.f32 v5, v12;
	v15 =	vld [tilespmem:s7+$0x90]  }
0x7d: {  	v18 =	vsub.f32 v5, v18;
	v11 =	vmul.f32 v11, v11;
	v14 =	vadd.f32 v24, v14;
	v24 =	vld [tilespmem:s7+$0x480]  }
0x7e: {  	vm3 =	vle.f32 v16, $1.000000000e+00;
	v19 =	vsub.f32 v7, v19;
	v13 =	vsub.f32 v5, v13  }
0x7f: {  	v27 =	vld [tilespmem:s7+$0x70];
	v26 =	vmul.f32 v26, v26;
	v20 =	vadd.f32 v20, v11;
	v17 =	vsub.f32 v7, v17  }
0x80: {  	v28 =	vld [tilespmem:s7+$0x460];
	v9 =	vsel vm1, $0x1, v0;
	vm1 =	vle.f32 v10, $1.000000000e+00;
	v10 =	vimm.s32 $0x0  }
0x81: {  	v16 =	vld [tilespmem:s7+$0x470];
	v20 =	vadd.f32 v21, v20;
	v15 =	vsub.f32 v7, v15;
	v17 =	vmul.f32 v17, v17  }
0x82: {  	v22 =	vld [tilespmem:s7+$0x870];
	v18 =	vmul.f32 v18, v18;
	v10 =	vsel vm1, $0xFFFFFFFF, v10;
	v24 =	vsub.f32 v6, v24  }
0x83: {  	vm4 =	vle.f32 v20, $1.000000000e+00;
	v20 =	vld [tilespmem:s7+$0x60];
	v15 =	vmul.f32 v15, v15;
	v17 =	vadd.f32 v23, v17  }
0x84: {  	v19 =	vmul.f32 v19, v19;
	[tilespmem:$0x1FEF0] =	vst v10;
	v10 =	vsel vm1, $0x1, v0;
	vm1 =	vle.f32 v14, $1.000000000e+00;
	v14 =	vld [tilespmem:s7+$0x860]  }
0x85: {  	v24 =	vmul.f32 v24, v24;
	v17 =	vadd.f32 v26, v17;
	v15 =	vadd.f32 v25, v15  }
0x86: {  	v16 =	vsub.f32 v6, v16;
	v13 =	vmul.f32 v13, v13;
	v21 =	vld [tilespmem:s7+$0x850];
	v25 =	vsub.f32 v7, v27  }
0x87: {  	v27 =	vld [tilespmem:s7+$0x440];
	v19 =	vadd.f32 v24, v19;
	v15 =	vadd.f32 v18, v15;
	vm5 =	vle.f32 v17, $1.000000000e+00  }
0x88: {  	v17 =	vld [tilespmem:s7+$0x40];
	v18 =	vmul.f32 v25, v25;
	v25 =	vsub.f32 v6, v28;
	v20 =	vsub.f32 v7, v20  }
0x89: {  	v22 =	vsub.f32 v5, v22;
	v16 =	vmul.f32 v16, v16;
	v23 =	vld [tilespmem:s7+$0x840];
	v14 =	vsub.f32 v5, v14  }
0x8a: {  	v13 =	vadd.f32 v13, v19;
	v19 =	vld [tilespmem:s7+$0x430];
	v25 =	vmul.f32 v25, v25;
	v20 =	vmul.f32 v20, v20  }
0x8b: {  	v14 =	vmul.f32 v14, v14;
	v16 =	vadd.f32 v16, v18;
	v18 =	vmul.f32 v22, v22;
	v22 =	vld [tilespmem:s7+$0x800]  }
0x8c: {  	vm15 =	vle.f32 v15, $1.000000000e+00;
	v15 =	vld [tilespmem:s7+$0x10];
	v27 =	vsub.f32 v6, v27;
	v20 =	vadd.f32 v25, v20  }
0x8d: {  	v32 =	vmul.f32 v32, v32;
	v16 =	vadd.f32 v18, v16;
	v18 =	vld [tilespmem:s7+$0x400];
	v17 =	vsub.f32 v7, v17  }
0x8e: {  	v12 =	vimm.s32 $0x0;
	v23 =	vsub.f32 v5, v23;
	v25 =	vld [tilespmem:s7+$0x0];
	v14 =	vadd.f32 v14, v20  }
0x8f: {  	v17 =	vmul.f32 v17, v17;
	v20 =	vmul.f32 v27, v27;
	v27 =	vadd.f32 v29, v30;
	v29 =	vld [tilespmem:s7+$0x20]  }
0x90: {  	v11 =	vsel vm3, $0x1, v0;
	v12 =	vsel vm1, $0xFFFFFFFF, v12;
	v21 =	vsub.f32 v5, v21;
	v24 =	vld [tilespmem:s7+$0x830]  }
0x91: {  	v19 =	vsub.f32 v6, v19;
	v17 =	vadd.f32 v20, v17;
	v20 =	vmul.f32 v23, v23;
	v23 =	vld [tilespmem:s7+$0x820]  }
0x92: {  	[tilespmem:$0x1FEE0] =	vst v12;
	v12 =	vsel vm1, $0x1, v0;
	v22 =	vsub.f32 v5, v22;
	v15 =	vsub.f32 v7, v15  }
0x93: {  	v19 =	vmul.f32 v19, v19;
	v18 =	vsub.f32 v6, v18;
	v25 =	vsub.f32 v7, v25  }
0x94: {  	v22 =	vmul.f32 v22, v22;
	v15 =	vmul.f32 v15, v15;
	v29 =	vsub.f32 v7, v29  }
0x95: {  	v24 =	vsub.f32 v5, v24;
	v18 =	vmul.f32 v18, v18;
	v25 =	vmul.f32 v25, v25  }
0x96: {  	vm2 =	vle.f32 v14, $1.000000000e+00;
	v23 =	vsub.f32 v5, v23;
	v29 =	vmul.f32 v29, v29  }
0x97: {  	v15 =	vadd.f32 v33, v15;
	v18 =	vadd.f32 v18, v25;
	v25 =	vmul.f32 v34, v34  }
0x98: {  	v19 =	vadd.f32 v19, v31;
	v29 =	vadd.f32 v32, v29;
	v23 =	vmul.f32 v23, v23  }
0x99: {  	v18 =	vadd.f32 v22, v18;
	v15 =	vadd.f32 v25, v15;
	v22 =	vmul.f32 v24, v24  }
0x9a: {  	v17 =	vadd.f32 v20, v17;
	v20 =	vmul.f32 v21, v21;
	v23 =	vadd.f32 v23, v29  }
0x9b: {  	vm7 =	vle.f32 v18, $1.000000000e+00;
	vm6 =	vle.f32 v15, $1.000000000e+00;
	v15 =	vadd.f32 v22, v19  }
0x9c: {  	[tilespmem:s7+$0x10EC0] =	vst v11;
	v11 =	vld [tilespmem:$0x1FF10];
	v18 =	vmpcnt.ones.xlane vm7;
	v19 =	vmpcnt.ones.xlane vm6;
	vm8 =	vle.f32 v23, $1.000000000e+00  }
0x9d: {  	vm9 =	vle.f32 v15, $1.000000000e+00;
	v15 =	vadd.f32 v20, v27;
	v21 =	vmpcnt.ones.xlane vm8  }
0x9e: {  	[tilespmem:s7+$0x10EF0] =	vst v9;
	v14 =	vld [tilespmem:$0x1FF20];
	vm10 =	vle.f32 v17, $1.000000000e+00;
	v9 =	vsel vm12, v18, v19;
	v18 =	vmpcnt.ones.xlane vm9  }
0x9f: {  	[tilespmem:s7+$0x10EE0] =	vst v10;
	v10 =	vmpcnt.ones.xlane vm10;
	vm11 =	vle.f32 v15, $1.000000000e+00;
	v15 =	vld [tilespmem:$0x1FF30];
	v9 =	vsel vm13, v9, v21  }
0xa0: {  	[tilespmem:s7+$0x10ED0] =	vst v12;
	vm1 =	vle.f32 v16, $1.000000000e+00;
	v12 =	vmpcnt.ones.xlane vm11;
	v9 =	vsel vm14, v9, v18  }
0xa1: {  	v9 =	vsel vm0, v9, v10;
	v10 =	vmpcnt.ones.xlane vm2;
	vm0 =	vnez.u8 v11  }
0xa2: {  	v11 =	vmpcnt.ones.xlane vm1;
	v9 =	vsel vm0, v9, v12;
	vm0 =	vle.f32 v13, $1.000000000e+00  }
0xa3: {  	v12 =	vsel vm0, $0x1, v0;
	v13 =	vmpcnt.ones.xlane vm0;
	vm0 =	vnez.u8 v14  }
0xa4: {  	v9 =	vsel vm0, v9, v10;
	v10 =	vsel vm1, $0x1, v0;
	vm0 =	vnez.u8 v15  }
0xa5: {  	v9 =	vsel vm0, v9, v11;
	v11 =	vsel vm2, $0x1, v0;
	[tilespmem:s7+$0x10E70] =	vst v10;
	v10 =	vld [tilespmem:$0x1FF40]  }
0xa6: {  	[tilespmem:s7+$0x10E60] =	vst v11;
	v11 =	vld [tilespmem:$0x1FF50];
	_ =	sdelay $0x3  }
0xa7: {  	vm0 =	vnez.u8 v10;
	v10 =	vsel vm11, $0x1, v0  }
0xa8: {  	v9 =	vsel vm0, v9, v13;
	vm0 =	vnez.u8 v11;
	v11 =	vsel vm10, $0x1, v0;
	[tilespmem:s7+$0x10E50] =	vst v10;
	v10 =	vld [tilespmem:$0x1FF60]  }
0xa9: {  	[tilespmem:s7+$0x10E40] =	vst v11;
	v11 =	vld [tilespmem:$0x1FF70];
	_ =	sdelay $0x1  }
0xaa: {  	v14 =	vmpcnt.ones.xlane vm15  }
0xab: {  	[tilespmem:s7+$0x10E80] =	vst v12;
	v12 =	vmpcnt.ones.xlane vm5  }
0xac: {  	v9 =	vsel vm0, v9, v14;
	vm0 =	vnez.u8 v10  }
0xad: {  	v10 =	vsel vm9, $0x1, v0;
	v9 =	vsel vm0, v9, v12;
	vm0 =	vnez.u8 v11;
	v11 =	vld [tilespmem:$0x1FEE0]  }
0xae: {  	[tilespmem:s7+$0x10E30] =	vst v10;
	v10 =	vld [tilespmem:$0x1FF80];
	_ =	sdelay $0x1  }
0xaf: {  	v13 =	vmpcnt.ones.xlane vm4;
	_ =	sdelay $0x1  }
0xb0: {  	v9 =	vsel vm0, v9, v13;
	vm0 =	vnez.u8 v11  }
0xb1: {  	v12 =	vsel vm8, $0x1, v0;
	v11 =	vmpcnt.ones.xlane vm0;
	vm0 =	vnez.u8 v10;
	v10 =	vld [tilespmem:$0x1FEF0]  }
0xb2: {  	[tilespmem:s7+$0x10E20] =	vst v12;
	v12 =	vld [tilespmem:$0x1FF90];
	_ =	sdelay $0x1  }
0xb3: {  	v14 =	vmpcnt.ones.xlane vm3;
	_ =	sdelay $0x1  }
0xb4: {  	v9 =	vsel vm0, v9, v14;
	vm0 =	vnez.u8 v10  }
0xb5: {  	v10 =	vmpcnt.ones.xlane vm0;
	vm0 =	vnez.u8 v12  }
0xb6: {  	v13 =	vsel vm7, $0x1, v0;
	v9 =	vsel vm0, v9, v11;
	v11 =	vld [tilespmem:$0x1FF00]  }
0xb7: {  	[tilespmem:s7+$0x10E00] =	vst v13;
	v13 =	vld [tilespmem:$0x1FFA0];
	_ =	sdelay $0x3  }
0xb8: {  	vm0 =	vnez.u8 v11  }
0xb9: {  	v11 =	vmpcnt.ones.xlane vm0;
	vm0 =	vnez.u8 v13  }
0xba: {  	v9 =	vsel vm0, v9, v10;
	v10 =	vld [tilespmem:$0x1FFB0];
	_ =	sdelay $0x1  }
0xbb: {  	v26 =	vsel vm4, $0x1, v0  }
0xbc: {  	[tilespmem:s7+$0x10EB0] =	vst v26;
	v28 =	vsel vm5, $0x1, v0  }
0xbd: {  	[tilespmem:s7+$0x10EA0] =	vst v28;
	v30 =	vsel vm15, $0x1, v0  }
0xbe: {  	[tilespmem:s7+$0x10E90] =	vst v30;
	v12 =	vsel vm6, $0x1, v0;
	vm0 =	vnez.u8 v10  }
0xbf: {  	s6 =	simm.s32 $0x11200;
	[tilespmem:s7+$0x10E10] =	vst v12;
	v9 =	vsel vm0, v9, v11  }
0xc0: {  	s7 =	simm.s32 $0x100;
	[tilespmem:s6+$0x0] =	vst v9  }
0xc1: {  	v9 =	vld [tilespmem:s7+$0x8F0]  }
0xc2: {  	v10 =	vld [tilespmem:s7+$0x8E0]  }
0xc3: {  	v11 =	vld [tilespmem:s7+$0x4F0]  }
0xc4: {  	v12 =	vld [tilespmem:s7+$0xF0]  }
0xc5: {  	v13 =	vld [tilespmem:s7+$0x4E0]  }
0xc6: {  	v14 =	vld [tilespmem:s7+$0xE0]  }
0xc7: {  	v16 =	vld [tilespmem:s7+$0x8C0]  }
0xc8: {  	v17 =	vld [tilespmem:s7+$0x4D0]  }
0xc9: {  	v20 =	vld [tilespmem:s7+$0xC0]  }
0xca: {  	v19 =	vld [tilespmem:s7+$0x4C0]  }
0xcb: {  	v21 =	vld [tilespmem:s7+$0x8B0];
	v11 =	vsub.f32 v6, v11;
	v12 =	vsub.f32 v7, v12  }
0xcc: {  	v27 =	vld [tilespmem:s7+$0x860];
	v9 =	vsub.f32 v5, v9;
	v14 =	vsub.f32 v7, v14  }
0xcd: {  	v13 =	vsub.f32 v6, v13;
	v10 =	vsub.f32 v5, v10  }
0xce: {  	v18 =	vld [tilespmem:s7+$0xD0];
	v17 =	vsub.f32 v6, v17;
	v20 =	vsub.f32 v7, v20  }
0xcf: {  	v22 =	vld [tilespmem:s7+$0x4B0];
	v19 =	vsub.f32 v6, v19;
	v16 =	vsub.f32 v5, v16;
	v11 =	vmul.f32 v11, v11  }
0xd0: {  	v15 =	vld [tilespmem:s7+$0x8D0];
	v21 =	vsub.f32 v5, v21;
	v12 =	vmul.f32 v12, v12;
	v9 =	vmul.f32 v9, v9  }
0xd1: {  	v23 =	vld [tilespmem:s7+$0x4A0];
	v27 =	vsub.f32 v5, v27;
	v14 =	vmul.f32 v14, v14;
	v13 =	vmul.f32 v13, v13  }
0xd2: {  	v20 =	vmul.f32 v20, v20;
	v19 =	vmul.f32 v19, v19;
	v11 =	vadd.f32 v11, v12;
	v12 =	vld [tilespmem:s7+$0x8A0]  }
0xd3: {  	v10 =	vmul.f32 v10, v10;
	v13 =	vadd.f32 v13, v14;
	v14 =	vsub.f32 v7, v18;
	v18 =	vld [tilespmem:s7+$0x890]  }
0xd4: {  	v16 =	vmul.f32 v16, v16;
	v19 =	vadd.f32 v19, v20;
	v20 =	vsub.f32 v6, v22;
	v22 =	vld [tilespmem:s7+$0x870]  }
0xd5: {  	v21 =	vmul.f32 v21, v21;
	v35 =	vmul.f32 v27, v27;
	v9 =	vadd.f32 v9, v11;
	v11 =	vld [tilespmem:s7+$0xB0]  }
0xd6: {  	v14 =	vmul.f32 v14, v14;
	v10 =	vadd.f32 v10, v13;
	v13 =	vld [tilespmem:s7+$0x880];
	v16 =	vadd.f32 v16, v19  }
0xd7: {  	v20 =	vmul.f32 v20, v20;
	v19 =	vld [tilespmem:s7+$0x80];
	vm15 =	vle.f32 v9, $1.000000000e+00;
	v9 =	vsub.f32 v5, v15  }
0xd8: {  	v15 =	vmul.f32 v17, v17;
	v17 =	vld [tilespmem:s7+$0xA0];
	vm0 =	vle.f32 v10, $1.000000000e+00;
	vm2 =	vle.f32 v16, $1.000000000e+00  }
0xd9: {  	v25 =	vld [tilespmem:s7+$0x490];
	v10 =	vsel vm0, $0x1, v0;
	v26 =	vsub.f32 v5, v12;
	v18 =	vsub.f32 v5, v18  }
0xda: {  	v24 =	vmul.f32 v9, v9;
	v14 =	vadd.f32 v15, v14;
	v15 =	vld [tilespmem:s7+$0x90];
	v11 =	vsub.f32 v7, v11  }
0xdb: {  	v16 =	vld [tilespmem:s7+$0x470];
	v22 =	vsub.f32 v5, v22;
	v9 =	vsel vm15, $0x1, v0;
	v26 =	vmul.f32 v26, v26  }
0xdc: {  	v19 =	vsub.f32 v7, v19;
	v14 =	vadd.f32 v24, v14;
	v24 =	vld [tilespmem:s7+$0x480];
	v11 =	vmul.f32 v11, v11  }
0xdd: {  	v28 =	vld [tilespmem:s7+$0x850];
	v30 =	vsub.f32 v5, v13;
	v18 =	vmul.f32 v18, v18;
	v17 =	vsub.f32 v7, v17  }
0xde: {  	v29 =	vld [tilespmem:s7+$0x60];
	vm1 =	vle.f32 v14, $1.000000000e+00;
	v14 =	vsub.f32 v6, v23;
	v20 =	vadd.f32 v20, v11  }
0xdf: {  	v31 =	vld [tilespmem:s7+$0x40];
	v19 =	vmul.f32 v19, v19;
	v15 =	vsub.f32 v7, v15;
	v17 =	vmul.f32 v17, v17  }
0xe0: {  	v23 =	vld [tilespmem:s7+$0x70];
	v14 =	vmul.f32 v14, v14;
	v20 =	vadd.f32 v21, v20;
	v21 =	vsub.f32 v6, v25  }
0xe1: {  	v16 =	vsub.f32 v6, v16;
	v25 =	vld [tilespmem:s7+$0x460];
	v24 =	vsub.f32 v6, v24;
	v15 =	vmul.f32 v15, v15  }
0xe2: {  	v14 =	vadd.f32 v14, v17;
	v17 =	vld [tilespmem:s7+$0x840];
	vm3 =	vle.f32 v20, $1.000000000e+00;
	v20 =	vmul.f32 v21, v21  }
0xe3: {  	v11 =	vsel vm2, $0x1, v0;
	v12 =	vsel vm1, $0x1, v0;
	v21 =	vmul.f32 v24, v24;
	v24 =	vld [tilespmem:s7+$0x450]  }
0xe4: {  	v16 =	vmul.f32 v16, v16;
	v14 =	vadd.f32 v26, v14;
	v26 =	vld [tilespmem:s7+$0x50];
	v15 =	vadd.f32 v20, v15  }
0xe5: {  	v21 =	vadd.f32 v21, v19;
	v19 =	vld [tilespmem:s7+$0x830];
	v20 =	vsub.f32 v7, v23;
	v23 =	vmul.f32 v30, v30  }
0xe6: {  	v30 =	vld [tilespmem:s7+$0x440];
	vm4 =	vle.f32 v14, $1.000000000e+00;
	v25 =	vsub.f32 v6, v25;
	v61 =	vadd.f32 v18, v15  }
0xe7: {  	v18 =	vmul.f32 v20, v20;
	v14 =	vadd.f32 v23, v21;
	v20 =	vld [tilespmem:s7+$0x430];
	v23 =	vsub.f32 v7, v29  }
0xe8: {  	v13 =	vsel vm3, $0x1, v0;
	v15 =	vsel vm4, $0x1, v0;
	v21 =	vld [tilespmem:s7+$0x30];
	v27 =	vsub.f32 v5, v17  }
0xe9: {  	v29 =	vsub.f32 v6, v24;
	v25 =	vmul.f32 v25, v25;
	v24 =	vld [tilespmem:s7+$0x400];
	v62 =	vmul.f32 v23, v23  }
0xea: {  	v16 =	vadd.f32 v16, v18;
	v18 =	vmul.f32 v22, v22;
	v22 =	vld [tilespmem:s7+$0x800];
	v63 =	vsub.f32 v7, v26  }
0xeb: {  	v23 =	vld [tilespmem:s7+$0x420];
	vm5 =	vle.f32 v61, $1.000000000e+00;
	v30 =	vsub.f32 v6, v30;
	v33 =	vadd.f32 v25, v62  }
0xec: {  	v26 =	vld [tilespmem:s7+$0x0];
	v16 =	vadd.f32 v18, v16;
	v18 =	vsub.f32 v5, v28;
	v28 =	vmul.f32 v29, v29  }
0xed: {  	s8 =	simm.s32 $0x800;
	v29 =	vsub.f32 v7, v31;
	v31 =	vmul.f32 v63, v63;
	v25 =	vld [tilespmem:s7+$0x410];
	v17 =	vadd.f32 v35, v33  }
.LBB2_4:
0xee: {  	_ = 	snop  }
0xef: {  	v29 =	vmul.f32 v29, v29;
	v30 =	vmul.f32 v30, v30;
	_ =	sdelay $0x1  }
0xf0: {  	v32 =	vld [tilespmem:s7+$0x10];
	v28 =	vadd.f32 v28, v31;
	v29 =	vadd.f32 v30, v29  }
0xf1: {  	v31 =	vld [tilespmem:s7+$0x20];
	v20 =	vsub.f32 v6, v20;
	v19 =	vsub.f32 v5, v19  }
0xf2: {  	v34 =	vld [tilespmem:s7+$0x810];
	v21 =	vsub.f32 v7, v21;
	v22 =	vsub.f32 v5, v22  }
0xf3: {  	v30 =	vld [tilespmem:s7+$0x820];
	v23 =	vsub.f32 v6, v23;
	v26 =	vsub.f32 v7, v26  }
0xf4: {  	v24 =	vsub.f32 v6, v24;
	v25 =	vsub.f32 v6, v25;
	v20 =	vmul.f32 v20, v20  }
0xf5: {  	v32 =	vsub.f32 v7, v32;
	v21 =	vmul.f32 v21, v21;
	v22 =	vmul.f32 v22, v22  }
0xf6: {  	v26 =	vmul.f32 v26, v26;
	v24 =	vmul.f32 v24, v24;
	v31 =	vsub.f32 v7, v31  }
0xf7: {  	v34 =	vsub.f32 v5, v34;
	v25 =	vmul.f32 v25, v25;
	v32 =	vmul.f32 v32, v32  }
0xf8: {  	v23 =	vmul.f32 v23, v23;
	v30 =	vsub.f32 v5, v30;
	v31 =	vmul.f32 v31, v31  }
0xf9: {  	v24 =	vadd.f32 v24, v26;
	v26 =	vmul.f32 v34, v34;
	v25 =	vadd.f32 v25, v32  }
0xfa: {  	v20 =	vadd.f32 v20, v21;
	v23 =	vadd.f32 v23, v31;
	v30 =	vmul.f32 v30, v30  }
0xfb: {  	v21 =	vadd.f32 v22, v24;
	v22 =	vadd.f32 v26, v25  }
0xfc: {  	v19 =	vmul.f32 v19, v19;
	v23 =	vadd.f32 v30, v23  }
0xfd: {  	[tilespmem:s7+$0x10EC0] =	vst v11;
	v11 =	vld [tilespmem:$0x1FFF0];
	vm7 =	vle.f32 v21, $1.000000000e+00;
	v21 =	vimm.s32 $0x0;
	vm6 =	vle.f32 v22, $1.000000000e+00  }
0xfe: {  	v19 =	vadd.f32 v19, v20;
	v21 =	vsel vm6, $0xFFFFFFFF, v21  }
0xff: {  	v20 =	vmpcnt.ones.xlane vm7;
	vm8 =	vle.f32 v23, $1.000000000e+00;
	[tilespmem:$0x1FED0] =	vst v21;
	v21 =	vmpcnt.ones.xlane vm6  }
0x100: {  	v27 =	vmul.f32 v27, v27;
	v22 =	vmpcnt.ones.xlane vm8  }
0x101: {  	[tilespmem:s7+$0x10EF0] =	vst v9;
	v18 =	vmul.f32 v18, v18;
	v9 =	vsel vm12, v20, v21  }
0x102: {  	v24 =	vadd.f32 v27, v29;
	v9 =	vsel vm13, v9, v22;
	vm13 =	vnez.u8 v11;
	v11 =	vld [tilespmem:$0x1FF10]  }
0x103: {  	v18 =	vadd.f32 v18, v28;
	vm9 =	vle.f32 v19, $1.000000000e+00  }
0x104: {  	vm10 =	vle.f32 v24, $1.000000000e+00;
	v19 =	vmpcnt.ones.xlane vm9  }
0x105: {  	[tilespmem:s7+$0x10EE0] =	vst v10;
	vm11 =	vle.f32 v18, $1.000000000e+00;
	v10 =	vmpcnt.ones.xlane vm10  }
0x106: {  	[tilespmem:s7+$0x10ED0] =	vst v12;
	v12 =	vmpcnt.ones.xlane vm11;
	v9 =	vsel vm14, v9, v19  }
0x107: {  	v9 =	vsel vm13, v9, v10;
	vm14 =	vnez.u8 v11  }
0x108: {  	v9 =	vsel vm14, v9, v12;
	v12 =	vld [tilespmem:$0x1FF20]  }
0x109: {  	[tilespmem:s7+$0x10EB0] =	vst v13;
	v13 =	vld [tilespmem:$0x1FFE0]  }
0x10a: {  	vm14 =	vle.f32 v14, $1.000000000e+00;
	v14 =	vld [tilespmem:$0x1FFD0]  }
0x10b: {  	vm12 =	vle.f32 v17, $1.000000000e+00  }
0x10c: {  	v10 =	vmpcnt.ones.xlane vm12;
	vm13 =	vle.f32 v16, $1.000000000e+00  }
0x10d: {  	vm6 =	vmmov vm15;
	v11 =	vmpcnt.ones.xlane vm13;
	vm15 =	vnez.u8 v12  }
0x10e: {  	v12 =	vmpcnt.ones.xlane vm14;
	v9 =	vsel vm15, v9, v10;
	v10 =	vsel vm14, $0x1, v0  }
0x10f: {  	vm14 =	vnez.u8 v13;
	v13 =	vsel vm13, $0x1, v0;
	vm13 =	vnez.u8 v14;
	v14 =	vld [tilespmem:$0x1FF30];
	_ =	sdelay $0x4  }
0x110: {  	[tilespmem:s7+$0x10E70] =	vst v13;
	v13 =	vld [tilespmem:$0x1FF40];
	vm15 =	vnez.u8 v14  }
0x111: {  	v9 =	vsel vm15, v9, v11;
	v11 =	vsel vm12, $0x1, v0  }
0x112: {  	[tilespmem:s7+$0x10E60] =	vst v11;
	v11 =	vld [tilespmem:$0x1FF50];
	_ =	sdelay $0x1  }
0x113: {  	v33 =	vsel vm5, $0x1, v0  }
0x114: {  	[tilespmem:s7+$0x10E80] =	vst v10;
	v10 =	vmpcnt.ones.xlane vm5;
	vm5 =	vnez.u8 v13;
	v13 =	vsel vm11, $0x1, v0  }
0x115: {  	v9 =	vsel vm5, v9, v12;
	[tilespmem:s7+$0x10E50] =	vst v13;
	v13 =	vld [tilespmem:$0x1FF60]  }
0x116: {  	v12 =	vmpcnt.ones.xlane vm4;
	vm4 =	vnez.u8 v11;
	v11 =	vsel vm10, $0x1, v0  }
0x117: {  	[tilespmem:s7+$0x10E40] =	vst v11;
	v11 =	vld [tilespmem:$0x1FF70];
	_ =	sdelay $0x2  }
0x118: {  	v9 =	vsel vm4, v9, v10;
	v10 =	vmpcnt.ones.xlane vm3;
	vm3 =	vnez.u8 v13  }
0x119: {  	v13 =	vsel vm9, $0x1, v0;
	v9 =	vsel vm3, v9, v12  }
0x11a: {  	v12 =	vmpcnt.ones.xlane vm2;
	[tilespmem:s7+$0x10E30] =	vst v13;
	v13 =	vld [tilespmem:$0x1FF80];
	vm2 =	vnez.u8 v11;
	v11 =	vsel vm8, $0x1, v0  }
0x11b: {  	[tilespmem:s7+$0x10E20] =	vst v11;
	v11 =	vld [tilespmem:$0x1FF90];
	_ =	sdelay $0x3  }
0x11c: {  	v9 =	vsel vm2, v9, v10;
	v10 =	vmpcnt.ones.xlane vm1;
	vm1 =	vnez.u8 v13  }
0x11d: {  	v9 =	vsel vm1, v9, v12;
	v12 =	vmpcnt.ones.xlane vm0;
	vm0 =	vnez.u8 v11;
	v11 =	vld [tilespmem:$0x1FED0];
	_ =	sdelay $0x4  }
0x11e: {  	v13 =	vsel vm7, $0x1, v0;
	v9 =	vsel vm0, v9, v10;
	vm0 =	vnez.u8 v11  }
0x11f: {  	[tilespmem:s7+$0x10E00] =	vst v13;
	v13 =	vld [tilespmem:$0x1FFA0];
	v11 =	vsel vm0, $0x1, v0  }
0x120: {  	[tilespmem:s7+$0x10E10] =	vst v11;
	v11 =	vld [tilespmem:$0x1FFB0];
	_ =	sdelay $0x3  }
0x121: {  	v10 =	vmpcnt.ones.xlane vm6;
	vm0 =	vnez.u8 v13  }
0x122: {  	[tilespmem:s7+$0x10EA0] =	vst v15;
	v9 =	vsel vm0, v9, v12;
	vm0 =	vnez.u8 v11  }
0x123: {  	s6 =	sadd.s32 $0x10, s6;
	[tilespmem:s7+$0x10E90] =	vst v33;
	v9 =	vsel vm0, v9, v10  }
0x124: {  	v14 =	vld [tilespmem:$0x1FFC0];
	s7 =	sshra.s32 s8, $0x2;
	[tilespmem:s6+$0x0] =	vst v9  }
0x125: {  	v9 =	vld [tilespmem:s7+$0x8F0]  }
0x126: {  	v10 =	vld [tilespmem:s7+$0x8E0]  }
0x127: {  	v11 =	vld [tilespmem:s7+$0x4F0]  }
0x128: {  	v12 =	vld [tilespmem:s7+$0xF0]  }
0x129: {  	v13 =	vld [tilespmem:s7+$0x4E0]  }
0x12a: {  	vm12 =	vnez.u8 v14;
	v14 =	vld [tilespmem:s7+$0xE0]  }
0x12b: {  	v16 =	vld [tilespmem:s7+$0x8C0]  }
0x12c: {  	v17 =	vld [tilespmem:s7+$0x4D0]  }
0x12d: {  	v20 =	vld [tilespmem:s7+$0xC0]  }
0x12e: {  	v19 =	vld [tilespmem:s7+$0x4C0]  }
0x12f: {  	v21 =	vld [tilespmem:s7+$0x8B0];
	v11 =	vsub.f32 v6, v11;
	v12 =	vsub.f32 v7, v12  }
0x130: {  	v27 =	vld [tilespmem:s7+$0x860];
	v9 =	vsub.f32 v5, v9;
	v14 =	vsub.f32 v7, v14  }
0x131: {  	v13 =	vsub.f32 v6, v13;
	v10 =	vsub.f32 v5, v10  }
0x132: {  	v18 =	vld [tilespmem:s7+$0xD0];
	v17 =	vsub.f32 v6, v17;
	v20 =	vsub.f32 v7, v20  }
0x133: {  	v22 =	vld [tilespmem:s7+$0x4B0];
	v19 =	vsub.f32 v6, v19;
	v16 =	vsub.f32 v5, v16;
	v11 =	vmul.f32 v11, v11  }
0x134: {  	v15 =	vld [tilespmem:s7+$0x8D0];
	v21 =	vsub.f32 v5, v21;
	v12 =	vmul.f32 v12, v12;
	v9 =	vmul.f32 v9, v9  }
0x135: {  	v23 =	vld [tilespmem:s7+$0x4A0];
	v27 =	vsub.f32 v5, v27;
	v14 =	vmul.f32 v14, v14;
	v13 =	vmul.f32 v13, v13  }
0x136: {  	v20 =	vmul.f32 v20, v20;
	v19 =	vmul.f32 v19, v19;
	v11 =	vadd.f32 v11, v12;
	v12 =	vld [tilespmem:s7+$0x8A0]  }
0x137: {  	v10 =	vmul.f32 v10, v10;
	v13 =	vadd.f32 v13, v14;
	v14 =	vsub.f32 v7, v18;
	v18 =	vld [tilespmem:s7+$0x890]  }
0x138: {  	v16 =	vmul.f32 v16, v16;
	v19 =	vadd.f32 v19, v20;
	v20 =	vsub.f32 v6, v22;
	v22 =	vld [tilespmem:s7+$0x870]  }
0x139: {  	v21 =	vmul.f32 v21, v21;
	v35 =	vmul.f32 v27, v27;
	v9 =	vadd.f32 v9, v11;
	v11 =	vld [tilespmem:s7+$0xB0]  }
0x13a: {  	v14 =	vmul.f32 v14, v14;
	v10 =	vadd.f32 v10, v13;
	v13 =	vld [tilespmem:s7+$0x880];
	v16 =	vadd.f32 v16, v19  }
0x13b: {  	v20 =	vmul.f32 v20, v20;
	v19 =	vld [tilespmem:s7+$0x80];
	vm15 =	vle.f32 v9, $1.000000000e+00;
	v9 =	vsub.f32 v5, v15  }
0x13c: {  	v15 =	vmul.f32 v17, v17;
	v17 =	vld [tilespmem:s7+$0xA0];
	vm0 =	vle.f32 v10, $1.000000000e+00;
	vm2 =	vle.f32 v16, $1.000000000e+00  }
0x13d: {  	v25 =	vld [tilespmem:s7+$0x490];
	v10 =	vsel vm0, $0x1, v0;
	v26 =	vsub.f32 v5, v12;
	v18 =	vsub.f32 v5, v18  }
0x13e: {  	v24 =	vmul.f32 v9, v9;
	v14 =	vadd.f32 v15, v14;
	v15 =	vld [tilespmem:s7+$0x90];
	v11 =	vsub.f32 v7, v11  }
0x13f: {  	v16 =	vld [tilespmem:s7+$0x470];
	v22 =	vsub.f32 v5, v22;
	v9 =	vsel vm15, $0x1, v0;
	v26 =	vmul.f32 v26, v26  }
0x140: {  	v19 =	vsub.f32 v7, v19;
	v14 =	vadd.f32 v24, v14;
	v24 =	vld [tilespmem:s7+$0x480];
	v11 =	vmul.f32 v11, v11  }
0x141: {  	v28 =	vld [tilespmem:s7+$0x850];
	v30 =	vsub.f32 v5, v13;
	v18 =	vmul.f32 v18, v18;
	v17 =	vsub.f32 v7, v17  }
0x142: {  	v29 =	vld [tilespmem:s7+$0x60];
	vm1 =	vle.f32 v14, $1.000000000e+00;
	v14 =	vsub.f32 v6, v23;
	v20 =	vadd.f32 v20, v11  }
0x143: {  	v31 =	vld [tilespmem:s7+$0x40];
	v19 =	vmul.f32 v19, v19;
	v15 =	vsub.f32 v7, v15;
	v17 =	vmul.f32 v17, v17  }
0x144: {  	v23 =	vld [tilespmem:s7+$0x70];
	v14 =	vmul.f32 v14, v14;
	v20 =	vadd.f32 v21, v20;
	v21 =	vsub.f32 v6, v25  }
0x145: {  	v16 =	vsub.f32 v6, v16;
	v25 =	vld [tilespmem:s7+$0x460];
	v24 =	vsub.f32 v6, v24;
	v15 =	vmul.f32 v15, v15  }
0x146: {  	v14 =	vadd.f32 v14, v17;
	v17 =	vld [tilespmem:s7+$0x840];
	vm3 =	vle.f32 v20, $1.000000000e+00;
	v20 =	vmul.f32 v21, v21  }
0x147: {  	v11 =	vsel vm2, $0x1, v0;
	v12 =	vsel vm1, $0x1, v0;
	v21 =	vmul.f32 v24, v24;
	v24 =	vld [tilespmem:s7+$0x450]  }
0x148: {  	v16 =	vmul.f32 v16, v16;
	v14 =	vadd.f32 v26, v14;
	v26 =	vld [tilespmem:s7+$0x50];
	v15 =	vadd.f32 v20, v15  }
0x149: {  	v21 =	vadd.f32 v21, v19;
	v19 =	vld [tilespmem:s7+$0x830];
	v20 =	vsub.f32 v7, v23;
	v23 =	vmul.f32 v30, v30  }
0x14a: {  	v30 =	vld [tilespmem:s7+$0x440];
	vm4 =	vle.f32 v14, $1.000000000e+00;
	v25 =	vsub.f32 v6, v25;
	v61 =	vadd.f32 v18, v15  }
0x14b: {  	v18 =	vmul.f32 v20, v20;
	v14 =	vadd.f32 v23, v21;
	v20 =	vld [tilespmem:s7+$0x430];
	v23 =	vsub.f32 v7, v29  }
0x14c: {  	p0 =	sne.s32 s8, $0xC00;
	v13 =	vsel vm3, $0x1, v0;
	v15 =	vsel vm4, $0x1, v0;
	v21 =	vld [tilespmem:s7+$0x30];
	v27 =	vsub.f32 v5, v17  }
.Ltmp0:
0x14d: {  	v29 =	vsub.f32 v6, v24;
	v25 =	vmul.f32 v25, v25;
	v24 =	vld [tilespmem:s7+$0x400];
	v62 =	vmul.f32 v23, v23;
	(pc) =	sbr.rel @p0 .LBB2_4-.Ltmp0, $4  }
0x14e: {  	v16 =	vadd.f32 v16, v18;
	v18 =	vmul.f32 v22, v22;
	v22 =	vld [tilespmem:s7+$0x800];
	v63 =	vsub.f32 v7, v26  }
0x14f: {  	v23 =	vld [tilespmem:s7+$0x420];
	vm5 =	vle.f32 v61, $1.000000000e+00;
	v30 =	vsub.f32 v6, v30;
	v33 =	vadd.f32 v25, v62  }
0x150: {  	v26 =	vld [tilespmem:s7+$0x0];
	v16 =	vadd.f32 v18, v16;
	v18 =	vsub.f32 v5, v28;
	v28 =	vmul.f32 v29, v29  }
0x151: {  	s8 =	sadd.s32 $0x400, s8;
	v29 =	vsub.f32 v7, v31;
	v31 =	vmul.f32 v63, v63;
	v25 =	vld [tilespmem:s7+$0x410];
	v17 =	vadd.f32 v35, v33  }
0x152: {  	v32 =	vld [tilespmem:s7+$0x10];
	v20 =	vsub.f32 v6, v20  }
0x153: {  	v30 =	vmul.f32 v30, v30;
	v43 =	vld [tilespmem:s7+$0x20];
	v19 =	vsub.f32 v5, v19;
	v21 =	vsub.f32 v7, v21  }
0x154: {  	v34 =	vld [tilespmem:s7+$0x810];
	v24 =	vsub.f32 v6, v24;
	v29 =	vmul.f32 v29, v29;
	v28 =	vadd.f32 v28, v31  }
0x155: {  	v44 =	vld [tilespmem:s7+$0x820];
	v22 =	vsub.f32 v5, v22;
	v23 =	vsub.f32 v6, v23  }
0x156: {  	v29 =	vadd.f32 v30, v29;
	v26 =	vsub.f32 v7, v26  }
0x157: {  	v24 =	vmul.f32 v24, v24;
	v25 =	vsub.f32 v6, v25;
	v32 =	vsub.f32 v7, v32  }
0x158: {  	v22 =	vmul.f32 v22, v22;
	v26 =	vmul.f32 v26, v26;
	v31 =	vsub.f32 v7, v43  }
0x159: {  	v34 =	vsub.f32 v5, v34;
	v25 =	vmul.f32 v25, v25;
	v32 =	vmul.f32 v32, v32  }
0x15a: {  	v23 =	vmul.f32 v23, v23;
	v30 =	vsub.f32 v5, v44;
	v31 =	vmul.f32 v31, v31  }
0x15b: {  	v24 =	vadd.f32 v24, v26;
	v45 =	vmul.f32 v34, v34;
	v25 =	vadd.f32 v25, v32  }
0x15c: {  	v20 =	vmul.f32 v20, v20;
	v30 =	vmul.f32 v30, v30;
	v23 =	vadd.f32 v23, v31  }
0x15d: {  	v21 =	vmul.f32 v21, v21;
	v46 =	vadd.f32 v22, v24;
	v47 =	vadd.f32 v45, v25  }
0x15e: {  	[tilespmem:s7+$0x10EC0] =	vst v11;
	v11 =	vld [tilespmem:$0x1FFF0];
	v19 =	vmul.f32 v19, v19;
	v23 =	vadd.f32 v30, v23  }
0x15f: {  	v20 =	vadd.f32 v20, v21;
	vm7 =	vle.f32 v46, $1.000000000e+00;
	vm6 =	vle.f32 v47, $1.000000000e+00  }
0x160: {  	v49 =	vmpcnt.ones.xlane vm7;
	vm8 =	vle.f32 v23, $1.000000000e+00;
	v50 =	vmpcnt.ones.xlane vm6  }
0x161: {  	v27 =	vmul.f32 v27, v27;
	v51 =	vmpcnt.ones.xlane vm8  }
0x162: {  	v18 =	vmul.f32 v18, v18;
	[tilespmem:s7+$0x10EF0] =	vst v9;
	v19 =	vadd.f32 v19, v20;
	v9 =	vsel vm12, v49, v50  }
0x163: {  	v48 =	vadd.f32 v27, v29;
	v9 =	vsel vm13, v9, v51;
	vm13 =	vnez.u8 v11;
	v11 =	vld [tilespmem:$0x1FF10]  }
0x164: {  	v18 =	vadd.f32 v18, v28;
	vm9 =	vle.f32 v19, $1.000000000e+00  }
0x165: {  	v55 =	vld [tilespmem:$0x1FF20];
	vm10 =	vle.f32 v48, $1.000000000e+00;
	v19 =	vmpcnt.ones.xlane vm9  }
0x166: {  	[tilespmem:s7+$0x10EE0] =	vst v10;
	vm11 =	vle.f32 v18, $1.000000000e+00;
	v10 =	vmpcnt.ones.xlane vm10  }
0x167: {  	v52 =	vmpcnt.ones.xlane vm11;
	vm12 =	vle.f32 v17, $1.000000000e+00;
	v9 =	vsel vm14, v9, v19  }
0x168: {  	v9 =	vsel vm13, v9, v10;
	v10 =	vmpcnt.ones.xlane vm12;
	vm14 =	vnez.u8 v11  }
0x169: {  	vm13 =	vle.f32 v16, $1.000000000e+00;
	v9 =	vsel vm14, v9, v52;
	vm14 =	vle.f32 v14, $1.000000000e+00  }
0x16a: {  	v57 =	vld [tilespmem:$0x1FF30];
	v53 =	vsel vm14, $0x1, v0;
	v54 =	vmpcnt.ones.xlane vm14;
	vm14 =	vnez.u8 v55  }
0x16b: {  	v9 =	vsel vm14, v9, v10;
	v10 =	vsel vm13, $0x1, v0  }
0x16c: {  	[tilespmem:s7+$0x10E70] =	vst v10;
	v10 =	vld [tilespmem:$0x1FF40];
	_ =	sdelay $0x1  }
0x16d: {  	v11 =	vmpcnt.ones.xlane vm13  }
0x16e: {  	vm14 =	vnez.u8 v57  }
0x16f: {  	v9 =	vsel vm14, v9, v11;
	v11 =	vsel vm12, $0x1, v0  }
0x170: {  	[tilespmem:s7+$0x10E60] =	vst v11;
	v11 =	vld [tilespmem:$0x1FF50];
	vm13 =	vnez.u8 v10;
	v10 =	vsel vm11, $0x1, v0  }
0x171: {  	[tilespmem:s7+$0x10E50] =	vst v10;
	v10 =	vld [tilespmem:$0x1FF60];
	_ =	sdelay $0x3  }
0x172: {  	vm14 =	vnez.u8 v11;
	v11 =	vsel vm10, $0x1, v0  }
0x173: {  	v58 =	vmpcnt.ones.xlane vm4;
	[tilespmem:s7+$0x10E40] =	vst v11;
	v11 =	vld [tilespmem:$0x1FF70];
	vm4 =	vnez.u8 v10;
	v10 =	vsel vm9, $0x1, v0  }
0x174: {  	[tilespmem:s7+$0x10E30] =	vst v10;
	v10 =	vld [tilespmem:$0x1FF80];
	_ =	sdelay $0x2  }
0x175: {  	v33 =	vsel vm5, $0x1, v0  }
0x176: {  	v56 =	vmpcnt.ones.xlane vm5;
	vm5 =	vnez.u8 v11;
	v11 =	vsel vm8, $0x1, v0  }
0x177: {  	[tilespmem:s7+$0x10E20] =	vst v11;
	v11 =	vld [tilespmem:$0x1FF90];
	vm8 =	vnez.u8 v10;
	v10 =	vsel vm7, $0x1, v0  }
0x178: {  	v63 =	vld [tilespmem:$0x1FFA0];
	v9 =	vsel vm13, v9, v54;
	[tilespmem:s7+$0x10E00] =	vst v10;
	v10 =	vsel vm6, $0x1, v0  }
0x179: {  	v59 =	vmpcnt.ones.xlane vm3;
	v9 =	vsel vm14, v9, v56;
	[tilespmem:s7+$0x10E10] =	vst v10;
	v10 =	vld [tilespmem:$0x1FFB0]  }
0x17a: {  	v60 =	vmpcnt.ones.xlane vm2;
	v9 =	vsel vm4, v9, v58  }
0x17b: {  	[tilespmem:s7+$0x10ED0] =	vst v12;
	v61 =	vmpcnt.ones.xlane vm1;
	v9 =	vsel vm5, v9, v59  }
0x17c: {  	[tilespmem:s7+$0x10EB0] =	vst v13;
	v62 =	vmpcnt.ones.xlane vm0;
	v9 =	vsel vm8, v9, v60;
	vm9 =	vnez.u8 v11  }
0x17d: {  	[tilespmem:s7+$0x10EA0] =	vst v15;
	vm10 =	vnez.u8 v63;
	v11 =	vmpcnt.ones.xlane vm15;
	v9 =	vsel vm9, v9, v61  }
0x17e: {  	[tilespmem:s7+$0x10E90] =	vst v33;
	v9 =	vsel vm10, v9, v62;
	vm11 =	vnez.u8 v10  }
0x17f: {  	s6 =	sadd.s32 $0x10, s6;
	[tilespmem:s7+$0x10E80] =	vst v53;
	v9 =	vsel vm11, v9, v11  }
0x180: {  	[tilespmem:s6+$0x0] =	vst v9  }
0x181: {  	v9 =	vld [tilespmem:$0x11200];
	_ =	sdelay $0x4  }
0x182: {  	vm12 =	vgt.s32 v9, $0x0  }
0x183: {  	v9 =	vsel vm12, $0x1, v0  }
0x184: {  	(xrf0) =	vadd.scan.msk.s32 $0xffff, v9;
	_ =	sdelay $0x5  }
0x185: {  	v9 =	vsel vm12, $0xFFFFFFFF, v0;
	v10, _, _ =	vpop (xrf0)  }
0x186: {  	v9 =	vadd.s32 v9, v10;
	_ =	sdelay $0x4  }
0x187: {  	[tilespmem:v9+s26+$0x0] =	vst.idx.msk vm12, v1  }
0x188: {  	v9 =	vld [tilespmem:$0x11210];
	_ =	sdelay $0x4  }
0x189: {  	vm13 =	vgt.s32 v9, $0x0  }
0x18a: {  	v9 =	vsel vm13, $0x1, v0  }
0x18b: {  	(xrf0) =	vadd.scan.msk.s32 $0xffff, v9;
	_ =	sdelay $0x3  }
0x18c: {  	v9 =	vmpcnt.ones.xlane vm12  }
0x18d: {  	v10 =	vsel vm13, $0xFFFFFFFF, v0  }
0x18e: {  	v10 =	vadd.s32 v10, v9;
	v11, _, _ =	vpop (xrf0)  }
0x18f: {  	v10 =	vadd.s32 v11, v10;
	_ =	sdelay $0x4  }
0x190: {  	[tilespmem:v10+s26+$0x0] =	vst.idx.msk vm13, v2  }
0x191: {  	v10 =	vld [tilespmem:$0x11220];
	_ =	sdelay $0x4  }
0x192: {  	vm14 =	vgt.s32 v10, $0x0  }
0x193: {  	v10 =	vsel vm14, $0x1, v0  }
0x194: {  	(xrf0) =	vadd.scan.msk.s32 $0xffff, v10;
	_ =	sdelay $0x2  }
0x195: {  	v10 =	vmpcnt.ones.xlane vm13;
	_ =	sdelay $0x1  }
0x196: {  	v9 =	vadd.s32 v9, v10;
	v10 =	vsel vm14, $0xFFFFFFFF, v0  }
0x197: {  	v10 =	vadd.s32 v10, v9;
	v11, _, _ =	vpop (xrf0)  }
0x198: {  	v10 =	vadd.s32 v11, v10;
	_ =	sdelay $0x4  }
0x199: {  	[tilespmem:v10+s26+$0x0] =	vst.idx.msk vm14, v3  }
0x19a: {  	v10 =	vld [tilespmem:$0x11230];
	_ =	sdelay $0x4  }
0x19b: {  	v11 =	vmpcnt.ones.xlane vm14;
	vm15 =	vgt.s32 v10, $0x0  }
0x19c: {  	v10 =	vmpcnt.ones.xlane vm15  }
0x19d: {  	v9 =	vadd.s32 v9, v11  }
0x19e: {  	v11 =	vsel vm15, $0x1, v0;
	v10 =	vadd.s32 v9, v10  }
0x19f: {  	(xrf0) =	vadd.scan.msk.s32 $0xffff, v11;
	v10 =	vxor.u32 $0x80000000, v10  }
0x1a0: {  	(xrf0) =	vmax.scan.msk.u32 $0xffff, v10;
	_ =	sdelay $0x4  }
0x1a1: {  	v10, _, _ =	vpop (xrf0)  }
0x1a2: {  	v11, _, _ =	vpop (xrf0)  }
0x1a3: {  	(v2sf) =	vpush v11, $0xF;
	_ =	sdelay $0xe  }
0x1a4: {  	v11 =	vsel vm15, $0xFFFFFFFF, v0;
	s11 =	spop (v2sf)  }
0x1a5: {  	v9 =	vadd.s32 v11, v9;
	s6 =	sxor.u32 $0x80000000, s11  }
0x1a6: {  	v9 =	vadd.s32 v10, v9;
	p0 =	slt.s32 s6, $0x1  }
.Ltmp1:
0x1a7: {  	_ = 	snop;
	(pc) =	sbr.rel @p0 .LBB2_8-.Ltmp1, $2  }
0x1a8: {  	_ =	sdelay $0x2  }
0x1a9: {  	[tilespmem:v9+s26+$0x0] =	vst.idx.msk vm15, v4;
	v9 =	vimm.s32 $0x0  }
0x1aa: {  	v8 =	vshll.u32 v8, $0x5;
	s7 =	simm.s32 $0x0  }
.LBB2_7:
0x1ab: {  	v10 =	vmov s7;
	_ =	sdelay $0x4  }
0x1ac: {  	v10 =	vld.idx.msk [tilespmem:v10+s26+$0x0], $0xffff;
	_ =	sdelay $0x4  }
0x1ad: {  	v10 =	vshll.u32 v10, $0x4  }
0x1ae: {  	v10 =	vor.u32 v1, v10;
	_ =	sdelay $0x4  }
0x1af: {  	v11 =	vld.idx.msk [tilespmem:v10+s28+$0x0], $0xffff;
	_ =	sdelay $0x4  }
0x1b0: {  	(xrf0) =	vadd.scan.msk.s32 $0xffff, v11;
	_ =	sdelay $0x5  }
0x1b1: {  	v12, _, _ =	vpop (xrf0)  }
0x1b2: {  	v12 =	vsub.s32 v12, v11  }
0x1b3: {  	v12 =	vadd.s32 v9, v12  }
0x1b4: {  	vm0 =	vgt.s32 v11, $0x0;
	vm1 =	vlt.s32 v12, $0x20  }
0x1b5: {  	s7 =	sadd.s32 $0x1, s7;
	vm1 =	vmand vm0, vm1  }
0x1b6: {  	p0 =	sne.s32 s6, s7;
	v11 =	vadd.s32 v8, v12  }
.Ltmp2:
0x1b7: {  	_ = 	snop;
	(pc) =	sbr.rel @p0 .LBB2_7-.Ltmp2, $3  }
0x1b8: {  	_ = 	snop  }
0x1b9: {  	v63 =	vmpcnt.ones.xlane vm0;
	_ =	sdelay $0x1  }
0x1ba: {  	v9 =	vadd.s32 v9, v63;
	[tilespmem:v11+s29+$0x0] =	vst.idx.msk vm1, v10  }
.LBB2_8:
0x1bb: {  	s6 =	sshll.u32 s22, $0x5  }
0x1bc: {  	s6 =	sand.u32 $0x3FFFFFE0, s6  }
0x1bd: {  	v8 =	vld [tilespmem:s6+$0x11300];
	_ =	sdelay $0x4  }
0x1be: {  	vm0 =	vgt.s32 v8, $0x0  }
0x1bf: {  	v8 =	vnsel vm0, $0x0, v8  }
0x1c0: {  	v22 =	vmin.u32 v8, $0x3FF  }
0x1c1: {  	s7 =	sshll.u32 s20, $0x5  }
0x1c2: {  	v8 =	vmov s7  }
0x1c3: {  	v10 =	vmul.u32 $0x43, v8  }
0x1c4: {  	s8 =	simm.s32 $0x0;
	v8 =	vmul.u32 $0x43, v1  }
0x1c5: {  	v13 =	vmov s8;
	v16 =	vbroadcast v10, $0x0;
	v14 =	vld.idx.msk [tilespmem:v22+s3+$0x0], $0xffff  }
0x1c6: {  	v23 =	vshll.u32 v13, $0xA;
	v11 =	vadd.s32 $0x40, v8;
	v17 =	vld.idx.msk [tilespmem:v22+s16+$0x0], $0xffff  }
0x1c7: {  	v15 =	vand.u32 $0x7F, v22;
	v10 =	vadd.s32 $0x41, v8;
	v18 =	vld.idx.msk [tilespmem:v22+s18+$0x0], $0xffff;
	v19 =	vadd.s32 v11, v16  }
0x1c8: {  	v21 =	vshll.u32 v22, $0x3;
	v12 =	vadd.s32 $0x42, v8;
	v20 =	vadd.s32 v10, v16  }
0x1c9: {  	v13 =	vand.u32 $0x1C00, v21;
	v21 =	vor.u32 v23, v15;
	v24 =	vadd.s32 v12, v16  }
0x1ca: {  	v21 =	vor.u32 v13, v21;
	v14 =	vsub.f32 v14, v7  }
0x1cb: {  	s9 =	simm.s32 $0x1;
	v17 =	vsub.f32 v17, v6  }
0x1cc: {  	v18 =	vsub.f32 v18, v5;
	[tilespmem:v19+s30+$0x0] =	vst.idx.msk $0xffff, v14;
	v14 =	vmov s9  }
0x1cd: {  	[tilespmem:v20+s30+$0x0] =	vst.idx.msk $0xffff, v17;
	v17 =	vshll.u32 v14, $0xA  }
0x1ce: {  	v14 =	vadd.s32 v8, v16;
	v16 =	vor.u32 $0x80, v15;
	[tilespmem:v24+s30+$0x0] =	vst.idx.msk $0xffff, v18;
	v17 =	vand.u32 $0xE000, v17  }
0x1cf: {  	v19 =	vadd.s32 s8, v14;
	v18 =	vld.idx.msk [tilespmem:v21+s21+$0x0], $0xffff;
	v17 =	vor.u32 v17, v16  }
0x1d0: {  	v20 =	vor.u32 v13, v17  }
0x1d1: {  	s22 =	simm.s32 $0x2  }
0x1d2: {  	v17 =	vmov s22  }
0x1d3: {  	v21 =	vshll.u32 v17, $0xA  }
0x1d4: {  	v17 =	vor.u32 $0x100, v15;
	[tilespmem:v19+s30+$0x0] =	vst.idx.msk $0xffff, v18;
	v18 =	vand.u32 $0xE000, v21  }
0x1d5: {  	v19 =	vld.idx.msk [tilespmem:v20+s21+$0x0], $0xffff;
	v20 =	vadd.s32 s9, v14;
	v18 =	vor.u32 v18, v17  }
0x1d6: {  	v21 =	vor.u32 v13, v18  }
0x1d7: {  	s10 =	simm.s32 $0x3  }
0x1d8: {  	v18 =	vmov s10  }
0x1d9: {  	v23 =	vshll.u32 v18, $0xA  }
0x1da: {  	v18 =	vor.u32 $0x180, v15;
	[tilespmem:v20+s30+$0x0] =	vst.idx.msk $0xffff, v19;
	v19 =	vand.u32 $0xE000, v23  }
0x1db: {  	v20 =	vld.idx.msk [tilespmem:v21+s21+$0x0], $0xffff;
	v21 =	vadd.s32 s22, v14;
	v19 =	vor.u32 v19, v18  }
0x1dc: {  	v23 =	vor.u32 v13, v19  }
0x1dd: {  	s11 =	simm.s32 $0x4  }
0x1de: {  	v19 =	vmov s11  }
0x1df: {  	v24 =	vshll.u32 v19, $0xA  }
0x1e0: {  	v19 =	vor.u32 $0x200, v15;
	[tilespmem:v21+s30+$0x0] =	vst.idx.msk $0xffff, v20;
	v20 =	vand.u32 $0xE000, v24  }
0x1e1: {  	v21 =	vld.idx.msk [tilespmem:v23+s21+$0x0], $0xffff;
	v23 =	vadd.s32 s10, v14;
	v20 =	vor.u32 v20, v19  }
0x1e2: {  	v24 =	vor.u32 v13, v20  }
0x1e3: {  	s22 =	simm.s32 $0x5  }
0x1e4: {  	v20 =	vmov s22  }
0x1e5: {  	v25 =	vshll.u32 v20, $0xA  }
0x1e6: {  	v20 =	vor.u32 $0x280, v15;
	[tilespmem:v23+s30+$0x0] =	vst.idx.msk $0xffff, v21;
	v21 =	vand.u32 $0xE000, v25  }
0x1e7: {  	v23 =	vld.idx.msk [tilespmem:v24+s21+$0x0], $0xffff;
	v24 =	vadd.s32 s11, v14;
	v21 =	vor.u32 v21, v20  }
0x1e8: {  	v25 =	vor.u32 v13, v21;
	_ =	sdelay $0x3  }
0x1e9: {  	s10 =	simm.s32 $0x6;
	[tilespmem:v24+s30+$0x0] =	vst.idx.msk $0xffff, v23  }
0x1ea: {  	v21 =	vmov s10;
	v24 =	vld.idx.msk [tilespmem:v25+s21+$0x0], $0xffff;
	v25 =	vadd.s32 s22, v14  }
0x1eb: {  	v26 =	vshll.u32 v21, $0xA;
	s22 =	simm.s32 $0x7  }
0x1ec: {  	v23 =	vand.u32 $0xE000, v26;
	v26 =	vmov s22  }
0x1ed: {  	v26 =	vshll.u32 v26, $0xA  }
0x1ee: {  	v22 =	vor.u32 $0x380, v22;
	v26 =	vand.u32 $0xE000, v26  }
0x1ef: {  	[tilespmem:v25+s30+$0x0] =	vst.idx.msk $0xffff, v24;
	v24 =	vor.u32 v26, v22;
	v26 =	vld [tilespmem:$0x1FFC0];
	_ =	sdelay $0x3  }
0x1f0: {  	v21 =	vor.u32 $0x300, v15  }
0x1f1: {  	v23 =	vor.u32 v23, v21;
	vm12 =	vnez.u8 v26;
	v26 =	vld [tilespmem:$0x1FFD0]  }
0x1f2: {  	v23 =	vor.u32 v13, v23;
	_ =	sdelay $0x3  }
0x1f3: {  	vm13 =	vnez.u8 v26;
	v26 =	vld [tilespmem:$0x1FFE0]  }
0x1f4: {  	v25 =	vadd.s32 s10, v14;
	v23 =	vld.idx.msk [tilespmem:v23+s21+$0x0], $0xffff  }
0x1f5: {  	v24 =	vor.u32 v13, v24;
	_ =	sdelay $0x2  }
0x1f6: {  	s8 =	simm.s32 $0xF;
	s9 =	simm.s32 $0x17;
	s10 =	simm.s32 $0x8;
	vm14 =	vnez.u8 v26  }
.LBB2_9:
0x1f7: {  	p0 =	sne.s32 s9, $0x3F;
	v26 =	vmov s10;
	[tilespmem:v25+s30+$0x0] =	vst.idx.msk $0xffff, v23  }
0x1f8: {  	v23 =	vshll.u32 v26, $0xA;
	v24 =	vld.idx.msk [tilespmem:v24+s21+$0x0], $0xffff  }
0x1f9: {  	v25 =	vadd.s32 s22, v14;
	s22 =	smov.u32 s8;
	s8 =	smov.u32 s9;
	v23 =	vor.u32 v23, v15  }
0x1fa: {  	v23 =	vor.u32 v13, v23;
	_ =	sdelay $0x1  }
0x1fb: {  	s11 =	sadd.s32 $0xFFFFFFFA, s22  }
0x1fc: {  	v26 =	vmov s11  }
0x1fd: {  	v26 =	vshll.u32 v26, $0xA;
	[tilespmem:v25+s30+$0x0] =	vst.idx.msk $0xffff, v24  }
0x1fe: {  	v24 =	vand.u32 $0xE000, v26;
	v23 =	vld.idx.msk [tilespmem:v23+s21+$0x0], $0xffff  }
0x1ff: {  	v25 =	vadd.s32 s10, v14;
	v24 =	vor.u32 v24, v16  }
0x200: {  	v24 =	vor.u32 v13, v24;
	_ =	sdelay $0x1  }
0x201: {  	s10 =	sadd.s32 $0xFFFFFFFB, s22  }
0x202: {  	v26 =	vmov s10  }
0x203: {  	[tilespmem:v25+s30+$0x0] =	vst.idx.msk $0xffff, v23;
	v23 =	vshll.u32 v26, $0xA  }
0x204: {  	v24 =	vld.idx.msk [tilespmem:v24+s21+$0x0], $0xffff;
	v23 =	vand.u32 $0xE000, v23  }
0x205: {  	v25 =	vadd.s32 s11, v14;
	v23 =	vor.u32 v23, v17  }
0x206: {  	v23 =	vor.u32 v13, v23;
	_ =	sdelay $0x1  }
0x207: {  	s11 =	sadd.s32 $0xFFFFFFFC, s22  }
0x208: {  	v26 =	vmov s11  }
0x209: {  	[tilespmem:v25+s30+$0x0] =	vst.idx.msk $0xffff, v24;
	v24 =	vshll.u32 v26, $0xA  }
0x20a: {  	v23 =	vld.idx.msk [tilespmem:v23+s21+$0x0], $0xffff;
	v24 =	vand.u32 $0xE000, v24  }
0x20b: {  	v25 =	vadd.s32 s10, v14;
	v24 =	vor.u32 v24, v18  }
0x20c: {  	v24 =	vor.u32 v13, v24;
	_ =	sdelay $0x1  }
0x20d: {  	s10 =	sadd.s32 $0xFFFFFFFD, s22  }
0x20e: {  	v26 =	vmov s10  }
0x20f: {  	[tilespmem:v25+s30+$0x0] =	vst.idx.msk $0xffff, v23;
	v23 =	vshll.u32 v26, $0xA  }
0x210: {  	v24 =	vld.idx.msk [tilespmem:v24+s21+$0x0], $0xffff;
	v23 =	vand.u32 $0xE000, v23  }
0x211: {  	v25 =	vadd.s32 s11, v14;
	v23 =	vor.u32 v23, v19  }
0x212: {  	v23 =	vor.u32 v13, v23;
	_ =	sdelay $0x1  }
0x213: {  	s11 =	sadd.s32 $0xFFFFFFFE, s22  }
0x214: {  	v26 =	vmov s11  }
0x215: {  	[tilespmem:v25+s30+$0x0] =	vst.idx.msk $0xffff, v24;
	v24 =	vshll.u32 v26, $0xA  }
0x216: {  	v23 =	vld.idx.msk [tilespmem:v23+s21+$0x0], $0xffff;
	v24 =	vand.u32 $0xE000, v24  }
0x217: {  	v25 =	vadd.s32 s10, v14;
	v24 =	vor.u32 v24, v20  }
0x218: {  	v24 =	vor.u32 v13, v24;
	_ =	sdelay $0x1  }
0x219: {  	s10 =	sadd.s32 $0xFFFFFFFF, s22  }
0x21a: {  	v26 =	vmov s10  }
0x21b: {  	[tilespmem:v25+s30+$0x0] =	vst.idx.msk $0xffff, v23;
	v23 =	vshll.u32 v26, $0xA  }
0x21c: {  	v24 =	vld.idx.msk [tilespmem:v24+s21+$0x0], $0xffff;
	v23 =	vand.u32 $0xE000, v23  }
0x21d: {  	v25 =	vadd.s32 s11, v14;
	v23 =	vor.u32 v23, v21  }
0x21e: {  	v23 =	vor.u32 v13, v23;
	_ =	sdelay $0x2  }
0x21f: {  	v26 =	vmov s22  }
0x220: {  	[tilespmem:v25+s30+$0x0] =	vst.idx.msk $0xffff, v24;
	v24 =	vshll.u32 v26, $0xA  }
0x221: {  	v23 =	vld.idx.msk [tilespmem:v23+s21+$0x0], $0xffff;
	v24 =	vand.u32 $0xE000, v24  }
.Ltmp3:
0x222: {  	v25 =	vadd.s32 s10, v14;
	v24 =	vor.u32 v24, v22;
	(pc) =	sbr.rel @p0 .LBB2_9-.Ltmp3, $2  }
0x223: {  	v24 =	vor.u32 v13, v24;
	_ =	sdelay $0x2  }
0x224: {  	s9 =	sadd.s32 $0x8, s9;
	s10 =	sadd.s32 $0xFFFFFFF9, s8  }
0x225: {  	_ =	sdelay $0x2  }
0x226: {  	v26 =	vmov s10  }
0x227: {  	[tilespmem:v25+s30+$0x0] =	vst.idx.msk $0xffff, v23;
	v57 =	vshll.u32 v26, $0xA  }
0x228: {  	v58 =	vadd.s32 s22, v14;
	v24 =	vld.idx.msk [tilespmem:v24+s21+$0x0], $0xffff;
	v15 =	vor.u32 v57, v15  }
0x229: {  	v15 =	vor.u32 v13, v15  }
0x22a: {  	s9 =	sadd.s32 $0xFFFFFFFA, s8  }
0x22b: {  	v59 =	vmov s9  }
0x22c: {  	v25 =	vshll.u32 v59, $0xA  }
0x22d: {  	v60 =	vand.u32 $0xE000, v25;
	[tilespmem:v58+s30+$0x0] =	vst.idx.msk $0xffff, v24  }
0x22e: {  	v61 =	vadd.s32 s10, v14;
	v16 =	vor.u32 v60, v16;
	v15 =	vld.idx.msk [tilespmem:v15+s21+$0x0], $0xffff  }
0x22f: {  	v16 =	vor.u32 v13, v16  }
0x230: {  	s22 =	sadd.s32 $0xFFFFFFFB, s8  }
0x231: {  	v62 =	vmov s22  }
0x232: {  	v23 =	vshll.u32 v62, $0xA  }
0x233: {  	[tilespmem:v61+s30+$0x0] =	vst.idx.msk $0xffff, v15;
	v15 =	vand.u32 $0xE000, v23  }
0x234: {  	v63 =	vadd.s32 s9, v14;
	v16 =	vld.idx.msk [tilespmem:v16+s21+$0x0], $0xffff;
	v15 =	vor.u32 v15, v17  }
0x235: {  	v15 =	vor.u32 v13, v15  }
0x236: {  	s11 =	sadd.s32 $0xFFFFFFFC, s8  }
0x237: {  	v17 =	vmov s11  }
0x238: {  	v17 =	vshll.u32 v17, $0xA  }
0x239: {  	[tilespmem:v63+s30+$0x0] =	vst.idx.msk $0xffff, v16;
	v16 =	vand.u32 $0xE000, v17  }
0x23a: {  	v17 =	vadd.s32 s22, v14;
	v15 =	vld.idx.msk [tilespmem:v15+s21+$0x0], $0xffff;
	v16 =	vor.u32 v16, v18  }
0x23b: {  	v16 =	vor.u32 v13, v16  }
0x23c: {  	s22 =	sadd.s32 $0xFFFFFFFD, s8  }
0x23d: {  	v18 =	vmov s22  }
0x23e: {  	v18 =	vshll.u32 v18, $0xA  }
0x23f: {  	[tilespmem:v17+s30+$0x0] =	vst.idx.msk $0xffff, v15;
	v15 =	vand.u32 $0xE000, v18  }
0x240: {  	v17 =	vadd.s32 s11, v14;
	v16 =	vld.idx.msk [tilespmem:v16+s21+$0x0], $0xffff;
	v15 =	vor.u32 v15, v19  }
0x241: {  	v15 =	vor.u32 v13, v15  }
0x242: {  	s11 =	sadd.s32 $0xFFFFFFFE, s8  }
0x243: {  	v18 =	vmov s11  }
0x244: {  	v18 =	vshll.u32 v18, $0xA  }
0x245: {  	[tilespmem:v17+s30+$0x0] =	vst.idx.msk $0xffff, v16;
	v16 =	vand.u32 $0xE000, v18  }
0x246: {  	v17 =	vadd.s32 s22, v14;
	v15 =	vld.idx.msk [tilespmem:v15+s21+$0x0], $0xffff;
	v16 =	vor.u32 v16, v20  }
0x247: {  	v16 =	vor.u32 v13, v16  }
0x248: {  	s22 =	sadd.s32 $0xFFFFFFFF, s8  }
0x249: {  	v18 =	vmov s22  }
0x24a: {  	v18 =	vshll.u32 v18, $0xA  }
0x24b: {  	[tilespmem:v17+s30+$0x0] =	vst.idx.msk $0xffff, v15;
	v15 =	vand.u32 $0xE000, v18  }
0x24c: {  	v17 =	vadd.s32 s11, v14;
	v16 =	vld.idx.msk [tilespmem:v16+s21+$0x0], $0xffff;
	v15 =	vor.u32 v15, v21  }
0x24d: {  	v15 =	vor.u32 v13, v15;
	_ =	sdelay $0x1  }
0x24e: {  	v18 =	vmov s8  }
0x24f: {  	v18 =	vshll.u32 v18, $0xA  }
0x250: {  	[tilespmem:v17+s30+$0x0] =	vst.idx.msk $0xffff, v16;
	v16 =	vand.u32 $0xE000, v18  }
0x251: {  	v17 =	vadd.s32 s22, v14;
	v15 =	vld.idx.msk [tilespmem:v15+s21+$0x0], $0xffff;
	v16 =	vor.u32 v16, v22  }
0x252: {  	v13 =	vor.u32 v13, v16;
	_ =	sdelay $0x3  }
0x253: {  	[tilespmem:v17+s30+$0x0] =	vst.idx.msk $0xffff, v15  }
0x254: {  	v14 =	vadd.s32 s8, v14;
	v13 =	vld.idx.msk [tilespmem:v13+s21+$0x0], $0xffff;
	_ =	sdelay $0x3  }
0x255: {  	vm0 =	vgt.s32 v9, v1  }
0x256: {  	[tilespmem:v14+s30+$0x0] =	vst.idx.msk $0xffff, v13;
	v13 =	vsel vm0, $0x1, v0  }
0x257: {  	[tilespmem:s7+$0x1A100] =	vst v13  }
0x258: {  	v13 =	vld [tilespmem:s6+$0x11310];
	_ =	sdelay $0x4  }
0x259: {  	vm11 =	vgt.s32 v13, $0x0  }
0x25a: {  	v13 =	vnsel vm11, $0x0, v13  }
0x25b: {  	v15 =	vmin.u32 v13, $0x3FF  }
0x25c: {  	s6 =	sor.u32 $0x10, s7  }
0x25d: {  	v13 =	vmov s6  }
0x25e: {  	v13 =	vmul.u32 $0x43, v13;
	_ =	sdelay $0x1  }
0x25f: {  	s10 =	simm.s32 $0x0;
	v16 =	vbroadcast v13, $0x0;
	v14 =	vld.idx.msk [tilespmem:v15+s3+$0x0], $0xffff  }
0x260: {  	v19 =	vmov s10;
	v17 =	vld.idx.msk [tilespmem:v15+s16+$0x0], $0xffff  }
0x261: {  	v19 =	vshll.u32 v19, $0xA;
	v18 =	vld.idx.msk [tilespmem:v15+s18+$0x0], $0xffff;
	v11 =	vadd.s32 v11, v16  }
0x262: {  	v13 =	vand.u32 $0x7F, v15;
	v20 =	vadd.s32 v10, v16;
	v10 =	vshll.u32 v15, $0x3  }
0x263: {  	v19 =	vor.u32 v19, v13;
	v12 =	vadd.s32 v12, v16;
	v10 =	vand.u32 $0x1C00, v10  }
0x264: {  	v7 =	vsub.f32 v14, v7;
	v14 =	vor.u32 v10, v19  }
0x265: {  	s11 =	simm.s32 $0x1;
	v6 =	vsub.f32 v17, v6  }
0x266: {  	[tilespmem:v11+s30+$0x0] =	vst.idx.msk $0xffff, v7;
	v7 =	vsub.f32 v18, v5;
	v5 =	vmov s11  }
0x267: {  	[tilespmem:v20+s30+$0x0] =	vst.idx.msk $0xffff, v6;
	v11 =	vshll.u32 v5, $0xA  }
0x268: {  	v5 =	vadd.s32 v8, v16;
	v6 =	vor.u32 $0x80, v13;
	[tilespmem:v12+s30+$0x0] =	vst.idx.msk $0xffff, v7;
	v7 =	vand.u32 $0xE000, v11  }
0x269: {  	v11 =	vadd.s32 s10, v5;
	v8 =	vld.idx.msk [tilespmem:v14+s21+$0x0], $0xffff;
	v7 =	vor.u32 v7, v6  }
0x26a: {  	v12 =	vor.u32 v10, v7  }
0x26b: {  	s22 =	simm.s32 $0x2  }
0x26c: {  	v7 =	vmov s22  }
0x26d: {  	v14 =	vshll.u32 v7, $0xA  }
0x26e: {  	v7 =	vor.u32 $0x100, v13;
	[tilespmem:v11+s30+$0x0] =	vst.idx.msk $0xffff, v8;
	v8 =	vand.u32 $0xE000, v14  }
0x26f: {  	v11 =	vld.idx.msk [tilespmem:v12+s21+$0x0], $0xffff;
	v12 =	vadd.s32 s11, v5;
	v8 =	vor.u32 v8, v7  }
0x270: {  	v14 =	vor.u32 v10, v8  }
0x271: {  	s9 =	simm.s32 $0x3  }
0x272: {  	v8 =	vmov s9  }
0x273: {  	v16 =	vshll.u32 v8, $0xA  }
0x274: {  	v8 =	vor.u32 $0x180, v13;
	[tilespmem:v12+s30+$0x0] =	vst.idx.msk $0xffff, v11;
	v11 =	vand.u32 $0xE000, v16  }
0x275: {  	v12 =	vld.idx.msk [tilespmem:v14+s21+$0x0], $0xffff;
	v14 =	vadd.s32 s22, v5;
	v11 =	vor.u32 v11, v8  }
0x276: {  	v16 =	vor.u32 v10, v11  }
0x277: {  	s10 =	simm.s32 $0x4  }
0x278: {  	v11 =	vmov s10  }
0x279: {  	v17 =	vshll.u32 v11, $0xA  }
0x27a: {  	v11 =	vor.u32 $0x200, v13;
	[tilespmem:v14+s30+$0x0] =	vst.idx.msk $0xffff, v12;
	v12 =	vand.u32 $0xE000, v17  }
0x27b: {  	v14 =	vld.idx.msk [tilespmem:v16+s21+$0x0], $0xffff;
	v16 =	vadd.s32 s9, v5;
	v12 =	vor.u32 v12, v11  }
0x27c: {  	v17 =	vor.u32 v10, v12  }
0x27d: {  	s11 =	simm.s32 $0x5  }
0x27e: {  	v12 =	vmov s11  }
0x27f: {  	v18 =	vshll.u32 v12, $0xA  }
0x280: {  	v12 =	vor.u32 $0x280, v13;
	[tilespmem:v16+s30+$0x0] =	vst.idx.msk $0xffff, v14;
	v14 =	vand.u32 $0xE000, v18  }
0x281: {  	v16 =	vld.idx.msk [tilespmem:v17+s21+$0x0], $0xffff;
	v17 =	vadd.s32 s10, v5;
	v14 =	vor.u32 v14, v12  }
0x282: {  	v18 =	vor.u32 v10, v14  }
0x283: {  	s22 =	simm.s32 $0x6  }
0x284: {  	v14 =	vmov s22  }
0x285: {  	v19 =	vshll.u32 v14, $0xA  }
0x286: {  	v14 =	vor.u32 $0x300, v13;
	[tilespmem:v17+s30+$0x0] =	vst.idx.msk $0xffff, v16;
	v16 =	vand.u32 $0xE000, v19  }
0x287: {  	v17 =	vld.idx.msk [tilespmem:v18+s21+$0x0], $0xffff;
	v18 =	vadd.s32 s11, v5;
	v16 =	vor.u32 v16, v14  }
0x288: {  	v16 =	vor.u32 v10, v16  }
0x289: {  	s8 =	simm.s32 $0x7  }
0x28a: {  	v19 =	vmov s8  }
0x28b: {  	v19 =	vshll.u32 v19, $0xA  }
0x28c: {  	v15 =	vor.u32 $0x380, v15;
	v19 =	vand.u32 $0xE000, v19;
	[tilespmem:v18+s30+$0x0] =	vst.idx.msk $0xffff, v17  }
0x28d: {  	v17 =	vor.u32 v19, v15;
	v18 =	vadd.s32 s22, v5;
	v16 =	vld.idx.msk [tilespmem:v16+s21+$0x0], $0xffff  }
0x28e: {  	v17 =	vor.u32 v10, v17;
	_ =	sdelay $0x2  }
0x28f: {  	s7 =	simm.s32 $0xF;
	s9 =	simm.s32 $0x17;
	s10 =	simm.s32 $0x8  }
.LBB2_11:
0x290: {  	p0 =	sne.s32 s9, $0x3F;
	v19 =	vmov s10;
	[tilespmem:v18+s30+$0x0] =	vst.idx.msk $0xffff, v16  }
0x291: {  	v16 =	vshll.u32 v19, $0xA;
	v17 =	vld.idx.msk [tilespmem:v17+s21+$0x0], $0xffff  }
0x292: {  	v18 =	vadd.s32 s8, v5;
	s8 =	smov.u32 s7;
	s7 =	smov.u32 s9;
	v16 =	vor.u32 v16, v13  }
0x293: {  	v16 =	vor.u32 v10, v16;
	_ =	sdelay $0x1  }
0x294: {  	s11 =	sadd.s32 $0xFFFFFFFA, s8  }
0x295: {  	v19 =	vmov s11  }
0x296: {  	v19 =	vshll.u32 v19, $0xA;
	[tilespmem:v18+s30+$0x0] =	vst.idx.msk $0xffff, v17  }
0x297: {  	v17 =	vand.u32 $0xE000, v19;
	v16 =	vld.idx.msk [tilespmem:v16+s21+$0x0], $0xffff  }
0x298: {  	v18 =	vadd.s32 s10, v5;
	v17 =	vor.u32 v17, v6  }
0x299: {  	v17 =	vor.u32 v10, v17;
	_ =	sdelay $0x1  }
0x29a: {  	s10 =	sadd.s32 $0xFFFFFFFB, s8  }
0x29b: {  	v19 =	vmov s10  }
0x29c: {  	[tilespmem:v18+s30+$0x0] =	vst.idx.msk $0xffff, v16;
	v16 =	vshll.u32 v19, $0xA  }
0x29d: {  	v17 =	vld.idx.msk [tilespmem:v17+s21+$0x0], $0xffff;
	v16 =	vand.u32 $0xE000, v16  }
0x29e: {  	v18 =	vadd.s32 s11, v5;
	v16 =	vor.u32 v16, v7  }
0x29f: {  	v16 =	vor.u32 v10, v16;
	_ =	sdelay $0x1  }
0x2a0: {  	s11 =	sadd.s32 $0xFFFFFFFC, s8  }
0x2a1: {  	v19 =	vmov s11  }
0x2a2: {  	[tilespmem:v18+s30+$0x0] =	vst.idx.msk $0xffff, v17;
	v17 =	vshll.u32 v19, $0xA  }
0x2a3: {  	v16 =	vld.idx.msk [tilespmem:v16+s21+$0x0], $0xffff;
	v17 =	vand.u32 $0xE000, v17  }
0x2a4: {  	v18 =	vadd.s32 s10, v5;
	v17 =	vor.u32 v17, v8  }
0x2a5: {  	v17 =	vor.u32 v10, v17;
	_ =	sdelay $0x1  }
0x2a6: {  	s10 =	sadd.s32 $0xFFFFFFFD, s8  }
0x2a7: {  	v19 =	vmov s10  }
0x2a8: {  	[tilespmem:v18+s30+$0x0] =	vst.idx.msk $0xffff, v16;
	v16 =	vshll.u32 v19, $0xA  }
0x2a9: {  	v17 =	vld.idx.msk [tilespmem:v17+s21+$0x0], $0xffff;
	v16 =	vand.u32 $0xE000, v16  }
0x2aa: {  	v18 =	vadd.s32 s11, v5;
	v16 =	vor.u32 v16, v11  }
0x2ab: {  	v16 =	vor.u32 v10, v16;
	_ =	sdelay $0x1  }
0x2ac: {  	s11 =	sadd.s32 $0xFFFFFFFE, s8  }
0x2ad: {  	v19 =	vmov s11  }
0x2ae: {  	[tilespmem:v18+s30+$0x0] =	vst.idx.msk $0xffff, v17;
	v17 =	vshll.u32 v19, $0xA  }
0x2af: {  	v16 =	vld.idx.msk [tilespmem:v16+s21+$0x0], $0xffff;
	v17 =	vand.u32 $0xE000, v17  }
0x2b0: {  	v18 =	vadd.s32 s10, v5;
	v17 =	vor.u32 v17, v12  }
0x2b1: {  	v17 =	vor.u32 v10, v17;
	_ =	sdelay $0x1  }
0x2b2: {  	s10 =	sadd.s32 $0xFFFFFFFF, s8  }
0x2b3: {  	v19 =	vmov s10  }
0x2b4: {  	[tilespmem:v18+s30+$0x0] =	vst.idx.msk $0xffff, v16;
	v16 =	vshll.u32 v19, $0xA  }
0x2b5: {  	v17 =	vld.idx.msk [tilespmem:v17+s21+$0x0], $0xffff;
	v16 =	vand.u32 $0xE000, v16  }
0x2b6: {  	v18 =	vadd.s32 s11, v5;
	v16 =	vor.u32 v16, v14  }
0x2b7: {  	v16 =	vor.u32 v10, v16;
	_ =	sdelay $0x2  }
0x2b8: {  	v19 =	vmov s8  }
0x2b9: {  	[tilespmem:v18+s30+$0x0] =	vst.idx.msk $0xffff, v17;
	v17 =	vshll.u32 v19, $0xA  }
0x2ba: {  	v16 =	vld.idx.msk [tilespmem:v16+s21+$0x0], $0xffff;
	v17 =	vand.u32 $0xE000, v17  }
.Ltmp4:
0x2bb: {  	v18 =	vadd.s32 s10, v5;
	v17 =	vor.u32 v17, v15;
	(pc) =	sbr.rel @p0 .LBB2_11-.Ltmp4, $2  }
0x2bc: {  	v17 =	vor.u32 v10, v17;
	_ =	sdelay $0x2  }
0x2bd: {  	s9 =	sadd.s32 $0x8, s9;
	s10 =	sadd.s32 $0xFFFFFFF9, s7  }
0x2be: {  	_ =	sdelay $0x2  }
0x2bf: {  	v19 =	vmov s10  }
0x2c0: {  	[tilespmem:v18+s30+$0x0] =	vst.idx.msk $0xffff, v16;
	v46 =	vshll.u32 v19, $0xA  }
0x2c1: {  	v47 =	vadd.s32 s8, v5;
	v17 =	vld.idx.msk [tilespmem:v17+s21+$0x0], $0xffff;
	v13 =	vor.u32 v46, v13  }
0x2c2: {  	v13 =	vor.u32 v10, v13  }
0x2c3: {  	s11 =	sadd.s32 $0xFFFFFFFA, s7  }
0x2c4: {  	v48 =	vmov s11  }
0x2c5: {  	v18 =	vshll.u32 v48, $0xA  }
0x2c6: {  	v49 =	vand.u32 $0xE000, v18;
	[tilespmem:v47+s30+$0x0] =	vst.idx.msk $0xffff, v17  }
0x2c7: {  	v50 =	vadd.s32 s10, v5;
	v6 =	vor.u32 v49, v6;
	v13 =	vld.idx.msk [tilespmem:v13+s21+$0x0], $0xffff  }
0x2c8: {  	v6 =	vor.u32 v10, v6  }
0x2c9: {  	s9 =	sadd.s32 $0xFFFFFFFB, s7  }
0x2ca: {  	v51 =	vmov s9  }
0x2cb: {  	v16 =	vshll.u32 v51, $0xA  }
0x2cc: {  	v52 =	vand.u32 $0xE000, v16;
	[tilespmem:v50+s30+$0x0] =	vst.idx.msk $0xffff, v13  }
0x2cd: {  	v53 =	vadd.s32 s11, v5;
	v7 =	vor.u32 v52, v7;
	v6 =	vld.idx.msk [tilespmem:v6+s21+$0x0], $0xffff  }
0x2ce: {  	v7 =	vor.u32 v10, v7  }
0x2cf: {  	s22 =	sadd.s32 $0xFFFFFFFC, s7  }
0x2d0: {  	v54 =	vmov s22  }
0x2d1: {  	v13 =	vshll.u32 v54, $0xA  }
0x2d2: {  	[tilespmem:v53+s30+$0x0] =	vst.idx.msk $0xffff, v6;
	v6 =	vand.u32 $0xE000, v13  }
0x2d3: {  	v55 =	vadd.s32 s9, v5;
	v7 =	vld.idx.msk [tilespmem:v7+s21+$0x0], $0xffff;
	v6 =	vor.u32 v6, v8  }
0x2d4: {  	v6 =	vor.u32 v10, v6  }
0x2d5: {  	s10 =	sadd.s32 $0xFFFFFFFD, s7  }
0x2d6: {  	v56 =	vmov s10  }
0x2d7: {  	v8 =	vshll.u32 v56, $0xA  }
0x2d8: {  	[tilespmem:v55+s30+$0x0] =	vst.idx.msk $0xffff, v7;
	v7 =	vand.u32 $0xE000, v8  }
0x2d9: {  	v57 =	vadd.s32 s22, v5;
	v6 =	vld.idx.msk [tilespmem:v6+s21+$0x0], $0xffff;
	v7 =	vor.u32 v7, v11  }
0x2da: {  	v7 =	vor.u32 v10, v7  }
0x2db: {  	s11 =	sadd.s32 $0xFFFFFFFE, s7  }
0x2dc: {  	v58 =	vmov s11  }
0x2dd: {  	v11 =	vshll.u32 v58, $0xA  }
0x2de: {  	[tilespmem:v57+s30+$0x0] =	vst.idx.msk $0xffff, v6;
	v6 =	vand.u32 $0xE000, v11  }
0x2df: {  	v59 =	vadd.s32 s10, v5;
	v7 =	vld.idx.msk [tilespmem:v7+s21+$0x0], $0xffff;
	v6 =	vor.u32 v6, v12  }
0x2e0: {  	v6 =	vor.u32 v10, v6  }
0x2e1: {  	s22 =	sadd.s32 $0xFFFFFFFF, s7  }
0x2e2: {  	v60 =	vmov s22  }
0x2e3: {  	v11 =	vshll.u32 v60, $0xA  }
0x2e4: {  	[tilespmem:v59+s30+$0x0] =	vst.idx.msk $0xffff, v7;
	v7 =	vand.u32 $0xE000, v11  }
0x2e5: {  	v61 =	vadd.s32 s11, v5;
	v6 =	vld.idx.msk [tilespmem:v6+s21+$0x0], $0xffff;
	v7 =	vor.u32 v7, v14  }
0x2e6: {  	v7 =	vor.u32 v10, v7;
	_ =	sdelay $0x1  }
0x2e7: {  	v62 =	vmov s7  }
0x2e8: {  	v11 =	vshll.u32 v62, $0xA  }
0x2e9: {  	[tilespmem:v61+s30+$0x0] =	vst.idx.msk $0xffff, v6;
	v6 =	vand.u32 $0xE000, v11  }
0x2ea: {  	v63 =	vadd.s32 s22, v5;
	v7 =	vld.idx.msk [tilespmem:v7+s21+$0x0], $0xffff;
	v6 =	vor.u32 v6, v15  }
0x2eb: {  	v6 =	vor.u32 v10, v6;
	_ =	sdelay $0x3  }
0x2ec: {  	[tilespmem:v63+s30+$0x0] =	vst.idx.msk $0xffff, v7  }
0x2ed: {  	v5 =	vadd.s32 s7, v5;
	v6 =	vld.idx.msk [tilespmem:v6+s21+$0x0], $0xffff;
	_ =	sdelay $0x3  }
0x2ee: {  	vm0 =	vgt.s32 v9, v2  }
0x2ef: {  	s20 =	sadd.s32 $0x1, s20;
	[tilespmem:v5+s30+$0x0] =	vst.idx.msk $0xffff, v6;
	v5 =	vsel vm0, $0x1, v0  }
0x2f0: {  	p0 =	sne.s32 s20, $0x10;
	[tilespmem:s6+$0x1A100] =	vst v5;
	v5 =	vld [tilespmem:$0x1FFF0]  }
.Ltmp5:
0x2f1: {  	_ = 	snop;
	(pc) =	sbr.rel @p0 .LBB2_3-.Ltmp5, $2  }
0x2f2: {  	_ =	sdelay $0x2  }
0x2f3: {  	vm0 =	vnez.u8 v5  }
0x2f4: {  	s6 =	sadd.s32 s5, s19  }
0x2f5: {  	s7 =	smul.u32 $0x10C, s6;
	_ =	sdelay $0x1  }
0x2f6: {  	s7 =	sadd.s32 s4, s7  }
0x2f7: {  	[hbm4b:s7+s3] =	stream.linear.scatter [tilespmem:s30], [sflag:$0x1], $0x8600, $0x38;
	[tilespmem:$0x1A300] =	vst v63  }
0x2f8: {  	s1 =	sadd.s32 $0x1, s1;
	_ =	swait.ge [sflag:s17], $0x8600  }
0x2f9: {  	s6 =	sshll.u32 s6, $0x2;
	p0 =	sne.s32 s1, $0x4;
	[sflag:s17] =	ssyncset.done $0x0  }
.Ltmp6:
0x2fa: {  	s6 =	sadd.s32 s2, s6;
	[sflag:s17] =	ssyncadd.s32 $0xFFFF7A00;
	(pc) =	sbr.rel @p0 .LBB2_2-.Ltmp6, $4  }
0x2fb: {  	[hbm4b:s6+s3] =	stream.linear.scatter [tilespmem:s31], [sflag:$0x1], $0x200, $0x38;
	[tilespmem:$0x1A300] =	vst v63  }
0x2fc: {  	_ =	swait.ge [sflag:s17], $0x200  }
0x2fd: {  	[sflag:s17] =	ssyncset.done $0x0  }
0x2fe: {  	[sflag:s17] =	ssyncadd.s32 $0xFFFFFE00  }
0x2ff: {  	s0 =	sadd.s32 $0x1, s0  }
0x300: {  	p0 =	sne.s32 s0, s14  }
.Ltmp7:
0x301: {  	_ = 	snop;
	(pc) =	sbr.rel @p0 .LBB2_1-.Ltmp7, $1  }
0x302: {  	_ =	sdelay $0x3  }
0x303: {  	_ =	sfence.sel $0x180000  }
0x304: {  	[bflag:$0x0] =	sbarrier.arrive $0xFFFF  }
0x305: {  	_ =	strace $0x9000004A  }
0x306: {  	s0 =	stileid.u32;
	[bflag:$0x2] =	sbarrier.arrive $0xFFFF  }
0x307: {  	p0 =	sne.s32 s0, $0x0;
	s0 =	rddreg [dreg:$0x3]  }
0x308: {  	s0 =	sadd.s32 @!p0 $0x100000, s0  }
0x309: {  	[sflag:s0] =	ssyncadd.tile.s32 @!p0 $0x1;
	_ =	shalt  }
.Lfunc_end2:
_tile_overlayer_lowered:
.L_overlay_start_2:
0x30a: {  	(tag) =	ssettag $0x2  }
0x30b: {  	s0 =	rddreg [dreg:$0x0];
	s2 =	stileid.u32  }
0x30c: {  	s1 =	rddreg [dreg:$0x1];
	p0 =	sne.s32 s2, $0x0  }
0x30d: {  	s3 =	rddreg [dreg:$0x2];
	[bflag:$0x3] =	sbarrier.arrive $0xFFFF;
	s2 =	simm.s32 @!p0 $0x1C01  }
0x30e: {  	[timem:s3], [sflag:s2] =	dma.local @!p0 [hbm:s0], s1  }
0x30f: {  	s0 =	simm.s32 @!p0 $0x1  }
0x310: {  	_ =	swait.ge @!p0 [sflag:s0], s1  }
0x311: {  	s1 =	ssub.s32 @!p0 $0x0, s1;
	[sflag:s0] =	ssyncset.done @!p0 $0x0  }
0x312: {  	[sflag:s0] =	ssyncadd.s32 @!p0 s1  }
0x313: {  	[bflag:$0x3] =	sbarrier.arrive $0xFFFF  }
0x314: {  	_ =	shalt  }

// kernel: kernel.9.cloned.1.call-start
scs
__scs_entry_jumppad:
0x0: {  	(pc) =	sbr.rel $0x88, $3  }
0x1: {  	(tag) =	ssettag $0x0;
	lr =	simm.s32 $0x1  }
0x2: {  	[smem:$0x3F93] =	sst lr;
	_ =	strace $0xD0000000  }
0x3: {  	_ = 	snop  }
0x4: {  	_ = 	snop  }
0x5: {  	_ = 	snop  }
0x6: {  	_ = 	snop  }
0x7: {  	_ = 	snop  }
__scs_overlays_trampoline_lowered:
0x8: {  	[smem:$0x3FA2] =	sst s0  }
0x9: {  	[smem:$0x3FA3] =	sst s1  }
0xa: {  	[smem:$0x3FA4] =	sst s2  }
0xb: {  	[smem:$0x3FA5] =	sst s3  }
0xc: {  	[smem:$0x3FA6] =	sst s4  }
0xd: {  	[smem:$0x3FA7] =	sst s5  }
0xe: {  	[smem:$0x3FA8] =	sst s6  }
0xf: {  	[smem:$0x3FA9] =	sst s7  }
0x10: {  	[smem:$0x3FAA] =	sst s8  }
0x11: {  	[smem:$0x3FAB] =	sst s9;
	s0 =	simm.s32 @!p0 $0x0  }
0x12: {  	s1 =	sld [smem:$0x3F91];
	s0 =	simm.s32 @p0 $0x1  }
0x13: {  	[smem:$0x3FAC] =	sst s0;
	s0 =	simm.s32 @!p1 $0x0  }
0x14: {  	s2 =	sld [smem:$0x3F90];
	s0 =	simm.s32 @p1 $0x1  }
0x15: {  	[smem:$0x3FAD] =	sst s0;
	s0 =	simm.s32 @!p2 $0x0  }
0x16: {  	s3 =	sld [smem:$0x3FDB];
	s0 =	simm.s32 @p2 $0x1  }
0x17: {  	s4 =	simm.s32 $0x1BF5;
	[smem:$0x3FAF] =	sst s0  }
0x18: {  	s0 =	sld [smem:$0x3F92];
	_ =	swait.ge [sflag:s4], $0x0  }
0x19: {  	s7 =	sld [smem:$0x3F93]  }
0x1a: {  	s8 =	sadd.s32 $0xFFFFE003, lr  }
0x1b: {  	s9 =	sadd.s32 $0xFFFFFEF7, lr;
	s5 =	simm.s32 $0xFFFFFFFF;
	p2 =	slt.u32 s8, $0xFFFFF086  }
0x1c: {  	p1 =	slt.u32 s9, $0xF7A;
	s5 =	simm.s32 @!p2 $0x0  }
0x1d: {  	s5 =	simm.s32 @p1 $0x1;
	p0 =	seq.s32 s7, s2  }
0x1e: {  	s7 =	smul.u32 @!p0 $0xF7A, s2;
	p2 =	seq.s32 @!p0 s5, $0x0  }
0x1f: {  	s9 =	smul.u32 $0xF7A, s1;
	s8 =	simm.s32 @!p0 $0x1BF5;
	p2 =	por !p2, p0  }
0x20: {  	[sflag:s8] =	ssyncset.s32 @!p0 $0xFFFFF086;
	s6 =	sadd.s32 @!p0 s3, s7;
	s7 =	simm.s32 @!p0 $0x108  }
0x21: {  	s3 =	sadd.s32 s3, s9;
	s6 =	sadd.s32 @!p0 $0x88, s6;
	s7 =	simm.s32 @p2 $0x1082  }
0x22: {  	[simem:s7], [sflag:s8] =	dma.local @!p0 [hbm:s6], $0xF7A  }
0x23: {  	s9 =	sor.u32 $0xD0000000, s2;
	s6 =	simm.s32 $0x108;
	_ =	swait.ge @!p0 [sflag:s8], $0x0  }
0x24: {  	s3 =	sadd.s32 $0x88, s3;
	s6 =	simm.s32 @!p1 $0x1082;
	[sflag:s4] =	ssyncset.s32 $0xFFFFF086  }
0x25: {  	[simem:s6], [sflag:s4] =	dma.local [hbm:s3], $0xF7A  }
0x26: {  	[smem:$0x3F93] =	sst s1;
	(tag) =	ssettag s2;
	_ =	strace s9  }
0x27: {  	s1 =	sld [smem:$0x3FA3]  }
0x28: {  	s2 =	sld [smem:$0x3FA4]  }
0x29: {  	s4 =	sld [smem:$0x3FA6]  }
0x2a: {  	p0 =	seq.s32 s5, $0x0;
	s5 =	sld [smem:$0x3FA7]  }
0x2b: {  	s6 =	sld [smem:$0x3FA8]  }
0x2c: {  	s7 =	sld [smem:$0x3FA9]  }
0x2d: {  	s3 =	simm.s32 $0x108;
	s8 =	sld [smem:$0x3FAA]  }
0x2e: {  	s3 =	simm.s32 @!p0 $0x1082;
	s9 =	sld [smem:$0x3FAB]  }
0x2f: {  	lr =	sadd.s32 s0, s3;
	s0 =	sld [smem:$0x3FA2]  }
0x30: {  	s3 =	sld [smem:$0x3FA5]  }
0x31: {  	[smem:$0x3FAE] =	sst s10  }
0x32: {  	s10 =	sld [smem:$0x3FAC];
	_ =	sdelay $0x3  }
0x33: {  	p0 =	seq.s32 s10, $0x1;
	s10 =	sld [smem:$0x3FAE];
	_ =	sdelay $0x3  }
0x34: {  	[smem:$0x3FAE] =	sst s10  }
0x35: {  	s10 =	sld [smem:$0x3FAD];
	_ =	sdelay $0x3  }
0x36: {  	p1 =	seq.s32 s10, $0x1;
	s10 =	sld [smem:$0x3FAE];
	_ =	sdelay $0x3  }
0x37: {  	[smem:$0x3FAE] =	sst s10  }
0x38: {  	s10 =	sld [smem:$0x3FAF]  }
0x39: {  	_ = 	snop;
	(pc) =	sbr.ind lr, $3  }
0x3a: {  	_ = 	snop  }
0x3b: {  	_ = 	snop  }
0x3c: {  	p2 =	seq.s32 s10, $0x1;
	s10 =	sld [smem:$0x3FAE]  }
0x3d: {  	_ =	shalt  }
0x3e: {  	_ =	shalt  }
0x3f: {  	_ =	shalt  }
0x40: {  	_ =	shalt  }
0x41: {  	_ =	shalt  }
0x42: {  	_ =	shalt  }
0x43: {  	_ =	shalt  }
0x44: {  	_ =	shalt  }
0x45: {  	_ =	shalt  }
0x46: {  	_ =	shalt  }
0x47: {  	_ =	shalt  }
0x48: {  	_ =	shalt  }
0x49: {  	_ =	shalt  }
0x4a: {  	_ =	shalt  }
0x4b: {  	_ =	shalt  }
0x4c: {  	_ =	shalt  }
0x4d: {  	_ =	shalt  }
0x4e: {  	_ =	shalt  }
0x4f: {  	_ =	shalt  }
0x50: {  	_ =	shalt  }
0x51: {  	_ =	shalt  }
0x52: {  	_ =	shalt  }
0x53: {  	_ =	shalt  }
0x54: {  	_ =	shalt  }
0x55: {  	_ =	shalt  }
0x56: {  	_ =	shalt  }
0x57: {  	_ =	shalt  }
0x58: {  	_ =	shalt  }
0x59: {  	_ =	shalt  }
0x5a: {  	_ =	shalt  }
0x5b: {  	_ =	shalt  }
0x5c: {  	_ =	shalt  }
0x5d: {  	_ =	shalt  }
0x5e: {  	_ =	shalt  }
0x5f: {  	_ =	shalt  }
0x60: {  	_ =	shalt  }
0x61: {  	_ =	shalt  }
0x62: {  	_ =	shalt  }
0x63: {  	_ =	shalt  }
0x64: {  	_ =	shalt  }
0x65: {  	_ =	shalt  }
0x66: {  	_ =	shalt  }
0x67: {  	_ =	shalt  }
0x68: {  	_ =	shalt  }
0x69: {  	_ =	shalt  }
0x6a: {  	_ =	shalt  }
0x6b: {  	_ =	shalt  }
0x6c: {  	_ =	shalt  }
0x6d: {  	_ =	shalt  }
0x6e: {  	_ =	shalt  }
0x6f: {  	_ =	shalt  }
0x70: {  	_ =	shalt  }
0x71: {  	_ =	shalt  }
0x72: {  	_ =	shalt  }
0x73: {  	_ =	shalt  }
0x74: {  	_ =	shalt  }
0x75: {  	_ =	shalt  }
0x76: {  	_ =	shalt  }
0x77: {  	_ =	shalt  }
0x78: {  	_ =	shalt  }
0x79: {  	_ =	shalt  }
0x7a: {  	_ =	shalt  }
0x7b: {  	_ =	shalt  }
0x7c: {  	_ =	shalt  }
0x7d: {  	_ =	shalt  }
0x7e: {  	_ =	shalt  }
0x7f: {  	_ =	shalt  }
0x80: {  	_ =	shalt  }
0x81: {  	_ =	shalt  }
0x82: {  	_ =	shalt  }
0x83: {  	_ =	shalt  }
0x84: {  	_ =	shalt  }
0x85: {  	_ =	shalt  }
0x86: {  	_ =	shalt  }
0x87: {  	_ =	shalt  }
.Lfunc_end0:
.L_simem_size_0:
called_computation_lowered:
.L_overlay_start_0:
0x88: {  	s2 =	sld [smem:$0x3FD9]  }
0x89: {  	s3 =	sld [smem:$0x3FFE];
	_ =	sdelay $0x1  }
0x8a: {  	s1 =	srdreg.scid  }
0x8b: {  	s0 =	sand.u32 $0x1, s1  }
0x8c: {  	s14 =	sshll.u32 s0, $0xA;
	s2 =	sadd.s32 s3, s2  }
0x8d: {  	s2 =	sadd.s32 s2, s14  }
0x8e: {  	[smem:$0x3FBA] =	sst s2  }
0x8f: {  	_ = 	snop  }
0x90: {  	s2 =	sld [smem:$0x3FD0];
	_ =	sdelay $0x2  }
0x91: {  	s15 =	simm.s32 $0xA;
	s4 =	simm.s32 $0x10  }
0x92: {  	[smem:s4], [sflag:s15] =	dma.local [hbm:s2], $0x1  }
0x93: {  	_ =	swait.eq [sflag:s15], $0x1  }
0x94: {  	s16 =	sld [smem:$0x10]  }
0x95: {  	s17 =	sld [smem:$0x11]  }
0x96: {  	s5 =	sld [smem:$0x12]  }
0x97: {  	s6 =	sld [smem:$0x14];
	[sflag:s15] =	ssyncset.done $0x0  }
0x98: {  	s7 =	sld [smem:$0x16];
	[sflag:s15] =	ssyncadd.s32 $0xFFFFFFFF  }
0x99: {  	s18 =	sld [smem:$0x17];
	(tm) =	ssettm $0x1  }
0x9a: {  	s8 =	sld [smem:$0x3FFB];
	_ =	sdelay $0x3  }
0x9b: {  	_ =	strace s8  }
0x9c: {  	s8 =	sld [smem:$0x3FFC];
	_ =	sdelay $0x3  }
0x9d: {  	_ =	strace s8  }
0x9e: {  	s8 =	sld [smem:$0x3FFD];
	_ =	sdelay $0x3  }
0x9f: {  	_ =	strace s8  }
0xa0: {  	_ =	strace $0x8FFFFFFF  }
0xa1: {  	s19 =	sld [smem:$0x3FDB];
	_ =	sdelay $0x1  }
0xa2: {  	s9 =	simm.s32 $_scs_section_size  }
0xa3: {  	s10 =	simm.s32 $_size__tile_overlayer_lowered;
	s11 =	simm.s32 $_tile_overlayer_lowered  }
0xa4: {  	s22 =	simm.s32 $0x1BFF;
	s21 =	sshll.u32 s11, $0x1;
	s8 =	sadd.s32 s9, s19  }
0xa5: {  	s12 =	simm.s32 $0x0;
	s20 =	sshll.u32 s10, $0x1;
	s10 =	sadd.s32 s21, s8  }
0xa6: {  	[timem:s12], [sflag:s22] =	dma.local [hbm:s10], s20  }
0xa7: {  	_ =	swait.ge [sflag:s22], s20  }
0xa8: {  	s9 =	ssub.s32 $0x0, s20;
	[sflag:s22] =	ssyncset.done $0x0  }
0xa9: {  	[sflag:s22] =	ssyncadd.s32 s9;
	_ =	sdelay $0x1  }
0xaa: {  	s23 =	simm.s32 $0x1B8B  }
0xab: {  	_ =	swait.ge [sflag:s23], $0x1  }
0xac: {  	[sflag:s23] =	ssyncset.done $0x0  }
0xad: {  	s25 =	simm.s32 $0x1B8E;
	s24 =	sld [smem:$0x3FFE];
	[sflag:s23] =	ssyncadd.s32 $0xFFFFFFFF  }
0xae: {  	s26 =	simm.s32 $execute0_lowered;
	[smem:$0x3FD2] =	sst s25  }
0xaf: {  	s10 =	sshll.u32 s26, $0x1;
	_ =	strace $0x80000046;
	[dreg:$0x1] =	wrdreg $0xFFFFFFFF  }
0xb0: {  	s28 =	simm.s32 $_size_execute0_lowered;
	s8 =	sadd.s32 s8, s10;
	[dreg:$0x0] =	wrdreg $0x0  }
0xb1: {  	s10 =	sshll.u32 s28, $0x1;
	[dreg:$0x2] =	wrdreg s8  }
0xb2: {  	[dreg:$0x3] =	wrdreg s10  }
0xb3: {  	[dreg:$0x4] =	wrdreg $0xC0  }
0xb4: {  	_ =	task [dreg:s12], $0x5FFFF  }
0xb5: {  	[dreg:$0x1] =	wrdreg $0xFFFFFFFF  }
0xb6: {  	[dreg:$0x0] =	wrdreg $0x60  }
0xb7: {  	[dreg:$0x2] =	wrdreg s5  }
0xb8: {  	[dreg:$0x3] =	wrdreg s6  }
0xb9: {  	[dreg:$0x4] =	wrdreg s16  }
0xba: {  	[dreg:$0x5] =	wrdreg s17  }
0xbb: {  	[dreg:$0x6] =	wrdreg s18  }
0xbc: {  	[dreg:$0x7] =	wrdreg s24  }
0xbd: {  	[dreg:$0x8] =	wrdreg s7  }
0xbe: {  	[dreg:$0x9] =	wrdreg $0x9  }
0xbf: {  	_ =	task.clear_ibuf [dreg:s12], $0xAFFFF;
	_ =	strace $0x90000046  }
0xc0: {  	s29 =	simm.s32 $0x9;
	_ =	strace $0x80000048  }
0xc1: {  	_ =	swait.ge [sflag:s29], $0x1  }
0xc2: {  	[sflag:s29] =	ssyncadd.s32 $0xFFFFFFFF  }
0xc3: {  	_ =	strace $0x90000048  }
0xc4: {  	_ =	sfence  }
0xc5: {  	s30 =	sld [smem:$0x0];
	_ =	sdelay $0x2  }
0xc6: {  	s31 =	sshll.u32 s1, $0xD;
	s1 =	sshrl.u32 s1, $0x2  }
0xc7: {  	s3 =	sand.u32 $0x4000, s31;
	s1 =	sadd.s32 s1, s30  }
0xc8: {  	s0 =	sor.u32 s3, s0;
	s1 =	sshll.u32 s1, $0x11  }
0xc9: {  	s0 =	sor.u32 s1, s0  }
0xca: {  	s0 =	sadd.s32 $0x8F2B, s0  }
0xcb: {  	[sflag:s0] =	ssyncadd.remote.s32 $0x1  }
0xcc: {  	_ =	sfence.sel $0xFFFF  }
0xcd: {  	[dreg:$0x0] =	wrdreg $0xFFFFFFFF;
	(pc) =	sbr.abs _section_cstart, $3  }
0xce: {  	[dreg:$0x1] =	wrdreg $0xFFFFFFFF  }
0xcf: {  	_ =	task.clear_ibuf [dreg:s12], $0x2FFFF;
	_ =	strace $0x9FFFFFFF  }
0xd0: {  	(tm) =	ssettm $0x7FFFFFFF  }
0xd1: {  	_ =	shalt  }
tec
execute0_lowered:
.L_overlay_start_1:
0x0: {  	(tag) =	ssettag $0x1  }
0x1: {  	vm0 =	vmmov $0x1f;
	v1 =	vimm.s32 $0x0  }
0x2: {  	v1 =	vsel vm0, $0xFFFFFFFF, v1  }
0x3: {  	vm0 =	vmmov $0x3f;
	[tilespmem:$0x1FF10] =	vst v1;
	v1 =	vimm.s32 $0x0  }
0x4: {  	v1 =	vsel vm0, $0xFFFFFFFF, v1  }
0x5: {  	vm0 =	vmmov $0x7f;
	[tilespmem:$0x1FF20] =	vst v1;
	v1 =	vimm.s32 $0x0  }
0x6: {  	v1 =	vsel vm0, $0xFFFFFFFF, v1  }
0x7: {  	vm0 =	vmmov $0xff;
	[tilespmem:$0x1FF30] =	vst v1;
	v1 =	vimm.s32 $0x0  }
0x8: {  	v1 =	vsel vm0, $0xFFFFFFFF, v1  }
0x9: {  	vm0 =	vmmov $0x1ff;
	[tilespmem:$0x1FF40] =	vst v1;
	v1 =	vimm.s32 $0x0  }
0xa: {  	v1 =	vsel vm0, $0xFFFFFFFF, v1  }
0xb: {  	vm0 =	vmmov $0x3ff;
	[tilespmem:$0x1FF50] =	vst v1;
	v1 =	vimm.s32 $0x0  }
0xc: {  	v1 =	vsel vm0, $0xFFFFFFFF, v1  }
0xd: {  	vm12 =	vmmov $0x1;
	vm0 =	vmmov $0x7ff;
	[tilespmem:$0x1FF60] =	vst v1;
	v1 =	vimm.s32 $0x0  }
0xe: {  	s3 =	rddreg [dreg:$0x0];
	vm13 =	vmmov $0x3;
	vm14 =	vmmov $0x7;
	v1 =	vsel vm0, $0xFFFFFFFF, v1  }
0xf: {  	s0 =	rddreg [dreg:$0x1];
	vm2 =	vmmov $0xf;
	vm0 =	vmmov $0xfff;
	[tilespmem:$0x1FF70] =	vst v1;
	v1 =	vimm.s32 $0x0  }
0x10: {  	s1 =	rddreg [dreg:$0x2];
	v2 =	vimm.s32 $0x1B80;
	vm1 =	vcmask $0x704;
	v1 =	vsel vm0, $0xFFFFFFFF, v1  }
0x11: {  	s4 =	rddreg [dreg:$0x3];
	v3 =	vimm.s32 $0x0;
	vm0 =	vmmov $0x1fff;
	[tilespmem:$0x1FF80] =	vst v1;
	v1 =	vimm.s32 $0x0  }
0x12: {  	s5 =	rddreg [dreg:$0x4];
	v5 =	vimm.s32 $0x0;
	v1 =	vsel vm0, $0xFFFFFFFF, v1;
	vm0 =	vcmask $0x300  }
0x13: {  	s6 =	rddreg [dreg:$0x5];
	s2 =	simm.s32 $0x0;
	v5 =	vsel vm12, $0xFFFFFFFF, v5;
	[tilespmem:$0x1FF90] =	vst v1;
	v1 =	vimm.s32 $0xB80;
	v2 =	vsel vm0, $0x1000, v2  }
0x14: {  	[smem:$0x7FF] =	sst s2;
	v1 =	vsel vm0, $0x0, v1;
	vm0 =	vcmask $0xB08;
	v2 =	vsel vm1, $0x1080, v2  }
0x15: {  	s7 =	rddreg [dreg:$0x6];
	_ =	strace $0x80000047;
	[tilespmem:$0x1FFC0] =	vst v5;
	v5 =	vimm.s32 $0x0;
	v1 =	vsel vm1, $0x80, v1;
	vm1 =	vcmask $0xF0C  }
0x16: {  	v2 =	vsel vm0, $0x1100, v2;
	v5 =	vsel vm13, $0xFFFFFFFF, v5;
	v1 =	vsel vm0, $0x100, v1  }
0x17: {  	s8 =	srdreg.scid;
	s10 =	stileid.u32;
	s14 =	simm.s32 $0x80;
	vm0 =	vcmask $0x1310;
	v2 =	vsel vm1, $0x1180, v2;
	[tilespmem:$0x1FFD0] =	vst v5;
	v5 =	vimm.s32 $0x0  }
0x18: {  	s15 =	simm.s32 $0x400;
	s16 =	simm.s32 $0x1;
	s17 =	simm.s32 $0x800;
	v1 =	vsel vm1, $0x180, v1;
	vm1 =	vcmask $0x1714;
	v2 =	vsel vm0, $0x1200, v2  }
0x19: {  	s18 =	simm.s32 $0x1000;
	s19 =	simm.s32 $0x1800;
	s21 =	simm.s32 $0x3100;
	v5 =	vsel vm14, $0xFFFFFFFF, v5;
	v1 =	vsel vm0, $0x200, v1;
	vm0 =	vcmask $0x1B18  }
0x1a: {  	s22 =	simm.s32 $0x3200;
	s28 =	simm.s32 $0x5D00;
	s29 =	simm.s32 $0x15D00;
	v2 =	vsel vm1, $0x1280, v2;
	[tilespmem:$0x1FFE0] =	vst v5;
	v5 =	vimm.s32 $0x0;
	v1 =	vsel vm1, $0x280, v1  }
0x1b: {  	s30 =	simm.s32 $0x10000;
	s8 =	sand.u32 $0x1, s8;
	s9 =	sshll.u32 s10, $0x1;
	vm1 =	vcmask $0x1F1C;
	v2 =	vsel vm0, $0x1300, v2;
	v1 =	vsel vm0, $0x300, v1  }
0x1c: {  	s31 =	simm.s32 $0x0;
	s10 =	sshll.u32 s10, $0x3;
	s9 =	sor.u32 s8, s9;
	vm0 =	vcmask $0x2320;
	v2 =	vsel vm1, $0x1380, v2;
	v1 =	vsel vm1, $0x380, v1  }
0x1d: {  	s8 =	ssub.s32 $0x2, s8;
	s10 =	sand.u32 $0x70, s10;
	s12 =	sshll.u32 s9, $0x8;
	vm1 =	vcmask $0x2724;
	v2 =	vsel vm0, $0x1800, v2;
	v1 =	vsel vm0, $0x800, v1  }
0x1e: {  	s9 =	sshll.u32 s9, $0x5;
	s13 =	sshrl.u32 s8, $0x1;
	s3 =	sadd.s32 s3, s10;
	vm0 =	vcmask $0x2B28;
	v2 =	vsel vm1, $0x1880, v2;
	v1 =	vsel vm1, $0x880, v1  }
0x1f: {  	s0 =	sadd.s32 s0, s10;
	s23 =	sadd.s32 s1, s10;
	s24 =	sadd.s32 s4, s10;
	vm1 =	vcmask $0x2F2C;
	v2 =	vsel vm0, $0x1900, v2;
	v1 =	vsel vm0, $0x900, v1  }
0x20: {  	s11 =	sadd.s32 s12, s6;
	s6 =	sadd.s32 s9, s6;
	[dreg:$0x8] =	wrdreg s3;
	vm0 =	vcmask $0x3330;
	v2 =	vsel vm1, $0x1980, v2;
	v1 =	vsel vm1, $0x980, v1  }
0x21: {  	s8 =	ssub.s32 s8, s13;
	s25 =	sadd.s32 s5, s9;
	[dreg:$0x9] =	wrdreg s0;
	vm1 =	vcmask $0x3734;
	v2 =	vsel vm0, $0x1A00, v2;
	v1 =	vsel vm0, $0xA00, v1  }
.Ltmp0:
0x22: {  	s12 =	sadd.s32 s7, s12;
	[dreg:$0xa] =	wrdreg s23;
	v2 =	vsel vm1, $0x1A80, v2;
	v1 =	vsel vm1, $0xA80, v1;
	vm1 =	vmmov $0x3fff;
	(pc) =	sbr.rel .LBB2_1-.Ltmp0, $4  }
0x23: {  	v0 =	vimm.s32 $0x0;
	s26 =	sadd.s32 $0x43A00, s6;
	s9 =	sadd.s32 $0x43E00, s6;
	[dreg:$0xb] =	wrdreg s24;
	v5 =	vsel vm2, $0xFFFFFFFF, v5;
	v3 =	vsel vm1, $0xFFFFFFFF, v3  }
0x24: {  	s10 =	sadd.s32 $0x44200, s6;
	s11 =	sadd.s32 $0x3A00, s11;
	[dreg:$0xc] =	wrdreg s25;
	vm0 =	vcmask $0x3B38;
	vm1 =	vmmov $0x7fff;
	[tilespmem:$0x1FFA0] =	vst v3;
	v3 =	vimm.s32 $0x0  }
0x25: {  	v4 =	vimm.f32 $0.0e+00;
	s13 =	smax.u32 s8, $0x1;
	[dreg:$0xd] =	wrdreg s26;
	s23 =	simm.s32 $0x3300;
	[tilespmem:$0x1FFF0] =	vst v5;
	v2 =	vsel vm0, $0x1B00, v2;
	v3 =	vsel vm1, $0xFFFFFFFF, v3  }
0x26: {  	s24 =	simm.s32 $0x3C80;
	s25 =	simm.s32 $0x3400;
	s26 =	simm.s32 $0x3D00;
	v1 =	vsel vm0, $0xB00, v1;
	vm0 =	vmmov vm2;
	[tilespmem:$0x1FFB0] =	vst v3;
	v3 =	vlaneseq.u32  }
.LBB2_15:
0x27: {  	[hbm4b:s11+s17] =	stream.strided.scatter [tilespmem:s28], [sflag:$0x1], $0x10000, s30, s17, $0x38;
	[tilespmem:$0x17D00] =	vst v63  }
0x28: {  	s31 =	sadd.s32 $0x1, s31;
	_ =	swait.ge [sflag:s16], $0x10000  }
0x29: {  	p0 =	sne.s32 s31, s13;
	[sflag:s16] =	ssyncset.done $0x0  }
.Ltmp1:
0x2a: {  	[sflag:s16] =	ssyncadd.s32 $0xFFFF0000;
	(pc) =	sbr.rel @!p0 .LBB2_16-.Ltmp1, $4  }
0x2b: {  	[hbm4b:s12+s17] =	stream.strided.scatter [tilespmem:s29], [sflag:$0x1], $0x2000, s30, s17, $0x38;
	[tilespmem:$0x17D00] =	vst v63  }
0x2c: {  	_ =	swait.ge [sflag:s16], $0x2000  }
0x2d: {  	[sflag:s16] =	ssyncset.done $0x0  }
0x2e: {  	[sflag:s16] =	ssyncadd.s32 $0xFFFFE000  }
.LBB2_1:
0x2f: {  	s0 =	rddreg [dreg:$0x8]  }
0x30: {  	[tilespmem:s2], [sflag:$0x1] =	stream.strided.gather [hbm4b:s0+s14], $0x800, s15, s14, $0x38;
	[tilespmem:$0x17D00] =	vst v63  }
0x31: {  	_ =	swait.ge [sflag:s16], $0x800  }
0x32: {  	[sflag:s16] =	ssyncset.done $0x0  }
0x33: {  	s6 =	rddreg [dreg:$0x9];
	[sflag:s16] =	ssyncadd.s32 $0xFFFFF800  }
0x34: {  	[tilespmem:s17], [sflag:$0x1] =	stream.strided.gather [hbm4b:s6+s14], $0x800, s15, s14, $0x38;
	[tilespmem:$0x17D00] =	vst v63  }
0x35: {  	_ =	swait.ge [sflag:s16], $0x800  }
0x36: {  	[sflag:s16] =	ssyncset.done $0x0  }
0x37: {  	s7 =	rddreg [dreg:$0xa];
	[sflag:s16] =	ssyncadd.s32 $0xFFFFF800  }
0x38: {  	[tilespmem:s18], [sflag:$0x1] =	stream.strided.gather [hbm4b:s7+s14], $0x800, s15, s14, $0x38;
	[tilespmem:$0x17D00] =	vst v63  }
0x39: {  	_ =	swait.ge [sflag:s16], $0x800  }
0x3a: {  	[sflag:s16] =	ssyncset.done $0x0  }
0x3b: {  	s8 =	rddreg [dreg:$0xb];
	[sflag:s16] =	ssyncadd.s32 $0xFFFFF800  }
0x3c: {  	[tilespmem:s19], [sflag:$0x1] =	stream.strided.gather [hbm4b:s8+s14], $0x1800, s15, s14, $0x38;
	[tilespmem:$0x17D00] =	vst v63  }
0x3d: {  	_ =	swait.ge [sflag:s16], $0x1800  }
0x3e: {  	[sflag:s16] =	ssyncset.done $0x0  }
0x3f: {  	s1 =	simm.s32 $0x3000;
	s20 =	rddreg [dreg:$0xc];
	[sflag:s16] =	ssyncadd.s32 $0xFFFFE800  }
0x40: {  	[tilespmem:s1], [sflag:$0x1] =	stream.linear.gather [hbm4b:s20+s2], $0x100, $0x38;
	[tilespmem:$0x17D00] =	vst v63  }
0x41: {  	_ =	swait.ge [sflag:s16], $0x100  }
0x42: {  	[sflag:s16] =	ssyncset.done $0x0  }
0x43: {  	s0 =	simm.s32 $0x0;
	[sflag:s16] =	ssyncadd.s32 $0xFFFFFF00  }
0x44: {  	v5 =	vld [tilespmem:s0+$0x3000];
	_ =	sdelay $0x7  }
0x45: {  	v6 =	vld.idx.msk [tilespmem:v5+s2+$0x0], $0xffff;
	_ =	sdelay $0x4  }
0x46: {  	[tilespmem:s0+$0x3100] =	vst v6  }
0x47: {  	v6 =	vld.idx.msk [tilespmem:v5+s17+$0x0], $0xffff;
	_ =	sdelay $0x3  }
0x48: {  	s3 =	simm.s32 $0x10;
	s1 =	simm.s32 $0x80  }
.LBB2_2:
0x49: {  	p0 =	sne.s32 s1, $0x3C0;
	v7 =	vld [tilespmem:s3+$0x3000];
	[tilespmem:s0+$0x3200] =	vst v6  }
0x4a: {  	v6 =	vld.idx.msk [tilespmem:v5+s18+$0x0], $0xffff;
	_ =	sdelay $0x3  }
0x4b: {  	v5 =	vmov v7;
	_ =	sdelay $0x1  }
0x4c: {  	[tilespmem:s0+$0x3300] =	vst v6;
	s0 =	smov.u32 s3  }
0x4d: {  	v6 =	vld.idx.msk [tilespmem:v7+s2+$0x0], $0xffff;
	_ =	sdelay $0x5  }
0x4e: {  	[tilespmem:s0+$0x3100] =	vst v6  }
0x4f: {  	v6 =	vld.idx.msk [tilespmem:v7+s17+$0x0], $0xffff  }
.Ltmp2:
0x50: {  	(pc) =	sbr.rel @p0 .LBB2_2-.Ltmp2, $2  }
0x51: {  	_ =	sdelay $0x2  }
0x52: {  	s3 =	sshra.s32 s1, $0x2;
	s1 =	sadd.s32 $0x40, s1  }
0x53: {  	_ =	sdelay $0x1  }
0x54: {  	v7 =	vld [tilespmem:s3+$0x3000]  }
0x55: {  	[tilespmem:s0+$0x3200] =	vst v6  }
0x56: {  	v5 =	vld.idx.msk [tilespmem:v5+s18+$0x0], $0xffff;
	_ =	sdelay $0x4  }
0x57: {  	[tilespmem:s0+$0x3300] =	vst v5  }
0x58: {  	v5 =	vld.idx.msk [tilespmem:v7+s2+$0x0], $0xffff;
	_ =	sdelay $0x4  }
0x59: {  	[tilespmem:s3+$0x3100] =	vst v5  }
0x5a: {  	v5 =	vld.idx.msk [tilespmem:v7+s17+$0x0], $0xffff;
	_ =	sdelay $0x4  }
0x5b: {  	[tilespmem:s3+$0x3200] =	vst v5  }
0x5c: {  	v5 =	vld.idx.msk [tilespmem:v7+s18+$0x0], $0xffff;
	_ =	sdelay $0x4  }
0x5d: {  	s1 =	rddreg [dreg:$0xd];
	s0 =	simm.s32 $0x0;
	[tilespmem:s3+$0x3300] =	vst v5  }
0x5e: {  	[hbm4b:s1+s0] =	stream.linear.scatter [tilespmem:s21], [sflag:$0x1], $0x100, $0x38;
	[tilespmem:$0x17D00] =	vst v63  }
0x5f: {  	_ =	swait.ge [sflag:s16], $0x100  }
0x60: {  	[sflag:s16] =	ssyncset.done $0x0  }
0x61: {  	[sflag:s16] =	ssyncadd.s32 $0xFFFFFF00  }
0x62: {  	[hbm4b:s9+s0] =	stream.linear.scatter [tilespmem:s22], [sflag:$0x1], $0x100, $0x38;
	[tilespmem:$0x17D00] =	vst v63  }
0x63: {  	_ =	swait.ge [sflag:s16], $0x100  }
0x64: {  	[sflag:s16] =	ssyncset.done $0x0  }
.Ltmp3:
0x65: {  	[sflag:s16] =	ssyncadd.s32 $0xFFFFFF00;
	(pc) =	sbr.rel .LBB2_4-.Ltmp3, $4  }
0x66: {  	[hbm4b:s10+s0] =	stream.linear.scatter [tilespmem:s23], [sflag:$0x1], $0x100, $0x38;
	[tilespmem:$0x17D00] =	vst v63  }
0x67: {  	_ =	swait.ge [sflag:s16], $0x100  }
0x68: {  	[sflag:s16] =	ssyncset.done $0x0  }
0x69: {  	[sflag:s16] =	ssyncadd.s32 $0xFFFFFF00  }
.LBB2_14:
0x6a: {  	s0 =	sadd.s32 $0x1, s0  }
0x6b: {  	p0 =	sne.s32 s0, $0x10  }
.Ltmp4:
0x6c: {  	_ = 	snop;
	(pc) =	sbr.rel @!p0 .LBB2_15-.Ltmp4, $1  }
0x6d: {  	_ =	sdelay $0x3  }
.LBB2_4:
.Ltmp5:
0x6e: {  	(pc) =	sbr.rel .LBB2_5-.Ltmp5, $2  }
0x6f: {  	_ =	sdelay $0x2  }
0x70: {  	s1 =	sshll.u32 s0, $0x4;
	s20 =	simm.s32 $0x0  }
.LBB2_10:
0x71: {  	v10 =	vld [tilespmem:$0x1FFC0];
	_ =	sdelay $0x4  }
0x72: {  	vm12 =	vnez.u8 v10;
	v10 =	vld [tilespmem:$0x1FFD0];
	_ =	sdelay $0x4  }
0x73: {  	vm13 =	vnez.u8 v10;
	v10 =	vld [tilespmem:$0x1FFE0];
	_ =	sdelay $0x4  }
0x74: {  	vm14 =	vnez.u8 v10  }
.LBB2_13:
0x75: {  	s3 =	sshll.u32 s3, $0x5  }
0x76: {  	s3 =	sand.u32 $0x3FFFFFE0, s3  }
0x77: {  	v10 =	vld [tilespmem:s3+$0x3D00];
	_ =	sdelay $0x4  }
0x78: {  	vm0 =	vgt.s32 v10, $0x0  }
0x79: {  	v10 =	vnsel vm0, $0x0, v10  }
0x7a: {  	v10 =	vmin.u32 v10, $0x7FF;
	_ =	sdelay $0x3  }
0x7b: {  	v11 =	vshll.u32 v8, $0x3;
	v12 =	vmul.u32 $0x800, v3  }
0x7c: {  	v50 =	vand.u32 $0x7F, v8;
	v11 =	vand.u32 $0x400, v11;
	v13 =	vld.idx.msk [tilespmem:v10+s2+$0x0], $0xffff  }
0x7d: {  	v15 =	vor.u32 $0x180, v12;
	v8 =	vor.u32 v11, v50;
	v14 =	vld.idx.msk [tilespmem:v10+s17+$0x0], $0xffff  }
0x7e: {  	v16 =	vor.u32 $0x200, v12;
	v15 =	vor.u32 v15, v8;
	v51 =	vld.idx.msk [tilespmem:v10+s18+$0x0], $0xffff  }
0x7f: {  	v17 =	vor.u32 $0x280, v12;
	v16 =	vor.u32 v16, v8  }
0x80: {  	v17 =	vor.u32 v17, v8;
	v10 =	vmul.u32 $0x3, v10  }
0x81: {  	v13 =	vsub.f32 v13, v6  }
0x82: {  	v14 =	vsub.f32 v14, v7  }
0x83: {  	v11 =	vsub.f32 v51, v5;
	[tilespmem:v15+s28+$0x0] =	vst.idx.msk $0xffff, v13  }
0x84: {  	[tilespmem:v16+s28+$0x0] =	vst.idx.msk $0xffff, v14  }
0x85: {  	[tilespmem:v17+s28+$0x0] =	vst.idx.msk $0xffff, v11  }
0x86: {  	v52 =	vor.u32 v12, v8;
	v11 =	vld.idx.msk [tilespmem:v10+s19+$0x0], $0xffff  }
0x87: {  	v53 =	vadd.s32 $0x1, v10;
	_ =	sdelay $0x3  }
0x88: {  	v54 =	vor.u32 $0x80, v12;
	[tilespmem:v52+s28+$0x0] =	vst.idx.msk $0xffff, v11  }
0x89: {  	v11 =	vor.u32 v54, v8;
	v13 =	vld.idx.msk [tilespmem:v53+s19+$0x0], $0xffff  }
0x8a: {  	v10 =	vadd.s32 $0x2, v10;
	_ =	sdelay $0x3  }
0x8b: {  	v55 =	vor.u32 $0x100, v12;
	[tilespmem:v11+s28+$0x0] =	vst.idx.msk $0xffff, v13  }
0x8c: {  	v56 =	vor.u32 $0x300, v12;
	v11 =	vor.u32 v55, v8;
	v10 =	vld.idx.msk [tilespmem:v10+s19+$0x0], $0xffff  }
0x8d: {  	v57 =	vor.u32 $0x380, v12;
	v13 =	vor.u32 v56, v8  }
0x8e: {  	v14 =	vor.u32 v57, v8  }
0x8f: {  	v58 =	vor.u32 v1, v8;
	_ =	sdelay $0x1  }
0x90: {  	[tilespmem:v11+s28+$0x0] =	vst.idx.msk $0xffff, v10  }
0x91: {  	vm0 =	vgt.s32 v9, v3;
	[tilespmem:v13+s28+$0x0] =	vst.idx.msk $0xffff, v4  }
0x92: {  	v59 =	vsel vm0, $0x1, v0;
	[tilespmem:v14+s28+$0x0] =	vst.idx.msk $0xffff, v4  }
0x93: {  	[tilespmem:v58+s29+$0x0] =	vst.idx.msk $0xffff, v59  }
0x94: {  	v10 =	vld [tilespmem:s3+$0x3D10];
	_ =	sdelay $0x4  }
0x95: {  	vm0 =	vgt.s32 v10, $0x0  }
0x96: {  	v10 =	vnsel vm0, $0x0, v10  }
0x97: {  	v10 =	vmin.u32 v10, $0x7FF;
	_ =	sdelay $0x4  }
0x98: {  	v11 =	vld.idx.msk [tilespmem:v10+s2+$0x0], $0xffff  }
0x99: {  	v60 =	vor.u32 $0x8180, v12;
	v13 =	vld.idx.msk [tilespmem:v10+s17+$0x0], $0xffff  }
0x9a: {  	v61 =	vor.u32 $0x8200, v12;
	v14 =	vor.u32 v60, v8;
	v15 =	vld.idx.msk [tilespmem:v10+s18+$0x0], $0xffff  }
0x9b: {  	v62 =	vor.u32 $0x8280, v12;
	v16 =	vor.u32 v61, v8  }
0x9c: {  	v17 =	vor.u32 v62, v8;
	v10 =	vmul.u32 $0x3, v10  }
0x9d: {  	v6 =	vsub.f32 v11, v6  }
0x9e: {  	v7 =	vsub.f32 v13, v7  }
0x9f: {  	v5 =	vsub.f32 v15, v5;
	[tilespmem:v14+s28+$0x0] =	vst.idx.msk $0xffff, v6  }
0xa0: {  	[tilespmem:v16+s28+$0x0] =	vst.idx.msk $0xffff, v7  }
0xa1: {  	[tilespmem:v17+s28+$0x0] =	vst.idx.msk $0xffff, v5;
	v5 =	vor.u32 $0x8000, v12  }
0xa2: {  	v6 =	vld.idx.msk [tilespmem:v10+s19+$0x0], $0xffff;
	v5 =	vor.u32 v5, v8  }
0xa3: {  	v7 =	vadd.s32 $0x1, v10;
	_ =	sdelay $0x3  }
0xa4: {  	[tilespmem:v5+s28+$0x0] =	vst.idx.msk $0xffff, v6;
	v5 =	vor.u32 $0x8080, v12  }
0xa5: {  	v6 =	vld.idx.msk [tilespmem:v7+s19+$0x0], $0xffff;
	v5 =	vor.u32 v5, v8  }
0xa6: {  	v7 =	vadd.s32 $0x2, v10;
	_ =	sdelay $0x3  }
0xa7: {  	[tilespmem:v5+s28+$0x0] =	vst.idx.msk $0xffff, v6;
	v5 =	vor.u32 $0x8100, v12  }
0xa8: {  	v6 =	vld.idx.msk [tilespmem:v7+s19+$0x0], $0xffff;
	v5 =	vor.u32 v5, v8;
	v7 =	vor.u32 $0x8300, v12  }
0xa9: {  	v63 =	vor.u32 $0x8380, v12;
	v7 =	vor.u32 v7, v8  }
0xaa: {  	v10 =	vor.u32 v63, v8  }
0xab: {  	v8 =	vor.u32 v2, v8;
	_ =	sdelay $0x1  }
0xac: {  	[tilespmem:v5+s28+$0x0] =	vst.idx.msk $0xffff, v6;
	v5 =	vor.u32 $0x10, v3  }
0xad: {  	[tilespmem:v7+s28+$0x0] =	vst.idx.msk $0xffff, v4;
	vm0 =	vgt.s32 v9, v5  }
0xae: {  	s20 =	sadd.s32 $0x1, s20;
	[tilespmem:v10+s28+$0x0] =	vst.idx.msk $0xffff, v4;
	v5 =	vsel vm0, $0x1, v0  }
0xaf: {  	p0 =	sne.s32 s20, $0x10;
	[tilespmem:v8+s29+$0x0] =	vst.idx.msk $0xffff, v5;
	v5 =	vld [tilespmem:$0x1FFF0]  }
.Ltmp6:
0xb0: {  	_ = 	snop;
	(pc) =	sbr.rel @!p0 .LBB2_14-.Ltmp6, $2  }
0xb1: {  	_ =	sdelay $0x2  }
0xb2: {  	vm0 =	vnez.u8 v5  }
.LBB2_5:
0xb3: {  	s5 =	simm.s32 $0x0  }
0xb4: {  	v9 =	vld [tilespmem:s5+$0x10F0]  }
0xb5: {  	v10 =	vld [tilespmem:s5+$0x10E0]  }
0xb6: {  	v11 =	vld [tilespmem:s5+$0x8F0]  }
0xb7: {  	s3 =	sadd.s32 s1, s20;
	v12 =	vld [tilespmem:s5+$0xF0]  }
0xb8: {  	v8 =	vmov s3;
	v13 =	vld [tilespmem:s5+$0x8E0]  }
0xb9: {  	v14 =	vld [tilespmem:s5+$0xE0]  }
0xba: {  	v16 =	vld [tilespmem:s5+$0x10C0]  }
0xbb: {  	v17 =	vld [tilespmem:s5+$0x8D0]  }
0xbc: {  	v19 =	vld [tilespmem:s5+$0x8C0]  }
0xbd: {  	v6 =	vld.idx.msk [tilespmem:v8+s21+$0x0], $0xffff  }
0xbe: {  	v7 =	vld.idx.msk [tilespmem:v8+s22+$0x0], $0xffff  }
0xbf: {  	v5 =	vld.idx.msk [tilespmem:v8+s23+$0x0], $0xffff  }
0xc0: {  	v20 =	vld [tilespmem:s5+$0xC0]  }
0xc1: {  	v21 =	vld [tilespmem:s5+$0x10B0]  }
0xc2: {  	v23 =	vld [tilespmem:s5+$0x8A0]  }
0xc3: {  	v25 =	vld [tilespmem:s5+$0x890];
	v11 =	vsub.f32 v7, v11  }
0xc4: {  	v29 =	vld [tilespmem:s5+$0x850];
	v12 =	vsub.f32 v6, v12;
	v9 =	vsub.f32 v5, v9  }
0xc5: {  	v30 =	vld [tilespmem:s5+$0x50];
	v14 =	vsub.f32 v6, v14;
	v13 =	vsub.f32 v7, v13  }
0xc6: {  	v31 =	vld [tilespmem:s5+$0x30];
	v10 =	vsub.f32 v5, v10;
	v17 =	vsub.f32 v7, v17  }
0xc7: {  	v32 =	vld [tilespmem:s5+$0x820];
	v20 =	vsub.f32 v6, v20;
	v19 =	vsub.f32 v7, v19  }
0xc8: {  	v33 =	vld [tilespmem:s5+$0x810];
	v16 =	vsub.f32 v5, v16;
	v21 =	vsub.f32 v5, v21  }
0xc9: {  	v23 =	vsub.f32 v7, v23;
	v25 =	vsub.f32 v7, v25  }
0xca: {  	v34 =	vld [tilespmem:s5+$0x1010];
	v29 =	vsub.f32 v7, v29;
	v30 =	vsub.f32 v6, v30  }
0xcb: {  	v31 =	vsub.f32 v6, v31;
	v11 =	vmul.f32 v11, v11;
	v12 =	vmul.f32 v12, v12  }
0xcc: {  	v18 =	vld [tilespmem:s5+$0xD0];
	v32 =	vsub.f32 v7, v32;
	v9 =	vmul.f32 v9, v9;
	v14 =	vmul.f32 v14, v14  }
0xcd: {  	v33 =	vsub.f32 v7, v33;
	v13 =	vmul.f32 v13, v13;
	v10 =	vmul.f32 v10, v10  }
0xce: {  	v15 =	vld [tilespmem:s5+$0x10D0];
	v20 =	vmul.f32 v20, v20;
	v19 =	vmul.f32 v19, v19;
	v11 =	vadd.f32 v11, v12  }
0xcf: {  	v22 =	vld [tilespmem:s5+$0x8B0];
	v34 =	vsub.f32 v5, v34;
	v16 =	vmul.f32 v16, v16;
	v21 =	vmul.f32 v21, v21  }
0xd0: {  	v23 =	vmul.f32 v23, v23;
	v25 =	vmul.f32 v25, v25;
	v12 =	vld [tilespmem:s5+$0x10A0];
	v9 =	vadd.f32 v9, v11  }
0xd1: {  	v29 =	vmul.f32 v29, v29;
	v13 =	vadd.f32 v13, v14;
	v14 =	vsub.f32 v6, v18;
	v11 =	vld [tilespmem:s5+$0xB0]  }
0xd2: {  	v18 =	vld [tilespmem:s5+$0x1090];
	v19 =	vadd.f32 v19, v20;
	vm1 =	vle.f32 v9, $2.500000000e-01;
	v9 =	vimm.s32 $0x0  }
0xd3: {  	v14 =	vmul.f32 v14, v14;
	v10 =	vadd.f32 v10, v13;
	v13 =	vld [tilespmem:s5+$0x1080];
	v9 =	vsel vm1, $0xFFFFFFFF, v9  }
0xd4: {  	v16 =	vadd.f32 v16, v19;
	v19 =	vld [tilespmem:s5+$0x80];
	[tilespmem:$0x1FF00] =	vst v9;
	v9 =	vsub.f32 v5, v15;
	v15 =	vmul.f32 v17, v17  }
0xd5: {  	v30 =	vmul.f32 v30, v30;
	v31 =	vmul.f32 v31, v31;
	v20 =	vsub.f32 v7, v22;
	v17 =	vld [tilespmem:s5+$0xA0]  }
0xd6: {  	v11 =	vsub.f32 v6, v11;
	v24 =	vmul.f32 v9, v9;
	v14 =	vadd.f32 v15, v14  }
0xd7: {  	v33 =	vmul.f32 v33, v33;
	v20 =	vmul.f32 v20, v20;
	v26 =	vsub.f32 v5, v12;
	v15 =	vld [tilespmem:s5+$0x90]  }
0xd8: {  	v18 =	vsub.f32 v5, v18;
	v11 =	vmul.f32 v11, v11;
	v14 =	vadd.f32 v24, v14;
	v24 =	vld [tilespmem:s5+$0x880]  }
0xd9: {  	vm3 =	vle.f32 v16, $2.500000000e-01;
	v19 =	vsub.f32 v6, v19;
	v13 =	vsub.f32 v5, v13  }
0xda: {  	v27 =	vld [tilespmem:s5+$0x70];
	v26 =	vmul.f32 v26, v26;
	v20 =	vadd.f32 v20, v11;
	v17 =	vsub.f32 v6, v17  }
0xdb: {  	v28 =	vld [tilespmem:s5+$0x860];
	v9 =	vsel vm1, $0x1, v0;
	vm1 =	vle.f32 v10, $2.500000000e-01;
	v10 =	vimm.s32 $0x0  }
0xdc: {  	v16 =	vld [tilespmem:s5+$0x870];
	v20 =	vadd.f32 v21, v20;
	v15 =	vsub.f32 v6, v15;
	v17 =	vmul.f32 v17, v17  }
0xdd: {  	v22 =	vld [tilespmem:s5+$0x1070];
	v18 =	vmul.f32 v18, v18;
	v10 =	vsel vm1, $0xFFFFFFFF, v10;
	v24 =	vsub.f32 v7, v24  }
0xde: {  	vm4 =	vle.f32 v20, $2.500000000e-01;
	v20 =	vld [tilespmem:s5+$0x60];
	v15 =	vmul.f32 v15, v15;
	v17 =	vadd.f32 v23, v17  }
0xdf: {  	v19 =	vmul.f32 v19, v19;
	[tilespmem:$0x1FEF0] =	vst v10;
	v10 =	vsel vm1, $0x1, v0;
	vm1 =	vle.f32 v14, $2.500000000e-01;
	v14 =	vld [tilespmem:s5+$0x1060]  }
0xe0: {  	v24 =	vmul.f32 v24, v24;
	v17 =	vadd.f32 v26, v17;
	v15 =	vadd.f32 v25, v15  }
0xe1: {  	v16 =	vsub.f32 v7, v16;
	v13 =	vmul.f32 v13, v13;
	v21 =	vld [tilespmem:s5+$0x1050];
	v25 =	vsub.f32 v6, v27  }
0xe2: {  	v27 =	vld [tilespmem:s5+$0x840];
	v19 =	vadd.f32 v24, v19;
	v15 =	vadd.f32 v18, v15;
	vm5 =	vle.f32 v17, $2.500000000e-01  }
0xe3: {  	v17 =	vld [tilespmem:s5+$0x40];
	v18 =	vmul.f32 v25, v25;
	v25 =	vsub.f32 v7, v28;
	v20 =	vsub.f32 v6, v20  }
0xe4: {  	v22 =	vsub.f32 v5, v22;
	v16 =	vmul.f32 v16, v16;
	v23 =	vld [tilespmem:s5+$0x1040];
	v14 =	vsub.f32 v5, v14  }
0xe5: {  	v13 =	vadd.f32 v13, v19;
	v19 =	vld [tilespmem:s5+$0x830];
	v25 =	vmul.f32 v25, v25;
	v20 =	vmul.f32 v20, v20  }
0xe6: {  	v14 =	vmul.f32 v14, v14;
	v16 =	vadd.f32 v16, v18;
	v18 =	vmul.f32 v22, v22;
	v22 =	vld [tilespmem:s5+$0x1000]  }
0xe7: {  	vm15 =	vle.f32 v15, $2.500000000e-01;
	v15 =	vld [tilespmem:s5+$0x10];
	v27 =	vsub.f32 v7, v27;
	v20 =	vadd.f32 v25, v20  }
0xe8: {  	v32 =	vmul.f32 v32, v32;
	v16 =	vadd.f32 v18, v16;
	v18 =	vld [tilespmem:s5+$0x800];
	v17 =	vsub.f32 v6, v17  }
0xe9: {  	v12 =	vimm.s32 $0x0;
	v23 =	vsub.f32 v5, v23;
	v25 =	vld [tilespmem:s5+$0x0];
	v14 =	vadd.f32 v14, v20  }
0xea: {  	v17 =	vmul.f32 v17, v17;
	v20 =	vmul.f32 v27, v27;
	v27 =	vadd.f32 v29, v30;
	v29 =	vld [tilespmem:s5+$0x20]  }
0xeb: {  	v11 =	vsel vm3, $0x1, v0;
	v12 =	vsel vm1, $0xFFFFFFFF, v12;
	v21 =	vsub.f32 v5, v21;
	v24 =	vld [tilespmem:s5+$0x1030]  }
0xec: {  	v19 =	vsub.f32 v7, v19;
	v17 =	vadd.f32 v20, v17;
	v20 =	vmul.f32 v23, v23;
	v23 =	vld [tilespmem:s5+$0x1020]  }
0xed: {  	[tilespmem:$0x1FEE0] =	vst v12;
	v12 =	vsel vm1, $0x1, v0;
	v22 =	vsub.f32 v5, v22;
	v15 =	vsub.f32 v6, v15  }
0xee: {  	v19 =	vmul.f32 v19, v19;
	v18 =	vsub.f32 v7, v18;
	v25 =	vsub.f32 v6, v25  }
0xef: {  	v22 =	vmul.f32 v22, v22;
	v15 =	vmul.f32 v15, v15;
	v29 =	vsub.f32 v6, v29  }
0xf0: {  	v24 =	vsub.f32 v5, v24;
	v18 =	vmul.f32 v18, v18;
	v25 =	vmul.f32 v25, v25  }
0xf1: {  	vm2 =	vle.f32 v14, $2.500000000e-01;
	v23 =	vsub.f32 v5, v23;
	v29 =	vmul.f32 v29, v29  }
0xf2: {  	v15 =	vadd.f32 v33, v15;
	v18 =	vadd.f32 v18, v25;
	v25 =	vmul.f32 v34, v34  }
0xf3: {  	v19 =	vadd.f32 v19, v31;
	v29 =	vadd.f32 v32, v29;
	v23 =	vmul.f32 v23, v23  }
0xf4: {  	v18 =	vadd.f32 v22, v18;
	v15 =	vadd.f32 v25, v15;
	v22 =	vmul.f32 v24, v24  }
0xf5: {  	v17 =	vadd.f32 v20, v17;
	v20 =	vmul.f32 v21, v21;
	v23 =	vadd.f32 v23, v29  }
0xf6: {  	vm7 =	vle.f32 v18, $2.500000000e-01;
	vm6 =	vle.f32 v15, $2.500000000e-01;
	v15 =	vadd.f32 v22, v19  }
0xf7: {  	[tilespmem:s5+$0x34C0] =	vst v11;
	v11 =	vld [tilespmem:$0x1FF10];
	v18 =	vmpcnt.ones.xlane vm7;
	v19 =	vmpcnt.ones.xlane vm6;
	vm8 =	vle.f32 v23, $2.500000000e-01  }
0xf8: {  	vm9 =	vle.f32 v15, $2.500000000e-01;
	v15 =	vadd.f32 v20, v27;
	v21 =	vmpcnt.ones.xlane vm8  }
0xf9: {  	[tilespmem:s5+$0x34F0] =	vst v9;
	v14 =	vld [tilespmem:$0x1FF20];
	vm10 =	vle.f32 v17, $2.500000000e-01;
	v9 =	vsel vm12, v18, v19;
	v18 =	vmpcnt.ones.xlane vm9  }
0xfa: {  	[tilespmem:s5+$0x34E0] =	vst v10;
	v10 =	vmpcnt.ones.xlane vm10;
	vm11 =	vle.f32 v15, $2.500000000e-01;
	v15 =	vld [tilespmem:$0x1FF30];
	v9 =	vsel vm13, v9, v21  }
0xfb: {  	[tilespmem:s5+$0x34D0] =	vst v12;
	vm1 =	vle.f32 v16, $2.500000000e-01;
	v12 =	vmpcnt.ones.xlane vm11;
	v9 =	vsel vm14, v9, v18  }
0xfc: {  	v9 =	vsel vm0, v9, v10;
	v10 =	vmpcnt.ones.xlane vm2;
	vm0 =	vnez.u8 v11  }
0xfd: {  	v11 =	vmpcnt.ones.xlane vm1;
	v9 =	vsel vm0, v9, v12;
	vm0 =	vle.f32 v13, $2.500000000e-01  }
0xfe: {  	v12 =	vsel vm0, $0x1, v0;
	v13 =	vmpcnt.ones.xlane vm0;
	vm0 =	vnez.u8 v14  }
0xff: {  	v9 =	vsel vm0, v9, v10;
	v10 =	vsel vm1, $0x1, v0;
	vm0 =	vnez.u8 v15  }
0x100: {  	v9 =	vsel vm0, v9, v11;
	v11 =	vsel vm2, $0x1, v0;
	[tilespmem:s5+$0x3470] =	vst v10;
	v10 =	vld [tilespmem:$0x1FF40]  }
0x101: {  	[tilespmem:s5+$0x3460] =	vst v11;
	v11 =	vld [tilespmem:$0x1FF50];
	_ =	sdelay $0x3  }
0x102: {  	vm0 =	vnez.u8 v10;
	v10 =	vsel vm11, $0x1, v0  }
0x103: {  	v9 =	vsel vm0, v9, v13;
	vm0 =	vnez.u8 v11;
	v11 =	vsel vm10, $0x1, v0;
	[tilespmem:s5+$0x3450] =	vst v10;
	v10 =	vld [tilespmem:$0x1FF60]  }
0x104: {  	[tilespmem:s5+$0x3440] =	vst v11;
	v11 =	vld [tilespmem:$0x1FF70];
	_ =	sdelay $0x1  }
0x105: {  	v14 =	vmpcnt.ones.xlane vm15  }
0x106: {  	[tilespmem:s5+$0x3480] =	vst v12;
	v12 =	vmpcnt.ones.xlane vm5  }
0x107: {  	v9 =	vsel vm0, v9, v14;
	vm0 =	vnez.u8 v10  }
0x108: {  	v10 =	vsel vm9, $0x1, v0;
	v9 =	vsel vm0, v9, v12;
	vm0 =	vnez.u8 v11;
	v11 =	vld [tilespmem:$0x1FEE0]  }
0x109: {  	[tilespmem:s5+$0x3430] =	vst v10;
	v10 =	vld [tilespmem:$0x1FF80];
	_ =	sdelay $0x1  }
0x10a: {  	v13 =	vmpcnt.ones.xlane vm4;
	_ =	sdelay $0x1  }
0x10b: {  	v9 =	vsel vm0, v9, v13;
	vm0 =	vnez.u8 v11  }
0x10c: {  	v12 =	vsel vm8, $0x1, v0;
	v11 =	vmpcnt.ones.xlane vm0;
	vm0 =	vnez.u8 v10;
	v10 =	vld [tilespmem:$0x1FEF0]  }
0x10d: {  	[tilespmem:s5+$0x3420] =	vst v12;
	v12 =	vld [tilespmem:$0x1FF90];
	_ =	sdelay $0x1  }
0x10e: {  	v14 =	vmpcnt.ones.xlane vm3;
	_ =	sdelay $0x1  }
0x10f: {  	v9 =	vsel vm0, v9, v14;
	vm0 =	vnez.u8 v10  }
0x110: {  	v10 =	vmpcnt.ones.xlane vm0;
	vm0 =	vnez.u8 v12  }
0x111: {  	v13 =	vsel vm7, $0x1, v0;
	v9 =	vsel vm0, v9, v11;
	v11 =	vld [tilespmem:$0x1FF00]  }
0x112: {  	[tilespmem:s5+$0x3400] =	vst v13;
	v13 =	vld [tilespmem:$0x1FFA0];
	_ =	sdelay $0x3  }
0x113: {  	vm0 =	vnez.u8 v11  }
0x114: {  	v11 =	vmpcnt.ones.xlane vm0;
	vm0 =	vnez.u8 v13  }
0x115: {  	v9 =	vsel vm0, v9, v10;
	v10 =	vld [tilespmem:$0x1FFB0];
	_ =	sdelay $0x1  }
0x116: {  	v26 =	vsel vm4, $0x1, v0  }
0x117: {  	[tilespmem:s5+$0x34B0] =	vst v26;
	v28 =	vsel vm5, $0x1, v0  }
0x118: {  	[tilespmem:s5+$0x34A0] =	vst v28;
	v30 =	vsel vm15, $0x1, v0  }
0x119: {  	[tilespmem:s5+$0x3490] =	vst v30;
	v12 =	vsel vm6, $0x1, v0;
	vm0 =	vnez.u8 v10  }
0x11a: {  	s4 =	simm.s32 $0x3C00;
	[tilespmem:s5+$0x3410] =	vst v12;
	v9 =	vsel vm0, v9, v11  }
0x11b: {  	s5 =	simm.s32 $0x100;
	[tilespmem:s4+$0x0] =	vst v9  }
0x11c: {  	v9 =	vld [tilespmem:s5+$0x10F0]  }
0x11d: {  	v10 =	vld [tilespmem:s5+$0x10E0]  }
0x11e: {  	v11 =	vld [tilespmem:s5+$0x8F0]  }
0x11f: {  	v12 =	vld [tilespmem:s5+$0xF0]  }
0x120: {  	v13 =	vld [tilespmem:s5+$0x8E0]  }
0x121: {  	v14 =	vld [tilespmem:s5+$0xE0]  }
0x122: {  	v16 =	vld [tilespmem:s5+$0x10C0]  }
0x123: {  	v17 =	vld [tilespmem:s5+$0x8D0]  }
0x124: {  	v20 =	vld [tilespmem:s5+$0xC0]  }
0x125: {  	v19 =	vld [tilespmem:s5+$0x8C0]  }
0x126: {  	v21 =	vld [tilespmem:s5+$0x10B0];
	v11 =	vsub.f32 v7, v11;
	v12 =	vsub.f32 v6, v12  }
0x127: {  	v27 =	vld [tilespmem:s5+$0x1060];
	v9 =	vsub.f32 v5, v9;
	v14 =	vsub.f32 v6, v14  }
0x128: {  	v13 =	vsub.f32 v7, v13;
	v10 =	vsub.f32 v5, v10  }
0x129: {  	v18 =	vld [tilespmem:s5+$0xD0];
	v17 =	vsub.f32 v7, v17;
	v20 =	vsub.f32 v6, v20  }
0x12a: {  	v22 =	vld [tilespmem:s5+$0x8B0];
	v19 =	vsub.f32 v7, v19;
	v16 =	vsub.f32 v5, v16;
	v11 =	vmul.f32 v11, v11  }
0x12b: {  	v15 =	vld [tilespmem:s5+$0x10D0];
	v21 =	vsub.f32 v5, v21;
	v12 =	vmul.f32 v12, v12;
	v9 =	vmul.f32 v9, v9  }
0x12c: {  	v23 =	vld [tilespmem:s5+$0x8A0];
	v27 =	vsub.f32 v5, v27;
	v14 =	vmul.f32 v14, v14;
	v13 =	vmul.f32 v13, v13  }
0x12d: {  	v20 =	vmul.f32 v20, v20;
	v19 =	vmul.f32 v19, v19;
	v11 =	vadd.f32 v11, v12;
	v12 =	vld [tilespmem:s5+$0x10A0]  }
0x12e: {  	v10 =	vmul.f32 v10, v10;
	v13 =	vadd.f32 v13, v14;
	v14 =	vsub.f32 v6, v18;
	v18 =	vld [tilespmem:s5+$0x1090]  }
0x12f: {  	v16 =	vmul.f32 v16, v16;
	v19 =	vadd.f32 v19, v20;
	v20 =	vsub.f32 v7, v22;
	v22 =	vld [tilespmem:s5+$0x1070]  }
0x130: {  	v21 =	vmul.f32 v21, v21;
	v35 =	vmul.f32 v27, v27;
	v9 =	vadd.f32 v9, v11;
	v11 =	vld [tilespmem:s5+$0xB0]  }
0x131: {  	v14 =	vmul.f32 v14, v14;
	v10 =	vadd.f32 v10, v13;
	v13 =	vld [tilespmem:s5+$0x1080];
	v16 =	vadd.f32 v16, v19  }
0x132: {  	v20 =	vmul.f32 v20, v20;
	v19 =	vld [tilespmem:s5+$0x80];
	vm15 =	vle.f32 v9, $2.500000000e-01;
	v9 =	vsub.f32 v5, v15  }
0x133: {  	v15 =	vmul.f32 v17, v17;
	v17 =	vld [tilespmem:s5+$0xA0];
	vm0 =	vle.f32 v10, $2.500000000e-01;
	vm2 =	vle.f32 v16, $2.500000000e-01  }
0x134: {  	v25 =	vld [tilespmem:s5+$0x890];
	v10 =	vsel vm0, $0x1, v0;
	v26 =	vsub.f32 v5, v12;
	v18 =	vsub.f32 v5, v18  }
0x135: {  	v24 =	vmul.f32 v9, v9;
	v14 =	vadd.f32 v15, v14;
	v15 =	vld [tilespmem:s5+$0x90];
	v11 =	vsub.f32 v6, v11  }
0x136: {  	v16 =	vld [tilespmem:s5+$0x870];
	v22 =	vsub.f32 v5, v22;
	v9 =	vsel vm15, $0x1, v0;
	v26 =	vmul.f32 v26, v26  }
0x137: {  	v19 =	vsub.f32 v6, v19;
	v14 =	vadd.f32 v24, v14;
	v24 =	vld [tilespmem:s5+$0x880];
	v11 =	vmul.f32 v11, v11  }
0x138: {  	v28 =	vld [tilespmem:s5+$0x1050];
	v30 =	vsub.f32 v5, v13;
	v18 =	vmul.f32 v18, v18;
	v17 =	vsub.f32 v6, v17  }
0x139: {  	v29 =	vld [tilespmem:s5+$0x60];
	vm1 =	vle.f32 v14, $2.500000000e-01;
	v14 =	vsub.f32 v7, v23;
	v20 =	vadd.f32 v20, v11  }
0x13a: {  	v31 =	vld [tilespmem:s5+$0x40];
	v19 =	vmul.f32 v19, v19;
	v15 =	vsub.f32 v6, v15;
	v17 =	vmul.f32 v17, v17  }
0x13b: {  	v23 =	vld [tilespmem:s5+$0x70];
	v14 =	vmul.f32 v14, v14;
	v20 =	vadd.f32 v21, v20;
	v21 =	vsub.f32 v7, v25  }
0x13c: {  	v16 =	vsub.f32 v7, v16;
	v25 =	vld [tilespmem:s5+$0x860];
	v24 =	vsub.f32 v7, v24;
	v15 =	vmul.f32 v15, v15  }
0x13d: {  	v14 =	vadd.f32 v14, v17;
	v17 =	vld [tilespmem:s5+$0x1040];
	vm3 =	vle.f32 v20, $2.500000000e-01;
	v20 =	vmul.f32 v21, v21  }
0x13e: {  	v11 =	vsel vm2, $0x1, v0;
	v12 =	vsel vm1, $0x1, v0;
	v21 =	vmul.f32 v24, v24;
	v24 =	vld [tilespmem:s5+$0x850]  }
0x13f: {  	v16 =	vmul.f32 v16, v16;
	v14 =	vadd.f32 v26, v14;
	v26 =	vld [tilespmem:s5+$0x50];
	v15 =	vadd.f32 v20, v15  }
0x140: {  	v21 =	vadd.f32 v21, v19;
	v19 =	vld [tilespmem:s5+$0x1030];
	v20 =	vsub.f32 v6, v23;
	v23 =	vmul.f32 v30, v30  }
0x141: {  	v30 =	vld [tilespmem:s5+$0x840];
	vm4 =	vle.f32 v14, $2.500000000e-01;
	v25 =	vsub.f32 v7, v25;
	v61 =	vadd.f32 v18, v15  }
0x142: {  	v18 =	vmul.f32 v20, v20;
	v14 =	vadd.f32 v23, v21;
	v20 =	vld [tilespmem:s5+$0x830];
	v23 =	vsub.f32 v6, v29  }
0x143: {  	v13 =	vsel vm3, $0x1, v0;
	v15 =	vsel vm4, $0x1, v0;
	v21 =	vld [tilespmem:s5+$0x30];
	v27 =	vsub.f32 v5, v17  }
0x144: {  	v29 =	vsub.f32 v7, v24;
	v25 =	vmul.f32 v25, v25;
	v24 =	vld [tilespmem:s5+$0x800];
	v62 =	vmul.f32 v23, v23  }
0x145: {  	v16 =	vadd.f32 v16, v18;
	v18 =	vmul.f32 v22, v22;
	v22 =	vld [tilespmem:s5+$0x1000];
	v63 =	vsub.f32 v6, v26  }
0x146: {  	v23 =	vld [tilespmem:s5+$0x820];
	vm5 =	vle.f32 v61, $2.500000000e-01;
	v30 =	vsub.f32 v7, v30;
	v33 =	vadd.f32 v25, v62  }
0x147: {  	v26 =	vld [tilespmem:s5+$0x0];
	v16 =	vadd.f32 v18, v16;
	v18 =	vsub.f32 v5, v28;
	v28 =	vmul.f32 v29, v29  }
0x148: {  	s6 =	simm.s32 $0x0;
	s8 =	simm.s32 $0x800;
	s7 =	simm.s32 $0x3C00;
	v29 =	vsub.f32 v6, v31;
	v31 =	vmul.f32 v63, v63;
	v25 =	vld [tilespmem:s5+$0x810];
	v17 =	vadd.f32 v35, v33  }
.LBB2_6:
0x149: {  	_ = 	snop  }
0x14a: {  	v29 =	vmul.f32 v29, v29;
	v30 =	vmul.f32 v30, v30;
	_ =	sdelay $0x1  }
0x14b: {  	v32 =	vld [tilespmem:s5+$0x10];
	v28 =	vadd.f32 v28, v31;
	v29 =	vadd.f32 v30, v29  }
0x14c: {  	v31 =	vld [tilespmem:s5+$0x20];
	v20 =	vsub.f32 v7, v20;
	v19 =	vsub.f32 v5, v19  }
0x14d: {  	v34 =	vld [tilespmem:s5+$0x1010];
	v21 =	vsub.f32 v6, v21;
	v22 =	vsub.f32 v5, v22  }
0x14e: {  	v30 =	vld [tilespmem:s5+$0x1020];
	v23 =	vsub.f32 v7, v23;
	v26 =	vsub.f32 v6, v26  }
0x14f: {  	v24 =	vsub.f32 v7, v24;
	v25 =	vsub.f32 v7, v25;
	v20 =	vmul.f32 v20, v20  }
0x150: {  	v32 =	vsub.f32 v6, v32;
	v21 =	vmul.f32 v21, v21;
	v22 =	vmul.f32 v22, v22  }
0x151: {  	v26 =	vmul.f32 v26, v26;
	v24 =	vmul.f32 v24, v24;
	v31 =	vsub.f32 v6, v31  }
0x152: {  	v34 =	vsub.f32 v5, v34;
	v25 =	vmul.f32 v25, v25;
	v32 =	vmul.f32 v32, v32  }
0x153: {  	v23 =	vmul.f32 v23, v23;
	v30 =	vsub.f32 v5, v30;
	v31 =	vmul.f32 v31, v31  }
0x154: {  	v24 =	vadd.f32 v24, v26;
	v26 =	vmul.f32 v34, v34;
	v25 =	vadd.f32 v25, v32  }
0x155: {  	v20 =	vadd.f32 v20, v21;
	v23 =	vadd.f32 v23, v31;
	v30 =	vmul.f32 v30, v30  }
0x156: {  	v21 =	vadd.f32 v22, v24;
	v22 =	vadd.f32 v26, v25  }
0x157: {  	v19 =	vmul.f32 v19, v19;
	v23 =	vadd.f32 v30, v23  }
0x158: {  	[tilespmem:s5+$0x34C0] =	vst v11;
	v11 =	vld [tilespmem:$0x1FFF0];
	vm7 =	vle.f32 v21, $2.500000000e-01;
	v21 =	vimm.s32 $0x0;
	vm6 =	vle.f32 v22, $2.500000000e-01  }
0x159: {  	v19 =	vadd.f32 v19, v20;
	v21 =	vsel vm6, $0xFFFFFFFF, v21  }
0x15a: {  	v20 =	vmpcnt.ones.xlane vm7;
	vm8 =	vle.f32 v23, $2.500000000e-01;
	[tilespmem:$0x1FED0] =	vst v21;
	v21 =	vmpcnt.ones.xlane vm6  }
0x15b: {  	v27 =	vmul.f32 v27, v27;
	v22 =	vmpcnt.ones.xlane vm8  }
0x15c: {  	[tilespmem:s5+$0x34F0] =	vst v9;
	v18 =	vmul.f32 v18, v18;
	v9 =	vsel vm12, v20, v21  }
0x15d: {  	v24 =	vadd.f32 v27, v29;
	v9 =	vsel vm13, v9, v22;
	vm13 =	vnez.u8 v11;
	v11 =	vld [tilespmem:$0x1FF10]  }
0x15e: {  	v18 =	vadd.f32 v18, v28;
	vm9 =	vle.f32 v19, $2.500000000e-01  }
0x15f: {  	vm10 =	vle.f32 v24, $2.500000000e-01;
	v19 =	vmpcnt.ones.xlane vm9  }
0x160: {  	[tilespmem:s5+$0x34E0] =	vst v10;
	vm11 =	vle.f32 v18, $2.500000000e-01;
	v10 =	vmpcnt.ones.xlane vm10  }
0x161: {  	[tilespmem:s5+$0x34D0] =	vst v12;
	v12 =	vmpcnt.ones.xlane vm11;
	v9 =	vsel vm14, v9, v19  }
0x162: {  	v9 =	vsel vm13, v9, v10;
	vm14 =	vnez.u8 v11  }
0x163: {  	v9 =	vsel vm14, v9, v12;
	v12 =	vld [tilespmem:$0x1FF20]  }
0x164: {  	[tilespmem:s5+$0x34B0] =	vst v13;
	v13 =	vld [tilespmem:$0x1FFE0]  }
0x165: {  	vm14 =	vle.f32 v14, $2.500000000e-01;
	v14 =	vld [tilespmem:$0x1FFD0]  }
0x166: {  	vm12 =	vle.f32 v17, $2.500000000e-01  }
0x167: {  	v10 =	vmpcnt.ones.xlane vm12;
	vm13 =	vle.f32 v16, $2.500000000e-01  }
0x168: {  	vm6 =	vmmov vm15;
	v11 =	vmpcnt.ones.xlane vm13;
	vm15 =	vnez.u8 v12  }
0x169: {  	v12 =	vmpcnt.ones.xlane vm14;
	v9 =	vsel vm15, v9, v10;
	v10 =	vsel vm14, $0x1, v0  }
0x16a: {  	vm14 =	vnez.u8 v13;
	v13 =	vsel vm13, $0x1, v0;
	vm13 =	vnez.u8 v14;
	v14 =	vld [tilespmem:$0x1FF30];
	_ =	sdelay $0x4  }
0x16b: {  	[tilespmem:s5+$0x3470] =	vst v13;
	v13 =	vld [tilespmem:$0x1FF40];
	vm15 =	vnez.u8 v14  }
0x16c: {  	v9 =	vsel vm15, v9, v11;
	v11 =	vsel vm12, $0x1, v0  }
0x16d: {  	[tilespmem:s5+$0x3460] =	vst v11;
	v11 =	vld [tilespmem:$0x1FF50];
	_ =	sdelay $0x1  }
0x16e: {  	v33 =	vsel vm5, $0x1, v0  }
0x16f: {  	[tilespmem:s5+$0x3480] =	vst v10;
	v10 =	vmpcnt.ones.xlane vm5;
	vm5 =	vnez.u8 v13;
	v13 =	vsel vm11, $0x1, v0  }
0x170: {  	v9 =	vsel vm5, v9, v12;
	[tilespmem:s5+$0x3450] =	vst v13;
	v13 =	vld [tilespmem:$0x1FF60]  }
0x171: {  	v12 =	vmpcnt.ones.xlane vm4;
	vm4 =	vnez.u8 v11;
	v11 =	vsel vm10, $0x1, v0  }
0x172: {  	[tilespmem:s5+$0x3440] =	vst v11;
	v11 =	vld [tilespmem:$0x1FF70];
	_ =	sdelay $0x2  }
0x173: {  	v9 =	vsel vm4, v9, v10;
	v10 =	vmpcnt.ones.xlane vm3;
	vm3 =	vnez.u8 v13  }
0x174: {  	v13 =	vsel vm9, $0x1, v0;
	v9 =	vsel vm3, v9, v12  }
0x175: {  	v12 =	vmpcnt.ones.xlane vm2;
	[tilespmem:s5+$0x3430] =	vst v13;
	v13 =	vld [tilespmem:$0x1FF80];
	vm2 =	vnez.u8 v11;
	v11 =	vsel vm8, $0x1, v0  }
0x176: {  	[tilespmem:s5+$0x3420] =	vst v11;
	v11 =	vld [tilespmem:$0x1FF90];
	_ =	sdelay $0x3  }
0x177: {  	v9 =	vsel vm2, v9, v10;
	v10 =	vmpcnt.ones.xlane vm1;
	vm1 =	vnez.u8 v13  }
0x178: {  	v9 =	vsel vm1, v9, v12;
	v12 =	vmpcnt.ones.xlane vm0;
	vm0 =	vnez.u8 v11;
	v11 =	vld [tilespmem:$0x1FED0];
	_ =	sdelay $0x4  }
0x179: {  	v13 =	vsel vm7, $0x1, v0;
	v9 =	vsel vm0, v9, v10;
	vm0 =	vnez.u8 v11  }
0x17a: {  	[tilespmem:s5+$0x3400] =	vst v13;
	v13 =	vld [tilespmem:$0x1FFA0];
	v11 =	vsel vm0, $0x1, v0  }
0x17b: {  	[tilespmem:s5+$0x3410] =	vst v11;
	v11 =	vld [tilespmem:$0x1FFB0];
	_ =	sdelay $0x3  }
0x17c: {  	v10 =	vmpcnt.ones.xlane vm6;
	vm0 =	vnez.u8 v13  }
0x17d: {  	[tilespmem:s5+$0x34A0] =	vst v15;
	v9 =	vsel vm0, v9, v12;
	vm0 =	vnez.u8 v11  }
0x17e: {  	s7 =	sadd.s32 $0x10, s7;
	[tilespmem:s5+$0x3490] =	vst v33;
	v9 =	vsel vm0, v9, v10  }
0x17f: {  	v14 =	vld [tilespmem:$0x1FFC0];
	s5 =	sshra.s32 s8, $0x2;
	[tilespmem:s7+$0x0] =	vst v9  }
0x180: {  	v9 =	vld [tilespmem:s5+$0x10F0]  }
0x181: {  	v10 =	vld [tilespmem:s5+$0x10E0]  }
0x182: {  	v11 =	vld [tilespmem:s5+$0x8F0]  }
0x183: {  	v12 =	vld [tilespmem:s5+$0xF0]  }
0x184: {  	v13 =	vld [tilespmem:s5+$0x8E0]  }
0x185: {  	vm12 =	vnez.u8 v14;
	v14 =	vld [tilespmem:s5+$0xE0]  }
0x186: {  	v16 =	vld [tilespmem:s5+$0x10C0]  }
0x187: {  	v17 =	vld [tilespmem:s5+$0x8D0]  }
0x188: {  	v20 =	vld [tilespmem:s5+$0xC0]  }
0x189: {  	v19 =	vld [tilespmem:s5+$0x8C0]  }
0x18a: {  	v21 =	vld [tilespmem:s5+$0x10B0];
	v11 =	vsub.f32 v7, v11;
	v12 =	vsub.f32 v6, v12  }
0x18b: {  	v27 =	vld [tilespmem:s5+$0x1060];
	v9 =	vsub.f32 v5, v9;
	v14 =	vsub.f32 v6, v14  }
0x18c: {  	v13 =	vsub.f32 v7, v13;
	v10 =	vsub.f32 v5, v10  }
0x18d: {  	v18 =	vld [tilespmem:s5+$0xD0];
	v17 =	vsub.f32 v7, v17;
	v20 =	vsub.f32 v6, v20  }
0x18e: {  	v22 =	vld [tilespmem:s5+$0x8B0];
	v19 =	vsub.f32 v7, v19;
	v16 =	vsub.f32 v5, v16;
	v11 =	vmul.f32 v11, v11  }
0x18f: {  	v15 =	vld [tilespmem:s5+$0x10D0];
	v21 =	vsub.f32 v5, v21;
	v12 =	vmul.f32 v12, v12;
	v9 =	vmul.f32 v9, v9  }
0x190: {  	v23 =	vld [tilespmem:s5+$0x8A0];
	v27 =	vsub.f32 v5, v27;
	v14 =	vmul.f32 v14, v14;
	v13 =	vmul.f32 v13, v13  }
0x191: {  	v20 =	vmul.f32 v20, v20;
	v19 =	vmul.f32 v19, v19;
	v11 =	vadd.f32 v11, v12;
	v12 =	vld [tilespmem:s5+$0x10A0]  }
0x192: {  	v10 =	vmul.f32 v10, v10;
	v13 =	vadd.f32 v13, v14;
	v14 =	vsub.f32 v6, v18;
	v18 =	vld [tilespmem:s5+$0x1090]  }
0x193: {  	v16 =	vmul.f32 v16, v16;
	v19 =	vadd.f32 v19, v20;
	v20 =	vsub.f32 v7, v22;
	v22 =	vld [tilespmem:s5+$0x1070]  }
0x194: {  	v21 =	vmul.f32 v21, v21;
	v35 =	vmul.f32 v27, v27;
	v9 =	vadd.f32 v9, v11;
	v11 =	vld [tilespmem:s5+$0xB0]  }
0x195: {  	v14 =	vmul.f32 v14, v14;
	v10 =	vadd.f32 v10, v13;
	v13 =	vld [tilespmem:s5+$0x1080];
	v16 =	vadd.f32 v16, v19  }
0x196: {  	v20 =	vmul.f32 v20, v20;
	v19 =	vld [tilespmem:s5+$0x80];
	vm15 =	vle.f32 v9, $2.500000000e-01;
	v9 =	vsub.f32 v5, v15  }
0x197: {  	v15 =	vmul.f32 v17, v17;
	v17 =	vld [tilespmem:s5+$0xA0];
	vm0 =	vle.f32 v10, $2.500000000e-01;
	vm2 =	vle.f32 v16, $2.500000000e-01  }
0x198: {  	v25 =	vld [tilespmem:s5+$0x890];
	v10 =	vsel vm0, $0x1, v0;
	v26 =	vsub.f32 v5, v12;
	v18 =	vsub.f32 v5, v18  }
0x199: {  	v24 =	vmul.f32 v9, v9;
	v14 =	vadd.f32 v15, v14;
	v15 =	vld [tilespmem:s5+$0x90];
	v11 =	vsub.f32 v6, v11  }
0x19a: {  	v16 =	vld [tilespmem:s5+$0x870];
	v22 =	vsub.f32 v5, v22;
	v9 =	vsel vm15, $0x1, v0;
	v26 =	vmul.f32 v26, v26  }
0x19b: {  	v19 =	vsub.f32 v6, v19;
	v14 =	vadd.f32 v24, v14;
	v24 =	vld [tilespmem:s5+$0x880];
	v11 =	vmul.f32 v11, v11  }
0x19c: {  	v28 =	vld [tilespmem:s5+$0x1050];
	v30 =	vsub.f32 v5, v13;
	v18 =	vmul.f32 v18, v18;
	v17 =	vsub.f32 v6, v17  }
0x19d: {  	v29 =	vld [tilespmem:s5+$0x60];
	vm1 =	vle.f32 v14, $2.500000000e-01;
	v14 =	vsub.f32 v7, v23;
	v20 =	vadd.f32 v20, v11  }
0x19e: {  	v31 =	vld [tilespmem:s5+$0x40];
	v19 =	vmul.f32 v19, v19;
	v15 =	vsub.f32 v6, v15;
	v17 =	vmul.f32 v17, v17  }
0x19f: {  	v23 =	vld [tilespmem:s5+$0x70];
	v14 =	vmul.f32 v14, v14;
	v20 =	vadd.f32 v21, v20;
	v21 =	vsub.f32 v7, v25  }
0x1a0: {  	v16 =	vsub.f32 v7, v16;
	v25 =	vld [tilespmem:s5+$0x860];
	v24 =	vsub.f32 v7, v24;
	v15 =	vmul.f32 v15, v15  }
0x1a1: {  	v14 =	vadd.f32 v14, v17;
	v17 =	vld [tilespmem:s5+$0x1040];
	vm3 =	vle.f32 v20, $2.500000000e-01;
	v20 =	vmul.f32 v21, v21  }
0x1a2: {  	v11 =	vsel vm2, $0x1, v0;
	v12 =	vsel vm1, $0x1, v0;
	v21 =	vmul.f32 v24, v24;
	v24 =	vld [tilespmem:s5+$0x850]  }
0x1a3: {  	v16 =	vmul.f32 v16, v16;
	v14 =	vadd.f32 v26, v14;
	v26 =	vld [tilespmem:s5+$0x50];
	v15 =	vadd.f32 v20, v15  }
0x1a4: {  	v21 =	vadd.f32 v21, v19;
	v19 =	vld [tilespmem:s5+$0x1030];
	v20 =	vsub.f32 v6, v23;
	v23 =	vmul.f32 v30, v30  }
0x1a5: {  	v30 =	vld [tilespmem:s5+$0x840];
	vm4 =	vle.f32 v14, $2.500000000e-01;
	v25 =	vsub.f32 v7, v25;
	v61 =	vadd.f32 v18, v15  }
0x1a6: {  	v18 =	vmul.f32 v20, v20;
	v14 =	vadd.f32 v23, v21;
	v20 =	vld [tilespmem:s5+$0x830];
	v23 =	vsub.f32 v6, v29  }
0x1a7: {  	p0 =	sne.s32 s8, $0x1C00;
	v13 =	vsel vm3, $0x1, v0;
	v15 =	vsel vm4, $0x1, v0;
	v21 =	vld [tilespmem:s5+$0x30];
	v27 =	vsub.f32 v5, v17  }
.Ltmp7:
0x1a8: {  	v29 =	vsub.f32 v7, v24;
	v25 =	vmul.f32 v25, v25;
	v24 =	vld [tilespmem:s5+$0x800];
	v62 =	vmul.f32 v23, v23;
	(pc) =	sbr.rel @p0 .LBB2_6-.Ltmp7, $4  }
0x1a9: {  	v16 =	vadd.f32 v16, v18;
	v18 =	vmul.f32 v22, v22;
	v22 =	vld [tilespmem:s5+$0x1000];
	v63 =	vsub.f32 v6, v26  }
0x1aa: {  	v23 =	vld [tilespmem:s5+$0x820];
	vm5 =	vle.f32 v61, $2.500000000e-01;
	v30 =	vsub.f32 v7, v30;
	v33 =	vadd.f32 v25, v62  }
0x1ab: {  	v26 =	vld [tilespmem:s5+$0x0];
	v16 =	vadd.f32 v18, v16;
	v18 =	vsub.f32 v5, v28;
	v28 =	vmul.f32 v29, v29  }
0x1ac: {  	s8 =	sadd.s32 $0x400, s8;
	v29 =	vsub.f32 v6, v31;
	v31 =	vmul.f32 v63, v63;
	v25 =	vld [tilespmem:s5+$0x810];
	v17 =	vadd.f32 v35, v33  }
0x1ad: {  	v32 =	vld [tilespmem:s5+$0x10];
	v20 =	vsub.f32 v7, v20  }
0x1ae: {  	v30 =	vmul.f32 v30, v30;
	v43 =	vld [tilespmem:s5+$0x20];
	v19 =	vsub.f32 v5, v19;
	v21 =	vsub.f32 v6, v21  }
0x1af: {  	v34 =	vld [tilespmem:s5+$0x1010];
	v24 =	vsub.f32 v7, v24;
	v29 =	vmul.f32 v29, v29;
	v28 =	vadd.f32 v28, v31  }
0x1b0: {  	v44 =	vld [tilespmem:s5+$0x1020];
	v22 =	vsub.f32 v5, v22;
	v23 =	vsub.f32 v7, v23  }
0x1b1: {  	v29 =	vadd.f32 v30, v29;
	v26 =	vsub.f32 v6, v26  }
0x1b2: {  	v24 =	vmul.f32 v24, v24;
	v25 =	vsub.f32 v7, v25;
	v32 =	vsub.f32 v6, v32  }
0x1b3: {  	v22 =	vmul.f32 v22, v22;
	v26 =	vmul.f32 v26, v26;
	v31 =	vsub.f32 v6, v43  }
0x1b4: {  	v34 =	vsub.f32 v5, v34;
	v25 =	vmul.f32 v25, v25;
	v32 =	vmul.f32 v32, v32  }
0x1b5: {  	v23 =	vmul.f32 v23, v23;
	v30 =	vsub.f32 v5, v44;
	v31 =	vmul.f32 v31, v31  }
0x1b6: {  	v24 =	vadd.f32 v24, v26;
	v45 =	vmul.f32 v34, v34;
	v25 =	vadd.f32 v25, v32  }
0x1b7: {  	v20 =	vmul.f32 v20, v20;
	v30 =	vmul.f32 v30, v30;
	v23 =	vadd.f32 v23, v31  }
0x1b8: {  	v21 =	vmul.f32 v21, v21;
	v46 =	vadd.f32 v22, v24;
	v47 =	vadd.f32 v45, v25  }
0x1b9: {  	[tilespmem:s5+$0x34C0] =	vst v11;
	v11 =	vld [tilespmem:$0x1FFF0];
	v19 =	vmul.f32 v19, v19;
	v23 =	vadd.f32 v30, v23  }
0x1ba: {  	v20 =	vadd.f32 v20, v21;
	vm7 =	vle.f32 v46, $2.500000000e-01;
	vm6 =	vle.f32 v47, $2.500000000e-01  }
0x1bb: {  	v49 =	vmpcnt.ones.xlane vm7;
	vm8 =	vle.f32 v23, $2.500000000e-01;
	v50 =	vmpcnt.ones.xlane vm6  }
0x1bc: {  	v27 =	vmul.f32 v27, v27;
	v51 =	vmpcnt.ones.xlane vm8  }
0x1bd: {  	v18 =	vmul.f32 v18, v18;
	[tilespmem:s5+$0x34F0] =	vst v9;
	v19 =	vadd.f32 v19, v20;
	v9 =	vsel vm12, v49, v50  }
0x1be: {  	v48 =	vadd.f32 v27, v29;
	v9 =	vsel vm13, v9, v51;
	vm13 =	vnez.u8 v11;
	v11 =	vld [tilespmem:$0x1FF10]  }
0x1bf: {  	v18 =	vadd.f32 v18, v28;
	vm9 =	vle.f32 v19, $2.500000000e-01  }
0x1c0: {  	v55 =	vld [tilespmem:$0x1FF20];
	vm10 =	vle.f32 v48, $2.500000000e-01;
	v19 =	vmpcnt.ones.xlane vm9  }
0x1c1: {  	[tilespmem:s5+$0x34E0] =	vst v10;
	vm11 =	vle.f32 v18, $2.500000000e-01;
	v10 =	vmpcnt.ones.xlane vm10  }
0x1c2: {  	v52 =	vmpcnt.ones.xlane vm11;
	vm12 =	vle.f32 v17, $2.500000000e-01;
	v9 =	vsel vm14, v9, v19  }
0x1c3: {  	v9 =	vsel vm13, v9, v10;
	v10 =	vmpcnt.ones.xlane vm12;
	vm14 =	vnez.u8 v11  }
0x1c4: {  	vm13 =	vle.f32 v16, $2.500000000e-01;
	v9 =	vsel vm14, v9, v52;
	vm14 =	vle.f32 v14, $2.500000000e-01  }
0x1c5: {  	v57 =	vld [tilespmem:$0x1FF30];
	v53 =	vsel vm14, $0x1, v0;
	v54 =	vmpcnt.ones.xlane vm14;
	vm14 =	vnez.u8 v55  }
0x1c6: {  	v9 =	vsel vm14, v9, v10;
	v10 =	vsel vm13, $0x1, v0  }
0x1c7: {  	[tilespmem:s5+$0x3470] =	vst v10;
	v10 =	vld [tilespmem:$0x1FF40];
	_ =	sdelay $0x1  }
0x1c8: {  	v11 =	vmpcnt.ones.xlane vm13  }
0x1c9: {  	vm14 =	vnez.u8 v57  }
0x1ca: {  	v9 =	vsel vm14, v9, v11;
	v11 =	vsel vm12, $0x1, v0  }
0x1cb: {  	[tilespmem:s5+$0x3460] =	vst v11;
	v11 =	vld [tilespmem:$0x1FF50];
	vm13 =	vnez.u8 v10;
	v10 =	vsel vm11, $0x1, v0  }
0x1cc: {  	[tilespmem:s5+$0x3450] =	vst v10;
	v10 =	vld [tilespmem:$0x1FF60];
	_ =	sdelay $0x3  }
0x1cd: {  	vm14 =	vnez.u8 v11  }
0x1ce: {  	v11 =	vsel vm10, $0x1, v0;
	vm10 =	vnez.u8 v10;
	v10 =	vsel vm9, $0x1, v0  }
0x1cf: {  	[tilespmem:s5+$0x3430] =	vst v10;
	v10 =	vld [tilespmem:$0x1FF80];
	_ =	sdelay $0x2  }
0x1d0: {  	[tilespmem:s5+$0x3440] =	vst v11;
	v11 =	vld [tilespmem:$0x1FF70];
	_ =	sdelay $0x1  }
0x1d1: {  	vm12 =	vnez.u8 v10;
	v10 =	vsel vm7, $0x1, v0  }
0x1d2: {  	[tilespmem:s5+$0x3400] =	vst v10;
	v10 =	vld [tilespmem:$0x1FFA0];
	_ =	sdelay $0x1  }
0x1d3: {  	vm11 =	vnez.u8 v11;
	v11 =	vsel vm8, $0x1, v0  }
0x1d4: {  	v56 =	vmpcnt.ones.xlane vm5;
	[tilespmem:s5+$0x3420] =	vst v11;
	v11 =	vld [tilespmem:$0x1FF90]  }
0x1d5: {  	v58 =	vmpcnt.ones.xlane vm4;
	v9 =	vsel vm13, v9, v54  }
0x1d6: {  	v59 =	vmpcnt.ones.xlane vm3;
	v9 =	vsel vm14, v9, v56;
	vm14 =	vnez.u8 v10;
	v10 =	vld [tilespmem:$0x1FFB0]  }
0x1d7: {  	[tilespmem:s5+$0x34D0] =	vst v12;
	v60 =	vmpcnt.ones.xlane vm2;
	v9 =	vsel vm10, v9, v58  }
0x1d8: {  	v33 =	vsel vm5, $0x1, v0;
	[tilespmem:s5+$0x34B0] =	vst v13;
	v61 =	vmpcnt.ones.xlane vm1;
	v9 =	vsel vm11, v9, v59  }
0x1d9: {  	[tilespmem:s5+$0x34A0] =	vst v15;
	v62 =	vmpcnt.ones.xlane vm0;
	v9 =	vsel vm12, v9, v60;
	vm13 =	vnez.u8 v11  }
0x1da: {  	v63 =	vmpcnt.ones.xlane vm15;
	[tilespmem:s5+$0x3490] =	vst v33;
	v9 =	vsel vm13, v9, v61  }
0x1db: {  	[tilespmem:s5+$0x3480] =	vst v53;
	v11 =	vsel vm6, $0x1, v0;
	v9 =	vsel vm14, v9, v62;
	vm15 =	vnez.u8 v10  }
0x1dc: {  	s8 =	sadd.s32 $0x10, s7;
	[tilespmem:s5+$0x3410] =	vst v11;
	v9 =	vsel vm15, v9, v63  }
0x1dd: {  	[tilespmem:s8+$0x0] =	vst v9  }
0x1de: {  	s5 =	simm.s32 $0x10;
	v10 =	vimm.s32 $0x0;
	v9 =	vimm.s32 $0x0;
	v11 =	vld [tilespmem:s4+$0x0]  }
.LBB2_8:
0x1df: {  	p0 =	sne.s32 s5, $0x70;
	_ =	sdelay $0x3  }
0x1e0: {  	vm0 =	vgt.s32 v11, $0x0  }
0x1e1: {  	v11 =	vsel vm0, $0x1, v0;
	v12 =	vmpcnt.ones.xlane vm0  }
0x1e2: {  	(xrf0) =	vadd.scan.msk.s32 $0xffff, v11  }
0x1e3: {  	v10 =	vadd.s32 v10, v12;
	_ =	sdelay $0x3  }
0x1e4: {  	v11 =	vsel vm0, $0xFFFFFFFF, v0  }
0x1e5: {  	v11 =	vadd.s32 v11, v9;
	v9 =	vmov v10;
	v12, _, _ =	vpop (xrf0)  }
0x1e6: {  	v11 =	vadd.s32 v12, v11;
	_ =	sdelay $0x1  }
.Ltmp8:
0x1e7: {  	(pc) =	sbr.rel @p0 .LBB2_8-.Ltmp8, $4  }
0x1e8: {  	_ = 	snop  }
0x1e9: {  	v12 =	vor.u32 s6, v3;
	s6 =	smov.u32 s5  }
0x1ea: {  	s4 =	sadd.s32 $0x10, s4;
	[tilespmem:v11+s24+$0x0] =	vst.idx.msk vm0, v12  }
0x1eb: {  	s5 =	sadd.s32 $0x10, s5;
	v11 =	vld [tilespmem:s4+$0x0]  }
0x1ec: {  	_ =	sdelay $0x3  }
0x1ed: {  	vm0 =	vgt.s32 v11, $0x0  }
0x1ee: {  	v11 =	vmpcnt.ones.xlane vm0;
	_ =	sdelay $0x1  }
0x1ef: {  	v12 =	vsel vm0, $0x1, v0;
	v10 =	vadd.s32 v10, v11  }
0x1f0: {  	(xrf0) =	vadd.scan.msk.s32 $0xffff, v12;
	v10 =	vxor.u32 $0x80000000, v10  }
0x1f1: {  	(xrf0) =	vmax.scan.msk.u32 $0xffff, v10;
	_ =	sdelay $0x4  }
0x1f2: {  	v10, _, _ =	vpop (xrf0)  }
0x1f3: {  	v11, _, _ =	vpop (xrf0)  }
0x1f4: {  	(v2sf) =	vpush v11, $0xF;
	_ =	sdelay $0xe  }
0x1f5: {  	v11 =	vsel vm0, $0xFFFFFFFF, v0;
	s4 =	spop (v2sf)  }
0x1f6: {  	v9 =	vadd.s32 v11, v9;
	s4 =	sxor.u32 $0x80000000, s4  }
0x1f7: {  	v9 =	vadd.s32 v10, v9;
	p0 =	slt.s32 s4, $0x1  }
.Ltmp9:
0x1f8: {  	_ = 	snop;
	(pc) =	sbr.rel @p0 .LBB2_10-.Ltmp9, $3  }
0x1f9: {  	_ =	sdelay $0x1  }
0x1fa: {  	v10 =	vor.u32 s6, v3  }
0x1fb: {  	[tilespmem:v9+s24+$0x0] =	vst.idx.msk vm0, v10;
	v9 =	vimm.s32 $0x0  }
0x1fc: {  	v11 =	vld [tilespmem:$0x1FFC0];
	_ =	sdelay $0x4  }
0x1fd: {  	vm12 =	vnez.u8 v11;
	v11 =	vld [tilespmem:$0x1FFD0];
	_ =	sdelay $0x4  }
0x1fe: {  	vm13 =	vnez.u8 v11;
	v11 =	vld [tilespmem:$0x1FFE0];
	_ =	sdelay $0x4  }
0x1ff: {  	v10 =	vshll.u32 v8, $0x5;
	s5 =	simm.s32 $0x0;
	vm14 =	vnez.u8 v11  }
.LBB2_12:
0x200: {  	v11 =	vmov s5;
	_ =	sdelay $0x4  }
0x201: {  	v11 =	vld.idx.msk [tilespmem:v11+s24+$0x0], $0xffff;
	_ =	sdelay $0x4  }
0x202: {  	v11 =	vshll.u32 v11, $0x4  }
0x203: {  	v11 =	vor.u32 v3, v11;
	_ =	sdelay $0x4  }
0x204: {  	v12 =	vld.idx.msk [tilespmem:v11+s25+$0x0], $0xffff;
	_ =	sdelay $0x4  }
0x205: {  	(xrf0) =	vadd.scan.msk.s32 $0xffff, v12;
	_ =	sdelay $0x5  }
0x206: {  	v13, _, _ =	vpop (xrf0)  }
0x207: {  	v13 =	vsub.s32 v13, v12  }
0x208: {  	v13 =	vadd.s32 v9, v13  }
0x209: {  	vm0 =	vgt.s32 v12, $0x0;
	vm1 =	vlt.s32 v13, $0x20  }
0x20a: {  	s5 =	sadd.s32 $0x1, s5;
	vm1 =	vmand vm0, vm1  }
0x20b: {  	p0 =	sne.s32 s4, s5;
	v62 =	vadd.s32 v10, v13  }
.Ltmp10:
0x20c: {  	_ = 	snop;
	(pc) =	sbr.rel @p0 .LBB2_12-.Ltmp10, $3  }
0x20d: {  	_ = 	snop  }
0x20e: {  	v63 =	vmpcnt.ones.xlane vm0;
	_ =	sdelay $0x1  }
0x20f: {  	v9 =	vadd.s32 v9, v63;
	[tilespmem:v62+s26+$0x0] =	vst.idx.msk vm1, v11  }
.Ltmp11:
0x210: {  	_ = 	snop;
	(pc) =	sbr.rel .LBB2_13-.Ltmp11, $1  }
0x211: {  	_ =	sdelay $0x3  }
.LBB2_16:
0x212: {  	_ =	sfence.sel $0x180000  }
0x213: {  	[bflag:$0x0] =	sbarrier.arrive $0xFFFF  }
0x214: {  	_ =	strace $0x90000047  }
0x215: {  	s0 =	stileid.u32;
	[bflag:$0x2] =	sbarrier.arrive $0xFFFF  }
0x216: {  	p0 =	sne.s32 s0, $0x0;
	s0 =	rddreg [dreg:$0x7]  }
0x217: {  	s0 =	sadd.s32 @!p0 $0x100000, s0  }
0x218: {  	[sflag:s0] =	ssyncadd.tile.s32 @!p0 $0x1;
	_ =	shalt  }
.Lfunc_end2:
_tile_overlayer_lowered:
.L_overlay_start_2:
0x219: {  	(tag) =	ssettag $0x2  }
0x21a: {  	s0 =	rddreg [dreg:$0x0];
	s2 =	stileid.u32  }
0x21b: {  	s1 =	rddreg [dreg:$0x1];
	p0 =	sne.s32 s2, $0x0  }
0x21c: {  	s3 =	rddreg [dreg:$0x2];
	[bflag:$0x3] =	sbarrier.arrive $0xFFFF;
	s2 =	simm.s32 @!p0 $0x1C01  }
0x21d: {  	[timem:s3], [sflag:s2] =	dma.local @!p0 [hbm:s0], s1  }
0x21e: {  	s0 =	simm.s32 @!p0 $0x1  }
0x21f: {  	_ =	swait.ge @!p0 [sflag:s0], s1  }
0x220: {  	s1 =	ssub.s32 @!p0 $0x0, s1;
	[sflag:s0] =	ssyncset.done @!p0 $0x0  }
0x221: {  	[sflag:s0] =	ssyncadd.s32 @!p0 s1  }
0x222: {  	[bflag:$0x3] =	sbarrier.arrive $0xFFFF  }
0x223: {  	_ =	shalt  }

</sc_bundles>
